<compile_context>
chip_gen: v7x
topology: tpu7x:2x2x1
jax: 0.10.2.dev20260603
libtpu: 0.0.44.dev20260713+nightly
codegen_flags: <defaults>
</compile_context>

<pallas_src>
import functools

import jax
import jax.numpy as jnp
from jax import lax
from jax.experimental import pallas as pl
from jax.experimental.pallas import tpu as pltpu
from jax.experimental.pallas import tpu_sc as plsc

NC = 2
NS = 16
NW = NC * NS
CHUNK = 256
LANES = 16
NPHASE = 2


def _sc_accumulate(idx_p, ew, x_halves, v_pad, n_chunks):
    ch = x_halves.shape[2]
    epw = n_chunks * CHUNK
    rows_per_tile = v_pad // NS
    mesh = plsc.VectorSubcoreMesh(core_axis_name="c", subcore_axis_name="s")

    @functools.partial(
        pl.kernel,
        out_type=[
            jax.ShapeDtypeStruct((NC, v_pad, ch), jnp.float32),
            jax.ShapeDtypeStruct((NC, v_pad, LANES), jnp.float32),
        ],
        mesh=mesh,
        compiler_params=pltpu.CompilerParams(use_tc_tiling_on_sc=False),
        scratch_types=[
            pltpu.VMEM((n_chunks // NPHASE, CHUNK), jnp.int32),
            pltpu.VMEM((n_chunks // NPHASE, CHUNK), jnp.int32),
            pltpu.VMEM((epw // NPHASE,), jnp.float32),
            pltpu.VMEM((CHUNK, ch), jnp.float32),
            pltpu.VMEM((CHUNK, ch), jnp.float32),
            pltpu.VMEM((CHUNK, LANES), jnp.float32),
            pltpu.VMEM((CHUNK, LANES), jnp.float32),
            pltpu.VMEM_SHARED((v_pad, ch), jnp.float32),
            pltpu.VMEM_SHARED((v_pad, LANES), jnp.float32),
            pltpu.SemaphoreType.DMA,
            pltpu.SemaphoreType.DMA,
            pltpu.SemaphoreType.DMA,
            pltpu.SemaphoreType.DMA,
            pltpu.SemaphoreType.DMA,
            pltpu.SemaphoreType.DMA,
        ],
    )
    def sc_kern(idx_hbm, ew_hbm, x_hbm, g_out, s_out,
                src_v, dst_v, ew_v, rows0, rows1, wrow0, wrow1, g_sh, s_sh,
                gsem0, gsem1, ssem0, ssem1, tsem0, tsem1):
        cid = lax.axis_index("c")
        sid = lax.axis_index("s")

        zeros16 = jnp.zeros((LANES,), jnp.float32)

        def zero_body(i, _):
            for j in range(ch // LANES):
                rows0[i, pl.ds(j * LANES, LANES)] = zeros16
            wrow0[i, :] = zeros16
            return 0
        lax.fori_loop(0, CHUNK, zero_body, 0)

        r0 = sid * rows_per_tile
        nfull = rows_per_tile // CHUNK
        for k in range(nfull):
            pltpu.sync_copy(rows0, g_sh.at[pl.ds(r0 + k * CHUNK, CHUNK)])
            pltpu.sync_copy(wrow0, s_sh.at[pl.ds(r0 + k * CHUNK, CHUNK)])
        rem = rows_per_tile - nfull * CHUNK
        if rem:
            q0 = r0 + nfull * CHUNK
            pltpu.sync_copy(rows0.at[pl.ds(0, rem)], g_sh.at[pl.ds(q0, rem)])
            pltpu.sync_copy(wrow0.at[pl.ds(0, rem)], s_sh.at[pl.ds(q0, rem)])
        plsc.subcore_barrier()

        def scale(rows, wrow, c, par):
            base = c * CHUNK

            def group_body(g, _):
                w16 = ew_v[pl.ds(base + g * LANES, LANES)]
                for l in range(LANES):
                    i = g * LANES + l
                    w = jnp.broadcast_to(w16[l], (LANES,))
                    vals = [rows[i, pl.ds(j * LANES, LANES)]
                            for j in range(ch // LANES)]
                    scaled = [v * w for v in vals]
                    for j in range(ch // LANES):
                        rows[i, pl.ds(j * LANES, LANES)] = scaled[j]
                return 0
            lax.fori_loop(0, CHUNK // LANES, group_body, 0)

            @pl.when(cid == par)
            def _():
                def w_body(g, _):
                    w16 = ew_v[pl.ds(base + g * LANES, LANES)]
                    for l in range(LANES):
                        wrow[g * LANES + l, :] = jnp.broadcast_to(
                            w16[l], (LANES,))
                    return 0
                lax.fori_loop(0, CHUNK // LANES, w_body, 0)

        def gather(rows, c, gsem):
            pltpu.async_copy(x_hbm.at[cid].at[src_v.at[c]], rows, gsem)

        def gather_wait(rows, c, gsem):
            pltpu.make_async_copy(x_hbm.at[cid].at[src_v.at[c]], rows,
                                  gsem).wait()

        def scatter(rows, wrow, c, ssem, tsem, par):
            pltpu.async_copy(rows, g_sh.at[dst_v.at[c]], ssem, add=True)

            @pl.when(cid == par)
            def _():
                pltpu.async_copy(wrow, s_sh.at[dst_v.at[c]], tsem, add=True)

        def scatter_wait(rows, wrow, c, ssem, tsem, par):
            pltpu.make_async_copy(rows, g_sh.at[dst_v.at[c]], ssem).wait()

            @pl.when(cid == par)
            def _():
                pltpu.make_async_copy(wrow, s_sh.at[dst_v.at[c]], tsem).wait()

        n_ph = n_chunks // NPHASE
        nsup = n_ph // 2
        for ph in range(NPHASE):
            pltpu.sync_copy(
                idx_hbm.at[1, pl.ds(sid * n_chunks + ph * n_ph, n_ph)], src_v)
            pltpu.sync_copy(
                idx_hbm.at[0, pl.ds(sid * n_chunks + ph * n_ph, n_ph)], dst_v)
            pltpu.sync_copy(
                ew_hbm.at[pl.ds(sid * epw + ph * n_ph * CHUNK,
                                n_ph * CHUNK)], ew_v)

            gather(rows0, 0, gsem0)

            def super_body(k, _):
                c0 = 2 * k
                gather_wait(rows0, c0, gsem0)

                @pl.when(k > 0)
                def _():
                    scatter_wait(rows1, wrow1, c0 - 1, ssem1, tsem1, 1)
                gather(rows1, c0 + 1, gsem1)
                scale(rows0, wrow0, c0, 0)
                scatter(rows0, wrow0, c0, ssem0, tsem0, 0)

                gather_wait(rows1, c0 + 1, gsem1)
                scatter_wait(rows0, wrow0, c0, ssem0, tsem0, 0)

                @pl.when(k < nsup - 1)
                def _():
                    gather(rows0, c0 + 2, gsem0)
                scale(rows1, wrow1, c0 + 1, 1)
                scatter(rows1, wrow1, c0 + 1, ssem1, tsem1, 1)
                return 0
            lax.fori_loop(0, nsup, super_body, 0)
            scatter_wait(rows1, wrow1, n_ph - 1, ssem1, tsem1, 1)

        plsc.subcore_barrier()

        pltpu.sync_copy(g_sh.at[pl.ds(r0, rows_per_tile)],
                        g_out.at[cid, pl.ds(r0, rows_per_tile)])
        pltpu.sync_copy(s_sh.at[pl.ds(r0, rows_per_tile)],
                        s_out.at[cid, pl.ds(r0, rows_per_tile)])

    return sc_kern(idx_p, ew, x_halves)


def _tc_premul(x, A, b):
    V, C = x.shape
    F = A.shape[1]
    VB = 1000
    grid = (V // VB,)

    def body(x_ref, a_ref, b_ref, o_ref):
        o_ref[...] = (
            jnp.dot(x_ref[...], a_ref[...], preferred_element_type=jnp.float32)
            + b_ref[...])

    return pl.pallas_call(
        body,
        grid=grid,
        in_specs=[
            pl.BlockSpec((VB, C), lambda i: (i, 0)),
            pl.BlockSpec((C, F), lambda i: (0, 0)),
            pl.BlockSpec((1, F), lambda i: (0, 0)),
        ],
        out_specs=pl.BlockSpec((VB, F), lambda i: (i, 0)),
        out_shape=jax.ShapeDtypeStruct((V, F), jnp.float32),
    )(x, A, b.reshape(1, F))


def _tc_combine(P, g_part, s_part, W2):
    V, F = P.shape
    ch = g_part.shape[2]
    VB = 1000
    grid = (V // VB,)

    def body(p_ref, g_ref, s_ref, w2_ref, o_ref):
        s = s_ref[0, :, 0:1] + s_ref[1, :, 0:1]
        o_ref[...] = (
            s * p_ref[...]
            + jnp.dot(g_ref[0], w2_ref[0], preferred_element_type=jnp.float32)
            + jnp.dot(g_ref[1], w2_ref[1], preferred_element_type=jnp.float32))

    return pl.pallas_call(
        body,
        grid=grid,
        in_specs=[
            pl.BlockSpec((VB, F), lambda i: (i, 0)),
            pl.BlockSpec((NC, VB, ch), lambda i: (0, i, 0)),
            pl.BlockSpec((NC, VB, LANES), lambda i: (0, i, 0)),
            pl.BlockSpec((NC, ch, F), lambda i: (0, 0, 0)),
        ],
        out_specs=pl.BlockSpec((VB, F), lambda i: (i, 0)),
        out_shape=jax.ShapeDtypeStruct((V, F), jnp.float32),
    )(P, g_part, s_part, W2)


def kernel(x, edge_index, edge_weight, W, b):
    V, C = x.shape
    E = edge_index.shape[1]
    F = W.shape[1]
    ch = C // NC

    epw = -(-E // (NS * 8 * CHUNK)) * (8 * CHUNK)
    e_pad = epw * NS
    n_chunks = epw // CHUNK
    v_pad = -(-V // (NS * 128)) * (NS * 128)

    pad = e_pad - E
    pad_idx = (jnp.arange(pad, dtype=jnp.int32) * 13) % V
    idx_p = jnp.concatenate(
        [edge_index, jnp.broadcast_to(pad_idx[None], (2, pad))],
        axis=1).reshape(2, NS * n_chunks, CHUNK)
    ew_p = jnp.concatenate([edge_weight, jnp.zeros((pad,), jnp.float32)])
    x_halves = jnp.stack([x[:, :ch], x[:, ch:]])

    W1 = W[:C]
    W2 = W[C:]
    w2_halves = jnp.stack([W2[:ch], W2[ch:]])
    P = _tc_premul(x, W1 - W2, b)
    g_part, s_part = _sc_accumulate(idx_p, ew_p, x_halves, v_pad, n_chunks)
    return _tc_combine(P, g_part, s_part, w2_halves)

# --- scband reference (transcript-rebuilt; emitter-appended) ---
"""Pipeline reference for scband-dynamic-graph-convolution-keras-layer-34222299414788 (READ-ONLY COPY).

The authoritative reference and input builder live on the scoring server;
editing this copy changes nothing except your own understanding.
"""

import jax, jax.numpy as jnp
import numpy as np

V = 10000
E = 320000
C = 128
F = 128


def setup_inputs(seed: int = 0) -> dict:
    key = jax.random.key(seed)
    k1, k2, k3, k4 = jax.random.split(key, 4)
    x = jax.random.normal(k1, (V, C), dtype=jnp.float32)
    edge_index = jax.random.randint(k2, (2, E), 0, V, dtype=jnp.int32)
    # Edge weights emulate the row-normalized SparseTensor `neighbors` expected
    # for reduction='weighted': sum of weights over each destination row == 1.
    w_raw = jax.random.uniform(k3, (E,), dtype=jnp.float32)
    dst = edge_index[0]
    denom = jax.ops.segment_sum(w_raw, dst, num_segments=V)
    edge_weight = w_raw / jnp.maximum(denom[dst], 1e-12)
    # Conv1D(kernel_size=1) is a pointwise dense layer on concat([x_i, x_j - x_i]) -> [2C, F]
    W = (jax.random.normal(k4, (2 * C, F), dtype=jnp.float32) * (1.0 / np.sqrt(2 * C))).astype(jnp.float32)
    b = jnp.zeros((F,), dtype=jnp.float32)
    return {"x": x, "edge_index": edge_index, "edge_weight": edge_weight, "W": W, "b": b}


def reference(x, edge_index, edge_weight, W, b):
    # edge_convolution_template with edge function h(x_i, x_j) = Conv1D([x_i, x_j - x_i])
    dst = edge_index[0]
    src = edge_index[1]
    xi = jnp.take(x, dst, axis=0)          # gather destination (center) vertices
    xj = jnp.take(x, src, axis=0)          # gather neighbor vertices
    concat_features = jnp.concatenate([xi, xj - xi], axis=-1)  # [E, 2C]
    edge_out = concat_features @ W + b     # pointwise Conv1D, kernel_size=1, activation=None
    # reduction='weighted': weighted sum over each vertex's neighborhood
    out = jax.ops.segment_sum(edge_out * edge_weight[:, None], dst, num_segments=x.shape[0])
    return out

if __name__ == "__main__":
    import jax
    _d = setup_inputs()
    print(jax.jit(kernel)(*tuple(_d.values())))

</pallas_src>

<mosaic_0001>
#map = affine_map<(d0, d1) -> (0, 0, 0)>
#map1 = affine_map<(d0, d1) -> (0)>
module attributes {stable_mosaic.version = 14 : i64} {
  func.func @sc_kern(%arg0: i32, %arg1: i32, %arg2: memref<2x1280x256xi32, #tpu.memory_space<hbm>>, %arg3: memref<327680xf32, #tpu.memory_space<hbm>>, %arg4: memref<2x10000x64xf32, #tpu.memory_space<hbm>>, %arg5: memref<2x10240x64xf32, #tpu.memory_space<hbm>>, %arg6: memref<2x10240x16xf32, #tpu.memory_space<hbm>>, %arg7: memref<40x256xi32, #tpu.memory_space<vmem>>, %arg8: memref<40x256xi32, #tpu.memory_space<vmem>>, %arg9: memref<10240xf32, #tpu.memory_space<vmem>>, %arg10: memref<256x64xf32, #tpu.memory_space<vmem>>, %arg11: memref<256x64xf32, #tpu.memory_space<vmem>>, %arg12: memref<256x16xf32, #tpu.memory_space<vmem>>, %arg13: memref<256x16xf32, #tpu.memory_space<vmem>>, %arg14: memref<10240x64xf32, #tpu.memory_space<vmem_shared>>, %arg15: memref<10240x16xf32, #tpu.memory_space<vmem_shared>>, %arg16: memref<!tpu.dma_semaphore, #tpu.memory_space<semaphore_mem>>, %arg17: memref<!tpu.dma_semaphore, #tpu.memory_space<semaphore_mem>>, %arg18: memref<!tpu.dma_semaphore, #tpu.memory_space<semaphore_mem>>, %arg19: memref<!tpu.dma_semaphore, #tpu.memory_space<semaphore_mem>>, %arg20: memref<!tpu.dma_semaphore, #tpu.memory_space<semaphore_mem>>, %arg21: memref<!tpu.dma_semaphore, #tpu.memory_space<semaphore_mem>>) attributes {dimension_semantics = [#tpu.dimension_semantics<core_parallel>, #tpu.dimension_semantics<subcore_parallel>], iteration_bounds = array<i64: 2, 16>, scalar_prefetch = 0 : i64, scratch_operands = 15 : i64, tpu.core_type = #tpu.core_type<sc_vector_subcore>, window_params = [{transform_indices = #map}, {transform_indices = #map1}, {transform_indices = #map}, {transform_indices = #map}, {transform_indices = #map}]} {
    %broadcast_in_dim3A = arith.constant 0.000000e+00 : f32
    %broadcast_in_dim3A_0 = vector.broadcast %broadcast_in_dim3A : f32 to vector<16xf32>
    %scan3A = arith.constant 0 : i32
    %scan3A_1 = arith.constant 0 : i32
    %scan3A_2 = arith.constant 256 : i32
    %scan3A_3 = arith.addi %scan3A_1, %scan3A_2 : i32
    %scan3A_4 = arith.constant 1 : i32
    %scan3A_5 = scf.for %scan3A_100 = %scan3A_1 to %scan3A_3 step %scan3A_4 iter_args(%scan3A_101 = %scan3A) -> (i32)  : i32 {
      %swap3A = arith.index_cast %scan3A_100 : i32 to index
      %swap3A_102 = arith.constant 0 : index
      %swap3A_103 = tpu.vector_load %arg10[%swap3A, %swap3A_102] {strides = array<i32>} : memref<256x64xf32, #tpu.memory_space<vmem>>, vector<1x16xf32>,
      %swap3A_104 = vector.shape_cast %swap3A_103 : vector<1x16xf32> to vector<16xf32>
      %swap3A_105 = vector.shape_cast %broadcast_in_dim3A_0 : vector<16xf32> to vector<1x16xf32>
      tpu.vector_store %arg10[%swap3A, %swap3A_102], %swap3A_105 {strides = array<i32>} : memref<256x64xf32, #tpu.memory_space<vmem>>, vector<1x16xf32>,
      %swap3A_106 = arith.index_cast %scan3A_100 : i32 to index
      %swap3A_107 = arith.constant 16 : index
      %swap3A_108 = tpu.vector_load %arg10[%swap3A_106, %swap3A_107] {strides = array<i32>} : memref<256x64xf32, #tpu.memory_space<vmem>>, vector<1x16xf32>,
      %swap3A_109 = vector.shape_cast %swap3A_108 : vector<1x16xf32> to vector<16xf32>
      %swap3A_110 = vector.shape_cast %broadcast_in_dim3A_0 : vector<16xf32> to vector<1x16xf32>
      tpu.vector_store %arg10[%swap3A_106, %swap3A_107], %swap3A_110 {strides = array<i32>} : memref<256x64xf32, #tpu.memory_space<vmem>>, vector<1x16xf32>,
      %swap3A_111 = arith.index_cast %scan3A_100 : i32 to index
      %swap3A_112 = arith.constant 32 : index
      %swap3A_113 = tpu.vector_load %arg10[%swap3A_111, %swap3A_112] {strides = array<i32>} : memref<256x64xf32, #tpu.memory_space<vmem>>, vector<1x16xf32>,
      %swap3A_114 = vector.shape_cast %swap3A_113 : vector<1x16xf32> to vector<16xf32>
      %swap3A_115 = vector.shape_cast %broadcast_in_dim3A_0 : vector<16xf32> to vector<1x16xf32>
      tpu.vector_store %arg10[%swap3A_111, %swap3A_112], %swap3A_115 {strides = array<i32>} : memref<256x64xf32, #tpu.memory_space<vmem>>, vector<1x16xf32>,
      %swap3A_116 = arith.index_cast %scan3A_100 : i32 to index
      %swap3A_117 = arith.constant 48 : index
      %swap3A_118 = tpu.vector_load %arg10[%swap3A_116, %swap3A_117] {strides = array<i32>} : memref<256x64xf32, #tpu.memory_space<vmem>>, vector<1x16xf32>,
      %swap3A_119 = vector.shape_cast %swap3A_118 : vector<1x16xf32> to vector<16xf32>
      %swap3A_120 = vector.shape_cast %broadcast_in_dim3A_0 : vector<16xf32> to vector<1x16xf32>
      tpu.vector_store %arg10[%swap3A_116, %swap3A_117], %swap3A_120 {strides = array<i32>} : memref<256x64xf32, #tpu.memory_space<vmem>>, vector<1x16xf32>,
      %swap3A_121 = arith.index_cast %scan3A_100 : i32 to index
      %swap3A_122 = arith.constant 0 : index
      %swap3A_123 = tpu.vector_load %arg12[%swap3A_121, %swap3A_122] {strides = array<i32>} : memref<256x16xf32, #tpu.memory_space<vmem>>, vector<1x16xf32>,
      %swap3A_124 = vector.shape_cast %swap3A_123 : vector<1x16xf32> to vector<16xf32>
      %swap3A_125 = vector.shape_cast %broadcast_in_dim3A_0 : vector<16xf32> to vector<1x16xf32>
      tpu.vector_store %arg12[%swap3A_121, %swap3A_122], %swap3A_125 {strides = array<i32>} : memref<256x16xf32, #tpu.memory_space<vmem>>, vector<1x16xf32>,
      %scan3A_126 = arith.constant 0 : i32
      scf.yield %scan3A_126 : i32
    }
    %scan3A_6 = arith.constant 256 : i32
    %mul3A = arith.constant 640 : i32
    %mul3A_7 = arith.muli %arg1, %mul3A : i32
    %add3A = arith.constant 0 : i32
    %add3A_8 = arith.addi %mul3A_7, %add3A : i32
    "tpu.region"() ({
      %run_scoped3A_100 = tpu.sem_alloc : memref<!tpu.dma_semaphore, #tpu.memory_space<semaphore_mem>>
      %dma_start3A_101 = arith.constant 0 : i32
      %dma_start3A_102 = tpu.memref_slice %arg14[%add3A_8, %dma_start3A_101] : memref<10240x64xf32, #tpu.memory_space<vmem_shared>> -> memref<256x64xf32, #tpu.memory_space<vmem_shared>>
      %dma_start3A_103 = arith.constant 0 : i32
      %dma_start3A_104 = tpu.memref_slice %arg14[%add3A_8, %dma_start3A_103] : memref<10240x64xf32, #tpu.memory_space<vmem_shared>> -> memref<256x64xf32, #tpu.memory_space<vmem_shared>>
      tpu.enqueue_dma source(%arg10 : memref<256x64xf32, #tpu.memory_space<vmem>>) target(%dma_start3A_104 : memref<256x64xf32, #tpu.memory_space<vmem_shared>>) target_semaphore(%run_scoped3A_100 : memref<!tpu.dma_semaphore, #tpu.memory_space<semaphore_mem>>)
      %dma_wait3A_105 = arith.constant 0 : i32
      %dma_wait3A_106 = tpu.memref_slice %arg14[%add3A_8, %dma_wait3A_105] : memref<10240x64xf32, #tpu.memory_space<vmem_shared>> -> memref<256x64xf32, #tpu.memory_space<vmem_shared>>
      %dma_wait3A_107 = arith.constant 0 : i32
      %dma_wait3A_108 = tpu.memref_slice %arg14[%add3A_8, %dma_wait3A_107] : memref<10240x64xf32, #tpu.memory_space<vmem_shared>> -> memref<256x64xf32, #tpu.memory_space<vmem_shared>>
      tpu.wait_dma2 semaphore(%run_scoped3A_100 : memref<!tpu.dma_semaphore, #tpu.memory_space<semaphore_mem>>) src(%arg10 : memref<256x64xf32, #tpu.memory_space<vmem>>) dst(%dma_wait3A_108 : memref<256x64xf32, #tpu.memory_space<vmem_shared>>)
      tpu.yield
    }) : () -> ()
    %add3A_9 = arith.constant 0 : i32
    %add3A_10 = arith.addi %mul3A_7, %add3A_9 : i32
    "tpu.region"() ({
      %run_scoped3A_100 = tpu.sem_alloc : memref<!tpu.dma_semaphore, #tpu.memory_space<semaphore_mem>>
      %dma_start3A_101 = arith.constant 0 : i32
      %dma_start3A_102 = tpu.memref_slice %arg15[%add3A_10, %dma_start3A_101] : memref<10240x16xf32, #tpu.memory_space<vmem_shared>> -> memref<256x16xf32, #tpu.memory_space<vmem_shared>>
      %dma_start3A_103 = arith.constant 0 : i32
      %dma_start3A_104 = tpu.memref_slice %arg15[%add3A_10, %dma_start3A_103] : memref<10240x16xf32, #tpu.memory_space<vmem_shared>> -> memref<256x16xf32, #tpu.memory_space<vmem_shared>>
      tpu.enqueue_dma source(%arg12 : memref<256x16xf32, #tpu.memory_space<vmem>>) target(%dma_start3A_104 : memref<256x16xf32, #tpu.memory_space<vmem_shared>>) target_semaphore(%run_scoped3A_100 : memref<!tpu.dma_semaphore, #tpu.memory_space<semaphore_mem>>)
      %dma_wait3A_105 = arith.constant 0 : i32
      %dma_wait3A_106 = tpu.memref_slice %arg15[%add3A_10, %dma_wait3A_105] : memref<10240x16xf32, #tpu.memory_space<vmem_shared>> -> memref<256x16xf32, #tpu.memory_space<vmem_shared>>
      %dma_wait3A_107 = arith.constant 0 : i32
      %dma_wait3A_108 = tpu.memref_slice %arg15[%add3A_10, %dma_wait3A_107] : memref<10240x16xf32, #tpu.memory_space<vmem_shared>> -> memref<256x16xf32, #tpu.memory_space<vmem_shared>>
      tpu.wait_dma2 semaphore(%run_scoped3A_100 : memref<!tpu.dma_semaphore, #tpu.memory_space<semaphore_mem>>) src(%arg12 : memref<256x16xf32, #tpu.memory_space<vmem>>) dst(%dma_wait3A_108 : memref<256x16xf32, #tpu.memory_space<vmem_shared>>)
      tpu.yield
    }) : () -> ()
    %add3A_11 = arith.constant 256 : i32
    %add3A_12 = arith.addi %mul3A_7, %add3A_11 : i32
    "tpu.region"() ({
      %run_scoped3A_100 = tpu.sem_alloc : memref<!tpu.dma_semaphore, #tpu.memory_space<semaphore_mem>>
      %dma_start3A_101 = arith.constant 0 : i32
      %dma_start3A_102 = tpu.memref_slice %arg14[%add3A_12, %dma_start3A_101] : memref<10240x64xf32, #tpu.memory_space<vmem_shared>> -> memref<256x64xf32, #tpu.memory_space<vmem_shared>>
      %dma_start3A_103 = arith.constant 0 : i32
      %dma_start3A_104 = tpu.memref_slice %arg14[%add3A_12, %dma_start3A_103] : memref<10240x64xf32, #tpu.memory_space<vmem_shared>> -> memref<256x64xf32, #tpu.memory_space<vmem_shared>>
      tpu.enqueue_dma source(%arg10 : memref<256x64xf32, #tpu.memory_space<vmem>>) target(%dma_start3A_104 : memref<256x64xf32, #tpu.memory_space<vmem_shared>>) target_semaphore(%run_scoped3A_100 : memref<!tpu.dma_semaphore, #tpu.memory_space<semaphore_mem>>)
      %dma_wait3A_105 = arith.constant 0 : i32
      %dma_wait3A_106 = tpu.memref_slice %arg14[%add3A_12, %dma_wait3A_105] : memref<10240x64xf32, #tpu.memory_space<vmem_shared>> -> memref<256x64xf32, #tpu.memory_space<vmem_shared>>
      %dma_wait3A_107 = arith.constant 0 : i32
      %dma_wait3A_108 = tpu.memref_slice %arg14[%add3A_12, %dma_wait3A_107] : memref<10240x64xf32, #tpu.memory_space<vmem_shared>> -> memref<256x64xf32, #tpu.memory_space<vmem_shared>>
      tpu.wait_dma2 semaphore(%run_scoped3A_100 : memref<!tpu.dma_semaphore, #tpu.memory_space<semaphore_mem>>) src(%arg10 : memref<256x64xf32, #tpu.memory_space<vmem>>) dst(%dma_wait3A_108 : memref<256x64xf32, #tpu.memory_space<vmem_shared>>)
      tpu.yield
    }) : () -> ()
    %add3A_13 = arith.constant 256 : i32
    %add3A_14 = arith.addi %mul3A_7, %add3A_13 : i32
    "tpu.region"() ({
      %run_scoped3A_100 = tpu.sem_alloc : memref<!tpu.dma_semaphore, #tpu.memory_space<semaphore_mem>>
      %dma_start3A_101 = arith.constant 0 : i32
      %dma_start3A_102 = tpu.memref_slice %arg15[%add3A_14, %dma_start3A_101] : memref<10240x16xf32, #tpu.memory_space<vmem_shared>> -> memref<256x16xf32, #tpu.memory_space<vmem_shared>>
      %dma_start3A_103 = arith.constant 0 : i32
      %dma_start3A_104 = tpu.memref_slice %arg15[%add3A_14, %dma_start3A_103] : memref<10240x16xf32, #tpu.memory_space<vmem_shared>> -> memref<256x16xf32, #tpu.memory_space<vmem_shared>>
      tpu.enqueue_dma source(%arg12 : memref<256x16xf32, #tpu.memory_space<vmem>>) target(%dma_start3A_104 : memref<256x16xf32, #tpu.memory_space<vmem_shared>>) target_semaphore(%run_scoped3A_100 : memref<!tpu.dma_semaphore, #tpu.memory_space<semaphore_mem>>)
      %dma_wait3A_105 = arith.constant 0 : i32
      %dma_wait3A_106 = tpu.memref_slice %arg15[%add3A_14, %dma_wait3A_105] : memref<10240x16xf32, #tpu.memory_space<vmem_shared>> -> memref<256x16xf32, #tpu.memory_space<vmem_shared>>
      %dma_wait3A_107 = arith.constant 0 : i32
      %dma_wait3A_108 = tpu.memref_slice %arg15[%add3A_14, %dma_wait3A_107] : memref<10240x16xf32, #tpu.memory_space<vmem_shared>> -> memref<256x16xf32, #tpu.memory_space<vmem_shared>>
      tpu.wait_dma2 semaphore(%run_scoped3A_100 : memref<!tpu.dma_semaphore, #tpu.memory_space<semaphore_mem>>) src(%arg12 : memref<256x16xf32, #tpu.memory_space<vmem>>) dst(%dma_wait3A_108 : memref<256x16xf32, #tpu.memory_space<vmem_shared>>)
      tpu.yield
    }) : () -> ()
    %add3A_15 = arith.constant 512 : i32
    %add3A_16 = arith.addi %mul3A_7, %add3A_15 : i32
    "tpu.region"() ({
      %run_scoped3A_100 = tpu.sem_alloc : memref<!tpu.dma_semaphore, #tpu.memory_space<semaphore_mem>>
      %dma_start3A_101 = arith.constant 0 : i32
      %dma_start3A_102 = arith.constant 0 : i32
      %dma_start3A_103 = tpu.memref_slice %arg10[%dma_start3A_101, %dma_start3A_102] : memref<256x64xf32, #tpu.memory_space<vmem>> -> memref<128x64xf32, #tpu.memory_space<vmem>>
      %dma_start3A_104 = arith.constant 0 : i32
      %dma_start3A_105 = tpu.memref_slice %arg14[%add3A_16, %dma_start3A_104] : memref<10240x64xf32, #tpu.memory_space<vmem_shared>> -> memref<128x64xf32, #tpu.memory_space<vmem_shared>>
      %dma_start3A_106 = arith.constant 0 : i32
      %dma_start3A_107 = tpu.memref_slice %arg14[%add3A_16, %dma_start3A_106] : memref<10240x64xf32, #tpu.memory_space<vmem_shared>> -> memref<128x64xf32, #tpu.memory_space<vmem_shared>>
      %dma_start3A_108 = arith.constant 0 : i32
      %dma_start3A_109 = arith.constant 0 : i32
      %dma_start3A_110 = tpu.memref_slice %arg10[%dma_start3A_108, %dma_start3A_109] : memref<256x64xf32, #tpu.memory_space<vmem>> -> memref<128x64xf32, #tpu.memory_space<vmem>>
      tpu.enqueue_dma source(%dma_start3A_110 : memref<128x64xf32, #tpu.memory_space<vmem>>) target(%dma_start3A_107 : memref<128x64xf32, #tpu.memory_space<vmem_shared>>) target_semaphore(%run_scoped3A_100 : memref<!tpu.dma_semaphore, #tpu.memory_space<semaphore_mem>>)
      %dma_wait3A_111 = arith.constant 0 : i32
      %dma_wait3A_112 = arith.constant 0 : i32
      %dma_wait3A_113 = tpu.memref_slice %arg10[%dma_wait3A_111, %dma_wait3A_112] : memref<256x64xf32, #tpu.memory_space<vmem>> -> memref<128x64xf32, #tpu.memory_space<vmem>>
      %dma_wait3A_114 = arith.constant 0 : i32
      %dma_wait3A_115 = tpu.memref_slice %arg14[%add3A_16, %dma_wait3A_114] : memref<10240x64xf32, #tpu.memory_space<vmem_shared>> -> memref<128x64xf32, #tpu.memory_space<vmem_shared>>
      %dma_wait3A_116 = arith.constant 0 : i32
      %dma_wait3A_117 = tpu.memref_slice %arg14[%add3A_16, %dma_wait3A_116] : memref<10240x64xf32, #tpu.memory_space<vmem_shared>> -> memref<128x64xf32, #tpu.memory_space<vmem_shared>>
      %dma_wait3A_118 = arith.constant 0 : i32
      %dma_wait3A_119 = arith.constant 0 : i32
      %dma_wait3A_120 = tpu.memref_slice %arg10[%dma_wait3A_118, %dma_wait3A_119] : memref<256x64xf32, #tpu.memory_space<vmem>> -> memref<128x64xf32, #tpu.memory_space<vmem>>
      tpu.wait_dma2 semaphore(%run_scoped3A_100 : memref<!tpu.dma_semaphore, #tpu.memory_space<semaphore_mem>>) src(%dma_wait3A_120 : memref<128x64xf32, #tpu.memory_space<vmem>>) dst(%dma_wait3A_117 : memref<128x64xf32, #tpu.memory_space<vmem_shared>>)
      tpu.yield
    }) : () -> ()
    "tpu.region"() ({
      %run_scoped3A_100 = tpu.sem_alloc : memref<!tpu.dma_semaphore, #tpu.memory_space<semaphore_mem>>
      %dma_start3A_101 = arith.constant 0 : i32
      %dma_start3A_102 = arith.constant 0 : i32
      %dma_start3A_103 = tpu.memref_slice %arg12[%dma_start3A_101, %dma_start3A_102] : memref<256x16xf32, #tpu.memory_space<vmem>> -> memref<128x16xf32, #tpu.memory_space<vmem>>
      %dma_start3A_104 = arith.constant 0 : i32
      %dma_start3A_105 = tpu.memref_slice %arg15[%add3A_16, %dma_start3A_104] : memref<10240x16xf32, #tpu.memory_space<vmem_shared>> -> memref<128x16xf32, #tpu.memory_space<vmem_shared>>
      %dma_start3A_106 = arith.constant 0 : i32
      %dma_start3A_107 = tpu.memref_slice %arg15[%add3A_16, %dma_start3A_106] : memref<10240x16xf32, #tpu.memory_space<vmem_shared>> -> memref<128x16xf32, #tpu.memory_space<vmem_shared>>
      %dma_start3A_108 = arith.constant 0 : i32
      %dma_start3A_109 = arith.constant 0 : i32
      %dma_start3A_110 = tpu.memref_slice %arg12[%dma_start3A_108, %dma_start3A_109] : memref<256x16xf32, #tpu.memory_space<vmem>> -> memref<128x16xf32, #tpu.memory_space<vmem>>
      tpu.enqueue_dma source(%dma_start3A_110 : memref<128x16xf32, #tpu.memory_space<vmem>>) target(%dma_start3A_107 : memref<128x16xf32, #tpu.memory_space<vmem_shared>>) target_semaphore(%run_scoped3A_100 : memref<!tpu.dma_semaphore, #tpu.memory_space<semaphore_mem>>)
      %dma_wait3A_111 = arith.constant 0 : i32
      %dma_wait3A_112 = arith.constant 0 : i32
      %dma_wait3A_113 = tpu.memref_slice %arg12[%dma_wait3A_111, %dma_wait3A_112] : memref<256x16xf32, #tpu.memory_space<vmem>> -> memref<128x16xf32, #tpu.memory_space<vmem>>
      %dma_wait3A_114 = arith.constant 0 : i32
      %dma_wait3A_115 = tpu.memref_slice %arg15[%add3A_16, %dma_wait3A_114] : memref<10240x16xf32, #tpu.memory_space<vmem_shared>> -> memref<128x16xf32, #tpu.memory_space<vmem_shared>>
      %dma_wait3A_116 = arith.constant 0 : i32
      %dma_wait3A_117 = tpu.memref_slice %arg15[%add3A_16, %dma_wait3A_116] : memref<10240x16xf32, #tpu.memory_space<vmem_shared>> -> memref<128x16xf32, #tpu.memory_space<vmem_shared>>
      %dma_wait3A_118 = arith.constant 0 : i32
      %dma_wait3A_119 = arith.constant 0 : i32
      %dma_wait3A_120 = tpu.memref_slice %arg12[%dma_wait3A_118, %dma_wait3A_119] : memref<256x16xf32, #tpu.memory_space<vmem>> -> memref<128x16xf32, #tpu.memory_space<vmem>>
      tpu.wait_dma2 semaphore(%run_scoped3A_100 : memref<!tpu.dma_semaphore, #tpu.memory_space<semaphore_mem>>) src(%dma_wait3A_120 : memref<128x16xf32, #tpu.memory_space<vmem>>) dst(%dma_wait3A_117 : memref<128x16xf32, #tpu.memory_space<vmem_shared>>)
      tpu.yield
    }) : () -> ()
    %barrier3A = arith.constant 0 : index
    tpu.barrier barrier_id(%barrier3A)
    %mul3A_17 = arith.constant 80 : i32
    %mul3A_18 = arith.muli %arg1, %mul3A_17 : i32
    %add3A_19 = arith.constant 0 : i32
    %add3A_20 = arith.addi %mul3A_18, %add3A_19 : i32
    %run_scoped3A = arith.constant 1 : i32
    "tpu.region"() ({
      %run_scoped3A_100 = tpu.sem_alloc : memref<!tpu.dma_semaphore, #tpu.memory_space<semaphore_mem>>
      %dma_start3A_101 = arith.constant 0 : i32
      %dma_start3A_102 = tpu.memref_slice %arg2[%run_scoped3A, %add3A_20, %dma_start3A_101] : memref<2x1280x256xi32, #tpu.memory_space<hbm>> -> memref<1x40x256xi32, #tpu.memory_space<hbm>>
      %dma_start3A_103 = tpu.memref_squeeze %dma_start3A_102 : memref<1x40x256xi32, #tpu.memory_space<hbm>> -> memref<40x256xi32, #tpu.memory_space<hbm>>
      %dma_start3A_104 = arith.constant 0 : i32
      %dma_start3A_105 = tpu.memref_slice %arg2[%run_scoped3A, %add3A_20, %dma_start3A_104] : memref<2x1280x256xi32, #tpu.memory_space<hbm>> -> memref<1x40x256xi32, #tpu.memory_space<hbm>>
      %dma_start3A_106 = tpu.memref_squeeze %dma_start3A_105 : memref<1x40x256xi32, #tpu.memory_space<hbm>> -> memref<40x256xi32, #tpu.memory_space<hbm>>
      tpu.enqueue_dma source(%dma_start3A_106 : memref<40x256xi32, #tpu.memory_space<hbm>>) target(%arg7 : memref<40x256xi32, #tpu.memory_space<vmem>>) target_semaphore(%run_scoped3A_100 : memref<!tpu.dma_semaphore, #tpu.memory_space<semaphore_mem>>)
      %dma_wait3A_107 = arith.constant 0 : i32
      %dma_wait3A_108 = tpu.memref_slice %arg2[%run_scoped3A, %add3A_20, %dma_wait3A_107] : memref<2x1280x256xi32, #tpu.memory_space<hbm>> -> memref<1x40x256xi32, #tpu.memory_space<hbm>>
      %dma_wait3A_109 = tpu.memref_squeeze %dma_wait3A_108 : memref<1x40x256xi32, #tpu.memory_space<hbm>> -> memref<40x256xi32, #tpu.memory_space<hbm>>
      %dma_wait3A_110 = arith.constant 0 : i32
      %dma_wait3A_111 = tpu.memref_slice %arg2[%run_scoped3A, %add3A_20, %dma_wait3A_110] : memref<2x1280x256xi32, #tpu.memory_space<hbm>> -> memref<1x40x256xi32, #tpu.memory_space<hbm>>
      %dma_wait3A_112 = tpu.memref_squeeze %dma_wait3A_111 : memref<1x40x256xi32, #tpu.memory_space<hbm>> -> memref<40x256xi32, #tpu.memory_space<hbm>>
      tpu.wait_dma2 semaphore(%run_scoped3A_100 : memref<!tpu.dma_semaphore, #tpu.memory_space<semaphore_mem>>) src(%dma_wait3A_112 : memref<40x256xi32, #tpu.memory_space<hbm>>) dst(%arg7 : memref<40x256xi32, #tpu.memory_space<vmem>>)
      tpu.yield
    }) : () -> ()
    %mul3A_21 = arith.constant 80 : i32
    %mul3A_22 = arith.muli %arg1, %mul3A_21 : i32
    %add3A_23 = arith.constant 0 : i32
    %add3A_24 = arith.addi %mul3A_22, %add3A_23 : i32
    %run_scoped3A_25 = arith.constant 0 : i32
    "tpu.region"() ({
      %run_scoped3A_100 = tpu.sem_alloc : memref<!tpu.dma_semaphore, #tpu.memory_space<semaphore_mem>>
      %dma_start3A_101 = arith.constant 0 : i32
      %dma_start3A_102 = tpu.memref_slice %arg2[%run_scoped3A_25, %add3A_24, %dma_start3A_101] : memref<2x1280x256xi32, #tpu.memory_space<hbm>> -> memref<1x40x256xi32, #tpu.memory_space<hbm>>
      %dma_start3A_103 = tpu.memref_squeeze %dma_start3A_102 : memref<1x40x256xi32, #tpu.memory_space<hbm>> -> memref<40x256xi32, #tpu.memory_space<hbm>>
      %dma_start3A_104 = arith.constant 0 : i32
      %dma_start3A_105 = tpu.memref_slice %arg2[%run_scoped3A_25, %add3A_24, %dma_start3A_104] : memref<2x1280x256xi32, #tpu.memory_space<hbm>> -> memref<1x40x256xi32, #tpu.memory_space<hbm>>
      %dma_start3A_106 = tpu.memref_squeeze %dma_start3A_105 : memref<1x40x256xi32, #tpu.memory_space<hbm>> -> memref<40x256xi32, #tpu.memory_space<hbm>>
      tpu.enqueue_dma source(%dma_start3A_106 : memref<40x256xi32, #tpu.memory_space<hbm>>) target(%arg8 : memref<40x256xi32, #tpu.memory_space<vmem>>) target_semaphore(%run_scoped3A_100 : memref<!tpu.dma_semaphore, #tpu.memory_space<semaphore_mem>>)
      %dma_wait3A_107 = arith.constant 0 : i32
      %dma_wait3A_108 = tpu.memref_slice %arg2[%run_scoped3A_25, %add3A_24, %dma_wait3A_107] : memref<2x1280x256xi32, #tpu.memory_space<hbm>> -> memref<1x40x256xi32, #tpu.memory_space<hbm>>
      %dma_wait3A_109 = tpu.memref_squeeze %dma_wait3A_108 : memref<1x40x256xi32, #tpu.memory_space<hbm>> -> memref<40x256xi32, #tpu.memory_space<hbm>>
      %dma_wait3A_110 = arith.constant 0 : i32
      %dma_wait3A_111 = tpu.memref_slice %arg2[%run_scoped3A_25, %add3A_24, %dma_wait3A_110] : memref<2x1280x256xi32, #tpu.memory_space<hbm>> -> memref<1x40x256xi32, #tpu.memory_space<hbm>>
      %dma_wait3A_112 = tpu.memref_squeeze %dma_wait3A_111 : memref<1x40x256xi32, #tpu.memory_space<hbm>> -> memref<40x256xi32, #tpu.memory_space<hbm>>
      tpu.wait_dma2 semaphore(%run_scoped3A_100 : memref<!tpu.dma_semaphore, #tpu.memory_space<semaphore_mem>>) src(%dma_wait3A_112 : memref<40x256xi32, #tpu.memory_space<hbm>>) dst(%arg8 : memref<40x256xi32, #tpu.memory_space<vmem>>)
      tpu.yield
    }) : () -> ()
    %mul3A_26 = arith.constant 20480 : i32
    %mul3A_27 = arith.muli %arg1, %mul3A_26 : i32
    %add3A_28 = arith.constant 0 : i32
    %add3A_29 = arith.addi %mul3A_27, %add3A_28 : i32
    "tpu.region"() ({
      %run_scoped3A_100 = tpu.sem_alloc : memref<!tpu.dma_semaphore, #tpu.memory_space<semaphore_mem>>
      %dma_start3A_101 = tpu.memref_slice %arg3[%add3A_29] : memref<327680xf32, #tpu.memory_space<hbm>> -> memref<10240xf32, #tpu.memory_space<hbm>>
      %dma_start3A_102 = tpu.memref_slice %arg3[%add3A_29] : memref<327680xf32, #tpu.memory_space<hbm>> -> memref<10240xf32, #tpu.memory_space<hbm>>
      tpu.enqueue_dma source(%dma_start3A_102 : memref<10240xf32, #tpu.memory_space<hbm>>) target(%arg9 : memref<10240xf32, #tpu.memory_space<vmem>>) target_semaphore(%run_scoped3A_100 : memref<!tpu.dma_semaphore, #tpu.memory_space<semaphore_mem>>)
      %dma_wait3A_103 = tpu.memref_slice %arg3[%add3A_29] : memref<327680xf32, #tpu.memory_space<hbm>> -> memref<10240xf32, #tpu.memory_space<hbm>>
      %dma_wait3A_104 = tpu.memref_slice %arg3[%add3A_29] : memref<327680xf32, #tpu.memory_space<hbm>> -> memref<10240xf32, #tpu.memory_space<hbm>>
      tpu.wait_dma2 semaphore(%run_scoped3A_100 : memref<!tpu.dma_semaphore, #tpu.memory_space<semaphore_mem>>) src(%dma_wait3A_104 : memref<10240xf32, #tpu.memory_space<hbm>>) dst(%arg9 : memref<10240xf32, #tpu.memory_space<vmem>>)
      tpu.yield
    }) : () -> ()
    %dma_start3A = arith.constant 0 : i32
    %dma_start3A_30 = arith.constant 0 : i32
    %dma_start3A_31 = tpu.memref_slice %arg7[%dma_start3A, %dma_start3A_30] : memref<40x256xi32, #tpu.memory_space<vmem>> -> memref<1x256xi32, #tpu.memory_space<vmem>>
    %dma_start3A_32 = tpu.memref_squeeze %dma_start3A_31 : memref<1x256xi32, #tpu.memory_space<vmem>> -> memref<256xi32, #tpu.memory_space<vmem>>
    %dma_start3A_33 = arith.constant 0 : i32
    %dma_start3A_34 = arith.constant 0 : i32
    %dma_start3A_35 = tpu.memref_slice %arg4[%arg0, %dma_start3A_33, %dma_start3A_34] : memref<2x10000x64xf32, #tpu.memory_space<hbm>> -> memref<1x10000x64xf32, #tpu.memory_space<hbm>>
    %dma_start3A_36 = tpu.memref_squeeze %dma_start3A_35 : memref<1x10000x64xf32, #tpu.memory_space<hbm>> -> memref<10000x64xf32, #tpu.memory_space<hbm>>
    %dma_start3A_37 = arith.constant 0 : i32
    %dma_start3A_38 = arith.constant 0 : i32
    %dma_start3A_39 = tpu.memref_slice %dma_start3A_36[%dma_start3A_37, %dma_start3A_38] : memref<10000x64xf32, #tpu.memory_space<hbm>> -> memref<10000x64xf32, #tpu.memory_space<hbm>>
    tpu.enqueue_indirect_dma source(%dma_start3A_39 : memref<10000x64xf32, #tpu.memory_space<hbm>>) target(%arg10 : memref<256x64xf32, #tpu.memory_space<vmem>>) offsets(%dma_start3A_32 : memref<256xi32, #tpu.memory_space<vmem>>) semaphore(%arg16 : memref<!tpu.dma_semaphore, #tpu.memory_space<semaphore_mem>>)
    %scan3A_40 = arith.constant 0 : i32
    %scan3A_41 = arith.constant 0 : i32
    %scan3A_42 = arith.constant 20 : i32
    %scan3A_43 = arith.addi %scan3A_41, %scan3A_42 : i32
    %scan3A_44 = arith.constant 1 : i32
    %scan3A_45 = scf.for %scan3A_100 = %scan3A_41 to %scan3A_43 step %scan3A_44 iter_args(%scan3A_101 = %scan3A_40) -> (i32)  : i32 {
      %mul3A_102 = arith.constant 2 : i32
      %mul3A_103 = arith.muli %mul3A_102, %scan3A_100 : i32
      %dma_wait3A_104 = arith.constant 0 : i32
      %dma_wait3A_105 = tpu.memref_slice %arg7[%mul3A_103, %dma_wait3A_104] : memref<40x256xi32, #tpu.memory_space<vmem>> -> memref<1x256xi32, #tpu.memory_space<vmem>>
      %dma_wait3A_106 = tpu.memref_squeeze %dma_wait3A_105 : memref<1x256xi32, #tpu.memory_space<vmem>> -> memref<256xi32, #tpu.memory_space<vmem>>
      %dma_wait3A_107 = arith.constant 0 : i32
      %dma_wait3A_108 = arith.constant 0 : i32
      %dma_wait3A_109 = tpu.memref_slice %arg4[%arg0, %dma_wait3A_107, %dma_wait3A_108] : memref<2x10000x64xf32, #tpu.memory_space<hbm>> -> memref<1x10000x64xf32, #tpu.memory_space<hbm>>
      %dma_wait3A_110 = tpu.memref_squeeze %dma_wait3A_109 : memref<1x10000x64xf32, #tpu.memory_space<hbm>> -> memref<10000x64xf32, #tpu.memory_space<hbm>>
      %dma_wait3A_111 = arith.constant 0 : i32
      %dma_wait3A_112 = arith.constant 0 : i32
      %dma_wait3A_113 = tpu.memref_slice %dma_wait3A_110[%dma_wait3A_111, %dma_wait3A_112] : memref<10000x64xf32, #tpu.memory_space<hbm>> -> memref<10000x64xf32, #tpu.memory_space<hbm>>
      tpu.wait_indirect_dma semaphore(%arg16 : memref<!tpu.dma_semaphore, #tpu.memory_space<semaphore_mem>>) src(%dma_wait3A_113 : memref<10000x64xf32, #tpu.memory_space<hbm>>) dst(%arg10 : memref<256x64xf32, #tpu.memory_space<vmem>>)
      %gt3A = arith.constant 0 : i32
      %gt3A_114 = arith.cmpi sgt, %scan3A_100, %gt3A : i32
      %convert_element_type3A_115 = arith.extui %gt3A_114 : i1 to i32
      %cond3A_116 = arith.constant 0 : i32
      %cond3A_117 = arith.cmpi ne, %convert_element_type3A_115, %cond3A_116 : i32
      scf.if %cond3A_117 {
        %sub3A = arith.constant 1 : i32
        %sub3A_212 = arith.subi %mul3A_103, %sub3A : i32
        %dma_wait3A_213 = arith.constant 0 : i32
        %dma_wait3A_214 = tpu.memref_slice %arg8[%sub3A_212, %dma_wait3A_213] : memref<40x256xi32, #tpu.memory_space<vmem>> -> memref<1x256xi32, #tpu.memory_space<vmem>>
        %dma_wait3A_215 = tpu.memref_squeeze %dma_wait3A_214 : memref<1x256xi32, #tpu.memory_space<vmem>> -> memref<256xi32, #tpu.memory_space<vmem>>
        %dma_wait3A_216 = arith.constant 0 : i32
        %dma_wait3A_217 = arith.constant 0 : i32
        %dma_wait3A_218 = tpu.memref_slice %arg14[%dma_wait3A_216, %dma_wait3A_217] : memref<10240x64xf32, #tpu.memory_space<vmem_shared>> -> memref<10240x64xf32, #tpu.memory_space<vmem_shared>>
        tpu.wait_indirect_dma semaphore(%arg19 : memref<!tpu.dma_semaphore, #tpu.memory_space<semaphore_mem>>) src(%arg11 : memref<256x64xf32, #tpu.memory_space<vmem>>) dst(%dma_wait3A_218 : memref<10240x64xf32, #tpu.memory_space<vmem_shared>>)
        %eq3A_219 = arith.constant 1 : i32
        %eq3A_220 = arith.cmpi eq, %arg0, %eq3A_219 : i32
        %convert_element_type3A_221 = arith.extui %eq3A_220 : i1 to i32
        %cond3A_222 = arith.constant 0 : i32
        %cond3A_223 = arith.cmpi ne, %convert_element_type3A_221, %cond3A_222 : i32
        scf.if %cond3A_223 {
          %dma_wait3A_224 = arith.constant 0 : i32
          %dma_wait3A_225 = tpu.memref_slice %arg8[%sub3A_212, %dma_wait3A_224] : memref<40x256xi32, #tpu.memory_space<vmem>> -> memref<1x256xi32, #tpu.memory_space<vmem>>
          %dma_wait3A_226 = tpu.memref_squeeze %dma_wait3A_225 : memref<1x256xi32, #tpu.memory_space<vmem>> -> memref<256xi32, #tpu.memory_space<vmem>>
          %dma_wait3A_227 = arith.constant 0 : i32
          %dma_wait3A_228 = arith.constant 0 : i32
          %dma_wait3A_229 = tpu.memref_slice %arg15[%dma_wait3A_227, %dma_wait3A_228] : memref<10240x16xf32, #tpu.memory_space<vmem_shared>> -> memref<10240x16xf32, #tpu.memory_space<vmem_shared>>
          tpu.wait_indirect_dma semaphore(%arg21 : memref<!tpu.dma_semaphore, #tpu.memory_space<semaphore_mem>>) src(%arg13 : memref<256x16xf32, #tpu.memory_space<vmem>>) dst(%dma_wait3A_229 : memref<10240x16xf32, #tpu.memory_space<vmem_shared>>)
        } else {
        }
      } else {
      }
      %add3A_118 = arith.constant 1 : i32
      %add3A_119 = arith.addi %mul3A_103, %add3A_118 : i32
      %dma_start3A_120 = arith.constant 0 : i32
      %dma_start3A_121 = tpu.memref_slice %arg7[%add3A_119, %dma_start3A_120] : memref<40x256xi32, #tpu.memory_space<vmem>> -> memref<1x256xi32, #tpu.memory_space<vmem>>
      %dma_start3A_122 = tpu.memref_squeeze %dma_start3A_121 : memref<1x256xi32, #tpu.memory_space<vmem>> -> memref<256xi32, #tpu.memory_space<vmem>>
      %dma_start3A_123 = arith.constant 0 : i32
      %dma_start3A_124 = arith.constant 0 : i32
      %dma_start3A_125 = tpu.memref_slice %arg4[%arg0, %dma_start3A_123, %dma_start3A_124] : memref<2x10000x64xf32, #tpu.memory_space<hbm>> -> memref<1x10000x64xf32, #tpu.memory_space<hbm>>
      %dma_start3A_126 = tpu.memref_squeeze %dma_start3A_125 : memref<1x10000x64xf32, #tpu.memory_space<hbm>> -> memref<10000x64xf32, #tpu.memory_space<hbm>>
      %dma_start3A_127 = arith.constant 0 : i32
      %dma_start3A_128 = arith.constant 0 : i32
      %dma_start3A_129 = tpu.memref_slice %dma_start3A_126[%dma_start3A_127, %dma_start3A_128] : memref<10000x64xf32, #tpu.memory_space<hbm>> -> memref<10000x64xf32, #tpu.memory_space<hbm>>
      tpu.enqueue_indirect_dma source(%dma_start3A_129 : memref<10000x64xf32, #tpu.memory_space<hbm>>) target(%arg11 : memref<256x64xf32, #tpu.memory_space<vmem>>) offsets(%dma_start3A_122 : memref<256xi32, #tpu.memory_space<vmem>>) semaphore(%arg17 : memref<!tpu.dma_semaphore, #tpu.memory_space<semaphore_mem>>)
      %mul3A_130 = arith.constant 256 : i32
      %mul3A_131 = arith.muli %mul3A_103, %mul3A_130 : i32
      %scan3A_132 = arith.constant 0 : i32
      %scan3A_133 = arith.constant 0 : i32
      %scan3A_134 = arith.constant 16 : i32
      %scan3A_135 = arith.addi %scan3A_133, %scan3A_134 : i32
      %scan3A_136 = arith.constant 1 : i32
      %scan3A_137 = scf.for %scan3A_212 = %scan3A_133 to %scan3A_135 step %scan3A_136 iter_args(%scan3A_213 = %scan3A_132) -> (i32)  : i32 {
        %mul3A_214 = arith.constant 16 : i32
        %mul3A_215 = arith.muli %scan3A_212, %mul3A_214 : i32
        %add3A_216 = arith.addi %mul3A_131, %mul3A_215 : i32
        %get3A = arith.index_cast %add3A_216 : i32 to index
        %get3A_217 = tpu.vector_load %arg9[%get3A] {strides = array<i32>} : memref<10240xf32, #tpu.memory_space<vmem>>, vector<16xf32>,
        %get3A_218 = vector.shape_cast %get3A_217 : vector<16xf32> to vector<16xf32>
        %mul3A_219 = arith.constant 16 : i32
        %mul3A_220 = arith.muli %scan3A_212, %mul3A_219 : i32
        %add3A_221 = arith.constant 0 : i32
        %add3A_222 = arith.addi %mul3A_220, %add3A_221 : i32
        %slice3A = vector.extract_strided_slice %get3A_218 {offsets = [0], sizes = [1], strides = [1]} : vector<16xf32> to vector<1xf32>
        %squeeze3A = vector.extract %slice3A[0] : f32 from vector<1xf32>
        %broadcast_in_dim3A_223 = vector.broadcast %squeeze3A : f32 to vector<16xf32>
        %get3A_224 = arith.index_cast %add3A_222 : i32 to index
        %get3A_225 = arith.constant 0 : index
        %get3A_226 = tpu.vector_load %arg10[%get3A_224, %get3A_225] {strides = array<i32>} : memref<256x64xf32, #tpu.memory_space<vmem>>, vector<1x16xf32>,
        %get3A_227 = vector.shape_cast %get3A_226 : vector<1x16xf32> to vector<16xf32>
        %get3A_228 = arith.index_cast %add3A_222 : i32 to index
        %get3A_229 = arith.constant 16 : index
        %get3A_230 = tpu.vector_load %arg10[%get3A_228, %get3A_229] {strides = array<i32>} : memref<256x64xf32, #tpu.memory_space<vmem>>, vector<1x16xf32>,
        %get3A_231 = vector.shape_cast %get3A_230 : vector<1x16xf32> to vector<16xf32>
        %get3A_232 = arith.index_cast %add3A_222 : i32 to index
        %get3A_233 = arith.constant 32 : index
        %get3A_234 = tpu.vector_load %arg10[%get3A_232, %get3A_233] {strides = array<i32>} : memref<256x64xf32, #tpu.memory_space<vmem>>, vector<1x16xf32>,
        %get3A_235 = vector.shape_cast %get3A_234 : vector<1x16xf32> to vector<16xf32>
        %get3A_236 = arith.index_cast %add3A_222 : i32 to index
        %get3A_237 = arith.constant 48 : index
        %get3A_238 = tpu.vector_load %arg10[%get3A_236, %get3A_237] {strides = array<i32>} : memref<256x64xf32, #tpu.memory_space<vmem>>, vector<1x16xf32>,
        %get3A_239 = vector.shape_cast %get3A_238 : vector<1x16xf32> to vector<16xf32>
        %mul3A_240 = arith.mulf %get3A_227, %broadcast_in_dim3A_223 : vector<16xf32>
        %mul3A_241 = arith.mulf %get3A_231, %broadcast_in_dim3A_223 : vector<16xf32>
        %mul3A_242 = arith.mulf %get3A_235, %broadcast_in_dim3A_223 : vector<16xf32>
        %mul3A_243 = arith.mulf %get3A_239, %broadcast_in_dim3A_223 : vector<16xf32>
        %swap3A = arith.index_cast %add3A_222 : i32 to index
        %swap3A_244 = arith.constant 0 : index
        %swap3A_245 = tpu.vector_load %arg10[%swap3A, %swap3A_244] {strides = array<i32>} : memref<256x64xf32, #tpu.memory_space<vmem>>, vector<1x16xf32>,
        %swap3A_246 = vector.shape_cast %swap3A_245 : vector<1x16xf32> to vector<16xf32>
        %swap3A_247 = vector.shape_cast %mul3A_240 : vector<16xf32> to vector<1x16xf32>
        tpu.vector_store %arg10[%swap3A, %swap3A_244], %swap3A_247 {strides = array<i32>} : memref<256x64xf32, #tpu.memory_space<vmem>>, vector<1x16xf32>,
        %swap3A_248 = arith.index_cast %add3A_222 : i32 to index
        %swap3A_249 = arith.constant 16 : index
        %swap3A_250 = tpu.vector_load %arg10[%swap3A_248, %swap3A_249] {strides = array<i32>} : memref<256x64xf32, #tpu.memory_space<vmem>>, vector<1x16xf32>,
        %swap3A_251 = vector.shape_cast %swap3A_250 : vector<1x16xf32> to vector<16xf32>
        %swap3A_252 = vector.shape_cast %mul3A_241 : vector<16xf32> to vector<1x16xf32>
        tpu.vector_store %arg10[%swap3A_248, %swap3A_249], %swap3A_252 {strides = array<i32>} : memref<256x64xf32, #tpu.memory_space<vmem>>, vector<1x16xf32>,
        %swap3A_253 = arith.index_cast %add3A_222 : i32 to index
        %swap3A_254 = arith.constant 32 : index
        %swap3A_255 = tpu.vector_load %arg10[%swap3A_253, %swap3A_254] {strides = array<i32>} : memref<256x64xf32, #tpu.memory_space<vmem>>, vector<1x16xf32>,
        %swap3A_256 = vector.shape_cast %swap3A_255 : vector<1x16xf32> to vector<16xf32>
        %swap3A_257 = vector.shape_cast %mul3A_242 : vector<16xf32> to vector<1x16xf32>
        tpu.vector_store %arg10[%swap3A_253, %swap3A_254], %swap3A_257 {strides = array<i32>} : memref<256x64xf32, #tpu.memory_space<vmem>>, vector<1x16xf32>,
        %swap3A_258 = arith.index_cast %add3A_222 : i32 to index
        %swap3A_259 = arith.constant 48 : index
        %swap3A_260 = tpu.vector_load %arg10[%swap3A_258, %swap3A_259] {strides = array<i32>} : memref<256x64xf32, #tpu.memory_space<vmem>>, vector<1x16xf32>,
        %swap3A_261 = vector.shape_cast %swap3A_260 : vector<1x16xf32> to vector<16xf32>
        %swap3A_262 = vector.shape_cast %mul3A_243 : vector<16xf32> to vector<1x16xf32>
        tpu.vector_store %arg10[%swap3A_258, %swap3A_259], %swap3A_262 {strides = array<i32>} : memref<256x64xf32, #tpu.memory_space<vmem>>, vector<1x16xf32>,
        %mul3A_263 = arith.constant 16 : i32
        %mul3A_264 = arith.muli %scan3A_212, %mul3A_263 : i32
        %add3A_265 = arith.constant 1 : i32
        %add3A_266 = arith.addi %mul3A_264, %add3A_265 : i32
        %slice3A_267 = vector.extract_strided_slice %get3A_218 {offsets = [1], sizes = [1], strides = [1]} : vector<16xf32> to vector<1xf32>
        %squeeze3A_268 = vector.extract %slice3A_267[0] : f32 from vector<1xf32>
        %broadcast_in_dim3A_269 = vector.broadcast %squeeze3A_268 : f32 to vector<16xf32>
        %get3A_270 = arith.index_cast %add3A_266 : i32 to index
        %get3A_271 = arith.constant 0 : index
        %get3A_272 = tpu.vector_load %arg10[%get3A_270, %get3A_271] {strides = array<i32>} : memref<256x64xf32, #tpu.memory_space<vmem>>, vector<1x16xf32>,
        %get3A_273 = vector.shape_cast %get3A_272 : vector<1x16xf32> to vector<16xf32>
        %get3A_274 = arith.index_cast %add3A_266 : i32 to index
        %get3A_275 = arith.constant 16 : index
        %get3A_276 = tpu.vector_load %arg10[%get3A_274, %get3A_275] {strides = array<i32>} : memref<256x64xf32, #tpu.memory_space<vmem>>, vector<1x16xf32>,
        %get3A_277 = vector.shape_cast %get3A_276 : vector<1x16xf32> to vector<16xf32>
        %get3A_278 = arith.index_cast %add3A_266 : i32 to index
        %get3A_279 = arith.constant 32 : index
        %get3A_280 = tpu.vector_load %arg10[%get3A_278, %get3A_279] {strides = array<i32>} : memref<256x64xf32, #tpu.memory_space<vmem>>, vector<1x16xf32>,
        %get3A_281 = vector.shape_cast %get3A_280 : vector<1x16xf32> to vector<16xf32>
        %get3A_282 = arith.index_cast %add3A_266 : i32 to index
        %get3A_283 = arith.constant 48 : index
        %get3A_284 = tpu.vector_load %arg10[%get3A_282, %get3A_283] {strides = array<i32>} : memref<256x64xf32, #tpu.memory_space<vmem>>, vector<1x16xf32>,
        %get3A_285 = vector.shape_cast %get3A_284 : vector<1x16xf32> to vector<16xf32>
        %mul3A_286 = arith.mulf %get3A_273, %broadcast_in_dim3A_269 : vector<16xf32>
        %mul3A_287 = arith.mulf %get3A_277, %broadcast_in_dim3A_269 : vector<16xf32>
        %mul3A_288 = arith.mulf %get3A_281, %broadcast_in_dim3A_269 : vector<16xf32>
        %mul3A_289 = arith.mulf %get3A_285, %broadcast_in_dim3A_269 : vector<16xf32>
        %swap3A_290 = arith.index_cast %add3A_266 : i32 to index
        %swap3A_291 = arith.constant 0 : index
        %swap3A_292 = tpu.vector_load %arg10[%swap3A_290, %swap3A_291] {strides = array<i32>} : memref<256x64xf32, #tpu.memory_space<vmem>>, vector<1x16xf32>,
        %swap3A_293 = vector.shape_cast %swap3A_292 : vector<1x16xf32> to vector<16xf32>
        %swap3A_294 = vector.shape_cast %mul3A_286 : vector<16xf32> to vector<1x16xf32>
        tpu.vector_store %arg10[%swap3A_290, %swap3A_291], %swap3A_294 {strides = array<i32>} : memref<256x64xf32, #tpu.memory_space<vmem>>, vector<1x16xf32>,
        %swap3A_295 = arith.index_cast %add3A_266 : i32 to index
        %swap3A_296 = arith.constant 16 : index
        %swap3A_297 = tpu.vector_load %arg10[%swap3A_295, %swap3A_296] {strides = array<i32>} : memref<256x64xf32, #tpu.memory_space<vmem>>, vector<1x16xf32>,
        %swap3A_298 = vector.shape_cast %swap3A_297 : vector<1x16xf32> to vector<16xf32>
        %swap3A_299 = vector.shape_cast %mul3A_287 : vector<16xf32> to vector<1x16xf32>
        tpu.vector_store %arg10[%swap3A_295, %swap3A_296], %swap3A_299 {strides = array<i32>} : memref<256x64xf32, #tpu.memory_space<vmem>>, vector<1x16xf32>,
        %swap3A_300 = arith.index_cast %add3A_266 : i32 to index
        %swap3A_301 = arith.constant 32 : index
        %swap3A_302 = tpu.vector_load %arg10[%swap3A_300, %swap3A_301] {strides = array<i32>} : memref<256x64xf32, #tpu.memory_space<vmem>>, vector<1x16xf32>,
        %swap3A_303 = vector.shape_cast %swap3A_302 : vector<1x16xf32> to vector<16xf32>
        %swap3A_304 = vector.shape_cast %mul3A_288 : vector<16xf32> to vector<1x16xf32>
        tpu.vector_store %arg10[%swap3A_300, %swap3A_301], %swap3A_304 {strides = array<i32>} : memref<256x64xf32, #tpu.memory_space<vmem>>, vector<1x16xf32>,
        %swap3A_305 = arith.index_cast %add3A_266 : i32 to index
        %swap3A_306 = arith.constant 48 : index
        %swap3A_307 = tpu.vector_load %arg10[%swap3A_305, %swap3A_306] {strides = array<i32>} : memref<256x64xf32, #tpu.memory_space<vmem>>, vector<1x16xf32>,
        %swap3A_308 = vector.shape_cast %swap3A_307 : vector<1x16xf32> to vector<16xf32>
        %swap3A_309 = vector.shape_cast %mul3A_289 : vector<16xf32> to vector<1x16xf32>
        tpu.vector_store %arg10[%swap3A_305, %swap3A_306], %swap3A_309 {strides = array<i32>} : memref<256x64xf32, #tpu.memory_space<vmem>>, vector<1x16xf32>,
        %mul3A_310 = arith.constant 16 : i32
        %mul3A_311 = arith.muli %scan3A_212, %mul3A_310 : i32
        %add3A_312 = arith.constant 2 : i32
        %add3A_313 = arith.addi %mul3A_311, %add3A_312 : i32
        %slice3A_314 = vector.extract_strided_slice %get3A_218 {offsets = [2], sizes = [1], strides = [1]} : vector<16xf32> to vector<1xf32>
        %squeeze3A_315 = vector.extract %slice3A_314[0] : f32 from vector<1xf32>
        %broadcast_in_dim3A_316 = vector.broadcast %squeeze3A_315 : f32 to vector<16xf32>
        %get3A_317 = arith.index_cast %add3A_313 : i32 to index
        %get3A_318 = arith.constant 0 : index
        %get3A_319 = tpu.vector_load %arg10[%get3A_317, %get3A_318] {strides = array<i32>} : memref<256x64xf32, #tpu.memory_space<vmem>>, vector<1x16xf32>,
        %get3A_320 = vector.shape_cast %get3A_319 : vector<1x16xf32> to vector<16xf32>
        %get3A_321 = arith.index_cast %add3A_313 : i32 to index
        %get3A_322 = arith.constant 16 : index
        %get3A_323 = tpu.vector_load %arg10[%get3A_321, %get3A_322] {strides = array<i32>} : memref<256x64xf32, #tpu.memory_space<vmem>>, vector<1x16xf32>,
        %get3A_324 = vector.shape_cast %get3A_323 : vector<1x16xf32> to vector<16xf32>
        %get3A_325 = arith.index_cast %add3A_313 : i32 to index
        %get3A_326 = arith.constant 32 : index
        %get3A_327 = tpu.vector_load %arg10[%get3A_325, %get3A_326] {strides = array<i32>} : memref<256x64xf32, #tpu.memory_space<vmem>>, vector<1x16xf32>,
        %get3A_328 = vector.shape_cast %get3A_327 : vector<1x16xf32> to vector<16xf32>
        %get3A_329 = arith.index_cast %add3A_313 : i32 to index
        %get3A_330 = arith.constant 48 : index
        %get3A_331 = tpu.vector_load %arg10[%get3A_329, %get3A_330] {strides = array<i32>} : memref<256x64xf32, #tpu.memory_space<vmem>>, vector<1x16xf32>,
        %get3A_332 = vector.shape_cast %get3A_331 : vector<1x16xf32> to vector<16xf32>
        %mul3A_333 = arith.mulf %get3A_320, %broadcast_in_dim3A_316 : vector<16xf32>
        %mul3A_334 = arith.mulf %get3A_324, %broadcast_in_dim3A_316 : vector<16xf32>
        %mul3A_335 = arith.mulf %get3A_328, %broadcast_in_dim3A_316 : vector<16xf32>
        %mul3A_336 = arith.mulf %get3A_332, %broadcast_in_dim3A_316 : vector<16xf32>
        %swap3A_337 = arith.index_cast %add3A_313 : i32 to index
        %swap3A_338 = arith.constant 0 : index
        %swap3A_339 = tpu.vector_load %arg10[%swap3A_337, %swap3A_338] {strides = array<i32>} : memref<256x64xf32, #tpu.memory_space<vmem>>, vector<1x16xf32>,
        %swap3A_340 = vector.shape_cast %swap3A_339 : vector<1x16xf32> to vector<16xf32>
        %swap3A_341 = vector.shape_cast %mul3A_333 : vector<16xf32> to vector<1x16xf32>
        tpu.vector_store %arg10[%swap3A_337, %swap3A_338], %swap3A_341 {strides = array<i32>} : memref<256x64xf32, #tpu.memory_space<vmem>>, vector<1x16xf32>,
        %swap3A_342 = arith.index_cast %add3A_313 : i32 to index
        %swap3A_343 = arith.constant 16 : index
        %swap3A_344 = tpu.vector_load %arg10[%swap3A_342, %swap3A_343] {strides = array<i32>} : memref<256x64xf32, #tpu.memory_space<vmem>>, vector<1x16xf32>,
        %swap3A_345 = vector.shape_cast %swap3A_344 : vector<1x16xf32> to vector<16xf32>
        %swap3A_346 = vector.shape_cast %mul3A_334 : vector<16xf32> to vector<1x16xf32>
        tpu.vector_store %arg10[%swap3A_342, %swap3A_343], %swap3A_346 {strides = array<i32>} : memref<256x64xf32, #tpu.memory_space<vmem>>, vector<1x16xf32>,
        %swap3A_347 = arith.index_cast %add3A_313 : i32 to index
        %swap3A_348 = arith.constant 32 : index
        %swap3A_349 = tpu.vector_load %arg10[%swap3A_347, %swap3A_348] {strides = array<i32>} : memref<256x64xf32, #tpu.memory_space<vmem>>, vector<1x16xf32>,
        %swap3A_350 = vector.shape_cast %swap3A_349 : vector<1x16xf32> to vector<16xf32>
        %swap3A_351 = vector.shape_cast %mul3A_335 : vector<16xf32> to vector<1x16xf32>
        tpu.vector_store %arg10[%swap3A_347, %swap3A_348], %swap3A_351 {strides = array<i32>} : memref<256x64xf32, #tpu.memory_space<vmem>>, vector<1x16xf32>,
        %swap3A_352 = arith.index_cast %add3A_313 : i32 to index
        %swap3A_353 = arith.constant 48 : index
        %swap3A_354 = tpu.vector_load %arg10[%swap3A_352, %swap3A_353] {strides = array<i32>} : memref<256x64xf32, #tpu.memory_space<vmem>>, vector<1x16xf32>,
        %swap3A_355 = vector.shape_cast %swap3A_354 : vector<1x16xf32> to vector<16xf32>
        %swap3A_356 = vector.shape_cast %mul3A_336 : vector<16xf32> to vector<1x16xf32>
        tpu.vector_store %arg10[%swap3A_352, %swap3A_353], %swap3A_356 {strides = array<i32>} : memref<256x64xf32, #tpu.memory_space<vmem>>, vector<1x16xf32>,
        %mul3A_357 = arith.constant 16 : i32
        %mul3A_358 = arith.muli %scan3A_212, %mul3A_357 : i32
        %add3A_359 = arith.constant 3 : i32
        %add3A_360 = arith.addi %mul3A_358, %add3A_359 : i32
        %slice3A_361 = vector.extract_strided_slice %get3A_218 {offsets = [3], sizes = [1], strides = [1]} : vector<16xf32> to vector<1xf32>
        %squeeze3A_362 = vector.extract %slice3A_361[0] : f32 from vector<1xf32>
        %broadcast_in_dim3A_363 = vector.broadcast %squeeze3A_362 : f32 to vector<16xf32>
        %get3A_364 = arith.index_cast %add3A_360 : i32 to index
        %get3A_365 = arith.constant 0 : index
        %get3A_366 = tpu.vector_load %arg10[%get3A_364, %get3A_365] {strides = array<i32>} : memref<256x64xf32, #tpu.memory_space<vmem>>, vector<1x16xf32>,
        %get3A_367 = vector.shape_cast %get3A_366 : vector<1x16xf32> to vector<16xf32>
        %get3A_368 = arith.index_cast %add3A_360 : i32 to index
        %get3A_369 = arith.constant 16 : index
        %get3A_370 = tpu.vector_load %arg10[%get3A_368, %get3A_369] {strides = array<i32>} : memref<256x64xf32, #tpu.memory_space<vmem>>, vector<1x16xf32>,
        %get3A_371 = vector.shape_cast %get3A_370 : vector<1x16xf32> to vector<16xf32>
        %get3A_372 = arith.index_cast %add3A_360 : i32 to index
        %get3A_373 = arith.constant 32 : index
        %get3A_374 = tpu.vector_load %arg10[%get3A_372, %get3A_373] {strides = array<i32>} : memref<256x64xf32, #tpu.memory_space<vmem>>, vector<1x16xf32>,
        %get3A_375 = vector.shape_cast %get3A_374 : vector<1x16xf32> to vector<16xf32>
        %get3A_376 = arith.index_cast %add3A_360 : i32 to index
        %get3A_377 = arith.constant 48 : index
        %get3A_378 = tpu.vector_load %arg10[%get3A_376, %get3A_377] {strides = array<i32>} : memref<256x64xf32, #tpu.memory_space<vmem>>, vector<1x16xf32>,
        %get3A_379 = vector.shape_cast %get3A_378 : vector<1x16xf32> to vector<16xf32>
        %mul3A_380 = arith.mulf %get3A_367, %broadcast_in_dim3A_363 : vector<16xf32>
        %mul3A_381 = arith.mulf %get3A_371, %broadcast_in_dim3A_363 : vector<16xf32>
        %mul3A_382 = arith.mulf %get3A_375, %broadcast_in_dim3A_363 : vector<16xf32>
        %mul3A_383 = arith.mulf %get3A_379, %broadcast_in_dim3A_363 : vector<16xf32>
        %swap3A_384 = arith.index_cast %add3A_360 : i32 to index
        %swap3A_385 = arith.constant 0 : index
        %swap3A_386 = tpu.vector_load %arg10[%swap3A_384, %swap3A_385] {strides = array<i32>} : memref<256x64xf32, #tpu.memory_space<vmem>>, vector<1x16xf32>,
        %swap3A_387 = vector.shape_cast %swap3A_386 : vector<1x16xf32> to vector<16xf32>
        %swap3A_388 = vector.shape_cast %mul3A_380 : vector<16xf32> to vector<1x16xf32>
        tpu.vector_store %arg10[%swap3A_384, %swap3A_385], %swap3A_388 {strides = array<i32>} : memref<256x64xf32, #tpu.memory_space<vmem>>, vector<1x16xf32>,
        %swap3A_389 = arith.index_cast %add3A_360 : i32 to index
        %swap3A_390 = arith.constant 16 : index
        %swap3A_391 = tpu.vector_load %arg10[%swap3A_389, %swap3A_390] {strides = array<i32>} : memref<256x64xf32, #tpu.memory_space<vmem>>, vector<1x16xf32>,
        %swap3A_392 = vector.shape_cast %swap3A_391 : vector<1x16xf32> to vector<16xf32>
        %swap3A_393 = vector.shape_cast %mul3A_381 : vector<16xf32> to vector<1x16xf32>
        tpu.vector_store %arg10[%swap3A_389, %swap3A_390], %swap3A_393 {strides = array<i32>} : memref<256x64xf32, #tpu.memory_space<vmem>>, vector<1x16xf32>,
        %swap3A_394 = arith.index_cast %add3A_360 : i32 to index
        %swap3A_395 = arith.constant 32 : index
        %swap3A_396 = tpu.vector_load %arg10[%swap3A_394, %swap3A_395] {strides = array<i32>} : memref<256x64xf32, #tpu.memory_space<vmem>>, vector<1x16xf32>,
        %swap3A_397 = vector.shape_cast %swap3A_396 : vector<1x16xf32> to vector<16xf32>
        %swap3A_398 = vector.shape_cast %mul3A_382 : vector<16xf32> to vector<1x16xf32>
        tpu.vector_store %arg10[%swap3A_394, %swap3A_395], %swap3A_398 {strides = array<i32>} : memref<256x64xf32, #tpu.memory_space<vmem>>, vector<1x16xf32>,
        %swap3A_399 = arith.index_cast %add3A_360 : i32 to index
        %swap3A_400 = arith.constant 48 : index
        %swap3A_401 = tpu.vector_load %arg10[%swap3A_399, %swap3A_400] {strides = array<i32>} : memref<256x64xf32, #tpu.memory_space<vmem>>, vector<1x16xf32>,
        %swap3A_402 = vector.shape_cast %swap3A_401 : vector<1x16xf32> to vector<16xf32>
        %swap3A_403 = vector.shape_cast %mul3A_383 : vector<16xf32> to vector<1x16xf32>
        tpu.vector_store %arg10[%swap3A_399, %swap3A_400], %swap3A_403 {strides = array<i32>} : memref<256x64xf32, #tpu.memory_space<vmem>>, vector<1x16xf32>,
        %mul3A_404 = arith.constant 16 : i32
        %mul3A_405 = arith.muli %scan3A_212, %mul3A_404 : i32
        %add3A_406 = arith.constant 4 : i32
        %add3A_407 = arith.addi %mul3A_405, %add3A_406 : i32
        %slice3A_408 = vector.extract_strided_slice %get3A_218 {offsets = [4], sizes = [1], strides = [1]} : vector<16xf32> to vector<1xf32>
        %squeeze3A_409 = vector.extract %slice3A_408[0] : f32 from vector<1xf32>
        %broadcast_in_dim3A_410 = vector.broadcast %squeeze3A_409 : f32 to vector<16xf32>
        %get3A_411 = arith.index_cast %add3A_407 : i32 to index
        %get3A_412 = arith.constant 0 : index
        %get3A_413 = tpu.vector_load %arg10[%get3A_411, %get3A_412] {strides = array<i32>} : memref<256x64xf32, #tpu.memory_space<vmem>>, vector<1x16xf32>,
        %get3A_414 = vector.shape_cast %get3A_413 : vector<1x16xf32> to vector<16xf32>
        %get3A_415 = arith.index_cast %add3A_407 : i32 to index
        %get3A_416 = arith.constant 16 : index
        %get3A_417 = tpu.vector_load %arg10[%get3A_415, %get3A_416] {strides = array<i32>} : memref<256x64xf32, #tpu.memory_space<vmem>>, vector<1x16xf32>,
        %get3A_418 = vector.shape_cast %get3A_417 : vector<1x16xf32> to vector<16xf32>
        %get3A_419 = arith.index_cast %add3A_407 : i32 to index
        %get3A_420 = arith.constant 32 : index
        %get3A_421 = tpu.vector_load %arg10[%get3A_419, %get3A_420] {strides = array<i32>} : memref<256x64xf32, #tpu.memory_space<vmem>>, vector<1x16xf32>,
        %get3A_422 = vector.shape_cast %get3A_421 : vector<1x16xf32> to vector<16xf32>
        %get3A_423 = arith.index_cast %add3A_407 : i32 to index
        %get3A_424 = arith.constant 48 : index
        %get3A_425 = tpu.vector_load %arg10[%get3A_423, %get3A_424] {strides = array<i32>} : memref<256x64xf32, #tpu.memory_space<vmem>>, vector<1x16xf32>,
        %get3A_426 = vector.shape_cast %get3A_425 : vector<1x16xf32> to vector<16xf32>
        %mul3A_427 = arith.mulf %get3A_414, %broadcast_in_dim3A_410 : vector<16xf32>
        %mul3A_428 = arith.mulf %get3A_418, %broadcast_in_dim3A_410 : vector<16xf32>
        %mul3A_429 = arith.mulf %get3A_422, %broadcast_in_dim3A_410 : vector<16xf32>
        %mul3A_430 = arith.mulf %get3A_426, %broadcast_in_dim3A_410 : vector<16xf32>
        %swap3A_431 = arith.index_cast %add3A_407 : i32 to index
        %swap3A_432 = arith.constant 0 : index
        %swap3A_433 = tpu.vector_load %arg10[%swap3A_431, %swap3A_432] {strides = array<i32>} : memref<256x64xf32, #tpu.memory_space<vmem>>, vector<1x16xf32>,
        %swap3A_434 = vector.shape_cast %swap3A_433 : vector<1x16xf32> to vector<16xf32>
        %swap3A_435 = vector.shape_cast %mul3A_427 : vector<16xf32> to vector<1x16xf32>
        tpu.vector_store %arg10[%swap3A_431, %swap3A_432], %swap3A_435 {strides = array<i32>} : memref<256x64xf32, #tpu.memory_space<vmem>>, vector<1x16xf32>,
        %swap3A_436 = arith.index_cast %add3A_407 : i32 to index
        %swap3A_437 = arith.constant 16 : index
        %swap3A_438 = tpu.vector_load %arg10[%swap3A_436, %swap3A_437] {strides = array<i32>} : memref<256x64xf32, #tpu.memory_space<vmem>>, vector<1x16xf32>,
        %swap3A_439 = vector.shape_cast %swap3A_438 : vector<1x16xf32> to vector<16xf32>
        %swap3A_440 = vector.shape_cast %mul3A_428 : vector<16xf32> to vector<1x16xf32>
        tpu.vector_store %arg10[%swap3A_436, %swap3A_437], %swap3A_440 {strides = array<i32>} : memref<256x64xf32, #tpu.memory_space<vmem>>, vector<1x16xf32>,
        %swap3A_441 = arith.index_cast %add3A_407 : i32 to index
        %swap3A_442 = arith.constant 32 : index
        %swap3A_443 = tpu.vector_load %arg10[%swap3A_441, %swap3A_442] {strides = array<i32>} : memref<256x64xf32, #tpu.memory_space<vmem>>, vector<1x16xf32>,
        %swap3A_444 = vector.shape_cast %swap3A_443 : vector<1x16xf32> to vector<16xf32>
        %swap3A_445 = vector.shape_cast %mul3A_429 : vector<16xf32> to vector<1x16xf32>
        tpu.vector_store %arg10[%swap3A_441, %swap3A_442], %swap3A_445 {strides = array<i32>} : memref<256x64xf32, #tpu.memory_space<vmem>>, vector<1x16xf32>,
        %swap3A_446 = arith.index_cast %add3A_407 : i32 to index
        %swap3A_447 = arith.constant 48 : index
        %swap3A_448 = tpu.vector_load %arg10[%swap3A_446, %swap3A_447] {strides = array<i32>} : memref<256x64xf32, #tpu.memory_space<vmem>>, vector<1x16xf32>,
        %swap3A_449 = vector.shape_cast %swap3A_448 : vector<1x16xf32> to vector<16xf32>
        %swap3A_450 = vector.shape_cast %mul3A_430 : vector<16xf32> to vector<1x16xf32>
        tpu.vector_store %arg10[%swap3A_446, %swap3A_447], %swap3A_450 {strides = array<i32>} : memref<256x64xf32, #tpu.memory_space<vmem>>, vector<1x16xf32>,
        %mul3A_451 = arith.constant 16 : i32
        %mul3A_452 = arith.muli %scan3A_212, %mul3A_451 : i32
        %add3A_453 = arith.constant 5 : i32
        %add3A_454 = arith.addi %mul3A_452, %add3A_453 : i32
        %slice3A_455 = vector.extract_strided_slice %get3A_218 {offsets = [5], sizes = [1], strides = [1]} : vector<16xf32> to vector<1xf32>
        %squeeze3A_456 = vector.extract %slice3A_455[0] : f32 from vector<1xf32>
        %broadcast_in_dim3A_457 = vector.broadcast %squeeze3A_456 : f32 to vector<16xf32>
        %get3A_458 = arith.index_cast %add3A_454 : i32 to index
        %get3A_459 = arith.constant 0 : index
        %get3A_460 = tpu.vector_load %arg10[%get3A_458, %get3A_459] {strides = array<i32>} : memref<256x64xf32, #tpu.memory_space<vmem>>, vector<1x16xf32>,
        %get3A_461 = vector.shape_cast %get3A_460 : vector<1x16xf32> to vector<16xf32>
        %get3A_462 = arith.index_cast %add3A_454 : i32 to index
        %get3A_463 = arith.constant 16 : index
        %get3A_464 = tpu.vector_load %arg10[%get3A_462, %get3A_463] {strides = array<i32>} : memref<256x64xf32, #tpu.memory_space<vmem>>, vector<1x16xf32>,
        %get3A_465 = vector.shape_cast %get3A_464 : vector<1x16xf32> to vector<16xf32>
        %get3A_466 = arith.index_cast %add3A_454 : i32 to index
        %get3A_467 = arith.constant 32 : index
        %get3A_468 = tpu.vector_load %arg10[%get3A_466, %get3A_467] {strides = array<i32>} : memref<256x64xf32, #tpu.memory_space<vmem>>, vector<1x16xf32>,
        %get3A_469 = vector.shape_cast %get3A_468 : vector<1x16xf32> to vector<16xf32>
        %get3A_470 = arith.index_cast %add3A_454 : i32 to index
        %get3A_471 = arith.constant 48 : index
        %get3A_472 = tpu.vector_load %arg10[%get3A_470, %get3A_471] {strides = array<i32>} : memref<256x64xf32, #tpu.memory_space<vmem>>, vector<1x16xf32>,
        %get3A_473 = vector.shape_cast %get3A_472 : vector<1x16xf32> to vector<16xf32>
        %mul3A_474 = arith.mulf %get3A_461, %broadcast_in_dim3A_457 : vector<16xf32>
        %mul3A_475 = arith.mulf %get3A_465, %broadcast_in_dim3A_457 : vector<16xf32>
        %mul3A_476 = arith.mulf %get3A_469, %broadcast_in_dim3A_457 : vector<16xf32>
        %mul3A_477 = arith.mulf %get3A_473, %broadcast_in_dim3A_457 : vector<16xf32>
        %swap3A_478 = arith.index_cast %add3A_454 : i32 to index
        %swap3A_479 = arith.constant 0 : index
        %swap3A_480 = tpu.vector_load %arg10[%swap3A_478, %swap3A_479] {strides = array<i32>} : memref<256x64xf32, #tpu.memory_space<vmem>>, vector<1x16xf32>,
        %swap3A_481 = vector.shape_cast %swap3A_480 : vector<1x16xf32> to vector<16xf32>
        %swap3A_482 = vector.shape_cast %mul3A_474 : vector<16xf32> to vector<1x16xf32>
        tpu.vector_store %arg10[%swap3A_478, %swap3A_479], %swap3A_482 {strides = array<i32>} : memref<256x64xf32, #tpu.memory_space<vmem>>, vector<1x16xf32>,
        %swap3A_483 = arith.index_cast %add3A_454 : i32 to index
        %swap3A_484 = arith.constant 16 : index
        %swap3A_485 = tpu.vector_load %arg10[%swap3A_483, %swap3A_484] {strides = array<i32>} : memref<256x64xf32, #tpu.memory_space<vmem>>, vector<1x16xf32>,
        %swap3A_486 = vector.shape_cast %swap3A_485 : vector<1x16xf32> to vector<16xf32>
        %swap3A_487 = vector.shape_cast %mul3A_475 : vector<16xf32> to vector<1x16xf32>
        tpu.vector_store %arg10[%swap3A_483, %swap3A_484], %swap3A_487 {strides = array<i32>} : memref<256x64xf32, #tpu.memory_space<vmem>>, vector<1x16xf32>,
        %swap3A_488 = arith.index_cast %add3A_454 : i32 to index
        %swap3A_489 = arith.constant 32 : index
        %swap3A_490 = tpu.vector_load %arg10[%swap3A_488, %swap3A_489] {strides = array<i32>} : memref<256x64xf32, #tpu.memory_space<vmem>>, vector<1x16xf32>,
        %swap3A_491 = vector.shape_cast %swap3A_490 : vector<1x16xf32> to vector<16xf32>
        %swap3A_492 = vector.shape_cast %mul3A_476 : vector<16xf32> to vector<1x16xf32>
        tpu.vector_store %arg10[%swap3A_488, %swap3A_489], %swap3A_492 {strides = array<i32>} : memref<256x64xf32, #tpu.memory_space<vmem>>, vector<1x16xf32>,
        %swap3A_493 = arith.index_cast %add3A_454 : i32 to index
        %swap3A_494 = arith.constant 48 : index
        %swap3A_495 = tpu.vector_load %arg10[%swap3A_493, %swap3A_494] {strides = array<i32>} : memref<256x64xf32, #tpu.memory_space<vmem>>, vector<1x16xf32>,
        %swap3A_496 = vector.shape_cast %swap3A_495 : vector<1x16xf32> to vector<16xf32>
        %swap3A_497 = vector.shape_cast %mul3A_477 : vector<16xf32> to vector<1x16xf32>
        tpu.vector_store %arg10[%swap3A_493, %swap3A_494], %swap3A_497 {strides = array<i32>} : memref<256x64xf32, #tpu.memory_space<vmem>>, vector<1x16xf32>,
        %mul3A_498 = arith.constant 16 : i32
        %mul3A_499 = arith.muli %scan3A_212, %mul3A_498 : i32
        %add3A_500 = arith.constant 6 : i32
        %add3A_501 = arith.addi %mul3A_499, %add3A_500 : i32
        %slice3A_502 = vector.extract_strided_slice %get3A_218 {offsets = [6], sizes = [1], strides = [1]} : vector<16xf32> to vector<1xf32>
        %squeeze3A_503 = vector.extract %slice3A_502[0] : f32 from vector<1xf32>
        %broadcast_in_dim3A_504 = vector.broadcast %squeeze3A_503 : f32 to vector<16xf32>
        %get3A_505 = arith.index_cast %add3A_501 : i32 to index
        %get3A_506 = arith.constant 0 : index
        %get3A_507 = tpu.vector_load %arg10[%get3A_505, %get3A_506] {strides = array<i32>} : memref<256x64xf32, #tpu.memory_space<vmem>>, vector<1x16xf32>,
        %get3A_508 = vector.shape_cast %get3A_507 : vector<1x16xf32> to vector<16xf32>
        %get3A_509 = arith.index_cast %add3A_501 : i32 to index
        %get3A_510 = arith.constant 16 : index
        %get3A_511 = tpu.vector_load %arg10[%get3A_509, %get3A_510] {strides = array<i32>} : memref<256x64xf32, #tpu.memory_space<vmem>>, vector<1x16xf32>,
        %get3A_512 = vector.shape_cast %get3A_511 : vector<1x16xf32> to vector<16xf32>
        %get3A_513 = arith.index_cast %add3A_501 : i32 to index
        %get3A_514 = arith.constant 32 : index
        %get3A_515 = tpu.vector_load %arg10[%get3A_513, %get3A_514] {strides = array<i32>} : memref<256x64xf32, #tpu.memory_space<vmem>>, vector<1x16xf32>,
        %get3A_516 = vector.shape_cast %get3A_515 : vector<1x16xf32> to vector<16xf32>
        %get3A_517 = arith.index_cast %add3A_501 : i32 to index
        %get3A_518 = arith.constant 48 : index
        %get3A_519 = tpu.vector_load %arg10[%get3A_517, %get3A_518] {strides = array<i32>} : memref<256x64xf32, #tpu.memory_space<vmem>>, vector<1x16xf32>,
        %get3A_520 = vector.shape_cast %get3A_519 : vector<1x16xf32> to vector<16xf32>
        %mul3A_521 = arith.mulf %get3A_508, %broadcast_in_dim3A_504 : vector<16xf32>
        %mul3A_522 = arith.mulf %get3A_512, %broadcast_in_dim3A_504 : vector<16xf32>
        %mul3A_523 = arith.mulf %get3A_516, %broadcast_in_dim3A_504 : vector<16xf32>
        %mul3A_524 = arith.mulf %get3A_520, %broadcast_in_dim3A_504 : vector<16xf32>
        %swap3A_525 = arith.index_cast %add3A_501 : i32 to index
        %swap3A_526 = arith.constant 0 : index
        %swap3A_527 = tpu.vector_load %arg10[%swap3A_525, %swap3A_526] {strides = array<i32>} : memref<256x64xf32, #tpu.memory_space<vmem>>, vector<1x16xf32>,
        %swap3A_528 = vector.shape_cast %swap3A_527 : vector<1x16xf32> to vector<16xf32>
        %swap3A_529 = vector.shape_cast %mul3A_521 : vector<16xf32> to vector<1x16xf32>
        tpu.vector_store %arg10[%swap3A_525, %swap3A_526], %swap3A_529 {strides = array<i32>} : memref<256x64xf32, #tpu.memory_space<vmem>>, vector<1x16xf32>,
        %swap3A_530 = arith.index_cast %add3A_501 : i32 to index
        %swap3A_531 = arith.constant 16 : index
        %swap3A_532 = tpu.vector_load %arg10[%swap3A_530, %swap3A_531] {strides = array<i32>} : memref<256x64xf32, #tpu.memory_space<vmem>>, vector<1x16xf32>,
        %swap3A_533 = vector.shape_cast %swap3A_532 : vector<1x16xf32> to vector<16xf32>
        %swap3A_534 = vector.shape_cast %mul3A_522 : vector<16xf32> to vector<1x16xf32>
        tpu.vector_store %arg10[%swap3A_530, %swap3A_531], %swap3A_534 {strides = array<i32>} : memref<256x64xf32, #tpu.memory_space<vmem>>, vector<1x16xf32>,
        %swap3A_535 = arith.index_cast %add3A_501 : i32 to index
        %swap3A_536 = arith.constant 32 : index
        %swap3A_537 = tpu.vector_load %arg10[%swap3A_535, %swap3A_536] {strides = array<i32>} : memref<256x64xf32, #tpu.memory_space<vmem>>, vector<1x16xf32>,
        %swap3A_538 = vector.shape_cast %swap3A_537 : vector<1x16xf32> to vector<16xf32>
        %swap3A_539 = vector.shape_cast %mul3A_523 : vector<16xf32> to vector<1x16xf32>
        tpu.vector_store %arg10[%swap3A_535, %swap3A_536], %swap3A_539 {strides = array<i32>} : memref<256x64xf32, #tpu.memory_space<vmem>>, vector<1x16xf32>,
        %swap3A_540 = arith.index_cast %add3A_501 : i32 to index
        %swap3A_541 = arith.constant 48 : index
        %swap3A_542 = tpu.vector_load %arg10[%swap3A_540, %swap3A_541] {strides = array<i32>} : memref<256x64xf32, #tpu.memory_space<vmem>>, vector<1x16xf32>,
        %swap3A_543 = vector.shape_cast %swap3A_542 : vector<1x16xf32> to vector<16xf32>
        %swap3A_544 = vector.shape_cast %mul3A_524 : vector<16xf32> to vector<1x16xf32>
        tpu.vector_store %arg10[%swap3A_540, %swap3A_541], %swap3A_544 {strides = array<i32>} : memref<256x64xf32, #tpu.memory_space<vmem>>, vector<1x16xf32>,
        %mul3A_545 = arith.constant 16 : i32
        %mul3A_546 = arith.muli %scan3A_212, %mul3A_545 : i32
        %add3A_547 = arith.constant 7 : i32
        %add3A_548 = arith.addi %mul3A_546, %add3A_547 : i32
        %slice3A_549 = vector.extract_strided_slice %get3A_218 {offsets = [7], sizes = [1], strides = [1]} : vector<16xf32> to vector<1xf32>
        %squeeze3A_550 = vector.extract %slice3A_549[0] : f32 from vector<1xf32>
        %broadcast_in_dim3A_551 = vector.broadcast %squeeze3A_550 : f32 to vector<16xf32>
        %get3A_552 = arith.index_cast %add3A_548 : i32 to index
        %get3A_553 = arith.constant 0 : index
        %get3A_554 = tpu.vector_load %arg10[%get3A_552, %get3A_553] {strides = array<i32>} : memref<256x64xf32, #tpu.memory_space<vmem>>, vector<1x16xf32>,
        %get3A_555 = vector.shape_cast %get3A_554 : vector<1x16xf32> to vector<16xf32>
        %get3A_556 = arith.index_cast %add3A_548 : i32 to index
        %get3A_557 = arith.constant 16 : index
        %get3A_558 = tpu.vector_load %arg10[%get3A_556, %get3A_557] {strides = array<i32>} : memref<256x64xf32, #tpu.memory_space<vmem>>, vector<1x16xf32>,
        %get3A_559 = vector.shape_cast %get3A_558 : vector<1x16xf32> to vector<16xf32>
        %get3A_560 = arith.index_cast %add3A_548 : i32 to index
        %get3A_561 = arith.constant 32 : index
        %get3A_562 = tpu.vector_load %arg10[%get3A_560, %get3A_561] {strides = array<i32>} : memref<256x64xf32, #tpu.memory_space<vmem>>, vector<1x16xf32>,
        %get3A_563 = vector.shape_cast %get3A_562 : vector<1x16xf32> to vector<16xf32>
        %get3A_564 = arith.index_cast %add3A_548 : i32 to index
        %get3A_565 = arith.constant 48 : index
        %get3A_566 = tpu.vector_load %arg10[%get3A_564, %get3A_565] {strides = array<i32>} : memref<256x64xf32, #tpu.memory_space<vmem>>, vector<1x16xf32>,
        %get3A_567 = vector.shape_cast %get3A_566 : vector<1x16xf32> to vector<16xf32>
        %mul3A_568 = arith.mulf %get3A_555, %broadcast_in_dim3A_551 : vector<16xf32>
        %mul3A_569 = arith.mulf %get3A_559, %broadcast_in_dim3A_551 : vector<16xf32>
        %mul3A_570 = arith.mulf %get3A_563, %broadcast_in_dim3A_551 : vector<16xf32>
        %mul3A_571 = arith.mulf %get3A_567, %broadcast_in_dim3A_551 : vector<16xf32>
        %swap3A_572 = arith.index_cast %add3A_548 : i32 to index
        %swap3A_573 = arith.constant 0 : index
        %swap3A_574 = tpu.vector_load %arg10[%swap3A_572, %swap3A_573] {strides = array<i32>} : memref<256x64xf32, #tpu.memory_space<vmem>>, vector<1x16xf32>,
        %swap3A_575 = vector.shape_cast %swap3A_574 : vector<1x16xf32> to vector<16xf32>
        %swap3A_576 = vector.shape_cast %mul3A_568 : vector<16xf32> to vector<1x16xf32>
        tpu.vector_store %arg10[%swap3A_572, %swap3A_573], %swap3A_576 {strides = array<i32>} : memref<256x64xf32, #tpu.memory_space<vmem>>, vector<1x16xf32>,
        %swap3A_577 = arith.index_cast %add3A_548 : i32 to index
        %swap3A_578 = arith.constant 16 : index
        %swap3A_579 = tpu.vector_load %arg10[%swap3A_577, %swap3A_578] {strides = array<i32>} : memref<256x64xf32, #tpu.memory_space<vmem>>, vector<1x16xf32>,
        %swap3A_580 = vector.shape_cast %swap3A_579 : vector<1x16xf32> to vector<16xf32>
        %swap3A_581 = vector.shape_cast %mul3A_569 : vector<16xf32> to vector<1x16xf32>
        tpu.vector_store %arg10[%swap3A_577, %swap3A_578], %swap3A_581 {strides = array<i32>} : memref<256x64xf32, #tpu.memory_space<vmem>>, vector<1x16xf32>,
        %swap3A_582 = arith.index_cast %add3A_548 : i32 to index
        %swap3A_583 = arith.constant 32 : index
        %swap3A_584 = tpu.vector_load %arg10[%swap3A_582, %swap3A_583] {strides = array<i32>} : memref<256x64xf32, #tpu.memory_space<vmem>>, vector<1x16xf32>,
        %swap3A_585 = vector.shape_cast %swap3A_584 : vector<1x16xf32> to vector<16xf32>
        %swap3A_586 = vector.shape_cast %mul3A_570 : vector<16xf32> to vector<1x16xf32>
        tpu.vector_store %arg10[%swap3A_582, %swap3A_583], %swap3A_586 {strides = array<i32>} : memref<256x64xf32, #tpu.memory_space<vmem>>, vector<1x16xf32>,
        %swap3A_587 = arith.index_cast %add3A_548 : i32 to index
        %swap3A_588 = arith.constant 48 : index
        %swap3A_589 = tpu.vector_load %arg10[%swap3A_587, %swap3A_588] {strides = array<i32>} : memref<256x64xf32, #tpu.memory_space<vmem>>, vector<1x16xf32>,
        %swap3A_590 = vector.shape_cast %swap3A_589 : vector<1x16xf32> to vector<16xf32>
        %swap3A_591 = vector.shape_cast %mul3A_571 : vector<16xf32> to vector<1x16xf32>
        tpu.vector_store %arg10[%swap3A_587, %swap3A_588], %swap3A_591 {strides = array<i32>} : memref<256x64xf32, #tpu.memory_space<vmem>>, vector<1x16xf32>,
        %mul3A_592 = arith.constant 16 : i32
        %mul3A_593 = arith.muli %scan3A_212, %mul3A_592 : i32
        %add3A_594 = arith.constant 8 : i32
        %add3A_595 = arith.addi %mul3A_593, %add3A_594 : i32
        %slice3A_596 = vector.extract_strided_slice %get3A_218 {offsets = [8], sizes = [1], strides = [1]} : vector<16xf32> to vector<1xf32>
        %squeeze3A_597 = vector.extract %slice3A_596[0] : f32 from vector<1xf32>
        %broadcast_in_dim3A_598 = vector.broadcast %squeeze3A_597 : f32 to vector<16xf32>
        %get3A_599 = arith.index_cast %add3A_595 : i32 to index
        %get3A_600 = arith.constant 0 : index
        %get3A_601 = tpu.vector_load %arg10[%get3A_599, %get3A_600] {strides = array<i32>} : memref<256x64xf32, #tpu.memory_space<vmem>>, vector<1x16xf32>,
        %get3A_602 = vector.shape_cast %get3A_601 : vector<1x16xf32> to vector<16xf32>
        %get3A_603 = arith.index_cast %add3A_595 : i32 to index
        %get3A_604 = arith.constant 16 : index
        %get3A_605 = tpu.vector_load %arg10[%get3A_603, %get3A_604] {strides = array<i32>} : memref<256x64xf32, #tpu.memory_space<vmem>>, vector<1x16xf32>,
        %get3A_606 = vector.shape_cast %get3A_605 : vector<1x16xf32> to vector<16xf32>
        %get3A_607 = arith.index_cast %add3A_595 : i32 to index
        %get3A_608 = arith.constant 32 : index
        %get3A_609 = tpu.vector_load %arg10[%get3A_607, %get3A_608] {strides = array<i32>} : memref<256x64xf32, #tpu.memory_space<vmem>>, vector<1x16xf32>,
        %get3A_610 = vector.shape_cast %get3A_609 : vector<1x16xf32> to vector<16xf32>
        %get3A_611 = arith.index_cast %add3A_595 : i32 to index
        %get3A_612 = arith.constant 48 : index
        %get3A_613 = tpu.vector_load %arg10[%get3A_611, %get3A_612] {strides = array<i32>} : memref<256x64xf32, #tpu.memory_space<vmem>>, vector<1x16xf32>,
        %get3A_614 = vector.shape_cast %get3A_613 : vector<1x16xf32> to vector<16xf32>
        %mul3A_615 = arith.mulf %get3A_602, %broadcast_in_dim3A_598 : vector<16xf32>
        %mul3A_616 = arith.mulf %get3A_606, %broadcast_in_dim3A_598 : vector<16xf32>
        %mul3A_617 = arith.mulf %get3A_610, %broadcast_in_dim3A_598 : vector<16xf32>
        %mul3A_618 = arith.mulf %get3A_614, %broadcast_in_dim3A_598 : vector<16xf32>
        %swap3A_619 = arith.index_cast %add3A_595 : i32 to index
        %swap3A_620 = arith.constant 0 : index
        %swap3A_621 = tpu.vector_load %arg10[%swap3A_619, %swap3A_620] {strides = array<i32>} : memref<256x64xf32, #tpu.memory_space<vmem>>, vector<1x16xf32>,
        %swap3A_622 = vector.shape_cast %swap3A_621 : vector<1x16xf32> to vector<16xf32>
        %swap3A_623 = vector.shape_cast %mul3A_615 : vector<16xf32> to vector<1x16xf32>
        tpu.vector_store %arg10[%swap3A_619, %swap3A_620], %swap3A_623 {strides = array<i32>} : memref<256x64xf32, #tpu.memory_space<vmem>>, vector<1x16xf32>,
        %swap3A_624 = arith.index_cast %add3A_595 : i32 to index
        %swap3A_625 = arith.constant 16 : index
        %swap3A_626 = tpu.vector_load %arg10[%swap3A_624, %swap3A_625] {strides = array<i32>} : memref<256x64xf32, #tpu.memory_space<vmem>>, vector<1x16xf32>,
        %swap3A_627 = vector.shape_cast %swap3A_626 : vector<1x16xf32> to vector<16xf32>
        %swap3A_628 = vector.shape_cast %mul3A_616 : vector<16xf32> to vector<1x16xf32>
        tpu.vector_store %arg10[%swap3A_624, %swap3A_625], %swap3A_628 {strides = array<i32>} : memref<256x64xf32, #tpu.memory_space<vmem>>, vector<1x16xf32>,
        %swap3A_629 = arith.index_cast %add3A_595 : i32 to index
        %swap3A_630 = arith.constant 32 : index
        %swap3A_631 = tpu.vector_load %arg10[%swap3A_629, %swap3A_630] {strides = array<i32>} : memref<256x64xf32, #tpu.memory_space<vmem>>, vector<1x16xf32>,
        %swap3A_632 = vector.shape_cast %swap3A_631 : vector<1x16xf32> to vector<16xf32>
        %swap3A_633 = vector.shape_cast %mul3A_617 : vector<16xf32> to vector<1x16xf32>
        tpu.vector_store %arg10[%swap3A_629, %swap3A_630], %swap3A_633 {strides = array<i32>} : memref<256x64xf32, #tpu.memory_space<vmem>>, vector<1x16xf32>,
        %swap3A_634 = arith.index_cast %add3A_595 : i32 to index
        %swap3A_635 = arith.constant 48 : index
        %swap3A_636 = tpu.vector_load %arg10[%swap3A_634, %swap3A_635] {strides = array<i32>} : memref<256x64xf32, #tpu.memory_space<vmem>>, vector<1x16xf32>,
        %swap3A_637 = vector.shape_cast %swap3A_636 : vector<1x16xf32> to vector<16xf32>
        %swap3A_638 = vector.shape_cast %mul3A_618 : vector<16xf32> to vector<1x16xf32>
        tpu.vector_store %arg10[%swap3A_634, %swap3A_635], %swap3A_638 {strides = array<i32>} : memref<256x64xf32, #tpu.memory_space<vmem>>, vector<1x16xf32>,
        %mul3A_639 = arith.constant 16 : i32
        %mul3A_640 = arith.muli %scan3A_212, %mul3A_639 : i32
        %add3A_641 = arith.constant 9 : i32
        %add3A_642 = arith.addi %mul3A_640, %add3A_641 : i32
        %slice3A_643 = vector.extract_strided_slice %get3A_218 {offsets = [9], sizes = [1], strides = [1]} : vector<16xf32> to vector<1xf32>
        %squeeze3A_644 = vector.extract %slice3A_643[0] : f32 from vector<1xf32>
        %broadcast_in_dim3A_645 = vector.broadcast %squeeze3A_644 : f32 to vector<16xf32>
        %get3A_646 = arith.index_cast %add3A_642 : i32 to index
        %get3A_647 = arith.constant 0 : index
        %get3A_648 = tpu.vector_load %arg10[%get3A_646, %get3A_647] {strides = array<i32>} : memref<256x64xf32, #tpu.memory_space<vmem>>, vector<1x16xf32>,
        %get3A_649 = vector.shape_cast %get3A_648 : vector<1x16xf32> to vector<16xf32>
        %get3A_650 = arith.index_cast %add3A_642 : i32 to index
        %get3A_651 = arith.constant 16 : index
        %get3A_652 = tpu.vector_load %arg10[%get3A_650, %get3A_651] {strides = array<i32>} : memref<256x64xf32, #tpu.memory_space<vmem>>, vector<1x16xf32>,
        %get3A_653 = vector.shape_cast %get3A_652 : vector<1x16xf32> to vector<16xf32>
        %get3A_654 = arith.index_cast %add3A_642 : i32 to index
        %get3A_655 = arith.constant 32 : index
        %get3A_656 = tpu.vector_load %arg10[%get3A_654, %get3A_655] {strides = array<i32>} : memref<256x64xf32, #tpu.memory_space<vmem>>, vector<1x16xf32>,
        %get3A_657 = vector.shape_cast %get3A_656 : vector<1x16xf32> to vector<16xf32>
        %get3A_658 = arith.index_cast %add3A_642 : i32 to index
        %get3A_659 = arith.constant 48 : index
        %get3A_660 = tpu.vector_load %arg10[%get3A_658, %get3A_659] {strides = array<i32>} : memref<256x64xf32, #tpu.memory_space<vmem>>, vector<1x16xf32>,
        %get3A_661 = vector.shape_cast %get3A_660 : vector<1x16xf32> to vector<16xf32>
        %mul3A_662 = arith.mulf %get3A_649, %broadcast_in_dim3A_645 : vector<16xf32>
        %mul3A_663 = arith.mulf %get3A_653, %broadcast_in_dim3A_645 : vector<16xf32>
        %mul3A_664 = arith.mulf %get3A_657, %broadcast_in_dim3A_645 : vector<16xf32>
        %mul3A_665 = arith.mulf %get3A_661, %broadcast_in_dim3A_645 : vector<16xf32>
        %swap3A_666 = arith.index_cast %add3A_642 : i32 to index
        %swap3A_667 = arith.constant 0 : index
        %swap3A_668 = tpu.vector_load %arg10[%swap3A_666, %swap3A_667] {strides = array<i32>} : memref<256x64xf32, #tpu.memory_space<vmem>>, vector<1x16xf32>,
        %swap3A_669 = vector.shape_cast %swap3A_668 : vector<1x16xf32> to vector<16xf32>
        %swap3A_670 = vector.shape_cast %mul3A_662 : vector<16xf32> to vector<1x16xf32>
        tpu.vector_store %arg10[%swap3A_666, %swap3A_667], %swap3A_670 {strides = array<i32>} : memref<256x64xf32, #tpu.memory_space<vmem>>, vector<1x16xf32>,
        %swap3A_671 = arith.index_cast %add3A_642 : i32 to index
        %swap3A_672 = arith.constant 16 : index
        %swap3A_673 = tpu.vector_load %arg10[%swap3A_671, %swap3A_672] {strides = array<i32>} : memref<256x64xf32, #tpu.memory_space<vmem>>, vector<1x16xf32>,
        %swap3A_674 = vector.shape_cast %swap3A_673 : vector<1x16xf32> to vector<16xf32>
        %swap3A_675 = vector.shape_cast %mul3A_663 : vector<16xf32> to vector<1x16xf32>
        tpu.vector_store %arg10[%swap3A_671, %swap3A_672], %swap3A_675 {strides = array<i32>} : memref<256x64xf32, #tpu.memory_space<vmem>>, vector<1x16xf32>,
        %swap3A_676 = arith.index_cast %add3A_642 : i32 to index
        %swap3A_677 = arith.constant 32 : index
        %swap3A_678 = tpu.vector_load %arg10[%swap3A_676, %swap3A_677] {strides = array<i32>} : memref<256x64xf32, #tpu.memory_space<vmem>>, vector<1x16xf32>,
        %swap3A_679 = vector.shape_cast %swap3A_678 : vector<1x16xf32> to vector<16xf32>
        %swap3A_680 = vector.shape_cast %mul3A_664 : vector<16xf32> to vector<1x16xf32>
        tpu.vector_store %arg10[%swap3A_676, %swap3A_677], %swap3A_680 {strides = array<i32>} : memref<256x64xf32, #tpu.memory_space<vmem>>, vector<1x16xf32>,
        %swap3A_681 = arith.index_cast %add3A_642 : i32 to index
        %swap3A_682 = arith.constant 48 : index
        %swap3A_683 = tpu.vector_load %arg10[%swap3A_681, %swap3A_682] {strides = array<i32>} : memref<256x64xf32, #tpu.memory_space<vmem>>, vector<1x16xf32>,
        %swap3A_684 = vector.shape_cast %swap3A_683 : vector<1x16xf32> to vector<16xf32>
        %swap3A_685 = vector.shape_cast %mul3A_665 : vector<16xf32> to vector<1x16xf32>
        tpu.vector_store %arg10[%swap3A_681, %swap3A_682], %swap3A_685 {strides = array<i32>} : memref<256x64xf32, #tpu.memory_space<vmem>>, vector<1x16xf32>,
        %mul3A_686 = arith.constant 16 : i32
        %mul3A_687 = arith.muli %scan3A_212, %mul3A_686 : i32
        %add3A_688 = arith.constant 10 : i32
        %add3A_689 = arith.addi %mul3A_687, %add3A_688 : i32
        %slice3A_690 = vector.extract_strided_slice %get3A_218 {offsets = [10], sizes = [1], strides = [1]} : vector<16xf32> to vector<1xf32>
        %squeeze3A_691 = vector.extract %slice3A_690[0] : f32 from vector<1xf32>
        %broadcast_in_dim3A_692 = vector.broadcast %squeeze3A_691 : f32 to vector<16xf32>
        %get3A_693 = arith.index_cast %add3A_689 : i32 to index
        %get3A_694 = arith.constant 0 : index
        %get3A_695 = tpu.vector_load %arg10[%get3A_693, %get3A_694] {strides = array<i32>} : memref<256x64xf32, #tpu.memory_space<vmem>>, vector<1x16xf32>,
        %get3A_696 = vector.shape_cast %get3A_695 : vector<1x16xf32> to vector<16xf32>
        %get3A_697 = arith.index_cast %add3A_689 : i32 to index
        %get3A_698 = arith.constant 16 : index
        %get3A_699 = tpu.vector_load %arg10[%get3A_697, %get3A_698] {strides = array<i32>} : memref<256x64xf32, #tpu.memory_space<vmem>>, vector<1x16xf32>,
        %get3A_700 = vector.shape_cast %get3A_699 : vector<1x16xf32> to vector<16xf32>
        %get3A_701 = arith.index_cast %add3A_689 : i32 to index
        %get3A_702 = arith.constant 32 : index
        %get3A_703 = tpu.vector_load %arg10[%get3A_701, %get3A_702] {strides = array<i32>} : memref<256x64xf32, #tpu.memory_space<vmem>>, vector<1x16xf32>,
        %get3A_704 = vector.shape_cast %get3A_703 : vector<1x16xf32> to vector<16xf32>
        %get3A_705 = arith.index_cast %add3A_689 : i32 to index
        %get3A_706 = arith.constant 48 : index
        %get3A_707 = tpu.vector_load %arg10[%get3A_705, %get3A_706] {strides = array<i32>} : memref<256x64xf32, #tpu.memory_space<vmem>>, vector<1x16xf32>,
        %get3A_708 = vector.shape_cast %get3A_707 : vector<1x16xf32> to vector<16xf32>
        %mul3A_709 = arith.mulf %get3A_696, %broadcast_in_dim3A_692 : vector<16xf32>
        %mul3A_710 = arith.mulf %get3A_700, %broadcast_in_dim3A_692 : vector<16xf32>
        %mul3A_711 = arith.mulf %get3A_704, %broadcast_in_dim3A_692 : vector<16xf32>
        %mul3A_712 = arith.mulf %get3A_708, %broadcast_in_dim3A_692 : vector<16xf32>
        %swap3A_713 = arith.index_cast %add3A_689 : i32 to index
        %swap3A_714 = arith.constant 0 : index
        %swap3A_715 = tpu.vector_load %arg10[%swap3A_713, %swap3A_714] {strides = array<i32>} : memref<256x64xf32, #tpu.memory_space<vmem>>, vector<1x16xf32>,
        %swap3A_716 = vector.shape_cast %swap3A_715 : vector<1x16xf32> to vector<16xf32>
        %swap3A_717 = vector.shape_cast %mul3A_709 : vector<16xf32> to vector<1x16xf32>
        tpu.vector_store %arg10[%swap3A_713, %swap3A_714], %swap3A_717 {strides = array<i32>} : memref<256x64xf32, #tpu.memory_space<vmem>>, vector<1x16xf32>,
        %swap3A_718 = arith.index_cast %add3A_689 : i32 to index
        %swap3A_719 = arith.constant 16 : index
        %swap3A_720 = tpu.vector_load %arg10[%swap3A_718, %swap3A_719] {strides = array<i32>} : memref<256x64xf32, #tpu.memory_space<vmem>>, vector<1x16xf32>,
        %swap3A_721 = vector.shape_cast %swap3A_720 : vector<1x16xf32> to vector<16xf32>
        %swap3A_722 = vector.shape_cast %mul3A_710 : vector<16xf32> to vector<1x16xf32>
        tpu.vector_store %arg10[%swap3A_718, %swap3A_719], %swap3A_722 {strides = array<i32>} : memref<256x64xf32, #tpu.memory_space<vmem>>, vector<1x16xf32>,
        %swap3A_723 = arith.index_cast %add3A_689 : i32 to index
        %swap3A_724 = arith.constant 32 : index
        %swap3A_725 = tpu.vector_load %arg10[%swap3A_723, %swap3A_724] {strides = array<i32>} : memref<256x64xf32, #tpu.memory_space<vmem>>, vector<1x16xf32>,
        %swap3A_726 = vector.shape_cast %swap3A_725 : vector<1x16xf32> to vector<16xf32>
        %swap3A_727 = vector.shape_cast %mul3A_711 : vector<16xf32> to vector<1x16xf32>
        tpu.vector_store %arg10[%swap3A_723, %swap3A_724], %swap3A_727 {strides = array<i32>} : memref<256x64xf32, #tpu.memory_space<vmem>>, vector<1x16xf32>,
        %swap3A_728 = arith.index_cast %add3A_689 : i32 to index
        %swap3A_729 = arith.constant 48 : index
        %swap3A_730 = tpu.vector_load %arg10[%swap3A_728, %swap3A_729] {strides = array<i32>} : memref<256x64xf32, #tpu.memory_space<vmem>>, vector<1x16xf32>,
        %swap3A_731 = vector.shape_cast %swap3A_730 : vector<1x16xf32> to vector<16xf32>
        %swap3A_732 = vector.shape_cast %mul3A_712 : vector<16xf32> to vector<1x16xf32>
        tpu.vector_store %arg10[%swap3A_728, %swap3A_729], %swap3A_732 {strides = array<i32>} : memref<256x64xf32, #tpu.memory_space<vmem>>, vector<1x16xf32>,
        %mul3A_733 = arith.constant 16 : i32
        %mul3A_734 = arith.muli %scan3A_212, %mul3A_733 : i32
        %add3A_735 = arith.constant 11 : i32
        %add3A_736 = arith.addi %mul3A_734, %add3A_735 : i32
        %slice3A_737 = vector.extract_strided_slice %get3A_218 {offsets = [11], sizes = [1], strides = [1]} : vector<16xf32> to vector<1xf32>
        %squeeze3A_738 = vector.extract %slice3A_737[0] : f32 from vector<1xf32>
        %broadcast_in_dim3A_739 = vector.broadcast %squeeze3A_738 : f32 to vector<16xf32>
        %get3A_740 = arith.index_cast %add3A_736 : i32 to index
        %get3A_741 = arith.constant 0 : index
        %get3A_742 = tpu.vector_load %arg10[%get3A_740, %get3A_741] {strides = array<i32>} : memref<256x64xf32, #tpu.memory_space<vmem>>, vector<1x16xf32>,
        %get3A_743 = vector.shape_cast %get3A_742 : vector<1x16xf32> to vector<16xf32>
        %get3A_744 = arith.index_cast %add3A_736 : i32 to index
        %get3A_745 = arith.constant 16 : index
        %get3A_746 = tpu.vector_load %arg10[%get3A_744, %get3A_745] {strides = array<i32>} : memref<256x64xf32, #tpu.memory_space<vmem>>, vector<1x16xf32>,
        %get3A_747 = vector.shape_cast %get3A_746 : vector<1x16xf32> to vector<16xf32>
        %get3A_748 = arith.index_cast %add3A_736 : i32 to index
        %get3A_749 = arith.constant 32 : index
        %get3A_750 = tpu.vector_load %arg10[%get3A_748, %get3A_749] {strides = array<i32>} : memref<256x64xf32, #tpu.memory_space<vmem>>, vector<1x16xf32>,
        %get3A_751 = vector.shape_cast %get3A_750 : vector<1x16xf32> to vector<16xf32>
        %get3A_752 = arith.index_cast %add3A_736 : i32 to index
        %get3A_753 = arith.constant 48 : index
        %get3A_754 = tpu.vector_load %arg10[%get3A_752, %get3A_753] {strides = array<i32>} : memref<256x64xf32, #tpu.memory_space<vmem>>, vector<1x16xf32>,
        %get3A_755 = vector.shape_cast %get3A_754 : vector<1x16xf32> to vector<16xf32>
        %mul3A_756 = arith.mulf %get3A_743, %broadcast_in_dim3A_739 : vector<16xf32>
        %mul3A_757 = arith.mulf %get3A_747, %broadcast_in_dim3A_739 : vector<16xf32>
        %mul3A_758 = arith.mulf %get3A_751, %broadcast_in_dim3A_739 : vector<16xf32>
        %mul3A_759 = arith.mulf %get3A_755, %broadcast_in_dim3A_739 : vector<16xf32>
        %swap3A_760 = arith.index_cast %add3A_736 : i32 to index
        %swap3A_761 = arith.constant 0 : index
        %swap3A_762 = tpu.vector_load %arg10[%swap3A_760, %swap3A_761] {strides = array<i32>} : memref<256x64xf32, #tpu.memory_space<vmem>>, vector<1x16xf32>,
        %swap3A_763 = vector.shape_cast %swap3A_762 : vector<1x16xf32> to vector<16xf32>
        %swap3A_764 = vector.shape_cast %mul3A_756 : vector<16xf32> to vector<1x16xf32>
        tpu.vector_store %arg10[%swap3A_760, %swap3A_761], %swap3A_764 {strides = array<i32>} : memref<256x64xf32, #tpu.memory_space<vmem>>, vector<1x16xf32>,
        %swap3A_765 = arith.index_cast %add3A_736 : i32 to index
        %swap3A_766 = arith.constant 16 : index
        %swap3A_767 = tpu.vector_load %arg10[%swap3A_765, %swap3A_766] {strides = array<i32>} : memref<256x64xf32, #tpu.memory_space<vmem>>, vector<1x16xf32>,
        %swap3A_768 = vector.shape_cast %swap3A_767 : vector<1x16xf32> to vector<16xf32>
        %swap3A_769 = vector.shape_cast %mul3A_757 : vector<16xf32> to vector<1x16xf32>
        tpu.vector_store %arg10[%swap3A_765, %swap3A_766], %swap3A_769 {strides = array<i32>} : memref<256x64xf32, #tpu.memory_space<vmem>>, vector<1x16xf32>,
        %swap3A_770 = arith.index_cast %add3A_736 : i32 to index
        %swap3A_771 = arith.constant 32 : index
        %swap3A_772 = tpu.vector_load %arg10[%swap3A_770, %swap3A_771] {strides = array<i32>} : memref<256x64xf32, #tpu.memory_space<vmem>>, vector<1x16xf32>,
        %swap3A_773 = vector.shape_cast %swap3A_772 : vector<1x16xf32> to vector<16xf32>
        %swap3A_774 = vector.shape_cast %mul3A_758 : vector<16xf32> to vector<1x16xf32>
        tpu.vector_store %arg10[%swap3A_770, %swap3A_771], %swap3A_774 {strides = array<i32>} : memref<256x64xf32, #tpu.memory_space<vmem>>, vector<1x16xf32>,
        %swap3A_775 = arith.index_cast %add3A_736 : i32 to index
        %swap3A_776 = arith.constant 48 : index
        %swap3A_777 = tpu.vector_load %arg10[%swap3A_775, %swap3A_776] {strides = array<i32>} : memref<256x64xf32, #tpu.memory_space<vmem>>, vector<1x16xf32>,
        %swap3A_778 = vector.shape_cast %swap3A_777 : vector<1x16xf32> to vector<16xf32>
        %swap3A_779 = vector.shape_cast %mul3A_759 : vector<16xf32> to vector<1x16xf32>
        tpu.vector_store %arg10[%swap3A_775, %swap3A_776], %swap3A_779 {strides = array<i32>} : memref<256x64xf32, #tpu.memory_space<vmem>>, vector<1x16xf32>,
        %mul3A_780 = arith.constant 16 : i32
        %mul3A_781 = arith.muli %scan3A_212, %mul3A_780 : i32
        %add3A_782 = arith.constant 12 : i32
        %add3A_783 = arith.addi %mul3A_781, %add3A_782 : i32
        %slice3A_784 = vector.extract_strided_slice %get3A_218 {offsets = [12], sizes = [1], strides = [1]} : vector<16xf32> to vector<1xf32>
        %squeeze3A_785 = vector.extract %slice3A_784[0] : f32 from vector<1xf32>
        %broadcast_in_dim3A_786 = vector.broadcast %squeeze3A_785 : f32 to vector<16xf32>
        %get3A_787 = arith.index_cast %add3A_783 : i32 to index
        %get3A_788 = arith.constant 0 : index
        %get3A_789 = tpu.vector_load %arg10[%get3A_787, %get3A_788] {strides = array<i32>} : memref<256x64xf32, #tpu.memory_space<vmem>>, vector<1x16xf32>,
        %get3A_790 = vector.shape_cast %get3A_789 : vector<1x16xf32> to vector<16xf32>
        %get3A_791 = arith.index_cast %add3A_783 : i32 to index
        %get3A_792 = arith.constant 16 : index
        %get3A_793 = tpu.vector_load %arg10[%get3A_791, %get3A_792] {strides = array<i32>} : memref<256x64xf32, #tpu.memory_space<vmem>>, vector<1x16xf32>,
        %get3A_794 = vector.shape_cast %get3A_793 : vector<1x16xf32> to vector<16xf32>
        %get3A_795 = arith.index_cast %add3A_783 : i32 to index
        %get3A_796 = arith.constant 32 : index
        %get3A_797 = tpu.vector_load %arg10[%get3A_795, %get3A_796] {strides = array<i32>} : memref<256x64xf32, #tpu.memory_space<vmem>>, vector<1x16xf32>,
        %get3A_798 = vector.shape_cast %get3A_797 : vector<1x16xf32> to vector<16xf32>
        %get3A_799 = arith.index_cast %add3A_783 : i32 to index
        %get3A_800 = arith.constant 48 : index
        %get3A_801 = tpu.vector_load %arg10[%get3A_799, %get3A_800] {strides = array<i32>} : memref<256x64xf32, #tpu.memory_space<vmem>>, vector<1x16xf32>,
        %get3A_802 = vector.shape_cast %get3A_801 : vector<1x16xf32> to vector<16xf32>
        %mul3A_803 = arith.mulf %get3A_790, %broadcast_in_dim3A_786 : vector<16xf32>
        %mul3A_804 = arith.mulf %get3A_794, %broadcast_in_dim3A_786 : vector<16xf32>
        %mul3A_805 = arith.mulf %get3A_798, %broadcast_in_dim3A_786 : vector<16xf32>
        %mul3A_806 = arith.mulf %get3A_802, %broadcast_in_dim3A_786 : vector<16xf32>
        %swap3A_807 = arith.index_cast %add3A_783 : i32 to index
        %swap3A_808 = arith.constant 0 : index
        %swap3A_809 = tpu.vector_load %arg10[%swap3A_807, %swap3A_808] {strides = array<i32>} : memref<256x64xf32, #tpu.memory_space<vmem>>, vector<1x16xf32>,
        %swap3A_810 = vector.shape_cast %swap3A_809 : vector<1x16xf32> to vector<16xf32>
        %swap3A_811 = vector.shape_cast %mul3A_803 : vector<16xf32> to vector<1x16xf32>
        tpu.vector_store %arg10[%swap3A_807, %swap3A_808], %swap3A_811 {strides = array<i32>} : memref<256x64xf32, #tpu.memory_space<vmem>>, vector<1x16xf32>,
        %swap3A_812 = arith.index_cast %add3A_783 : i32 to index
        %swap3A_813 = arith.constant 16 : index
        %swap3A_814 = tpu.vector_load %arg10[%swap3A_812, %swap3A_813] {strides = array<i32>} : memref<256x64xf32, #tpu.memory_space<vmem>>, vector<1x16xf32>,
        %swap3A_815 = vector.shape_cast %swap3A_814 : vector<1x16xf32> to vector<16xf32>
        %swap3A_816 = vector.shape_cast %mul3A_804 : vector<16xf32> to vector<1x16xf32>
        tpu.vector_store %arg10[%swap3A_812, %swap3A_813], %swap3A_816 {strides = array<i32>} : memref<256x64xf32, #tpu.memory_space<vmem>>, vector<1x16xf32>,
        %swap3A_817 = arith.index_cast %add3A_783 : i32 to index
        %swap3A_818 = arith.constant 32 : index
        %swap3A_819 = tpu.vector_load %arg10[%swap3A_817, %swap3A_818] {strides = array<i32>} : memref<256x64xf32, #tpu.memory_space<vmem>>, vector<1x16xf32>,
        %swap3A_820 = vector.shape_cast %swap3A_819 : vector<1x16xf32> to vector<16xf32>
        %swap3A_821 = vector.shape_cast %mul3A_805 : vector<16xf32> to vector<1x16xf32>
        tpu.vector_store %arg10[%swap3A_817, %swap3A_818], %swap3A_821 {strides = array<i32>} : memref<256x64xf32, #tpu.memory_space<vmem>>, vector<1x16xf32>,
        %swap3A_822 = arith.index_cast %add3A_783 : i32 to index
        %swap3A_823 = arith.constant 48 : index
        %swap3A_824 = tpu.vector_load %arg10[%swap3A_822, %swap3A_823] {strides = array<i32>} : memref<256x64xf32, #tpu.memory_space<vmem>>, vector<1x16xf32>,
        %swap3A_825 = vector.shape_cast %swap3A_824 : vector<1x16xf32> to vector<16xf32>
        %swap3A_826 = vector.shape_cast %mul3A_806 : vector<16xf32> to vector<1x16xf32>
        tpu.vector_store %arg10[%swap3A_822, %swap3A_823], %swap3A_826 {strides = array<i32>} : memref<256x64xf32, #tpu.memory_space<vmem>>, vector<1x16xf32>,
        %mul3A_827 = arith.constant 16 : i32
        %mul3A_828 = arith.muli %scan3A_212, %mul3A_827 : i32
        %add3A_829 = arith.constant 13 : i32
        %add3A_830 = arith.addi %mul3A_828, %add3A_829 : i32
        %slice3A_831 = vector.extract_strided_slice %get3A_218 {offsets = [13], sizes = [1], strides = [1]} : vector<16xf32> to vector<1xf32>
        %squeeze3A_832 = vector.extract %slice3A_831[0] : f32 from vector<1xf32>
        %broadcast_in_dim3A_833 = vector.broadcast %squeeze3A_832 : f32 to vector<16xf32>
        %get3A_834 = arith.index_cast %add3A_830 : i32 to index
        %get3A_835 = arith.constant 0 : index
        %get3A_836 = tpu.vector_load %arg10[%get3A_834, %get3A_835] {strides = array<i32>} : memref<256x64xf32, #tpu.memory_space<vmem>>, vector<1x16xf32>,
        %get3A_837 = vector.shape_cast %get3A_836 : vector<1x16xf32> to vector<16xf32>
        %get3A_838 = arith.index_cast %add3A_830 : i32 to index
        %get3A_839 = arith.constant 16 : index
        %get3A_840 = tpu.vector_load %arg10[%get3A_838, %get3A_839] {strides = array<i32>} : memref<256x64xf32, #tpu.memory_space<vmem>>, vector<1x16xf32>,
        %get3A_841 = vector.shape_cast %get3A_840 : vector<1x16xf32> to vector<16xf32>
        %get3A_842 = arith.index_cast %add3A_830 : i32 to index
        %get3A_843 = arith.constant 32 : index
        %get3A_844 = tpu.vector_load %arg10[%get3A_842, %get3A_843] {strides = array<i32>} : memref<256x64xf32, #tpu.memory_space<vmem>>, vector<1x16xf32>,
        %get3A_845 = vector.shape_cast %get3A_844 : vector<1x16xf32> to vector<16xf32>
        %get3A_846 = arith.index_cast %add3A_830 : i32 to index
        %get3A_847 = arith.constant 48 : index
        %get3A_848 = tpu.vector_load %arg10[%get3A_846, %get3A_847] {strides = array<i32>} : memref<256x64xf32, #tpu.memory_space<vmem>>, vector<1x16xf32>,
        %get3A_849 = vector.shape_cast %get3A_848 : vector<1x16xf32> to vector<16xf32>
        %mul3A_850 = arith.mulf %get3A_837, %broadcast_in_dim3A_833 : vector<16xf32>
        %mul3A_851 = arith.mulf %get3A_841, %broadcast_in_dim3A_833 : vector<16xf32>
        %mul3A_852 = arith.mulf %get3A_845, %broadcast_in_dim3A_833 : vector<16xf32>
        %mul3A_853 = arith.mulf %get3A_849, %broadcast_in_dim3A_833 : vector<16xf32>
        %swap3A_854 = arith.index_cast %add3A_830 : i32 to index
        %swap3A_855 = arith.constant 0 : index
        %swap3A_856 = tpu.vector_load %arg10[%swap3A_854, %swap3A_855] {strides = array<i32>} : memref<256x64xf32, #tpu.memory_space<vmem>>, vector<1x16xf32>,
        %swap3A_857 = vector.shape_cast %swap3A_856 : vector<1x16xf32> to vector<16xf32>
        %swap3A_858 = vector.shape_cast %mul3A_850 : vector<16xf32> to vector<1x16xf32>
        tpu.vector_store %arg10[%swap3A_854, %swap3A_855], %swap3A_858 {strides = array<i32>} : memref<256x64xf32, #tpu.memory_space<vmem>>, vector<1x16xf32>,
        %swap3A_859 = arith.index_cast %add3A_830 : i32 to index
        %swap3A_860 = arith.constant 16 : index
        %swap3A_861 = tpu.vector_load %arg10[%swap3A_859, %swap3A_860] {strides = array<i32>} : memref<256x64xf32, #tpu.memory_space<vmem>>, vector<1x16xf32>,
        %swap3A_862 = vector.shape_cast %swap3A_861 : vector<1x16xf32> to vector<16xf32>
        %swap3A_863 = vector.shape_cast %mul3A_851 : vector<16xf32> to vector<1x16xf32>
        tpu.vector_store %arg10[%swap3A_859, %swap3A_860], %swap3A_863 {strides = array<i32>} : memref<256x64xf32, #tpu.memory_space<vmem>>, vector<1x16xf32>,
        %swap3A_864 = arith.index_cast %add3A_830 : i32 to index
        %swap3A_865 = arith.constant 32 : index
        %swap3A_866 = tpu.vector_load %arg10[%swap3A_864, %swap3A_865] {strides = array<i32>} : memref<256x64xf32, #tpu.memory_space<vmem>>, vector<1x16xf32>,
        %swap3A_867 = vector.shape_cast %swap3A_866 : vector<1x16xf32> to vector<16xf32>
        %swap3A_868 = vector.shape_cast %mul3A_852 : vector<16xf32> to vector<1x16xf32>
        tpu.vector_store %arg10[%swap3A_864, %swap3A_865], %swap3A_868 {strides = array<i32>} : memref<256x64xf32, #tpu.memory_space<vmem>>, vector<1x16xf32>,
        %swap3A_869 = arith.index_cast %add3A_830 : i32 to index
        %swap3A_870 = arith.constant 48 : index
        %swap3A_871 = tpu.vector_load %arg10[%swap3A_869, %swap3A_870] {strides = array<i32>} : memref<256x64xf32, #tpu.memory_space<vmem>>, vector<1x16xf32>,
        %swap3A_872 = vector.shape_cast %swap3A_871 : vector<1x16xf32> to vector<16xf32>
        %swap3A_873 = vector.shape_cast %mul3A_853 : vector<16xf32> to vector<1x16xf32>
        tpu.vector_store %arg10[%swap3A_869, %swap3A_870], %swap3A_873 {strides = array<i32>} : memref<256x64xf32, #tpu.memory_space<vmem>>, vector<1x16xf32>,
        %mul3A_874 = arith.constant 16 : i32
        %mul3A_875 = arith.muli %scan3A_212, %mul3A_874 : i32
        %add3A_876 = arith.constant 14 : i32
        %add3A_877 = arith.addi %mul3A_875, %add3A_876 : i32
        %slice3A_878 = vector.extract_strided_slice %get3A_218 {offsets = [14], sizes = [1], strides = [1]} : vector<16xf32> to vector<1xf32>
        %squeeze3A_879 = vector.extract %slice3A_878[0] : f32 from vector<1xf32>
        %broadcast_in_dim3A_880 = vector.broadcast %squeeze3A_879 : f32 to vector<16xf32>
        %get3A_881 = arith.index_cast %add3A_877 : i32 to index
        %get3A_882 = arith.constant 0 : index
        %get3A_883 = tpu.vector_load %arg10[%get3A_881, %get3A_882] {strides = array<i32>} : memref<256x64xf32, #tpu.memory_space<vmem>>, vector<1x16xf32>,
        %get3A_884 = vector.shape_cast %get3A_883 : vector<1x16xf32> to vector<16xf32>
        %get3A_885 = arith.index_cast %add3A_877 : i32 to index
        %get3A_886 = arith.constant 16 : index
        %get3A_887 = tpu.vector_load %arg10[%get3A_885, %get3A_886] {strides = array<i32>} : memref<256x64xf32, #tpu.memory_space<vmem>>, vector<1x16xf32>,
        %get3A_888 = vector.shape_cast %get3A_887 : vector<1x16xf32> to vector<16xf32>
        %get3A_889 = arith.index_cast %add3A_877 : i32 to index
        %get3A_890 = arith.constant 32 : index
        %get3A_891 = tpu.vector_load %arg10[%get3A_889, %get3A_890] {strides = array<i32>} : memref<256x64xf32, #tpu.memory_space<vmem>>, vector<1x16xf32>,
        %get3A_892 = vector.shape_cast %get3A_891 : vector<1x16xf32> to vector<16xf32>
        %get3A_893 = arith.index_cast %add3A_877 : i32 to index
        %get3A_894 = arith.constant 48 : index
        %get3A_895 = tpu.vector_load %arg10[%get3A_893, %get3A_894] {strides = array<i32>} : memref<256x64xf32, #tpu.memory_space<vmem>>, vector<1x16xf32>,
        %get3A_896 = vector.shape_cast %get3A_895 : vector<1x16xf32> to vector<16xf32>
        %mul3A_897 = arith.mulf %get3A_884, %broadcast_in_dim3A_880 : vector<16xf32>
        %mul3A_898 = arith.mulf %get3A_888, %broadcast_in_dim3A_880 : vector<16xf32>
        %mul3A_899 = arith.mulf %get3A_892, %broadcast_in_dim3A_880 : vector<16xf32>
        %mul3A_900 = arith.mulf %get3A_896, %broadcast_in_dim3A_880 : vector<16xf32>
        %swap3A_901 = arith.index_cast %add3A_877 : i32 to index
        %swap3A_902 = arith.constant 0 : index
        %swap3A_903 = tpu.vector_load %arg10[%swap3A_901, %swap3A_902] {strides = array<i32>} : memref<256x64xf32, #tpu.memory_space<vmem>>, vector<1x16xf32>,
        %swap3A_904 = vector.shape_cast %swap3A_903 : vector<1x16xf32> to vector<16xf32>
        %swap3A_905 = vector.shape_cast %mul3A_897 : vector<16xf32> to vector<1x16xf32>
        tpu.vector_store %arg10[%swap3A_901, %swap3A_902], %swap3A_905 {strides = array<i32>} : memref<256x64xf32, #tpu.memory_space<vmem>>, vector<1x16xf32>,
        %swap3A_906 = arith.index_cast %add3A_877 : i32 to index
        %swap3A_907 = arith.constant 16 : index
        %swap3A_908 = tpu.vector_load %arg10[%swap3A_906, %swap3A_907] {strides = array<i32>} : memref<256x64xf32, #tpu.memory_space<vmem>>, vector<1x16xf32>,
        %swap3A_909 = vector.shape_cast %swap3A_908 : vector<1x16xf32> to vector<16xf32>
        %swap3A_910 = vector.shape_cast %mul3A_898 : vector<16xf32> to vector<1x16xf32>
        tpu.vector_store %arg10[%swap3A_906, %swap3A_907], %swap3A_910 {strides = array<i32>} : memref<256x64xf32, #tpu.memory_space<vmem>>, vector<1x16xf32>,
        %swap3A_911 = arith.index_cast %add3A_877 : i32 to index
        %swap3A_912 = arith.constant 32 : index
        %swap3A_913 = tpu.vector_load %arg10[%swap3A_911, %swap3A_912] {strides = array<i32>} : memref<256x64xf32, #tpu.memory_space<vmem>>, vector<1x16xf32>,
        %swap3A_914 = vector.shape_cast %swap3A_913 : vector<1x16xf32> to vector<16xf32>
        %swap3A_915 = vector.shape_cast %mul3A_899 : vector<16xf32> to vector<1x16xf32>
        tpu.vector_store %arg10[%swap3A_911, %swap3A_912], %swap3A_915 {strides = array<i32>} : memref<256x64xf32, #tpu.memory_space<vmem>>, vector<1x16xf32>,
        %swap3A_916 = arith.index_cast %add3A_877 : i32 to index
        %swap3A_917 = arith.constant 48 : index
        %swap3A_918 = tpu.vector_load %arg10[%swap3A_916, %swap3A_917] {strides = array<i32>} : memref<256x64xf32, #tpu.memory_space<vmem>>, vector<1x16xf32>,
        %swap3A_919 = vector.shape_cast %swap3A_918 : vector<1x16xf32> to vector<16xf32>
        %swap3A_920 = vector.shape_cast %mul3A_900 : vector<16xf32> to vector<1x16xf32>
        tpu.vector_store %arg10[%swap3A_916, %swap3A_917], %swap3A_920 {strides = array<i32>} : memref<256x64xf32, #tpu.memory_space<vmem>>, vector<1x16xf32>,
        %mul3A_921 = arith.constant 16 : i32
        %mul3A_922 = arith.muli %scan3A_212, %mul3A_921 : i32
        %add3A_923 = arith.constant 15 : i32
        %add3A_924 = arith.addi %mul3A_922, %add3A_923 : i32
        %slice3A_925 = vector.extract_strided_slice %get3A_218 {offsets = [15], sizes = [1], strides = [1]} : vector<16xf32> to vector<1xf32>
        %squeeze3A_926 = vector.extract %slice3A_925[0] : f32 from vector<1xf32>
        %broadcast_in_dim3A_927 = vector.broadcast %squeeze3A_926 : f32 to vector<16xf32>
        %get3A_928 = arith.index_cast %add3A_924 : i32 to index
        %get3A_929 = arith.constant 0 : index
        %get3A_930 = tpu.vector_load %arg10[%get3A_928, %get3A_929] {strides = array<i32>} : memref<256x64xf32, #tpu.memory_space<vmem>>, vector<1x16xf32>,
        %get3A_931 = vector.shape_cast %get3A_930 : vector<1x16xf32> to vector<16xf32>
        %get3A_932 = arith.index_cast %add3A_924 : i32 to index
        %get3A_933 = arith.constant 16 : index
        %get3A_934 = tpu.vector_load %arg10[%get3A_932, %get3A_933] {strides = array<i32>} : memref<256x64xf32, #tpu.memory_space<vmem>>, vector<1x16xf32>,
        %get3A_935 = vector.shape_cast %get3A_934 : vector<1x16xf32> to vector<16xf32>
        %get3A_936 = arith.index_cast %add3A_924 : i32 to index
        %get3A_937 = arith.constant 32 : index
        %get3A_938 = tpu.vector_load %arg10[%get3A_936, %get3A_937] {strides = array<i32>} : memref<256x64xf32, #tpu.memory_space<vmem>>, vector<1x16xf32>,
        %get3A_939 = vector.shape_cast %get3A_938 : vector<1x16xf32> to vector<16xf32>
        %get3A_940 = arith.index_cast %add3A_924 : i32 to index
        %get3A_941 = arith.constant 48 : index
        %get3A_942 = tpu.vector_load %arg10[%get3A_940, %get3A_941] {strides = array<i32>} : memref<256x64xf32, #tpu.memory_space<vmem>>, vector<1x16xf32>,
        %get3A_943 = vector.shape_cast %get3A_942 : vector<1x16xf32> to vector<16xf32>
        %mul3A_944 = arith.mulf %get3A_931, %broadcast_in_dim3A_927 : vector<16xf32>
        %mul3A_945 = arith.mulf %get3A_935, %broadcast_in_dim3A_927 : vector<16xf32>
        %mul3A_946 = arith.mulf %get3A_939, %broadcast_in_dim3A_927 : vector<16xf32>
        %mul3A_947 = arith.mulf %get3A_943, %broadcast_in_dim3A_927 : vector<16xf32>
        %swap3A_948 = arith.index_cast %add3A_924 : i32 to index
        %swap3A_949 = arith.constant 0 : index
        %swap3A_950 = tpu.vector_load %arg10[%swap3A_948, %swap3A_949] {strides = array<i32>} : memref<256x64xf32, #tpu.memory_space<vmem>>, vector<1x16xf32>,
        %swap3A_951 = vector.shape_cast %swap3A_950 : vector<1x16xf32> to vector<16xf32>
        %swap3A_952 = vector.shape_cast %mul3A_944 : vector<16xf32> to vector<1x16xf32>
        tpu.vector_store %arg10[%swap3A_948, %swap3A_949], %swap3A_952 {strides = array<i32>} : memref<256x64xf32, #tpu.memory_space<vmem>>, vector<1x16xf32>,
        %swap3A_953 = arith.index_cast %add3A_924 : i32 to index
        %swap3A_954 = arith.constant 16 : index
        %swap3A_955 = tpu.vector_load %arg10[%swap3A_953, %swap3A_954] {strides = array<i32>} : memref<256x64xf32, #tpu.memory_space<vmem>>, vector<1x16xf32>,
        %swap3A_956 = vector.shape_cast %swap3A_955 : vector<1x16xf32> to vector<16xf32>
        %swap3A_957 = vector.shape_cast %mul3A_945 : vector<16xf32> to vector<1x16xf32>
        tpu.vector_store %arg10[%swap3A_953, %swap3A_954], %swap3A_957 {strides = array<i32>} : memref<256x64xf32, #tpu.memory_space<vmem>>, vector<1x16xf32>,
        %swap3A_958 = arith.index_cast %add3A_924 : i32 to index
        %swap3A_959 = arith.constant 32 : index
        %swap3A_960 = tpu.vector_load %arg10[%swap3A_958, %swap3A_959] {strides = array<i32>} : memref<256x64xf32, #tpu.memory_space<vmem>>, vector<1x16xf32>,
        %swap3A_961 = vector.shape_cast %swap3A_960 : vector<1x16xf32> to vector<16xf32>
        %swap3A_962 = vector.shape_cast %mul3A_946 : vector<16xf32> to vector<1x16xf32>
        tpu.vector_store %arg10[%swap3A_958, %swap3A_959], %swap3A_962 {strides = array<i32>} : memref<256x64xf32, #tpu.memory_space<vmem>>, vector<1x16xf32>,
        %swap3A_963 = arith.index_cast %add3A_924 : i32 to index
        %swap3A_964 = arith.constant 48 : index
        %swap3A_965 = tpu.vector_load %arg10[%swap3A_963, %swap3A_964] {strides = array<i32>} : memref<256x64xf32, #tpu.memory_space<vmem>>, vector<1x16xf32>,
        %swap3A_966 = vector.shape_cast %swap3A_965 : vector<1x16xf32> to vector<16xf32>
        %swap3A_967 = vector.shape_cast %mul3A_947 : vector<16xf32> to vector<1x16xf32>
        tpu.vector_store %arg10[%swap3A_963, %swap3A_964], %swap3A_967 {strides = array<i32>} : memref<256x64xf32, #tpu.memory_space<vmem>>, vector<1x16xf32>,
        %scan3A_968 = arith.constant 0 : i32
        scf.yield %scan3A_968 : i32
      }
      %scan3A_138 = arith.constant 16 : i32
      %eq3A_139 = arith.constant 0 : i32
      %eq3A_140 = arith.cmpi eq, %arg0, %eq3A_139 : i32
      %convert_element_type3A_141 = arith.extui %eq3A_140 : i1 to i32
      %cond3A_142 = arith.constant 0 : i32
      %cond3A_143 = arith.cmpi ne, %convert_element_type3A_141, %cond3A_142 : i32
      scf.if %cond3A_143 {
        %scan3A_212 = arith.constant 0 : i32
        %scan3A_213 = arith.constant 0 : i32
        %scan3A_214 = arith.constant 16 : i32
        %scan3A_215 = arith.addi %scan3A_213, %scan3A_214 : i32
        %scan3A_216 = arith.constant 1 : i32
        %scan3A_217 = scf.for %scan3A_219 = %scan3A_213 to %scan3A_215 step %scan3A_216 iter_args(%scan3A_220 = %scan3A_212) -> (i32)  : i32 {
          %mul3A_221 = arith.constant 16 : i32
          %mul3A_222 = arith.muli %scan3A_219, %mul3A_221 : i32
          %add3A_223 = arith.addi %mul3A_131, %mul3A_222 : i32
          %get3A = arith.index_cast %add3A_223 : i32 to index
          %get3A_224 = tpu.vector_load %arg9[%get3A] {strides = array<i32>} : memref<10240xf32, #tpu.memory_space<vmem>>, vector<16xf32>,
          %get3A_225 = vector.shape_cast %get3A_224 : vector<16xf32> to vector<16xf32>
          %slice3A = vector.extract_strided_slice %get3A_225 {offsets = [0], sizes = [1], strides = [1]} : vector<16xf32> to vector<1xf32>
          %squeeze3A = vector.extract %slice3A[0] : f32 from vector<1xf32>
          %broadcast_in_dim3A_226 = vector.broadcast %squeeze3A : f32 to vector<16xf32>
          %mul3A_227 = arith.constant 16 : i32
          %mul3A_228 = arith.muli %scan3A_219, %mul3A_227 : i32
          %add3A_229 = arith.constant 0 : i32
          %add3A_230 = arith.addi %mul3A_228, %add3A_229 : i32
          %swap3A = arith.index_cast %add3A_230 : i32 to index
          %swap3A_231 = arith.constant 0 : index
          %swap3A_232 = tpu.vector_load %arg12[%swap3A, %swap3A_231] {strides = array<i32>} : memref<256x16xf32, #tpu.memory_space<vmem>>, vector<1x16xf32>,
          %swap3A_233 = vector.shape_cast %swap3A_232 : vector<1x16xf32> to vector<16xf32>
          %swap3A_234 = vector.shape_cast %broadcast_in_dim3A_226 : vector<16xf32> to vector<1x16xf32>
          tpu.vector_store %arg12[%swap3A, %swap3A_231], %swap3A_234 {strides = array<i32>} : memref<256x16xf32, #tpu.memory_space<vmem>>, vector<1x16xf32>,
          %slice3A_235 = vector.extract_strided_slice %get3A_225 {offsets = [1], sizes = [1], strides = [1]} : vector<16xf32> to vector<1xf32>
          %squeeze3A_236 = vector.extract %slice3A_235[0] : f32 from vector<1xf32>
          %broadcast_in_dim3A_237 = vector.broadcast %squeeze3A_236 : f32 to vector<16xf32>
          %mul3A_238 = arith.constant 16 : i32
          %mul3A_239 = arith.muli %scan3A_219, %mul3A_238 : i32
          %add3A_240 = arith.constant 1 : i32
          %add3A_241 = arith.addi %mul3A_239, %add3A_240 : i32
          %swap3A_242 = arith.index_cast %add3A_241 : i32 to index
          %swap3A_243 = arith.constant 0 : index
          %swap3A_244 = tpu.vector_load %arg12[%swap3A_242, %swap3A_243] {strides = array<i32>} : memref<256x16xf32, #tpu.memory_space<vmem>>, vector<1x16xf32>,
          %swap3A_245 = vector.shape_cast %swap3A_244 : vector<1x16xf32> to vector<16xf32>
          %swap3A_246 = vector.shape_cast %broadcast_in_dim3A_237 : vector<16xf32> to vector<1x16xf32>
          tpu.vector_store %arg12[%swap3A_242, %swap3A_243], %swap3A_246 {strides = array<i32>} : memref<256x16xf32, #tpu.memory_space<vmem>>, vector<1x16xf32>,
          %slice3A_247 = vector.extract_strided_slice %get3A_225 {offsets = [2], sizes = [1], strides = [1]} : vector<16xf32> to vector<1xf32>
          %squeeze3A_248 = vector.extract %slice3A_247[0] : f32 from vector<1xf32>
          %broadcast_in_dim3A_249 = vector.broadcast %squeeze3A_248 : f32 to vector<16xf32>
          %mul3A_250 = arith.constant 16 : i32
          %mul3A_251 = arith.muli %scan3A_219, %mul3A_250 : i32
          %add3A_252 = arith.constant 2 : i32
          %add3A_253 = arith.addi %mul3A_251, %add3A_252 : i32
          %swap3A_254 = arith.index_cast %add3A_253 : i32 to index
          %swap3A_255 = arith.constant 0 : index
          %swap3A_256 = tpu.vector_load %arg12[%swap3A_254, %swap3A_255] {strides = array<i32>} : memref<256x16xf32, #tpu.memory_space<vmem>>, vector<1x16xf32>,
          %swap3A_257 = vector.shape_cast %swap3A_256 : vector<1x16xf32> to vector<16xf32>
          %swap3A_258 = vector.shape_cast %broadcast_in_dim3A_249 : vector<16xf32> to vector<1x16xf32>
          tpu.vector_store %arg12[%swap3A_254, %swap3A_255], %swap3A_258 {strides = array<i32>} : memref<256x16xf32, #tpu.memory_space<vmem>>, vector<1x16xf32>,
          %slice3A_259 = vector.extract_strided_slice %get3A_225 {offsets = [3], sizes = [1], strides = [1]} : vector<16xf32> to vector<1xf32>
          %squeeze3A_260 = vector.extract %slice3A_259[0] : f32 from vector<1xf32>
          %broadcast_in_dim3A_261 = vector.broadcast %squeeze3A_260 : f32 to vector<16xf32>
          %mul3A_262 = arith.constant 16 : i32
          %mul3A_263 = arith.muli %scan3A_219, %mul3A_262 : i32
          %add3A_264 = arith.constant 3 : i32
          %add3A_265 = arith.addi %mul3A_263, %add3A_264 : i32
          %swap3A_266 = arith.index_cast %add3A_265 : i32 to index
          %swap3A_267 = arith.constant 0 : index
          %swap3A_268 = tpu.vector_load %arg12[%swap3A_266, %swap3A_267] {strides = array<i32>} : memref<256x16xf32, #tpu.memory_space<vmem>>, vector<1x16xf32>,
          %swap3A_269 = vector.shape_cast %swap3A_268 : vector<1x16xf32> to vector<16xf32>
          %swap3A_270 = vector.shape_cast %broadcast_in_dim3A_261 : vector<16xf32> to vector<1x16xf32>
          tpu.vector_store %arg12[%swap3A_266, %swap3A_267], %swap3A_270 {strides = array<i32>} : memref<256x16xf32, #tpu.memory_space<vmem>>, vector<1x16xf32>,
          %slice3A_271 = vector.extract_strided_slice %get3A_225 {offsets = [4], sizes = [1], strides = [1]} : vector<16xf32> to vector<1xf32>
          %squeeze3A_272 = vector.extract %slice3A_271[0] : f32 from vector<1xf32>
          %broadcast_in_dim3A_273 = vector.broadcast %squeeze3A_272 : f32 to vector<16xf32>
          %mul3A_274 = arith.constant 16 : i32
          %mul3A_275 = arith.muli %scan3A_219, %mul3A_274 : i32
          %add3A_276 = arith.constant 4 : i32
          %add3A_277 = arith.addi %mul3A_275, %add3A_276 : i32
          %swap3A_278 = arith.index_cast %add3A_277 : i32 to index
          %swap3A_279 = arith.constant 0 : index
          %swap3A_280 = tpu.vector_load %arg12[%swap3A_278, %swap3A_279] {strides = array<i32>} : memref<256x16xf32, #tpu.memory_space<vmem>>, vector<1x16xf32>,
          %swap3A_281 = vector.shape_cast %swap3A_280 : vector<1x16xf32> to vector<16xf32>
          %swap3A_282 = vector.shape_cast %broadcast_in_dim3A_273 : vector<16xf32> to vector<1x16xf32>
          tpu.vector_store %arg12[%swap3A_278, %swap3A_279], %swap3A_282 {strides = array<i32>} : memref<256x16xf32, #tpu.memory_space<vmem>>, vector<1x16xf32>,
          %slice3A_283 = vector.extract_strided_slice %get3A_225 {offsets = [5], sizes = [1], strides = [1]} : vector<16xf32> to vector<1xf32>
          %squeeze3A_284 = vector.extract %slice3A_283[0] : f32 from vector<1xf32>
          %broadcast_in_dim3A_285 = vector.broadcast %squeeze3A_284 : f32 to vector<16xf32>
          %mul3A_286 = arith.constant 16 : i32
          %mul3A_287 = arith.muli %scan3A_219, %mul3A_286 : i32
          %add3A_288 = arith.constant 5 : i32
          %add3A_289 = arith.addi %mul3A_287, %add3A_288 : i32
          %swap3A_290 = arith.index_cast %add3A_289 : i32 to index
          %swap3A_291 = arith.constant 0 : index
          %swap3A_292 = tpu.vector_load %arg12[%swap3A_290, %swap3A_291] {strides = array<i32>} : memref<256x16xf32, #tpu.memory_space<vmem>>, vector<1x16xf32>,
          %swap3A_293 = vector.shape_cast %swap3A_292 : vector<1x16xf32> to vector<16xf32>
          %swap3A_294 = vector.shape_cast %broadcast_in_dim3A_285 : vector<16xf32> to vector<1x16xf32>
          tpu.vector_store %arg12[%swap3A_290, %swap3A_291], %swap3A_294 {strides = array<i32>} : memref<256x16xf32, #tpu.memory_space<vmem>>, vector<1x16xf32>,
          %slice3A_295 = vector.extract_strided_slice %get3A_225 {offsets = [6], sizes = [1], strides = [1]} : vector<16xf32> to vector<1xf32>
          %squeeze3A_296 = vector.extract %slice3A_295[0] : f32 from vector<1xf32>
          %broadcast_in_dim3A_297 = vector.broadcast %squeeze3A_296 : f32 to vector<16xf32>
          %mul3A_298 = arith.constant 16 : i32
          %mul3A_299 = arith.muli %scan3A_219, %mul3A_298 : i32
          %add3A_300 = arith.constant 6 : i32
          %add3A_301 = arith.addi %mul3A_299, %add3A_300 : i32
          %swap3A_302 = arith.index_cast %add3A_301 : i32 to index
          %swap3A_303 = arith.constant 0 : index
          %swap3A_304 = tpu.vector_load %arg12[%swap3A_302, %swap3A_303] {strides = array<i32>} : memref<256x16xf32, #tpu.memory_space<vmem>>, vector<1x16xf32>,
          %swap3A_305 = vector.shape_cast %swap3A_304 : vector<1x16xf32> to vector<16xf32>
          %swap3A_306 = vector.shape_cast %broadcast_in_dim3A_297 : vector<16xf32> to vector<1x16xf32>
          tpu.vector_store %arg12[%swap3A_302, %swap3A_303], %swap3A_306 {strides = array<i32>} : memref<256x16xf32, #tpu.memory_space<vmem>>, vector<1x16xf32>,
          %slice3A_307 = vector.extract_strided_slice %get3A_225 {offsets = [7], sizes = [1], strides = [1]} : vector<16xf32> to vector<1xf32>
          %squeeze3A_308 = vector.extract %slice3A_307[0] : f32 from vector<1xf32>
          %broadcast_in_dim3A_309 = vector.broadcast %squeeze3A_308 : f32 to vector<16xf32>
          %mul3A_310 = arith.constant 16 : i32
          %mul3A_311 = arith.muli %scan3A_219, %mul3A_310 : i32
          %add3A_312 = arith.constant 7 : i32
          %add3A_313 = arith.addi %mul3A_311, %add3A_312 : i32
          %swap3A_314 = arith.index_cast %add3A_313 : i32 to index
          %swap3A_315 = arith.constant 0 : index
          %swap3A_316 = tpu.vector_load %arg12[%swap3A_314, %swap3A_315] {strides = array<i32>} : memref<256x16xf32, #tpu.memory_space<vmem>>, vector<1x16xf32>,
          %swap3A_317 = vector.shape_cast %swap3A_316 : vector<1x16xf32> to vector<16xf32>
          %swap3A_318 = vector.shape_cast %broadcast_in_dim3A_309 : vector<16xf32> to vector<1x16xf32>
          tpu.vector_store %arg12[%swap3A_314, %swap3A_315], %swap3A_318 {strides = array<i32>} : memref<256x16xf32, #tpu.memory_space<vmem>>, vector<1x16xf32>,
          %slice3A_319 = vector.extract_strided_slice %get3A_225 {offsets = [8], sizes = [1], strides = [1]} : vector<16xf32> to vector<1xf32>
          %squeeze3A_320 = vector.extract %slice3A_319[0] : f32 from vector<1xf32>
          %broadcast_in_dim3A_321 = vector.broadcast %squeeze3A_320 : f32 to vector<16xf32>
          %mul3A_322 = arith.constant 16 : i32
          %mul3A_323 = arith.muli %scan3A_219, %mul3A_322 : i32
          %add3A_324 = arith.constant 8 : i32
          %add3A_325 = arith.addi %mul3A_323, %add3A_324 : i32
          %swap3A_326 = arith.index_cast %add3A_325 : i32 to index
          %swap3A_327 = arith.constant 0 : index
          %swap3A_328 = tpu.vector_load %arg12[%swap3A_326, %swap3A_327] {strides = array<i32>} : memref<256x16xf32, #tpu.memory_space<vmem>>, vector<1x16xf32>,
          %swap3A_329 = vector.shape_cast %swap3A_328 : vector<1x16xf32> to vector<16xf32>
          %swap3A_330 = vector.shape_cast %broadcast_in_dim3A_321 : vector<16xf32> to vector<1x16xf32>
          tpu.vector_store %arg12[%swap3A_326, %swap3A_327], %swap3A_330 {strides = array<i32>} : memref<256x16xf32, #tpu.memory_space<vmem>>, vector<1x16xf32>,
          %slice3A_331 = vector.extract_strided_slice %get3A_225 {offsets = [9], sizes = [1], strides = [1]} : vector<16xf32> to vector<1xf32>
          %squeeze3A_332 = vector.extract %slice3A_331[0] : f32 from vector<1xf32>
          %broadcast_in_dim3A_333 = vector.broadcast %squeeze3A_332 : f32 to vector<16xf32>
          %mul3A_334 = arith.constant 16 : i32
          %mul3A_335 = arith.muli %scan3A_219, %mul3A_334 : i32
          %add3A_336 = arith.constant 9 : i32
          %add3A_337 = arith.addi %mul3A_335, %add3A_336 : i32
          %swap3A_338 = arith.index_cast %add3A_337 : i32 to index
          %swap3A_339 = arith.constant 0 : index
          %swap3A_340 = tpu.vector_load %arg12[%swap3A_338, %swap3A_339] {strides = array<i32>} : memref<256x16xf32, #tpu.memory_space<vmem>>, vector<1x16xf32>,
          %swap3A_341 = vector.shape_cast %swap3A_340 : vector<1x16xf32> to vector<16xf32>
          %swap3A_342 = vector.shape_cast %broadcast_in_dim3A_333 : vector<16xf32> to vector<1x16xf32>
          tpu.vector_store %arg12[%swap3A_338, %swap3A_339], %swap3A_342 {strides = array<i32>} : memref<256x16xf32, #tpu.memory_space<vmem>>, vector<1x16xf32>,
          %slice3A_343 = vector.extract_strided_slice %get3A_225 {offsets = [10], sizes = [1], strides = [1]} : vector<16xf32> to vector<1xf32>
          %squeeze3A_344 = vector.extract %slice3A_343[0] : f32 from vector<1xf32>
          %broadcast_in_dim3A_345 = vector.broadcast %squeeze3A_344 : f32 to vector<16xf32>
          %mul3A_346 = arith.constant 16 : i32
          %mul3A_347 = arith.muli %scan3A_219, %mul3A_346 : i32
          %add3A_348 = arith.constant 10 : i32
          %add3A_349 = arith.addi %mul3A_347, %add3A_348 : i32
          %swap3A_350 = arith.index_cast %add3A_349 : i32 to index
          %swap3A_351 = arith.constant 0 : index
          %swap3A_352 = tpu.vector_load %arg12[%swap3A_350, %swap3A_351] {strides = array<i32>} : memref<256x16xf32, #tpu.memory_space<vmem>>, vector<1x16xf32>,
          %swap3A_353 = vector.shape_cast %swap3A_352 : vector<1x16xf32> to vector<16xf32>
          %swap3A_354 = vector.shape_cast %broadcast_in_dim3A_345 : vector<16xf32> to vector<1x16xf32>
          tpu.vector_store %arg12[%swap3A_350, %swap3A_351], %swap3A_354 {strides = array<i32>} : memref<256x16xf32, #tpu.memory_space<vmem>>, vector<1x16xf32>,
          %slice3A_355 = vector.extract_strided_slice %get3A_225 {offsets = [11], sizes = [1], strides = [1]} : vector<16xf32> to vector<1xf32>
          %squeeze3A_356 = vector.extract %slice3A_355[0] : f32 from vector<1xf32>
          %broadcast_in_dim3A_357 = vector.broadcast %squeeze3A_356 : f32 to vector<16xf32>
          %mul3A_358 = arith.constant 16 : i32
          %mul3A_359 = arith.muli %scan3A_219, %mul3A_358 : i32
          %add3A_360 = arith.constant 11 : i32
          %add3A_361 = arith.addi %mul3A_359, %add3A_360 : i32
          %swap3A_362 = arith.index_cast %add3A_361 : i32 to index
          %swap3A_363 = arith.constant 0 : index
          %swap3A_364 = tpu.vector_load %arg12[%swap3A_362, %swap3A_363] {strides = array<i32>} : memref<256x16xf32, #tpu.memory_space<vmem>>, vector<1x16xf32>,
          %swap3A_365 = vector.shape_cast %swap3A_364 : vector<1x16xf32> to vector<16xf32>
          %swap3A_366 = vector.shape_cast %broadcast_in_dim3A_357 : vector<16xf32> to vector<1x16xf32>
          tpu.vector_store %arg12[%swap3A_362, %swap3A_363], %swap3A_366 {strides = array<i32>} : memref<256x16xf32, #tpu.memory_space<vmem>>, vector<1x16xf32>,
          %slice3A_367 = vector.extract_strided_slice %get3A_225 {offsets = [12], sizes = [1], strides = [1]} : vector<16xf32> to vector<1xf32>
          %squeeze3A_368 = vector.extract %slice3A_367[0] : f32 from vector<1xf32>
          %broadcast_in_dim3A_369 = vector.broadcast %squeeze3A_368 : f32 to vector<16xf32>
          %mul3A_370 = arith.constant 16 : i32
          %mul3A_371 = arith.muli %scan3A_219, %mul3A_370 : i32
          %add3A_372 = arith.constant 12 : i32
          %add3A_373 = arith.addi %mul3A_371, %add3A_372 : i32
          %swap3A_374 = arith.index_cast %add3A_373 : i32 to index
          %swap3A_375 = arith.constant 0 : index
          %swap3A_376 = tpu.vector_load %arg12[%swap3A_374, %swap3A_375] {strides = array<i32>} : memref<256x16xf32, #tpu.memory_space<vmem>>, vector<1x16xf32>,
          %swap3A_377 = vector.shape_cast %swap3A_376 : vector<1x16xf32> to vector<16xf32>
          %swap3A_378 = vector.shape_cast %broadcast_in_dim3A_369 : vector<16xf32> to vector<1x16xf32>
          tpu.vector_store %arg12[%swap3A_374, %swap3A_375], %swap3A_378 {strides = array<i32>} : memref<256x16xf32, #tpu.memory_space<vmem>>, vector<1x16xf32>,
          %slice3A_379 = vector.extract_strided_slice %get3A_225 {offsets = [13], sizes = [1], strides = [1]} : vector<16xf32> to vector<1xf32>
          %squeeze3A_380 = vector.extract %slice3A_379[0] : f32 from vector<1xf32>
          %broadcast_in_dim3A_381 = vector.broadcast %squeeze3A_380 : f32 to vector<16xf32>
          %mul3A_382 = arith.constant 16 : i32
          %mul3A_383 = arith.muli %scan3A_219, %mul3A_382 : i32
          %add3A_384 = arith.constant 13 : i32
          %add3A_385 = arith.addi %mul3A_383, %add3A_384 : i32
          %swap3A_386 = arith.index_cast %add3A_385 : i32 to index
          %swap3A_387 = arith.constant 0 : index
          %swap3A_388 = tpu.vector_load %arg12[%swap3A_386, %swap3A_387] {strides = array<i32>} : memref<256x16xf32, #tpu.memory_space<vmem>>, vector<1x16xf32>,
          %swap3A_389 = vector.shape_cast %swap3A_388 : vector<1x16xf32> to vector<16xf32>
          %swap3A_390 = vector.shape_cast %broadcast_in_dim3A_381 : vector<16xf32> to vector<1x16xf32>
          tpu.vector_store %arg12[%swap3A_386, %swap3A_387], %swap3A_390 {strides = array<i32>} : memref<256x16xf32, #tpu.memory_space<vmem>>, vector<1x16xf32>,
          %slice3A_391 = vector.extract_strided_slice %get3A_225 {offsets = [14], sizes = [1], strides = [1]} : vector<16xf32> to vector<1xf32>
          %squeeze3A_392 = vector.extract %slice3A_391[0] : f32 from vector<1xf32>
          %broadcast_in_dim3A_393 = vector.broadcast %squeeze3A_392 : f32 to vector<16xf32>
          %mul3A_394 = arith.constant 16 : i32
          %mul3A_395 = arith.muli %scan3A_219, %mul3A_394 : i32
          %add3A_396 = arith.constant 14 : i32
          %add3A_397 = arith.addi %mul3A_395, %add3A_396 : i32
          %swap3A_398 = arith.index_cast %add3A_397 : i32 to index
          %swap3A_399 = arith.constant 0 : index
          %swap3A_400 = tpu.vector_load %arg12[%swap3A_398, %swap3A_399] {strides = array<i32>} : memref<256x16xf32, #tpu.memory_space<vmem>>, vector<1x16xf32>,
          %swap3A_401 = vector.shape_cast %swap3A_400 : vector<1x16xf32> to vector<16xf32>
          %swap3A_402 = vector.shape_cast %broadcast_in_dim3A_393 : vector<16xf32> to vector<1x16xf32>
          tpu.vector_store %arg12[%swap3A_398, %swap3A_399], %swap3A_402 {strides = array<i32>} : memref<256x16xf32, #tpu.memory_space<vmem>>, vector<1x16xf32>,
          %slice3A_403 = vector.extract_strided_slice %get3A_225 {offsets = [15], sizes = [1], strides = [1]} : vector<16xf32> to vector<1xf32>
          %squeeze3A_404 = vector.extract %slice3A_403[0] : f32 from vector<1xf32>
          %broadcast_in_dim3A_405 = vector.broadcast %squeeze3A_404 : f32 to vector<16xf32>
          %mul3A_406 = arith.constant 16 : i32
          %mul3A_407 = arith.muli %scan3A_219, %mul3A_406 : i32
          %add3A_408 = arith.constant 15 : i32
          %add3A_409 = arith.addi %mul3A_407, %add3A_408 : i32
          %swap3A_410 = arith.index_cast %add3A_409 : i32 to index
          %swap3A_411 = arith.constant 0 : index
          %swap3A_412 = tpu.vector_load %arg12[%swap3A_410, %swap3A_411] {strides = array<i32>} : memref<256x16xf32, #tpu.memory_space<vmem>>, vector<1x16xf32>,
          %swap3A_413 = vector.shape_cast %swap3A_412 : vector<1x16xf32> to vector<16xf32>
          %swap3A_414 = vector.shape_cast %broadcast_in_dim3A_405 : vector<16xf32> to vector<1x16xf32>
          tpu.vector_store %arg12[%swap3A_410, %swap3A_411], %swap3A_414 {strides = array<i32>} : memref<256x16xf32, #tpu.memory_space<vmem>>, vector<1x16xf32>,
          %scan3A_415 = arith.constant 0 : i32
          scf.yield %scan3A_415 : i32
        }
        %scan3A_218 = arith.constant 16 : i32
      } else {
      }
      %dma_start3A_144 = arith.constant 0 : i32
      %dma_start3A_145 = tpu.memref_slice %arg8[%mul3A_103, %dma_start3A_144] : memref<40x256xi32, #tpu.memory_space<vmem>> -> memref<1x256xi32, #tpu.memory_space<vmem>>
      %dma_start3A_146 = tpu.memref_squeeze %dma_start3A_145 : memref<1x256xi32, #tpu.memory_space<vmem>> -> memref<256xi32, #tpu.memory_space<vmem>>
      %dma_start3A_147 = arith.constant 0 : i32
      %dma_start3A_148 = arith.constant 0 : i32
      %dma_start3A_149 = tpu.memref_slice %arg14[%dma_start3A_147, %dma_start3A_148] : memref<10240x64xf32, #tpu.memory_space<vmem_shared>> -> memref<10240x64xf32, #tpu.memory_space<vmem_shared>>
      tpu.enqueue_indirect_dma source(%arg10 : memref<256x64xf32, #tpu.memory_space<vmem>>) target(%dma_start3A_149 : memref<10240x64xf32, #tpu.memory_space<vmem_shared>>) offsets(%dma_start3A_146 : memref<256xi32, #tpu.memory_space<vmem>>) semaphore(%arg18 : memref<!tpu.dma_semaphore, #tpu.memory_space<semaphore_mem>>) {add = true}
      %eq3A_150 = arith.constant 0 : i32
      %eq3A_151 = arith.cmpi eq, %arg0, %eq3A_150 : i32
      %convert_element_type3A_152 = arith.extui %eq3A_151 : i1 to i32
      %cond3A_153 = arith.constant 0 : i32
      %cond3A_154 = arith.cmpi ne, %convert_element_type3A_152, %cond3A_153 : i32
      scf.if %cond3A_154 {
        %dma_start3A_212 = arith.constant 0 : i32
        %dma_start3A_213 = tpu.memref_slice %arg8[%mul3A_103, %dma_start3A_212] : memref<40x256xi32, #tpu.memory_space<vmem>> -> memref<1x256xi32, #tpu.memory_space<vmem>>
        %dma_start3A_214 = tpu.memref_squeeze %dma_start3A_213 : memref<1x256xi32, #tpu.memory_space<vmem>> -> memref<256xi32, #tpu.memory_space<vmem>>
        %dma_start3A_215 = arith.constant 0 : i32
        %dma_start3A_216 = arith.constant 0 : i32
        %dma_start3A_217 = tpu.memref_slice %arg15[%dma_start3A_215, %dma_start3A_216] : memref<10240x16xf32, #tpu.memory_space<vmem_shared>> -> memref<10240x16xf32, #tpu.memory_space<vmem_shared>>
        tpu.enqueue_indirect_dma source(%arg12 : memref<256x16xf32, #tpu.memory_space<vmem>>) target(%dma_start3A_217 : memref<10240x16xf32, #tpu.memory_space<vmem_shared>>) offsets(%dma_start3A_214 : memref<256xi32, #tpu.memory_space<vmem>>) semaphore(%arg20 : memref<!tpu.dma_semaphore, #tpu.memory_space<semaphore_mem>>) {add = true}
      } else {
      }
      %add3A_155 = arith.constant 1 : i32
      %add3A_156 = arith.addi %mul3A_103, %add3A_155 : i32
      %dma_wait3A_157 = arith.constant 0 : i32
      %dma_wait3A_158 = tpu.memref_slice %arg7[%add3A_156, %dma_wait3A_157] : memref<40x256xi32, #tpu.memory_space<vmem>> -> memref<1x256xi32, #tpu.memory_space<vmem>>
      %dma_wait3A_159 = tpu.memref_squeeze %dma_wait3A_158 : memref<1x256xi32, #tpu.memory_space<vmem>> -> memref<256xi32, #tpu.memory_space<vmem>>
      %dma_wait3A_160 = arith.constant 0 : i32
      %dma_wait3A_161 = arith.constant 0 : i32
      %dma_wait3A_162 = tpu.memref_slice %arg4[%arg0, %dma_wait3A_160, %dma_wait3A_161] : memref<2x10000x64xf32, #tpu.memory_space<hbm>> -> memref<1x10000x64xf32, #tpu.memory_space<hbm>>
      %dma_wait3A_163 = tpu.memref_squeeze %dma_wait3A_162 : memref<1x10000x64xf32, #tpu.memory_space<hbm>> -> memref<10000x64xf32, #tpu.memory_space<hbm>>
      %dma_wait3A_164 = arith.constant 0 : i32
      %dma_wait3A_165 = arith.constant 0 : i32
      %dma_wait3A_166 = tpu.memref_slice %dma_wait3A_163[%dma_wait3A_164, %dma_wait3A_165] : memref<10000x64xf32, #tpu.memory_space<hbm>> -> memref<10000x64xf32, #tpu.memory_space<hbm>>
      tpu.wait_indirect_dma semaphore(%arg17 : memref<!tpu.dma_semaphore, #tpu.memory_space<semaphore_mem>>) src(%dma_wait3A_166 : memref<10000x64xf32, #tpu.memory_space<hbm>>) dst(%arg11 : memref<256x64xf32, #tpu.memory_space<vmem>>)
      %dma_wait3A_167 = arith.constant 0 : i32
      %dma_wait3A_168 = tpu.memref_slice %arg8[%mul3A_103, %dma_wait3A_167] : memref<40x256xi32, #tpu.memory_space<vmem>> -> memref<1x256xi32, #tpu.memory_space<vmem>>
      %dma_wait3A_169 = tpu.memref_squeeze %dma_wait3A_168 : memref<1x256xi32, #tpu.memory_space<vmem>> -> memref<256xi32, #tpu.memory_space<vmem>>
      %dma_wait3A_170 = arith.constant 0 : i32
      %dma_wait3A_171 = arith.constant 0 : i32
      %dma_wait3A_172 = tpu.memref_slice %arg14[%dma_wait3A_170, %dma_wait3A_171] : memref<10240x64xf32, #tpu.memory_space<vmem_shared>> -> memref<10240x64xf32, #tpu.memory_space<vmem_shared>>
      tpu.wait_indirect_dma semaphore(%arg18 : memref<!tpu.dma_semaphore, #tpu.memory_space<semaphore_mem>>) src(%arg10 : memref<256x64xf32, #tpu.memory_space<vmem>>) dst(%dma_wait3A_172 : memref<10240x64xf32, #tpu.memory_space<vmem_shared>>)
      %eq3A_173 = arith.constant 0 : i32
      %eq3A_174 = arith.cmpi eq, %arg0, %eq3A_173 : i32
      %convert_element_type3A_175 = arith.extui %eq3A_174 : i1 to i32
      %cond3A_176 = arith.constant 0 : i32
      %cond3A_177 = arith.cmpi ne, %convert_element_type3A_175, %cond3A_176 : i32
      scf.if %cond3A_177 {
        %dma_wait3A_212 = arith.constant 0 : i32
        %dma_wait3A_213 = tpu.memref_slice %arg8[%mul3A_103, %dma_wait3A_212] : memref<40x256xi32, #tpu.memory_space<vmem>> -> memref<1x256xi32, #tpu.memory_space<vmem>>
        %dma_wait3A_214 = tpu.memref_squeeze %dma_wait3A_213 : memref<1x256xi32, #tpu.memory_space<vmem>> -> memref<256xi32, #tpu.memory_space<vmem>>
        %dma_wait3A_215 = arith.constant 0 : i32
        %dma_wait3A_216 = arith.constant 0 : i32
        %dma_wait3A_217 = tpu.memref_slice %arg15[%dma_wait3A_215, %dma_wait3A_216] : memref<10240x16xf32, #tpu.memory_space<vmem_shared>> -> memref<10240x16xf32, #tpu.memory_space<vmem_shared>>
        tpu.wait_indirect_dma semaphore(%arg20 : memref<!tpu.dma_semaphore, #tpu.memory_space<semaphore_mem>>) src(%arg12 : memref<256x16xf32, #tpu.memory_space<vmem>>) dst(%dma_wait3A_217 : memref<10240x16xf32, #tpu.memory_space<vmem_shared>>)
      } else {
      }
      %lt3A = arith.constant 19 : i32
      %lt3A_178 = arith.cmpi slt, %scan3A_100, %lt3A : i32
      %convert_element_type3A_179 = arith.extui %lt3A_178 : i1 to i32
      %cond3A_180 = arith.constant 0 : i32
      %cond3A_181 = arith.cmpi ne, %convert_element_type3A_179, %cond3A_180 : i32
      scf.if %cond3A_181 {
        %add3A_212 = arith.constant 2 : i32
        %add3A_213 = arith.addi %mul3A_103, %add3A_212 : i32
        %dma_start3A_214 = arith.constant 0 : i32
        %dma_start3A_215 = tpu.memref_slice %arg7[%add3A_213, %dma_start3A_214] : memref<40x256xi32, #tpu.memory_space<vmem>> -> memref<1x256xi32, #tpu.memory_space<vmem>>
        %dma_start3A_216 = tpu.memref_squeeze %dma_start3A_215 : memref<1x256xi32, #tpu.memory_space<vmem>> -> memref<256xi32, #tpu.memory_space<vmem>>
        %dma_start3A_217 = arith.constant 0 : i32
        %dma_start3A_218 = arith.constant 0 : i32
        %dma_start3A_219 = tpu.memref_slice %arg4[%arg0, %dma_start3A_217, %dma_start3A_218] : memref<2x10000x64xf32, #tpu.memory_space<hbm>> -> memref<1x10000x64xf32, #tpu.memory_space<hbm>>
        %dma_start3A_220 = tpu.memref_squeeze %dma_start3A_219 : memref<1x10000x64xf32, #tpu.memory_space<hbm>> -> memref<10000x64xf32, #tpu.memory_space<hbm>>
        %dma_start3A_221 = arith.constant 0 : i32
        %dma_start3A_222 = arith.constant 0 : i32
        %dma_start3A_223 = tpu.memref_slice %dma_start3A_220[%dma_start3A_221, %dma_start3A_222] : memref<10000x64xf32, #tpu.memory_space<hbm>> -> memref<10000x64xf32, #tpu.memory_space<hbm>>
        tpu.enqueue_indirect_dma source(%dma_start3A_223 : memref<10000x64xf32, #tpu.memory_space<hbm>>) target(%arg10 : memref<256x64xf32, #tpu.memory_space<vmem>>) offsets(%dma_start3A_216 : memref<256xi32, #tpu.memory_space<vmem>>) semaphore(%arg16 : memref<!tpu.dma_semaphore, #tpu.memory_space<semaphore_mem>>)
      } else {
      }
      %add3A_182 = arith.constant 1 : i32
      %add3A_183 = arith.addi %mul3A_103, %add3A_182 : i32
      %mul3A_184 = arith.constant 256 : i32
      %mul3A_185 = arith.muli %add3A_183, %mul3A_184 : i32
      %scan3A_186 = arith.constant 0 : i32
      %scan3A_187 = arith.constant 0 : i32
      %scan3A_188 = arith.constant 16 : i32
      %scan3A_189 = arith.addi %scan3A_187, %scan3A_188 : i32
      %scan3A_190 = arith.constant 1 : i32
      %scan3A_191 = scf.for %scan3A_212 = %scan3A_187 to %scan3A_189 step %scan3A_190 iter_args(%scan3A_213 = %scan3A_186) -> (i32)  : i32 {
        %mul3A_214 = arith.constant 16 : i32
        %mul3A_215 = arith.muli %scan3A_212, %mul3A_214 : i32
        %add3A_216 = arith.addi %mul3A_185, %mul3A_215 : i32
        %get3A = arith.index_cast %add3A_216 : i32 to index
        %get3A_217 = tpu.vector_load %arg9[%get3A] {strides = array<i32>} : memref<10240xf32, #tpu.memory_space<vmem>>, vector<16xf32>,
        %get3A_218 = vector.shape_cast %get3A_217 : vector<16xf32> to vector<16xf32>
        %mul3A_219 = arith.constant 16 : i32
        %mul3A_220 = arith.muli %scan3A_212, %mul3A_219 : i32
        %add3A_221 = arith.constant 0 : i32
        %add3A_222 = arith.addi %mul3A_220, %add3A_221 : i32
        %slice3A = vector.extract_strided_slice %get3A_218 {offsets = [0], sizes = [1], strides = [1]} : vector<16xf32> to vector<1xf32>
        %squeeze3A = vector.extract %slice3A[0] : f32 from vector<1xf32>
        %broadcast_in_dim3A_223 = vector.broadcast %squeeze3A : f32 to vector<16xf32>
        %get3A_224 = arith.index_cast %add3A_222 : i32 to index
        %get3A_225 = arith.constant 0 : index
        %get3A_226 = tpu.vector_load %arg11[%get3A_224, %get3A_225] {strides = array<i32>} : memref<256x64xf32, #tpu.memory_space<vmem>>, vector<1x16xf32>,
        %get3A_227 = vector.shape_cast %get3A_226 : vector<1x16xf32> to vector<16xf32>
        %get3A_228 = arith.index_cast %add3A_222 : i32 to index
        %get3A_229 = arith.constant 16 : index
        %get3A_230 = tpu.vector_load %arg11[%get3A_228, %get3A_229] {strides = array<i32>} : memref<256x64xf32, #tpu.memory_space<vmem>>, vector<1x16xf32>,
        %get3A_231 = vector.shape_cast %get3A_230 : vector<1x16xf32> to vector<16xf32>
        %get3A_232 = arith.index_cast %add3A_222 : i32 to index
        %get3A_233 = arith.constant 32 : index
        %get3A_234 = tpu.vector_load %arg11[%get3A_232, %get3A_233] {strides = array<i32>} : memref<256x64xf32, #tpu.memory_space<vmem>>, vector<1x16xf32>,
        %get3A_235 = vector.shape_cast %get3A_234 : vector<1x16xf32> to vector<16xf32>
        %get3A_236 = arith.index_cast %add3A_222 : i32 to index
        %get3A_237 = arith.constant 48 : index
        %get3A_238 = tpu.vector_load %arg11[%get3A_236, %get3A_237] {strides = array<i32>} : memref<256x64xf32, #tpu.memory_space<vmem>>, vector<1x16xf32>,
        %get3A_239 = vector.shape_cast %get3A_238 : vector<1x16xf32> to vector<16xf32>
        %mul3A_240 = arith.mulf %get3A_227, %broadcast_in_dim3A_223 : vector<16xf32>
        %mul3A_241 = arith.mulf %get3A_231, %broadcast_in_dim3A_223 : vector<16xf32>
        %mul3A_242 = arith.mulf %get3A_235, %broadcast_in_dim3A_223 : vector<16xf32>
        %mul3A_243 = arith.mulf %get3A_239, %broadcast_in_dim3A_223 : vector<16xf32>
        %swap3A = arith.index_cast %add3A_222 : i32 to index
        %swap3A_244 = arith.constant 0 : index
        %swap3A_245 = tpu.vector_load %arg11[%swap3A, %swap3A_244] {strides = array<i32>} : memref<256x64xf32, #tpu.memory_space<vmem>>, vector<1x16xf32>,
        %swap3A_246 = vector.shape_cast %swap3A_245 : vector<1x16xf32> to vector<16xf32>
        %swap3A_247 = vector.shape_cast %mul3A_240 : vector<16xf32> to vector<1x16xf32>
        tpu.vector_store %arg11[%swap3A, %swap3A_244], %swap3A_247 {strides = array<i32>} : memref<256x64xf32, #tpu.memory_space<vmem>>, vector<1x16xf32>,
        %swap3A_248 = arith.index_cast %add3A_222 : i32 to index
        %swap3A_249 = arith.constant 16 : index
        %swap3A_250 = tpu.vector_load %arg11[%swap3A_248, %swap3A_249] {strides = array<i32>} : memref<256x64xf32, #tpu.memory_space<vmem>>, vector<1x16xf32>,
        %swap3A_251 = vector.shape_cast %swap3A_250 : vector<1x16xf32> to vector<16xf32>
        %swap3A_252 = vector.shape_cast %mul3A_241 : vector<16xf32> to vector<1x16xf32>
        tpu.vector_store %arg11[%swap3A_248, %swap3A_249], %swap3A_252 {strides = array<i32>} : memref<256x64xf32, #tpu.memory_space<vmem>>, vector<1x16xf32>,
        %swap3A_253 = arith.index_cast %add3A_222 : i32 to index
        %swap3A_254 = arith.constant 32 : index
        %swap3A_255 = tpu.vector_load %arg11[%swap3A_253, %swap3A_254] {strides = array<i32>} : memref<256x64xf32, #tpu.memory_space<vmem>>, vector<1x16xf32>,
        %swap3A_256 = vector.shape_cast %swap3A_255 : vector<1x16xf32> to vector<16xf32>
        %swap3A_257 = vector.shape_cast %mul3A_242 : vector<16xf32> to vector<1x16xf32>
        tpu.vector_store %arg11[%swap3A_253, %swap3A_254], %swap3A_257 {strides = array<i32>} : memref<256x64xf32, #tpu.memory_space<vmem>>, vector<1x16xf32>,
        %swap3A_258 = arith.index_cast %add3A_222 : i32 to index
        %swap3A_259 = arith.constant 48 : index
        %swap3A_260 = tpu.vector_load %arg11[%swap3A_258, %swap3A_259] {strides = array<i32>} : memref<256x64xf32, #tpu.memory_space<vmem>>, vector<1x16xf32>,
        %swap3A_261 = vector.shape_cast %swap3A_260 : vector<1x16xf32> to vector<16xf32>
        %swap3A_262 = vector.shape_cast %mul3A_243 : vector<16xf32> to vector<1x16xf32>
        tpu.vector_store %arg11[%swap3A_258, %swap3A_259], %swap3A_262 {strides = array<i32>} : memref<256x64xf32, #tpu.memory_space<vmem>>, vector<1x16xf32>,
        %mul3A_263 = arith.constant 16 : i32
        %mul3A_264 = arith.muli %scan3A_212, %mul3A_263 : i32
        %add3A_265 = arith.constant 1 : i32
        %add3A_266 = arith.addi %mul3A_264, %add3A_265 : i32
        %slice3A_267 = vector.extract_strided_slice %get3A_218 {offsets = [1], sizes = [1], strides = [1]} : vector<16xf32> to vector<1xf32>
        %squeeze3A_268 = vector.extract %slice3A_267[0] : f32 from vector<1xf32>
        %broadcast_in_dim3A_269 = vector.broadcast %squeeze3A_268 : f32 to vector<16xf32>
        %get3A_270 = arith.index_cast %add3A_266 : i32 to index
        %get3A_271 = arith.constant 0 : index
        %get3A_272 = tpu.vector_load %arg11[%get3A_270, %get3A_271] {strides = array<i32>} : memref<256x64xf32, #tpu.memory_space<vmem>>, vector<1x16xf32>,
        %get3A_273 = vector.shape_cast %get3A_272 : vector<1x16xf32> to vector<16xf32>
        %get3A_274 = arith.index_cast %add3A_266 : i32 to index
        %get3A_275 = arith.constant 16 : index
        %get3A_276 = tpu.vector_load %arg11[%get3A_274, %get3A_275] {strides = array<i32>} : memref<256x64xf32, #tpu.memory_space<vmem>>, vector<1x16xf32>,
        %get3A_277 = vector.shape_cast %get3A_276 : vector<1x16xf32> to vector<16xf32>
        %get3A_278 = arith.index_cast %add3A_266 : i32 to index
        %get3A_279 = arith.constant 32 : index
        %get3A_280 = tpu.vector_load %arg11[%get3A_278, %get3A_279] {strides = array<i32>} : memref<256x64xf32, #tpu.memory_space<vmem>>, vector<1x16xf32>,
        %get3A_281 = vector.shape_cast %get3A_280 : vector<1x16xf32> to vector<16xf32>
        %get3A_282 = arith.index_cast %add3A_266 : i32 to index
        %get3A_283 = arith.constant 48 : index
        %get3A_284 = tpu.vector_load %arg11[%get3A_282, %get3A_283] {strides = array<i32>} : memref<256x64xf32, #tpu.memory_space<vmem>>, vector<1x16xf32>,
        %get3A_285 = vector.shape_cast %get3A_284 : vector<1x16xf32> to vector<16xf32>
        %mul3A_286 = arith.mulf %get3A_273, %broadcast_in_dim3A_269 : vector<16xf32>
        %mul3A_287 = arith.mulf %get3A_277, %broadcast_in_dim3A_269 : vector<16xf32>
        %mul3A_288 = arith.mulf %get3A_281, %broadcast_in_dim3A_269 : vector<16xf32>
        %mul3A_289 = arith.mulf %get3A_285, %broadcast_in_dim3A_269 : vector<16xf32>
        %swap3A_290 = arith.index_cast %add3A_266 : i32 to index
        %swap3A_291 = arith.constant 0 : index
        %swap3A_292 = tpu.vector_load %arg11[%swap3A_290, %swap3A_291] {strides = array<i32>} : memref<256x64xf32, #tpu.memory_space<vmem>>, vector<1x16xf32>,
        %swap3A_293 = vector.shape_cast %swap3A_292 : vector<1x16xf32> to vector<16xf32>
        %swap3A_294 = vector.shape_cast %mul3A_286 : vector<16xf32> to vector<1x16xf32>
        tpu.vector_store %arg11[%swap3A_290, %swap3A_291], %swap3A_294 {strides = array<i32>} : memref<256x64xf32, #tpu.memory_space<vmem>>, vector<1x16xf32>,
        %swap3A_295 = arith.index_cast %add3A_266 : i32 to index
        %swap3A_296 = arith.constant 16 : index
        %swap3A_297 = tpu.vector_load %arg11[%swap3A_295, %swap3A_296] {strides = array<i32>} : memref<256x64xf32, #tpu.memory_space<vmem>>, vector<1x16xf32>,
        %swap3A_298 = vector.shape_cast %swap3A_297 : vector<1x16xf32> to vector<16xf32>
        %swap3A_299 = vector.shape_cast %mul3A_287 : vector<16xf32> to vector<1x16xf32>
        tpu.vector_store %arg11[%swap3A_295, %swap3A_296], %swap3A_299 {strides = array<i32>} : memref<256x64xf32, #tpu.memory_space<vmem>>, vector<1x16xf32>,
        %swap3A_300 = arith.index_cast %add3A_266 : i32 to index
        %swap3A_301 = arith.constant 32 : index
        %swap3A_302 = tpu.vector_load %arg11[%swap3A_300, %swap3A_301] {strides = array<i32>} : memref<256x64xf32, #tpu.memory_space<vmem>>, vector<1x16xf32>,
        %swap3A_303 = vector.shape_cast %swap3A_302 : vector<1x16xf32> to vector<16xf32>
        %swap3A_304 = vector.shape_cast %mul3A_288 : vector<16xf32> to vector<1x16xf32>
        tpu.vector_store %arg11[%swap3A_300, %swap3A_301], %swap3A_304 {strides = array<i32>} : memref<256x64xf32, #tpu.memory_space<vmem>>, vector<1x16xf32>,
        %swap3A_305 = arith.index_cast %add3A_266 : i32 to index
        %swap3A_306 = arith.constant 48 : index
        %swap3A_307 = tpu.vector_load %arg11[%swap3A_305, %swap3A_306] {strides = array<i32>} : memref<256x64xf32, #tpu.memory_space<vmem>>, vector<1x16xf32>,
        %swap3A_308 = vector.shape_cast %swap3A_307 : vector<1x16xf32> to vector<16xf32>
        %swap3A_309 = vector.shape_cast %mul3A_289 : vector<16xf32> to vector<1x16xf32>
        tpu.vector_store %arg11[%swap3A_305, %swap3A_306], %swap3A_309 {strides = array<i32>} : memref<256x64xf32, #tpu.memory_space<vmem>>, vector<1x16xf32>,
        %mul3A_310 = arith.constant 16 : i32
        %mul3A_311 = arith.muli %scan3A_212, %mul3A_310 : i32
        %add3A_312 = arith.constant 2 : i32
        %add3A_313 = arith.addi %mul3A_311, %add3A_312 : i32
        %slice3A_314 = vector.extract_strided_slice %get3A_218 {offsets = [2], sizes = [1], strides = [1]} : vector<16xf32> to vector<1xf32>
        %squeeze3A_315 = vector.extract %slice3A_314[0] : f32 from vector<1xf32>
        %broadcast_in_dim3A_316 = vector.broadcast %squeeze3A_315 : f32 to vector<16xf32>
        %get3A_317 = arith.index_cast %add3A_313 : i32 to index
        %get3A_318 = arith.constant 0 : index
        %get3A_319 = tpu.vector_load %arg11[%get3A_317, %get3A_318] {strides = array<i32>} : memref<256x64xf32, #tpu.memory_space<vmem>>, vector<1x16xf32>,
        %get3A_320 = vector.shape_cast %get3A_319 : vector<1x16xf32> to vector<16xf32>
        %get3A_321 = arith.index_cast %add3A_313 : i32 to index
        %get3A_322 = arith.constant 16 : index
        %get3A_323 = tpu.vector_load %arg11[%get3A_321, %get3A_322] {strides = array<i32>} : memref<256x64xf32, #tpu.memory_space<vmem>>, vector<1x16xf32>,
        %get3A_324 = vector.shape_cast %get3A_323 : vector<1x16xf32> to vector<16xf32>
        %get3A_325 = arith.index_cast %add3A_313 : i32 to index
        %get3A_326 = arith.constant 32 : index
        %get3A_327 = tpu.vector_load %arg11[%get3A_325, %get3A_326] {strides = array<i32>} : memref<256x64xf32, #tpu.memory_space<vmem>>, vector<1x16xf32>,
        %get3A_328 = vector.shape_cast %get3A_327 : vector<1x16xf32> to vector<16xf32>
        %get3A_329 = arith.index_cast %add3A_313 : i32 to index
        %get3A_330 = arith.constant 48 : index
        %get3A_331 = tpu.vector_load %arg11[%get3A_329, %get3A_330] {strides = array<i32>} : memref<256x64xf32, #tpu.memory_space<vmem>>, vector<1x16xf32>,
        %get3A_332 = vector.shape_cast %get3A_331 : vector<1x16xf32> to vector<16xf32>
        %mul3A_333 = arith.mulf %get3A_320, %broadcast_in_dim3A_316 : vector<16xf32>
        %mul3A_334 = arith.mulf %get3A_324, %broadcast_in_dim3A_316 : vector<16xf32>
        %mul3A_335 = arith.mulf %get3A_328, %broadcast_in_dim3A_316 : vector<16xf32>
        %mul3A_336 = arith.mulf %get3A_332, %broadcast_in_dim3A_316 : vector<16xf32>
        %swap3A_337 = arith.index_cast %add3A_313 : i32 to index
        %swap3A_338 = arith.constant 0 : index
        %swap3A_339 = tpu.vector_load %arg11[%swap3A_337, %swap3A_338] {strides = array<i32>} : memref<256x64xf32, #tpu.memory_space<vmem>>, vector<1x16xf32>,
        %swap3A_340 = vector.shape_cast %swap3A_339 : vector<1x16xf32> to vector<16xf32>
        %swap3A_341 = vector.shape_cast %mul3A_333 : vector<16xf32> to vector<1x16xf32>
        tpu.vector_store %arg11[%swap3A_337, %swap3A_338], %swap3A_341 {strides = array<i32>} : memref<256x64xf32, #tpu.memory_space<vmem>>, vector<1x16xf32>,
        %swap3A_342 = arith.index_cast %add3A_313 : i32 to index
        %swap3A_343 = arith.constant 16 : index
        %swap3A_344 = tpu.vector_load %arg11[%swap3A_342, %swap3A_343] {strides = array<i32>} : memref<256x64xf32, #tpu.memory_space<vmem>>, vector<1x16xf32>,
        %swap3A_345 = vector.shape_cast %swap3A_344 : vector<1x16xf32> to vector<16xf32>
        %swap3A_346 = vector.shape_cast %mul3A_334 : vector<16xf32> to vector<1x16xf32>
        tpu.vector_store %arg11[%swap3A_342, %swap3A_343], %swap3A_346 {strides = array<i32>} : memref<256x64xf32, #tpu.memory_space<vmem>>, vector<1x16xf32>,
        %swap3A_347 = arith.index_cast %add3A_313 : i32 to index
        %swap3A_348 = arith.constant 32 : index
        %swap3A_349 = tpu.vector_load %arg11[%swap3A_347, %swap3A_348] {strides = array<i32>} : memref<256x64xf32, #tpu.memory_space<vmem>>, vector<1x16xf32>,
        %swap3A_350 = vector.shape_cast %swap3A_349 : vector<1x16xf32> to vector<16xf32>
        %swap3A_351 = vector.shape_cast %mul3A_335 : vector<16xf32> to vector<1x16xf32>
        tpu.vector_store %arg11[%swap3A_347, %swap3A_348], %swap3A_351 {strides = array<i32>} : memref<256x64xf32, #tpu.memory_space<vmem>>, vector<1x16xf32>,
        %swap3A_352 = arith.index_cast %add3A_313 : i32 to index
        %swap3A_353 = arith.constant 48 : index
        %swap3A_354 = tpu.vector_load %arg11[%swap3A_352, %swap3A_353] {strides = array<i32>} : memref<256x64xf32, #tpu.memory_space<vmem>>, vector<1x16xf32>,
        %swap3A_355 = vector.shape_cast %swap3A_354 : vector<1x16xf32> to vector<16xf32>
        %swap3A_356 = vector.shape_cast %mul3A_336 : vector<16xf32> to vector<1x16xf32>
        tpu.vector_store %arg11[%swap3A_352, %swap3A_353], %swap3A_356 {strides = array<i32>} : memref<256x64xf32, #tpu.memory_space<vmem>>, vector<1x16xf32>,
        %mul3A_357 = arith.constant 16 : i32
        %mul3A_358 = arith.muli %scan3A_212, %mul3A_357 : i32
        %add3A_359 = arith.constant 3 : i32
        %add3A_360 = arith.addi %mul3A_358, %add3A_359 : i32
        %slice3A_361 = vector.extract_strided_slice %get3A_218 {offsets = [3], sizes = [1], strides = [1]} : vector<16xf32> to vector<1xf32>
        %squeeze3A_362 = vector.extract %slice3A_361[0] : f32 from vector<1xf32>
        %broadcast_in_dim3A_363 = vector.broadcast %squeeze3A_362 : f32 to vector<16xf32>
        %get3A_364 = arith.index_cast %add3A_360 : i32 to index
        %get3A_365 = arith.constant 0 : index
        %get3A_366 = tpu.vector_load %arg11[%get3A_364, %get3A_365] {strides = array<i32>} : memref<256x64xf32, #tpu.memory_space<vmem>>, vector<1x16xf32>,
        %get3A_367 = vector.shape_cast %get3A_366 : vector<1x16xf32> to vector<16xf32>
        %get3A_368 = arith.index_cast %add3A_360 : i32 to index
        %get3A_369 = arith.constant 16 : index
        %get3A_370 = tpu.vector_load %arg11[%get3A_368, %get3A_369] {strides = array<i32>} : memref<256x64xf32, #tpu.memory_space<vmem>>, vector<1x16xf32>,
        %get3A_371 = vector.shape_cast %get3A_370 : vector<1x16xf32> to vector<16xf32>
        %get3A_372 = arith.index_cast %add3A_360 : i32 to index
        %get3A_373 = arith.constant 32 : index
        %get3A_374 = tpu.vector_load %arg11[%get3A_372, %get3A_373] {strides = array<i32>} : memref<256x64xf32, #tpu.memory_space<vmem>>, vector<1x16xf32>,
        %get3A_375 = vector.shape_cast %get3A_374 : vector<1x16xf32> to vector<16xf32>
        %get3A_376 = arith.index_cast %add3A_360 : i32 to index
        %get3A_377 = arith.constant 48 : index
        %get3A_378 = tpu.vector_load %arg11[%get3A_376, %get3A_377] {strides = array<i32>} : memref<256x64xf32, #tpu.memory_space<vmem>>, vector<1x16xf32>,
        %get3A_379 = vector.shape_cast %get3A_378 : vector<1x16xf32> to vector<16xf32>
        %mul3A_380 = arith.mulf %get3A_367, %broadcast_in_dim3A_363 : vector<16xf32>
        %mul3A_381 = arith.mulf %get3A_371, %broadcast_in_dim3A_363 : vector<16xf32>
        %mul3A_382 = arith.mulf %get3A_375, %broadcast_in_dim3A_363 : vector<16xf32>
        %mul3A_383 = arith.mulf %get3A_379, %broadcast_in_dim3A_363 : vector<16xf32>
        %swap3A_384 = arith.index_cast %add3A_360 : i32 to index
        %swap3A_385 = arith.constant 0 : index
        %swap3A_386 = tpu.vector_load %arg11[%swap3A_384, %swap3A_385] {strides = array<i32>} : memref<256x64xf32, #tpu.memory_space<vmem>>, vector<1x16xf32>,
        %swap3A_387 = vector.shape_cast %swap3A_386 : vector<1x16xf32> to vector<16xf32>
        %swap3A_388 = vector.shape_cast %mul3A_380 : vector<16xf32> to vector<1x16xf32>
        tpu.vector_store %arg11[%swap3A_384, %swap3A_385], %swap3A_388 {strides = array<i32>} : memref<256x64xf32, #tpu.memory_space<vmem>>, vector<1x16xf32>,
        %swap3A_389 = arith.index_cast %add3A_360 : i32 to index
        %swap3A_390 = arith.constant 16 : index
        %swap3A_391 = tpu.vector_load %arg11[%swap3A_389, %swap3A_390] {strides = array<i32>} : memref<256x64xf32, #tpu.memory_space<vmem>>, vector<1x16xf32>,
        %swap3A_392 = vector.shape_cast %swap3A_391 : vector<1x16xf32> to vector<16xf32>
        %swap3A_393 = vector.shape_cast %mul3A_381 : vector<16xf32> to vector<1x16xf32>
        tpu.vector_store %arg11[%swap3A_389, %swap3A_390], %swap3A_393 {strides = array<i32>} : memref<256x64xf32, #tpu.memory_space<vmem>>, vector<1x16xf32>,
        %swap3A_394 = arith.index_cast %add3A_360 : i32 to index
        %swap3A_395 = arith.constant 32 : index
        %swap3A_396 = tpu.vector_load %arg11[%swap3A_394, %swap3A_395] {strides = array<i32>} : memref<256x64xf32, #tpu.memory_space<vmem>>, vector<1x16xf32>,
        %swap3A_397 = vector.shape_cast %swap3A_396 : vector<1x16xf32> to vector<16xf32>
        %swap3A_398 = vector.shape_cast %mul3A_382 : vector<16xf32> to vector<1x16xf32>
        tpu.vector_store %arg11[%swap3A_394, %swap3A_395], %swap3A_398 {strides = array<i32>} : memref<256x64xf32, #tpu.memory_space<vmem>>, vector<1x16xf32>,
        %swap3A_399 = arith.index_cast %add3A_360 : i32 to index
        %swap3A_400 = arith.constant 48 : index
        %swap3A_401 = tpu.vector_load %arg11[%swap3A_399, %swap3A_400] {strides = array<i32>} : memref<256x64xf32, #tpu.memory_space<vmem>>, vector<1x16xf32>,
        %swap3A_402 = vector.shape_cast %swap3A_401 : vector<1x16xf32> to vector<16xf32>
        %swap3A_403 = vector.shape_cast %mul3A_383 : vector<16xf32> to vector<1x16xf32>
        tpu.vector_store %arg11[%swap3A_399, %swap3A_400], %swap3A_403 {strides = array<i32>} : memref<256x64xf32, #tpu.memory_space<vmem>>, vector<1x16xf32>,
        %mul3A_404 = arith.constant 16 : i32
        %mul3A_405 = arith.muli %scan3A_212, %mul3A_404 : i32
        %add3A_406 = arith.constant 4 : i32
        %add3A_407 = arith.addi %mul3A_405, %add3A_406 : i32
        %slice3A_408 = vector.extract_strided_slice %get3A_218 {offsets = [4], sizes = [1], strides = [1]} : vector<16xf32> to vector<1xf32>
        %squeeze3A_409 = vector.extract %slice3A_408[0] : f32 from vector<1xf32>
        %broadcast_in_dim3A_410 = vector.broadcast %squeeze3A_409 : f32 to vector<16xf32>
        %get3A_411 = arith.index_cast %add3A_407 : i32 to index
        %get3A_412 = arith.constant 0 : index
        %get3A_413 = tpu.vector_load %arg11[%get3A_411, %get3A_412] {strides = array<i32>} : memref<256x64xf32, #tpu.memory_space<vmem>>, vector<1x16xf32>,
        %get3A_414 = vector.shape_cast %get3A_413 : vector<1x16xf32> to vector<16xf32>
        %get3A_415 = arith.index_cast %add3A_407 : i32 to index
        %get3A_416 = arith.constant 16 : index
        %get3A_417 = tpu.vector_load %arg11[%get3A_415, %get3A_416] {strides = array<i32>} : memref<256x64xf32, #tpu.memory_space<vmem>>, vector<1x16xf32>,
        %get3A_418 = vector.shape_cast %get3A_417 : vector<1x16xf32> to vector<16xf32>
        %get3A_419 = arith.index_cast %add3A_407 : i32 to index
        %get3A_420 = arith.constant 32 : index
        %get3A_421 = tpu.vector_load %arg11[%get3A_419, %get3A_420] {strides = array<i32>} : memref<256x64xf32, #tpu.memory_space<vmem>>, vector<1x16xf32>,
        %get3A_422 = vector.shape_cast %get3A_421 : vector<1x16xf32> to vector<16xf32>
        %get3A_423 = arith.index_cast %add3A_407 : i32 to index
        %get3A_424 = arith.constant 48 : index
        %get3A_425 = tpu.vector_load %arg11[%get3A_423, %get3A_424] {strides = array<i32>} : memref<256x64xf32, #tpu.memory_space<vmem>>, vector<1x16xf32>,
        %get3A_426 = vector.shape_cast %get3A_425 : vector<1x16xf32> to vector<16xf32>
        %mul3A_427 = arith.mulf %get3A_414, %broadcast_in_dim3A_410 : vector<16xf32>
        %mul3A_428 = arith.mulf %get3A_418, %broadcast_in_dim3A_410 : vector<16xf32>
        %mul3A_429 = arith.mulf %get3A_422, %broadcast_in_dim3A_410 : vector<16xf32>
        %mul3A_430 = arith.mulf %get3A_426, %broadcast_in_dim3A_410 : vector<16xf32>
        %swap3A_431 = arith.index_cast %add3A_407 : i32 to index
        %swap3A_432 = arith.constant 0 : index
        %swap3A_433 = tpu.vector_load %arg11[%swap3A_431, %swap3A_432] {strides = array<i32>} : memref<256x64xf32, #tpu.memory_space<vmem>>, vector<1x16xf32>,
        %swap3A_434 = vector.shape_cast %swap3A_433 : vector<1x16xf32> to vector<16xf32>
        %swap3A_435 = vector.shape_cast %mul3A_427 : vector<16xf32> to vector<1x16xf32>
        tpu.vector_store %arg11[%swap3A_431, %swap3A_432], %swap3A_435 {strides = array<i32>} : memref<256x64xf32, #tpu.memory_space<vmem>>, vector<1x16xf32>,
        %swap3A_436 = arith.index_cast %add3A_407 : i32 to index
        %swap3A_437 = arith.constant 16 : index
        %swap3A_438 = tpu.vector_load %arg11[%swap3A_436, %swap3A_437] {strides = array<i32>} : memref<256x64xf32, #tpu.memory_space<vmem>>, vector<1x16xf32>,
        %swap3A_439 = vector.shape_cast %swap3A_438 : vector<1x16xf32> to vector<16xf32>
        %swap3A_440 = vector.shape_cast %mul3A_428 : vector<16xf32> to vector<1x16xf32>
        tpu.vector_store %arg11[%swap3A_436, %swap3A_437], %swap3A_440 {strides = array<i32>} : memref<256x64xf32, #tpu.memory_space<vmem>>, vector<1x16xf32>,
        %swap3A_441 = arith.index_cast %add3A_407 : i32 to index
        %swap3A_442 = arith.constant 32 : index
        %swap3A_443 = tpu.vector_load %arg11[%swap3A_441, %swap3A_442] {strides = array<i32>} : memref<256x64xf32, #tpu.memory_space<vmem>>, vector<1x16xf32>,
        %swap3A_444 = vector.shape_cast %swap3A_443 : vector<1x16xf32> to vector<16xf32>
        %swap3A_445 = vector.shape_cast %mul3A_429 : vector<16xf32> to vector<1x16xf32>
        tpu.vector_store %arg11[%swap3A_441, %swap3A_442], %swap3A_445 {strides = array<i32>} : memref<256x64xf32, #tpu.memory_space<vmem>>, vector<1x16xf32>,
        %swap3A_446 = arith.index_cast %add3A_407 : i32 to index
        %swap3A_447 = arith.constant 48 : index
        %swap3A_448 = tpu.vector_load %arg11[%swap3A_446, %swap3A_447] {strides = array<i32>} : memref<256x64xf32, #tpu.memory_space<vmem>>, vector<1x16xf32>,
        %swap3A_449 = vector.shape_cast %swap3A_448 : vector<1x16xf32> to vector<16xf32>
        %swap3A_450 = vector.shape_cast %mul3A_430 : vector<16xf32> to vector<1x16xf32>
        tpu.vector_store %arg11[%swap3A_446, %swap3A_447], %swap3A_450 {strides = array<i32>} : memref<256x64xf32, #tpu.memory_space<vmem>>, vector<1x16xf32>,
        %mul3A_451 = arith.constant 16 : i32
        %mul3A_452 = arith.muli %scan3A_212, %mul3A_451 : i32
        %add3A_453 = arith.constant 5 : i32
        %add3A_454 = arith.addi %mul3A_452, %add3A_453 : i32
        %slice3A_455 = vector.extract_strided_slice %get3A_218 {offsets = [5], sizes = [1], strides = [1]} : vector<16xf32> to vector<1xf32>
        %squeeze3A_456 = vector.extract %slice3A_455[0] : f32 from vector<1xf32>
        %broadcast_in_dim3A_457 = vector.broadcast %squeeze3A_456 : f32 to vector<16xf32>
        %get3A_458 = arith.index_cast %add3A_454 : i32 to index
        %get3A_459 = arith.constant 0 : index
        %get3A_460 = tpu.vector_load %arg11[%get3A_458, %get3A_459] {strides = array<i32>} : memref<256x64xf32, #tpu.memory_space<vmem>>, vector<1x16xf32>,
        %get3A_461 = vector.shape_cast %get3A_460 : vector<1x16xf32> to vector<16xf32>
        %get3A_462 = arith.index_cast %add3A_454 : i32 to index
        %get3A_463 = arith.constant 16 : index
        %get3A_464 = tpu.vector_load %arg11[%get3A_462, %get3A_463] {strides = array<i32>} : memref<256x64xf32, #tpu.memory_space<vmem>>, vector<1x16xf32>,
        %get3A_465 = vector.shape_cast %get3A_464 : vector<1x16xf32> to vector<16xf32>
        %get3A_466 = arith.index_cast %add3A_454 : i32 to index
        %get3A_467 = arith.constant 32 : index
        %get3A_468 = tpu.vector_load %arg11[%get3A_466, %get3A_467] {strides = array<i32>} : memref<256x64xf32, #tpu.memory_space<vmem>>, vector<1x16xf32>,
        %get3A_469 = vector.shape_cast %get3A_468 : vector<1x16xf32> to vector<16xf32>
        %get3A_470 = arith.index_cast %add3A_454 : i32 to index
        %get3A_471 = arith.constant 48 : index
        %get3A_472 = tpu.vector_load %arg11[%get3A_470, %get3A_471] {strides = array<i32>} : memref<256x64xf32, #tpu.memory_space<vmem>>, vector<1x16xf32>,
        %get3A_473 = vector.shape_cast %get3A_472 : vector<1x16xf32> to vector<16xf32>
        %mul3A_474 = arith.mulf %get3A_461, %broadcast_in_dim3A_457 : vector<16xf32>
        %mul3A_475 = arith.mulf %get3A_465, %broadcast_in_dim3A_457 : vector<16xf32>
        %mul3A_476 = arith.mulf %get3A_469, %broadcast_in_dim3A_457 : vector<16xf32>
        %mul3A_477 = arith.mulf %get3A_473, %broadcast_in_dim3A_457 : vector<16xf32>
        %swap3A_478 = arith.index_cast %add3A_454 : i32 to index
        %swap3A_479 = arith.constant 0 : index
        %swap3A_480 = tpu.vector_load %arg11[%swap3A_478, %swap3A_479] {strides = array<i32>} : memref<256x64xf32, #tpu.memory_space<vmem>>, vector<1x16xf32>,
        %swap3A_481 = vector.shape_cast %swap3A_480 : vector<1x16xf32> to vector<16xf32>
        %swap3A_482 = vector.shape_cast %mul3A_474 : vector<16xf32> to vector<1x16xf32>
        tpu.vector_store %arg11[%swap3A_478, %swap3A_479], %swap3A_482 {strides = array<i32>} : memref<256x64xf32, #tpu.memory_space<vmem>>, vector<1x16xf32>,
        %swap3A_483 = arith.index_cast %add3A_454 : i32 to index
        %swap3A_484 = arith.constant 16 : index
        %swap3A_485 = tpu.vector_load %arg11[%swap3A_483, %swap3A_484] {strides = array<i32>} : memref<256x64xf32, #tpu.memory_space<vmem>>, vector<1x16xf32>,
        %swap3A_486 = vector.shape_cast %swap3A_485 : vector<1x16xf32> to vector<16xf32>
        %swap3A_487 = vector.shape_cast %mul3A_475 : vector<16xf32> to vector<1x16xf32>
        tpu.vector_store %arg11[%swap3A_483, %swap3A_484], %swap3A_487 {strides = array<i32>} : memref<256x64xf32, #tpu.memory_space<vmem>>, vector<1x16xf32>,
        %swap3A_488 = arith.index_cast %add3A_454 : i32 to index
        %swap3A_489 = arith.constant 32 : index
        %swap3A_490 = tpu.vector_load %arg11[%swap3A_488, %swap3A_489] {strides = array<i32>} : memref<256x64xf32, #tpu.memory_space<vmem>>, vector<1x16xf32>,
        %swap3A_491 = vector.shape_cast %swap3A_490 : vector<1x16xf32> to vector<16xf32>
        %swap3A_492 = vector.shape_cast %mul3A_476 : vector<16xf32> to vector<1x16xf32>
        tpu.vector_store %arg11[%swap3A_488, %swap3A_489], %swap3A_492 {strides = array<i32>} : memref<256x64xf32, #tpu.memory_space<vmem>>, vector<1x16xf32>,
        %swap3A_493 = arith.index_cast %add3A_454 : i32 to index
        %swap3A_494 = arith.constant 48 : index
        %swap3A_495 = tpu.vector_load %arg11[%swap3A_493, %swap3A_494] {strides = array<i32>} : memref<256x64xf32, #tpu.memory_space<vmem>>, vector<1x16xf32>,
        %swap3A_496 = vector.shape_cast %swap3A_495 : vector<1x16xf32> to vector<16xf32>
        %swap3A_497 = vector.shape_cast %mul3A_477 : vector<16xf32> to vector<1x16xf32>
        tpu.vector_store %arg11[%swap3A_493, %swap3A_494], %swap3A_497 {strides = array<i32>} : memref<256x64xf32, #tpu.memory_space<vmem>>, vector<1x16xf32>,
        %mul3A_498 = arith.constant 16 : i32
        %mul3A_499 = arith.muli %scan3A_212, %mul3A_498 : i32
        %add3A_500 = arith.constant 6 : i32
        %add3A_501 = arith.addi %mul3A_499, %add3A_500 : i32
        %slice3A_502 = vector.extract_strided_slice %get3A_218 {offsets = [6], sizes = [1], strides = [1]} : vector<16xf32> to vector<1xf32>
        %squeeze3A_503 = vector.extract %slice3A_502[0] : f32 from vector<1xf32>
        %broadcast_in_dim3A_504 = vector.broadcast %squeeze3A_503 : f32 to vector<16xf32>
        %get3A_505 = arith.index_cast %add3A_501 : i32 to index
        %get3A_506 = arith.constant 0 : index
        %get3A_507 = tpu.vector_load %arg11[%get3A_505, %get3A_506] {strides = array<i32>} : memref<256x64xf32, #tpu.memory_space<vmem>>, vector<1x16xf32>,
        %get3A_508 = vector.shape_cast %get3A_507 : vector<1x16xf32> to vector<16xf32>
        %get3A_509 = arith.index_cast %add3A_501 : i32 to index
        %get3A_510 = arith.constant 16 : index
        %get3A_511 = tpu.vector_load %arg11[%get3A_509, %get3A_510] {strides = array<i32>} : memref<256x64xf32, #tpu.memory_space<vmem>>, vector<1x16xf32>,
        %get3A_512 = vector.shape_cast %get3A_511 : vector<1x16xf32> to vector<16xf32>
        %get3A_513 = arith.index_cast %add3A_501 : i32 to index
        %get3A_514 = arith.constant 32 : index
        %get3A_515 = tpu.vector_load %arg11[%get3A_513, %get3A_514] {strides = array<i32>} : memref<256x64xf32, #tpu.memory_space<vmem>>, vector<1x16xf32>,
        %get3A_516 = vector.shape_cast %get3A_515 : vector<1x16xf32> to vector<16xf32>
        %get3A_517 = arith.index_cast %add3A_501 : i32 to index
        %get3A_518 = arith.constant 48 : index
        %get3A_519 = tpu.vector_load %arg11[%get3A_517, %get3A_518] {strides = array<i32>} : memref<256x64xf32, #tpu.memory_space<vmem>>, vector<1x16xf32>,
        %get3A_520 = vector.shape_cast %get3A_519 : vector<1x16xf32> to vector<16xf32>
        %mul3A_521 = arith.mulf %get3A_508, %broadcast_in_dim3A_504 : vector<16xf32>
        %mul3A_522 = arith.mulf %get3A_512, %broadcast_in_dim3A_504 : vector<16xf32>
        %mul3A_523 = arith.mulf %get3A_516, %broadcast_in_dim3A_504 : vector<16xf32>
        %mul3A_524 = arith.mulf %get3A_520, %broadcast_in_dim3A_504 : vector<16xf32>
        %swap3A_525 = arith.index_cast %add3A_501 : i32 to index
        %swap3A_526 = arith.constant 0 : index
        %swap3A_527 = tpu.vector_load %arg11[%swap3A_525, %swap3A_526] {strides = array<i32>} : memref<256x64xf32, #tpu.memory_space<vmem>>, vector<1x16xf32>,
        %swap3A_528 = vector.shape_cast %swap3A_527 : vector<1x16xf32> to vector<16xf32>
        %swap3A_529 = vector.shape_cast %mul3A_521 : vector<16xf32> to vector<1x16xf32>
        tpu.vector_store %arg11[%swap3A_525, %swap3A_526], %swap3A_529 {strides = array<i32>} : memref<256x64xf32, #tpu.memory_space<vmem>>, vector<1x16xf32>,
        %swap3A_530 = arith.index_cast %add3A_501 : i32 to index
        %swap3A_531 = arith.constant 16 : index
        %swap3A_532 = tpu.vector_load %arg11[%swap3A_530, %swap3A_531] {strides = array<i32>} : memref<256x64xf32, #tpu.memory_space<vmem>>, vector<1x16xf32>,
        %swap3A_533 = vector.shape_cast %swap3A_532 : vector<1x16xf32> to vector<16xf32>
        %swap3A_534 = vector.shape_cast %mul3A_522 : vector<16xf32> to vector<1x16xf32>
        tpu.vector_store %arg11[%swap3A_530, %swap3A_531], %swap3A_534 {strides = array<i32>} : memref<256x64xf32, #tpu.memory_space<vmem>>, vector<1x16xf32>,
        %swap3A_535 = arith.index_cast %add3A_501 : i32 to index
        %swap3A_536 = arith.constant 32 : index
        %swap3A_537 = tpu.vector_load %arg11[%swap3A_535, %swap3A_536] {strides = array<i32>} : memref<256x64xf32, #tpu.memory_space<vmem>>, vector<1x16xf32>,
        %swap3A_538 = vector.shape_cast %swap3A_537 : vector<1x16xf32> to vector<16xf32>
        %swap3A_539 = vector.shape_cast %mul3A_523 : vector<16xf32> to vector<1x16xf32>
        tpu.vector_store %arg11[%swap3A_535, %swap3A_536], %swap3A_539 {strides = array<i32>} : memref<256x64xf32, #tpu.memory_space<vmem>>, vector<1x16xf32>,
        %swap3A_540 = arith.index_cast %add3A_501 : i32 to index
        %swap3A_541 = arith.constant 48 : index
        %swap3A_542 = tpu.vector_load %arg11[%swap3A_540, %swap3A_541] {strides = array<i32>} : memref<256x64xf32, #tpu.memory_space<vmem>>, vector<1x16xf32>,
        %swap3A_543 = vector.shape_cast %swap3A_542 : vector<1x16xf32> to vector<16xf32>
        %swap3A_544 = vector.shape_cast %mul3A_524 : vector<16xf32> to vector<1x16xf32>
        tpu.vector_store %arg11[%swap3A_540, %swap3A_541], %swap3A_544 {strides = array<i32>} : memref<256x64xf32, #tpu.memory_space<vmem>>, vector<1x16xf32>,
        %mul3A_545 = arith.constant 16 : i32
        %mul3A_546 = arith.muli %scan3A_212, %mul3A_545 : i32
        %add3A_547 = arith.constant 7 : i32
        %add3A_548 = arith.addi %mul3A_546, %add3A_547 : i32
        %slice3A_549 = vector.extract_strided_slice %get3A_218 {offsets = [7], sizes = [1], strides = [1]} : vector<16xf32> to vector<1xf32>
        %squeeze3A_550 = vector.extract %slice3A_549[0] : f32 from vector<1xf32>
        %broadcast_in_dim3A_551 = vector.broadcast %squeeze3A_550 : f32 to vector<16xf32>
        %get3A_552 = arith.index_cast %add3A_548 : i32 to index
        %get3A_553 = arith.constant 0 : index
        %get3A_554 = tpu.vector_load %arg11[%get3A_552, %get3A_553] {strides = array<i32>} : memref<256x64xf32, #tpu.memory_space<vmem>>, vector<1x16xf32>,
        %get3A_555 = vector.shape_cast %get3A_554 : vector<1x16xf32> to vector<16xf32>
        %get3A_556 = arith.index_cast %add3A_548 : i32 to index
        %get3A_557 = arith.constant 16 : index
        %get3A_558 = tpu.vector_load %arg11[%get3A_556, %get3A_557] {strides = array<i32>} : memref<256x64xf32, #tpu.memory_space<vmem>>, vector<1x16xf32>,
        %get3A_559 = vector.shape_cast %get3A_558 : vector<1x16xf32> to vector<16xf32>
        %get3A_560 = arith.index_cast %add3A_548 : i32 to index
        %get3A_561 = arith.constant 32 : index
        %get3A_562 = tpu.vector_load %arg11[%get3A_560, %get3A_561] {strides = array<i32>} : memref<256x64xf32, #tpu.memory_space<vmem>>, vector<1x16xf32>,
        %get3A_563 = vector.shape_cast %get3A_562 : vector<1x16xf32> to vector<16xf32>
        %get3A_564 = arith.index_cast %add3A_548 : i32 to index
        %get3A_565 = arith.constant 48 : index
        %get3A_566 = tpu.vector_load %arg11[%get3A_564, %get3A_565] {strides = array<i32>} : memref<256x64xf32, #tpu.memory_space<vmem>>, vector<1x16xf32>,
        %get3A_567 = vector.shape_cast %get3A_566 : vector<1x16xf32> to vector<16xf32>
        %mul3A_568 = arith.mulf %get3A_555, %broadcast_in_dim3A_551 : vector<16xf32>
        %mul3A_569 = arith.mulf %get3A_559, %broadcast_in_dim3A_551 : vector<16xf32>
        %mul3A_570 = arith.mulf %get3A_563, %broadcast_in_dim3A_551 : vector<16xf32>
        %mul3A_571 = arith.mulf %get3A_567, %broadcast_in_dim3A_551 : vector<16xf32>
        %swap3A_572 = arith.index_cast %add3A_548 : i32 to index
        %swap3A_573 = arith.constant 0 : index
        %swap3A_574 = tpu.vector_load %arg11[%swap3A_572, %swap3A_573] {strides = array<i32>} : memref<256x64xf32, #tpu.memory_space<vmem>>, vector<1x16xf32>,
        %swap3A_575 = vector.shape_cast %swap3A_574 : vector<1x16xf32> to vector<16xf32>
        %swap3A_576 = vector.shape_cast %mul3A_568 : vector<16xf32> to vector<1x16xf32>
        tpu.vector_store %arg11[%swap3A_572, %swap3A_573], %swap3A_576 {strides = array<i32>} : memref<256x64xf32, #tpu.memory_space<vmem>>, vector<1x16xf32>,
        %swap3A_577 = arith.index_cast %add3A_548 : i32 to index
        %swap3A_578 = arith.constant 16 : index
        %swap3A_579 = tpu.vector_load %arg11[%swap3A_577, %swap3A_578] {strides = array<i32>} : memref<256x64xf32, #tpu.memory_space<vmem>>, vector<1x16xf32>,
        %swap3A_580 = vector.shape_cast %swap3A_579 : vector<1x16xf32> to vector<16xf32>
        %swap3A_581 = vector.shape_cast %mul3A_569 : vector<16xf32> to vector<1x16xf32>
        tpu.vector_store %arg11[%swap3A_577, %swap3A_578], %swap3A_581 {strides = array<i32>} : memref<256x64xf32, #tpu.memory_space<vmem>>, vector<1x16xf32>,
        %swap3A_582 = arith.index_cast %add3A_548 : i32 to index
        %swap3A_583 = arith.constant 32 : index
        %swap3A_584 = tpu.vector_load %arg11[%swap3A_582, %swap3A_583] {strides = array<i32>} : memref<256x64xf32, #tpu.memory_space<vmem>>, vector<1x16xf32>,
        %swap3A_585 = vector.shape_cast %swap3A_584 : vector<1x16xf32> to vector<16xf32>
        %swap3A_586 = vector.shape_cast %mul3A_570 : vector<16xf32> to vector<1x16xf32>
        tpu.vector_store %arg11[%swap3A_582, %swap3A_583], %swap3A_586 {strides = array<i32>} : memref<256x64xf32, #tpu.memory_space<vmem>>, vector<1x16xf32>,
        %swap3A_587 = arith.index_cast %add3A_548 : i32 to index
        %swap3A_588 = arith.constant 48 : index
        %swap3A_589 = tpu.vector_load %arg11[%swap3A_587, %swap3A_588] {strides = array<i32>} : memref<256x64xf32, #tpu.memory_space<vmem>>, vector<1x16xf32>,
        %swap3A_590 = vector.shape_cast %swap3A_589 : vector<1x16xf32> to vector<16xf32>
        %swap3A_591 = vector.shape_cast %mul3A_571 : vector<16xf32> to vector<1x16xf32>
        tpu.vector_store %arg11[%swap3A_587, %swap3A_588], %swap3A_591 {strides = array<i32>} : memref<256x64xf32, #tpu.memory_space<vmem>>, vector<1x16xf32>,
        %mul3A_592 = arith.constant 16 : i32
        %mul3A_593 = arith.muli %scan3A_212, %mul3A_592 : i32
        %add3A_594 = arith.constant 8 : i32
        %add3A_595 = arith.addi %mul3A_593, %add3A_594 : i32
        %slice3A_596 = vector.extract_strided_slice %get3A_218 {offsets = [8], sizes = [1], strides = [1]} : vector<16xf32> to vector<1xf32>
        %squeeze3A_597 = vector.extract %slice3A_596[0] : f32 from vector<1xf32>
        %broadcast_in_dim3A_598 = vector.broadcast %squeeze3A_597 : f32 to vector<16xf32>
        %get3A_599 = arith.index_cast %add3A_595 : i32 to index
        %get3A_600 = arith.constant 0 : index
        %get3A_601 = tpu.vector_load %arg11[%get3A_599, %get3A_600] {strides = array<i32>} : memref<256x64xf32, #tpu.memory_space<vmem>>, vector<1x16xf32>,
        %get3A_602 = vector.shape_cast %get3A_601 : vector<1x16xf32> to vector<16xf32>
        %get3A_603 = arith.index_cast %add3A_595 : i32 to index
        %get3A_604 = arith.constant 16 : index
        %get3A_605 = tpu.vector_load %arg11[%get3A_603, %get3A_604] {strides = array<i32>} : memref<256x64xf32, #tpu.memory_space<vmem>>, vector<1x16xf32>,
        %get3A_606 = vector.shape_cast %get3A_605 : vector<1x16xf32> to vector<16xf32>
        %get3A_607 = arith.index_cast %add3A_595 : i32 to index
        %get3A_608 = arith.constant 32 : index
        %get3A_609 = tpu.vector_load %arg11[%get3A_607, %get3A_608] {strides = array<i32>} : memref<256x64xf32, #tpu.memory_space<vmem>>, vector<1x16xf32>,
        %get3A_610 = vector.shape_cast %get3A_609 : vector<1x16xf32> to vector<16xf32>
        %get3A_611 = arith.index_cast %add3A_595 : i32 to index
        %get3A_612 = arith.constant 48 : index
        %get3A_613 = tpu.vector_load %arg11[%get3A_611, %get3A_612] {strides = array<i32>} : memref<256x64xf32, #tpu.memory_space<vmem>>, vector<1x16xf32>,
        %get3A_614 = vector.shape_cast %get3A_613 : vector<1x16xf32> to vector<16xf32>
        %mul3A_615 = arith.mulf %get3A_602, %broadcast_in_dim3A_598 : vector<16xf32>
        %mul3A_616 = arith.mulf %get3A_606, %broadcast_in_dim3A_598 : vector<16xf32>
        %mul3A_617 = arith.mulf %get3A_610, %broadcast_in_dim3A_598 : vector<16xf32>
        %mul3A_618 = arith.mulf %get3A_614, %broadcast_in_dim3A_598 : vector<16xf32>
        %swap3A_619 = arith.index_cast %add3A_595 : i32 to index
        %swap3A_620 = arith.constant 0 : index
        %swap3A_621 = tpu.vector_load %arg11[%swap3A_619, %swap3A_620] {strides = array<i32>} : memref<256x64xf32, #tpu.memory_space<vmem>>, vector<1x16xf32>,
        %swap3A_622 = vector.shape_cast %swap3A_621 : vector<1x16xf32> to vector<16xf32>
        %swap3A_623 = vector.shape_cast %mul3A_615 : vector<16xf32> to vector<1x16xf32>
        tpu.vector_store %arg11[%swap3A_619, %swap3A_620], %swap3A_623 {strides = array<i32>} : memref<256x64xf32, #tpu.memory_space<vmem>>, vector<1x16xf32>,
        %swap3A_624 = arith.index_cast %add3A_595 : i32 to index
        %swap3A_625 = arith.constant 16 : index
        %swap3A_626 = tpu.vector_load %arg11[%swap3A_624, %swap3A_625] {strides = array<i32>} : memref<256x64xf32, #tpu.memory_space<vmem>>, vector<1x16xf32>,
        %swap3A_627 = vector.shape_cast %swap3A_626 : vector<1x16xf32> to vector<16xf32>
        %swap3A_628 = vector.shape_cast %mul3A_616 : vector<16xf32> to vector<1x16xf32>
        tpu.vector_store %arg11[%swap3A_624, %swap3A_625], %swap3A_628 {strides = array<i32>} : memref<256x64xf32, #tpu.memory_space<vmem>>, vector<1x16xf32>,
        %swap3A_629 = arith.index_cast %add3A_595 : i32 to index
        %swap3A_630 = arith.constant 32 : index
        %swap3A_631 = tpu.vector_load %arg11[%swap3A_629, %swap3A_630] {strides = array<i32>} : memref<256x64xf32, #tpu.memory_space<vmem>>, vector<1x16xf32>,
        %swap3A_632 = vector.shape_cast %swap3A_631 : vector<1x16xf32> to vector<16xf32>
        %swap3A_633 = vector.shape_cast %mul3A_617 : vector<16xf32> to vector<1x16xf32>
        tpu.vector_store %arg11[%swap3A_629, %swap3A_630], %swap3A_633 {strides = array<i32>} : memref<256x64xf32, #tpu.memory_space<vmem>>, vector<1x16xf32>,
        %swap3A_634 = arith.index_cast %add3A_595 : i32 to index
        %swap3A_635 = arith.constant 48 : index
        %swap3A_636 = tpu.vector_load %arg11[%swap3A_634, %swap3A_635] {strides = array<i32>} : memref<256x64xf32, #tpu.memory_space<vmem>>, vector<1x16xf32>,
        %swap3A_637 = vector.shape_cast %swap3A_636 : vector<1x16xf32> to vector<16xf32>
        %swap3A_638 = vector.shape_cast %mul3A_618 : vector<16xf32> to vector<1x16xf32>
        tpu.vector_store %arg11[%swap3A_634, %swap3A_635], %swap3A_638 {strides = array<i32>} : memref<256x64xf32, #tpu.memory_space<vmem>>, vector<1x16xf32>,
        %mul3A_639 = arith.constant 16 : i32
        %mul3A_640 = arith.muli %scan3A_212, %mul3A_639 : i32
        %add3A_641 = arith.constant 9 : i32
        %add3A_642 = arith.addi %mul3A_640, %add3A_641 : i32
        %slice3A_643 = vector.extract_strided_slice %get3A_218 {offsets = [9], sizes = [1], strides = [1]} : vector<16xf32> to vector<1xf32>
        %squeeze3A_644 = vector.extract %slice3A_643[0] : f32 from vector<1xf32>
        %broadcast_in_dim3A_645 = vector.broadcast %squeeze3A_644 : f32 to vector<16xf32>
        %get3A_646 = arith.index_cast %add3A_642 : i32 to index
        %get3A_647 = arith.constant 0 : index
        %get3A_648 = tpu.vector_load %arg11[%get3A_646, %get3A_647] {strides = array<i32>} : memref<256x64xf32, #tpu.memory_space<vmem>>, vector<1x16xf32>,
        %get3A_649 = vector.shape_cast %get3A_648 : vector<1x16xf32> to vector<16xf32>
        %get3A_650 = arith.index_cast %add3A_642 : i32 to index
        %get3A_651 = arith.constant 16 : index
        %get3A_652 = tpu.vector_load %arg11[%get3A_650, %get3A_651] {strides = array<i32>} : memref<256x64xf32, #tpu.memory_space<vmem>>, vector<1x16xf32>,
        %get3A_653 = vector.shape_cast %get3A_652 : vector<1x16xf32> to vector<16xf32>
        %get3A_654 = arith.index_cast %add3A_642 : i32 to index
        %get3A_655 = arith.constant 32 : index
        %get3A_656 = tpu.vector_load %arg11[%get3A_654, %get3A_655] {strides = array<i32>} : memref<256x64xf32, #tpu.memory_space<vmem>>, vector<1x16xf32>,
        %get3A_657 = vector.shape_cast %get3A_656 : vector<1x16xf32> to vector<16xf32>
        %get3A_658 = arith.index_cast %add3A_642 : i32 to index
        %get3A_659 = arith.constant 48 : index
        %get3A_660 = tpu.vector_load %arg11[%get3A_658, %get3A_659] {strides = array<i32>} : memref<256x64xf32, #tpu.memory_space<vmem>>, vector<1x16xf32>,
        %get3A_661 = vector.shape_cast %get3A_660 : vector<1x16xf32> to vector<16xf32>
        %mul3A_662 = arith.mulf %get3A_649, %broadcast_in_dim3A_645 : vector<16xf32>
        %mul3A_663 = arith.mulf %get3A_653, %broadcast_in_dim3A_645 : vector<16xf32>
        %mul3A_664 = arith.mulf %get3A_657, %broadcast_in_dim3A_645 : vector<16xf32>
        %mul3A_665 = arith.mulf %get3A_661, %broadcast_in_dim3A_645 : vector<16xf32>
        %swap3A_666 = arith.index_cast %add3A_642 : i32 to index
        %swap3A_667 = arith.constant 0 : index
        %swap3A_668 = tpu.vector_load %arg11[%swap3A_666, %swap3A_667] {strides = array<i32>} : memref<256x64xf32, #tpu.memory_space<vmem>>, vector<1x16xf32>,
        %swap3A_669 = vector.shape_cast %swap3A_668 : vector<1x16xf32> to vector<16xf32>
        %swap3A_670 = vector.shape_cast %mul3A_662 : vector<16xf32> to vector<1x16xf32>
        tpu.vector_store %arg11[%swap3A_666, %swap3A_667], %swap3A_670 {strides = array<i32>} : memref<256x64xf32, #tpu.memory_space<vmem>>, vector<1x16xf32>,
        %swap3A_671 = arith.index_cast %add3A_642 : i32 to index
        %swap3A_672 = arith.constant 16 : index
        %swap3A_673 = tpu.vector_load %arg11[%swap3A_671, %swap3A_672] {strides = array<i32>} : memref<256x64xf32, #tpu.memory_space<vmem>>, vector<1x16xf32>,
        %swap3A_674 = vector.shape_cast %swap3A_673 : vector<1x16xf32> to vector<16xf32>
        %swap3A_675 = vector.shape_cast %mul3A_663 : vector<16xf32> to vector<1x16xf32>
        tpu.vector_store %arg11[%swap3A_671, %swap3A_672], %swap3A_675 {strides = array<i32>} : memref<256x64xf32, #tpu.memory_space<vmem>>, vector<1x16xf32>,
        %swap3A_676 = arith.index_cast %add3A_642 : i32 to index
        %swap3A_677 = arith.constant 32 : index
        %swap3A_678 = tpu.vector_load %arg11[%swap3A_676, %swap3A_677] {strides = array<i32>} : memref<256x64xf32, #tpu.memory_space<vmem>>, vector<1x16xf32>,
        %swap3A_679 = vector.shape_cast %swap3A_678 : vector<1x16xf32> to vector<16xf32>
        %swap3A_680 = vector.shape_cast %mul3A_664 : vector<16xf32> to vector<1x16xf32>
        tpu.vector_store %arg11[%swap3A_676, %swap3A_677], %swap3A_680 {strides = array<i32>} : memref<256x64xf32, #tpu.memory_space<vmem>>, vector<1x16xf32>,
        %swap3A_681 = arith.index_cast %add3A_642 : i32 to index
        %swap3A_682 = arith.constant 48 : index
        %swap3A_683 = tpu.vector_load %arg11[%swap3A_681, %swap3A_682] {strides = array<i32>} : memref<256x64xf32, #tpu.memory_space<vmem>>, vector<1x16xf32>,
        %swap3A_684 = vector.shape_cast %swap3A_683 : vector<1x16xf32> to vector<16xf32>
        %swap3A_685 = vector.shape_cast %mul3A_665 : vector<16xf32> to vector<1x16xf32>
        tpu.vector_store %arg11[%swap3A_681, %swap3A_682], %swap3A_685 {strides = array<i32>} : memref<256x64xf32, #tpu.memory_space<vmem>>, vector<1x16xf32>,
        %mul3A_686 = arith.constant 16 : i32
        %mul3A_687 = arith.muli %scan3A_212, %mul3A_686 : i32
        %add3A_688 = arith.constant 10 : i32
        %add3A_689 = arith.addi %mul3A_687, %add3A_688 : i32
        %slice3A_690 = vector.extract_strided_slice %get3A_218 {offsets = [10], sizes = [1], strides = [1]} : vector<16xf32> to vector<1xf32>
        %squeeze3A_691 = vector.extract %slice3A_690[0] : f32 from vector<1xf32>
        %broadcast_in_dim3A_692 = vector.broadcast %squeeze3A_691 : f32 to vector<16xf32>
        %get3A_693 = arith.index_cast %add3A_689 : i32 to index
        %get3A_694 = arith.constant 0 : index
        %get3A_695 = tpu.vector_load %arg11[%get3A_693, %get3A_694] {strides = array<i32>} : memref<256x64xf32, #tpu.memory_space<vmem>>, vector<1x16xf32>,
        %get3A_696 = vector.shape_cast %get3A_695 : vector<1x16xf32> to vector<16xf32>
        %get3A_697 = arith.index_cast %add3A_689 : i32 to index
        %get3A_698 = arith.constant 16 : index
        %get3A_699 = tpu.vector_load %arg11[%get3A_697, %get3A_698] {strides = array<i32>} : memref<256x64xf32, #tpu.memory_space<vmem>>, vector<1x16xf32>,
        %get3A_700 = vector.shape_cast %get3A_699 : vector<1x16xf32> to vector<16xf32>
        %get3A_701 = arith.index_cast %add3A_689 : i32 to index
        %get3A_702 = arith.constant 32 : index
        %get3A_703 = tpu.vector_load %arg11[%get3A_701, %get3A_702] {strides = array<i32>} : memref<256x64xf32, #tpu.memory_space<vmem>>, vector<1x16xf32>,
        %get3A_704 = vector.shape_cast %get3A_703 : vector<1x16xf32> to vector<16xf32>
        %get3A_705 = arith.index_cast %add3A_689 : i32 to index
        %get3A_706 = arith.constant 48 : index
        %get3A_707 = tpu.vector_load %arg11[%get3A_705, %get3A_706] {strides = array<i32>} : memref<256x64xf32, #tpu.memory_space<vmem>>, vector<1x16xf32>,
        %get3A_708 = vector.shape_cast %get3A_707 : vector<1x16xf32> to vector<16xf32>
        %mul3A_709 = arith.mulf %get3A_696, %broadcast_in_dim3A_692 : vector<16xf32>
        %mul3A_710 = arith.mulf %get3A_700, %broadcast_in_dim3A_692 : vector<16xf32>
        %mul3A_711 = arith.mulf %get3A_704, %broadcast_in_dim3A_692 : vector<16xf32>
        %mul3A_712 = arith.mulf %get3A_708, %broadcast_in_dim3A_692 : vector<16xf32>
        %swap3A_713 = arith.index_cast %add3A_689 : i32 to index
        %swap3A_714 = arith.constant 0 : index
        %swap3A_715 = tpu.vector_load %arg11[%swap3A_713, %swap3A_714] {strides = array<i32>} : memref<256x64xf32, #tpu.memory_space<vmem>>, vector<1x16xf32>,
        %swap3A_716 = vector.shape_cast %swap3A_715 : vector<1x16xf32> to vector<16xf32>
        %swap3A_717 = vector.shape_cast %mul3A_709 : vector<16xf32> to vector<1x16xf32>
        tpu.vector_store %arg11[%swap3A_713, %swap3A_714], %swap3A_717 {strides = array<i32>} : memref<256x64xf32, #tpu.memory_space<vmem>>, vector<1x16xf32>,
        %swap3A_718 = arith.index_cast %add3A_689 : i32 to index
        %swap3A_719 = arith.constant 16 : index
        %swap3A_720 = tpu.vector_load %arg11[%swap3A_718, %swap3A_719] {strides = array<i32>} : memref<256x64xf32, #tpu.memory_space<vmem>>, vector<1x16xf32>,
        %swap3A_721 = vector.shape_cast %swap3A_720 : vector<1x16xf32> to vector<16xf32>
        %swap3A_722 = vector.shape_cast %mul3A_710 : vector<16xf32> to vector<1x16xf32>
        tpu.vector_store %arg11[%swap3A_718, %swap3A_719], %swap3A_722 {strides = array<i32>} : memref<256x64xf32, #tpu.memory_space<vmem>>, vector<1x16xf32>,
        %swap3A_723 = arith.index_cast %add3A_689 : i32 to index
        %swap3A_724 = arith.constant 32 : index
        %swap3A_725 = tpu.vector_load %arg11[%swap3A_723, %swap3A_724] {strides = array<i32>} : memref<256x64xf32, #tpu.memory_space<vmem>>, vector<1x16xf32>,
        %swap3A_726 = vector.shape_cast %swap3A_725 : vector<1x16xf32> to vector<16xf32>
        %swap3A_727 = vector.shape_cast %mul3A_711 : vector<16xf32> to vector<1x16xf32>
        tpu.vector_store %arg11[%swap3A_723, %swap3A_724], %swap3A_727 {strides = array<i32>} : memref<256x64xf32, #tpu.memory_space<vmem>>, vector<1x16xf32>,
        %swap3A_728 = arith.index_cast %add3A_689 : i32 to index
        %swap3A_729 = arith.constant 48 : index
        %swap3A_730 = tpu.vector_load %arg11[%swap3A_728, %swap3A_729] {strides = array<i32>} : memref<256x64xf32, #tpu.memory_space<vmem>>, vector<1x16xf32>,
        %swap3A_731 = vector.shape_cast %swap3A_730 : vector<1x16xf32> to vector<16xf32>
        %swap3A_732 = vector.shape_cast %mul3A_712 : vector<16xf32> to vector<1x16xf32>
        tpu.vector_store %arg11[%swap3A_728, %swap3A_729], %swap3A_732 {strides = array<i32>} : memref<256x64xf32, #tpu.memory_space<vmem>>, vector<1x16xf32>,
        %mul3A_733 = arith.constant 16 : i32
        %mul3A_734 = arith.muli %scan3A_212, %mul3A_733 : i32
        %add3A_735 = arith.constant 11 : i32
        %add3A_736 = arith.addi %mul3A_734, %add3A_735 : i32
        %slice3A_737 = vector.extract_strided_slice %get3A_218 {offsets = [11], sizes = [1], strides = [1]} : vector<16xf32> to vector<1xf32>
        %squeeze3A_738 = vector.extract %slice3A_737[0] : f32 from vector<1xf32>
        %broadcast_in_dim3A_739 = vector.broadcast %squeeze3A_738 : f32 to vector<16xf32>
        %get3A_740 = arith.index_cast %add3A_736 : i32 to index
        %get3A_741 = arith.constant 0 : index
        %get3A_742 = tpu.vector_load %arg11[%get3A_740, %get3A_741] {strides = array<i32>} : memref<256x64xf32, #tpu.memory_space<vmem>>, vector<1x16xf32>,
        %get3A_743 = vector.shape_cast %get3A_742 : vector<1x16xf32> to vector<16xf32>
        %get3A_744 = arith.index_cast %add3A_736 : i32 to index
        %get3A_745 = arith.constant 16 : index
        %get3A_746 = tpu.vector_load %arg11[%get3A_744, %get3A_745] {strides = array<i32>} : memref<256x64xf32, #tpu.memory_space<vmem>>, vector<1x16xf32>,
        %get3A_747 = vector.shape_cast %get3A_746 : vector<1x16xf32> to vector<16xf32>
        %get3A_748 = arith.index_cast %add3A_736 : i32 to index
        %get3A_749 = arith.constant 32 : index
        %get3A_750 = tpu.vector_load %arg11[%get3A_748, %get3A_749] {strides = array<i32>} : memref<256x64xf32, #tpu.memory_space<vmem>>, vector<1x16xf32>,
        %get3A_751 = vector.shape_cast %get3A_750 : vector<1x16xf32> to vector<16xf32>
        %get3A_752 = arith.index_cast %add3A_736 : i32 to index
        %get3A_753 = arith.constant 48 : index
        %get3A_754 = tpu.vector_load %arg11[%get3A_752, %get3A_753] {strides = array<i32>} : memref<256x64xf32, #tpu.memory_space<vmem>>, vector<1x16xf32>,
        %get3A_755 = vector.shape_cast %get3A_754 : vector<1x16xf32> to vector<16xf32>
        %mul3A_756 = arith.mulf %get3A_743, %broadcast_in_dim3A_739 : vector<16xf32>
        %mul3A_757 = arith.mulf %get3A_747, %broadcast_in_dim3A_739 : vector<16xf32>
        %mul3A_758 = arith.mulf %get3A_751, %broadcast_in_dim3A_739 : vector<16xf32>
        %mul3A_759 = arith.mulf %get3A_755, %broadcast_in_dim3A_739 : vector<16xf32>
        %swap3A_760 = arith.index_cast %add3A_736 : i32 to index
        %swap3A_761 = arith.constant 0 : index
        %swap3A_762 = tpu.vector_load %arg11[%swap3A_760, %swap3A_761] {strides = array<i32>} : memref<256x64xf32, #tpu.memory_space<vmem>>, vector<1x16xf32>,
        %swap3A_763 = vector.shape_cast %swap3A_762 : vector<1x16xf32> to vector<16xf32>
        %swap3A_764 = vector.shape_cast %mul3A_756 : vector<16xf32> to vector<1x16xf32>
        tpu.vector_store %arg11[%swap3A_760, %swap3A_761], %swap3A_764 {strides = array<i32>} : memref<256x64xf32, #tpu.memory_space<vmem>>, vector<1x16xf32>,
        %swap3A_765 = arith.index_cast %add3A_736 : i32 to index
        %swap3A_766 = arith.constant 16 : index
        %swap3A_767 = tpu.vector_load %arg11[%swap3A_765, %swap3A_766] {strides = array<i32>} : memref<256x64xf32, #tpu.memory_space<vmem>>, vector<1x16xf32>,
        %swap3A_768 = vector.shape_cast %swap3A_767 : vector<1x16xf32> to vector<16xf32>
        %swap3A_769 = vector.shape_cast %mul3A_757 : vector<16xf32> to vector<1x16xf32>
        tpu.vector_store %arg11[%swap3A_765, %swap3A_766], %swap3A_769 {strides = array<i32>} : memref<256x64xf32, #tpu.memory_space<vmem>>, vector<1x16xf32>,
        %swap3A_770 = arith.index_cast %add3A_736 : i32 to index
        %swap3A_771 = arith.constant 32 : index
        %swap3A_772 = tpu.vector_load %arg11[%swap3A_770, %swap3A_771] {strides = array<i32>} : memref<256x64xf32, #tpu.memory_space<vmem>>, vector<1x16xf32>,
        %swap3A_773 = vector.shape_cast %swap3A_772 : vector<1x16xf32> to vector<16xf32>
        %swap3A_774 = vector.shape_cast %mul3A_758 : vector<16xf32> to vector<1x16xf32>
        tpu.vector_store %arg11[%swap3A_770, %swap3A_771], %swap3A_774 {strides = array<i32>} : memref<256x64xf32, #tpu.memory_space<vmem>>, vector<1x16xf32>,
        %swap3A_775 = arith.index_cast %add3A_736 : i32 to index
        %swap3A_776 = arith.constant 48 : index
        %swap3A_777 = tpu.vector_load %arg11[%swap3A_775, %swap3A_776] {strides = array<i32>} : memref<256x64xf32, #tpu.memory_space<vmem>>, vector<1x16xf32>,
        %swap3A_778 = vector.shape_cast %swap3A_777 : vector<1x16xf32> to vector<16xf32>
        %swap3A_779 = vector.shape_cast %mul3A_759 : vector<16xf32> to vector<1x16xf32>
        tpu.vector_store %arg11[%swap3A_775, %swap3A_776], %swap3A_779 {strides = array<i32>} : memref<256x64xf32, #tpu.memory_space<vmem>>, vector<1x16xf32>,
        %mul3A_780 = arith.constant 16 : i32
        %mul3A_781 = arith.muli %scan3A_212, %mul3A_780 : i32
        %add3A_782 = arith.constant 12 : i32
        %add3A_783 = arith.addi %mul3A_781, %add3A_782 : i32
        %slice3A_784 = vector.extract_strided_slice %get3A_218 {offsets = [12], sizes = [1], strides = [1]} : vector<16xf32> to vector<1xf32>
        %squeeze3A_785 = vector.extract %slice3A_784[0] : f32 from vector<1xf32>
        %broadcast_in_dim3A_786 = vector.broadcast %squeeze3A_785 : f32 to vector<16xf32>
        %get3A_787 = arith.index_cast %add3A_783 : i32 to index
        %get3A_788 = arith.constant 0 : index
        %get3A_789 = tpu.vector_load %arg11[%get3A_787, %get3A_788] {strides = array<i32>} : memref<256x64xf32, #tpu.memory_space<vmem>>, vector<1x16xf32>,
        %get3A_790 = vector.shape_cast %get3A_789 : vector<1x16xf32> to vector<16xf32>
        %get3A_791 = arith.index_cast %add3A_783 : i32 to index
        %get3A_792 = arith.constant 16 : index
        %get3A_793 = tpu.vector_load %arg11[%get3A_791, %get3A_792] {strides = array<i32>} : memref<256x64xf32, #tpu.memory_space<vmem>>, vector<1x16xf32>,
        %get3A_794 = vector.shape_cast %get3A_793 : vector<1x16xf32> to vector<16xf32>
        %get3A_795 = arith.index_cast %add3A_783 : i32 to index
        %get3A_796 = arith.constant 32 : index
        %get3A_797 = tpu.vector_load %arg11[%get3A_795, %get3A_796] {strides = array<i32>} : memref<256x64xf32, #tpu.memory_space<vmem>>, vector<1x16xf32>,
        %get3A_798 = vector.shape_cast %get3A_797 : vector<1x16xf32> to vector<16xf32>
        %get3A_799 = arith.index_cast %add3A_783 : i32 to index
        %get3A_800 = arith.constant 48 : index
        %get3A_801 = tpu.vector_load %arg11[%get3A_799, %get3A_800] {strides = array<i32>} : memref<256x64xf32, #tpu.memory_space<vmem>>, vector<1x16xf32>,
        %get3A_802 = vector.shape_cast %get3A_801 : vector<1x16xf32> to vector<16xf32>
        %mul3A_803 = arith.mulf %get3A_790, %broadcast_in_dim3A_786 : vector<16xf32>
        %mul3A_804 = arith.mulf %get3A_794, %broadcast_in_dim3A_786 : vector<16xf32>
        %mul3A_805 = arith.mulf %get3A_798, %broadcast_in_dim3A_786 : vector<16xf32>
        %mul3A_806 = arith.mulf %get3A_802, %broadcast_in_dim3A_786 : vector<16xf32>
        %swap3A_807 = arith.index_cast %add3A_783 : i32 to index
        %swap3A_808 = arith.constant 0 : index
        %swap3A_809 = tpu.vector_load %arg11[%swap3A_807, %swap3A_808] {strides = array<i32>} : memref<256x64xf32, #tpu.memory_space<vmem>>, vector<1x16xf32>,
        %swap3A_810 = vector.shape_cast %swap3A_809 : vector<1x16xf32> to vector<16xf32>
        %swap3A_811 = vector.shape_cast %mul3A_803 : vector<16xf32> to vector<1x16xf32>
        tpu.vector_store %arg11[%swap3A_807, %swap3A_808], %swap3A_811 {strides = array<i32>} : memref<256x64xf32, #tpu.memory_space<vmem>>, vector<1x16xf32>,
        %swap3A_812 = arith.index_cast %add3A_783 : i32 to index
        %swap3A_813 = arith.constant 16 : index
        %swap3A_814 = tpu.vector_load %arg11[%swap3A_812, %swap3A_813] {strides = array<i32>} : memref<256x64xf32, #tpu.memory_space<vmem>>, vector<1x16xf32>,
        %swap3A_815 = vector.shape_cast %swap3A_814 : vector<1x16xf32> to vector<16xf32>
        %swap3A_816 = vector.shape_cast %mul3A_804 : vector<16xf32> to vector<1x16xf32>
        tpu.vector_store %arg11[%swap3A_812, %swap3A_813], %swap3A_816 {strides = array<i32>} : memref<256x64xf32, #tpu.memory_space<vmem>>, vector<1x16xf32>,
        %swap3A_817 = arith.index_cast %add3A_783 : i32 to index
        %swap3A_818 = arith.constant 32 : index
        %swap3A_819 = tpu.vector_load %arg11[%swap3A_817, %swap3A_818] {strides = array<i32>} : memref<256x64xf32, #tpu.memory_space<vmem>>, vector<1x16xf32>,
        %swap3A_820 = vector.shape_cast %swap3A_819 : vector<1x16xf32> to vector<16xf32>
        %swap3A_821 = vector.shape_cast %mul3A_805 : vector<16xf32> to vector<1x16xf32>
        tpu.vector_store %arg11[%swap3A_817, %swap3A_818], %swap3A_821 {strides = array<i32>} : memref<256x64xf32, #tpu.memory_space<vmem>>, vector<1x16xf32>,
        %swap3A_822 = arith.index_cast %add3A_783 : i32 to index
        %swap3A_823 = arith.constant 48 : index
        %swap3A_824 = tpu.vector_load %arg11[%swap3A_822, %swap3A_823] {strides = array<i32>} : memref<256x64xf32, #tpu.memory_space<vmem>>, vector<1x16xf32>,
        %swap3A_825 = vector.shape_cast %swap3A_824 : vector<1x16xf32> to vector<16xf32>
        %swap3A_826 = vector.shape_cast %mul3A_806 : vector<16xf32> to vector<1x16xf32>
        tpu.vector_store %arg11[%swap3A_822, %swap3A_823], %swap3A_826 {strides = array<i32>} : memref<256x64xf32, #tpu.memory_space<vmem>>, vector<1x16xf32>,
        %mul3A_827 = arith.constant 16 : i32
        %mul3A_828 = arith.muli %scan3A_212, %mul3A_827 : i32
        %add3A_829 = arith.constant 13 : i32
        %add3A_830 = arith.addi %mul3A_828, %add3A_829 : i32
        %slice3A_831 = vector.extract_strided_slice %get3A_218 {offsets = [13], sizes = [1], strides = [1]} : vector<16xf32> to vector<1xf32>
        %squeeze3A_832 = vector.extract %slice3A_831[0] : f32 from vector<1xf32>
        %broadcast_in_dim3A_833 = vector.broadcast %squeeze3A_832 : f32 to vector<16xf32>
        %get3A_834 = arith.index_cast %add3A_830 : i32 to index
        %get3A_835 = arith.constant 0 : index
        %get3A_836 = tpu.vector_load %arg11[%get3A_834, %get3A_835] {strides = array<i32>} : memref<256x64xf32, #tpu.memory_space<vmem>>, vector<1x16xf32>,
        %get3A_837 = vector.shape_cast %get3A_836 : vector<1x16xf32> to vector<16xf32>
        %get3A_838 = arith.index_cast %add3A_830 : i32 to index
        %get3A_839 = arith.constant 16 : index
        %get3A_840 = tpu.vector_load %arg11[%get3A_838, %get3A_839] {strides = array<i32>} : memref<256x64xf32, #tpu.memory_space<vmem>>, vector<1x16xf32>,
        %get3A_841 = vector.shape_cast %get3A_840 : vector<1x16xf32> to vector<16xf32>
        %get3A_842 = arith.index_cast %add3A_830 : i32 to index
        %get3A_843 = arith.constant 32 : index
        %get3A_844 = tpu.vector_load %arg11[%get3A_842, %get3A_843] {strides = array<i32>} : memref<256x64xf32, #tpu.memory_space<vmem>>, vector<1x16xf32>,
        %get3A_845 = vector.shape_cast %get3A_844 : vector<1x16xf32> to vector<16xf32>
        %get3A_846 = arith.index_cast %add3A_830 : i32 to index
        %get3A_847 = arith.constant 48 : index
        %get3A_848 = tpu.vector_load %arg11[%get3A_846, %get3A_847] {strides = array<i32>} : memref<256x64xf32, #tpu.memory_space<vmem>>, vector<1x16xf32>,
        %get3A_849 = vector.shape_cast %get3A_848 : vector<1x16xf32> to vector<16xf32>
        %mul3A_850 = arith.mulf %get3A_837, %broadcast_in_dim3A_833 : vector<16xf32>
        %mul3A_851 = arith.mulf %get3A_841, %broadcast_in_dim3A_833 : vector<16xf32>
        %mul3A_852 = arith.mulf %get3A_845, %broadcast_in_dim3A_833 : vector<16xf32>
        %mul3A_853 = arith.mulf %get3A_849, %broadcast_in_dim3A_833 : vector<16xf32>
        %swap3A_854 = arith.index_cast %add3A_830 : i32 to index
        %swap3A_855 = arith.constant 0 : index
        %swap3A_856 = tpu.vector_load %arg11[%swap3A_854, %swap3A_855] {strides = array<i32>} : memref<256x64xf32, #tpu.memory_space<vmem>>, vector<1x16xf32>,
        %swap3A_857 = vector.shape_cast %swap3A_856 : vector<1x16xf32> to vector<16xf32>
        %swap3A_858 = vector.shape_cast %mul3A_850 : vector<16xf32> to vector<1x16xf32>
        tpu.vector_store %arg11[%swap3A_854, %swap3A_855], %swap3A_858 {strides = array<i32>} : memref<256x64xf32, #tpu.memory_space<vmem>>, vector<1x16xf32>,
        %swap3A_859 = arith.index_cast %add3A_830 : i32 to index
        %swap3A_860 = arith.constant 16 : index
        %swap3A_861 = tpu.vector_load %arg11[%swap3A_859, %swap3A_860] {strides = array<i32>} : memref<256x64xf32, #tpu.memory_space<vmem>>, vector<1x16xf32>,
        %swap3A_862 = vector.shape_cast %swap3A_861 : vector<1x16xf32> to vector<16xf32>
        %swap3A_863 = vector.shape_cast %mul3A_851 : vector<16xf32> to vector<1x16xf32>
        tpu.vector_store %arg11[%swap3A_859, %swap3A_860], %swap3A_863 {strides = array<i32>} : memref<256x64xf32, #tpu.memory_space<vmem>>, vector<1x16xf32>,
        %swap3A_864 = arith.index_cast %add3A_830 : i32 to index
        %swap3A_865 = arith.constant 32 : index
        %swap3A_866 = tpu.vector_load %arg11[%swap3A_864, %swap3A_865] {strides = array<i32>} : memref<256x64xf32, #tpu.memory_space<vmem>>, vector<1x16xf32>,
        %swap3A_867 = vector.shape_cast %swap3A_866 : vector<1x16xf32> to vector<16xf32>
        %swap3A_868 = vector.shape_cast %mul3A_852 : vector<16xf32> to vector<1x16xf32>
        tpu.vector_store %arg11[%swap3A_864, %swap3A_865], %swap3A_868 {strides = array<i32>} : memref<256x64xf32, #tpu.memory_space<vmem>>, vector<1x16xf32>,
        %swap3A_869 = arith.index_cast %add3A_830 : i32 to index
        %swap3A_870 = arith.constant 48 : index
        %swap3A_871 = tpu.vector_load %arg11[%swap3A_869, %swap3A_870] {strides = array<i32>} : memref<256x64xf32, #tpu.memory_space<vmem>>, vector<1x16xf32>,
        %swap3A_872 = vector.shape_cast %swap3A_871 : vector<1x16xf32> to vector<16xf32>
        %swap3A_873 = vector.shape_cast %mul3A_853 : vector<16xf32> to vector<1x16xf32>
        tpu.vector_store %arg11[%swap3A_869, %swap3A_870], %swap3A_873 {strides = array<i32>} : memref<256x64xf32, #tpu.memory_space<vmem>>, vector<1x16xf32>,
        %mul3A_874 = arith.constant 16 : i32
        %mul3A_875 = arith.muli %scan3A_212, %mul3A_874 : i32
        %add3A_876 = arith.constant 14 : i32
        %add3A_877 = arith.addi %mul3A_875, %add3A_876 : i32
        %slice3A_878 = vector.extract_strided_slice %get3A_218 {offsets = [14], sizes = [1], strides = [1]} : vector<16xf32> to vector<1xf32>
        %squeeze3A_879 = vector.extract %slice3A_878[0] : f32 from vector<1xf32>
        %broadcast_in_dim3A_880 = vector.broadcast %squeeze3A_879 : f32 to vector<16xf32>
        %get3A_881 = arith.index_cast %add3A_877 : i32 to index
        %get3A_882 = arith.constant 0 : index
        %get3A_883 = tpu.vector_load %arg11[%get3A_881, %get3A_882] {strides = array<i32>} : memref<256x64xf32, #tpu.memory_space<vmem>>, vector<1x16xf32>,
        %get3A_884 = vector.shape_cast %get3A_883 : vector<1x16xf32> to vector<16xf32>
        %get3A_885 = arith.index_cast %add3A_877 : i32 to index
        %get3A_886 = arith.constant 16 : index
        %get3A_887 = tpu.vector_load %arg11[%get3A_885, %get3A_886] {strides = array<i32>} : memref<256x64xf32, #tpu.memory_space<vmem>>, vector<1x16xf32>,
        %get3A_888 = vector.shape_cast %get3A_887 : vector<1x16xf32> to vector<16xf32>
        %get3A_889 = arith.index_cast %add3A_877 : i32 to index
        %get3A_890 = arith.constant 32 : index
        %get3A_891 = tpu.vector_load %arg11[%get3A_889, %get3A_890] {strides = array<i32>} : memref<256x64xf32, #tpu.memory_space<vmem>>, vector<1x16xf32>,
        %get3A_892 = vector.shape_cast %get3A_891 : vector<1x16xf32> to vector<16xf32>
        %get3A_893 = arith.index_cast %add3A_877 : i32 to index
        %get3A_894 = arith.constant 48 : index
        %get3A_895 = tpu.vector_load %arg11[%get3A_893, %get3A_894] {strides = array<i32>} : memref<256x64xf32, #tpu.memory_space<vmem>>, vector<1x16xf32>,
        %get3A_896 = vector.shape_cast %get3A_895 : vector<1x16xf32> to vector<16xf32>
        %mul3A_897 = arith.mulf %get3A_884, %broadcast_in_dim3A_880 : vector<16xf32>
        %mul3A_898 = arith.mulf %get3A_888, %broadcast_in_dim3A_880 : vector<16xf32>
        %mul3A_899 = arith.mulf %get3A_892, %broadcast_in_dim3A_880 : vector<16xf32>
        %mul3A_900 = arith.mulf %get3A_896, %broadcast_in_dim3A_880 : vector<16xf32>
        %swap3A_901 = arith.index_cast %add3A_877 : i32 to index
        %swap3A_902 = arith.constant 0 : index
        %swap3A_903 = tpu.vector_load %arg11[%swap3A_901, %swap3A_902] {strides = array<i32>} : memref<256x64xf32, #tpu.memory_space<vmem>>, vector<1x16xf32>,
        %swap3A_904 = vector.shape_cast %swap3A_903 : vector<1x16xf32> to vector<16xf32>
        %swap3A_905 = vector.shape_cast %mul3A_897 : vector<16xf32> to vector<1x16xf32>
        tpu.vector_store %arg11[%swap3A_901, %swap3A_902], %swap3A_905 {strides = array<i32>} : memref<256x64xf32, #tpu.memory_space<vmem>>, vector<1x16xf32>,
        %swap3A_906 = arith.index_cast %add3A_877 : i32 to index
        %swap3A_907 = arith.constant 16 : index
        %swap3A_908 = tpu.vector_load %arg11[%swap3A_906, %swap3A_907] {strides = array<i32>} : memref<256x64xf32, #tpu.memory_space<vmem>>, vector<1x16xf32>,
        %swap3A_909 = vector.shape_cast %swap3A_908 : vector<1x16xf32> to vector<16xf32>
        %swap3A_910 = vector.shape_cast %mul3A_898 : vector<16xf32> to vector<1x16xf32>
        tpu.vector_store %arg11[%swap3A_906, %swap3A_907], %swap3A_910 {strides = array<i32>} : memref<256x64xf32, #tpu.memory_space<vmem>>, vector<1x16xf32>,
        %swap3A_911 = arith.index_cast %add3A_877 : i32 to index
        %swap3A_912 = arith.constant 32 : index
        %swap3A_913 = tpu.vector_load %arg11[%swap3A_911, %swap3A_912] {strides = array<i32>} : memref<256x64xf32, #tpu.memory_space<vmem>>, vector<1x16xf32>,
        %swap3A_914 = vector.shape_cast %swap3A_913 : vector<1x16xf32> to vector<16xf32>
        %swap3A_915 = vector.shape_cast %mul3A_899 : vector<16xf32> to vector<1x16xf32>
        tpu.vector_store %arg11[%swap3A_911, %swap3A_912], %swap3A_915 {strides = array<i32>} : memref<256x64xf32, #tpu.memory_space<vmem>>, vector<1x16xf32>,
        %swap3A_916 = arith.index_cast %add3A_877 : i32 to index
        %swap3A_917 = arith.constant 48 : index
        %swap3A_918 = tpu.vector_load %arg11[%swap3A_916, %swap3A_917] {strides = array<i32>} : memref<256x64xf32, #tpu.memory_space<vmem>>, vector<1x16xf32>,
        %swap3A_919 = vector.shape_cast %swap3A_918 : vector<1x16xf32> to vector<16xf32>
        %swap3A_920 = vector.shape_cast %mul3A_900 : vector<16xf32> to vector<1x16xf32>
        tpu.vector_store %arg11[%swap3A_916, %swap3A_917], %swap3A_920 {strides = array<i32>} : memref<256x64xf32, #tpu.memory_space<vmem>>, vector<1x16xf32>,
        %mul3A_921 = arith.constant 16 : i32
        %mul3A_922 = arith.muli %scan3A_212, %mul3A_921 : i32
        %add3A_923 = arith.constant 15 : i32
        %add3A_924 = arith.addi %mul3A_922, %add3A_923 : i32
        %slice3A_925 = vector.extract_strided_slice %get3A_218 {offsets = [15], sizes = [1], strides = [1]} : vector<16xf32> to vector<1xf32>
        %squeeze3A_926 = vector.extract %slice3A_925[0] : f32 from vector<1xf32>
        %broadcast_in_dim3A_927 = vector.broadcast %squeeze3A_926 : f32 to vector<16xf32>
        %get3A_928 = arith.index_cast %add3A_924 : i32 to index
        %get3A_929 = arith.constant 0 : index
        %get3A_930 = tpu.vector_load %arg11[%get3A_928, %get3A_929] {strides = array<i32>} : memref<256x64xf32, #tpu.memory_space<vmem>>, vector<1x16xf32>,
        %get3A_931 = vector.shape_cast %get3A_930 : vector<1x16xf32> to vector<16xf32>
        %get3A_932 = arith.index_cast %add3A_924 : i32 to index
        %get3A_933 = arith.constant 16 : index
        %get3A_934 = tpu.vector_load %arg11[%get3A_932, %get3A_933] {strides = array<i32>} : memref<256x64xf32, #tpu.memory_space<vmem>>, vector<1x16xf32>,
        %get3A_935 = vector.shape_cast %get3A_934 : vector<1x16xf32> to vector<16xf32>
        %get3A_936 = arith.index_cast %add3A_924 : i32 to index
        %get3A_937 = arith.constant 32 : index
        %get3A_938 = tpu.vector_load %arg11[%get3A_936, %get3A_937] {strides = array<i32>} : memref<256x64xf32, #tpu.memory_space<vmem>>, vector<1x16xf32>,
        %get3A_939 = vector.shape_cast %get3A_938 : vector<1x16xf32> to vector<16xf32>
        %get3A_940 = arith.index_cast %add3A_924 : i32 to index
        %get3A_941 = arith.constant 48 : index
        %get3A_942 = tpu.vector_load %arg11[%get3A_940, %get3A_941] {strides = array<i32>} : memref<256x64xf32, #tpu.memory_space<vmem>>, vector<1x16xf32>,
        %get3A_943 = vector.shape_cast %get3A_942 : vector<1x16xf32> to vector<16xf32>
        %mul3A_944 = arith.mulf %get3A_931, %broadcast_in_dim3A_927 : vector<16xf32>
        %mul3A_945 = arith.mulf %get3A_935, %broadcast_in_dim3A_927 : vector<16xf32>
        %mul3A_946 = arith.mulf %get3A_939, %broadcast_in_dim3A_927 : vector<16xf32>
        %mul3A_947 = arith.mulf %get3A_943, %broadcast_in_dim3A_927 : vector<16xf32>
        %swap3A_948 = arith.index_cast %add3A_924 : i32 to index
        %swap3A_949 = arith.constant 0 : index
        %swap3A_950 = tpu.vector_load %arg11[%swap3A_948, %swap3A_949] {strides = array<i32>} : memref<256x64xf32, #tpu.memory_space<vmem>>, vector<1x16xf32>,
        %swap3A_951 = vector.shape_cast %swap3A_950 : vector<1x16xf32> to vector<16xf32>
        %swap3A_952 = vector.shape_cast %mul3A_944 : vector<16xf32> to vector<1x16xf32>
        tpu.vector_store %arg11[%swap3A_948, %swap3A_949], %swap3A_952 {strides = array<i32>} : memref<256x64xf32, #tpu.memory_space<vmem>>, vector<1x16xf32>,
        %swap3A_953 = arith.index_cast %add3A_924 : i32 to index
        %swap3A_954 = arith.constant 16 : index
        %swap3A_955 = tpu.vector_load %arg11[%swap3A_953, %swap3A_954] {strides = array<i32>} : memref<256x64xf32, #tpu.memory_space<vmem>>, vector<1x16xf32>,
        %swap3A_956 = vector.shape_cast %swap3A_955 : vector<1x16xf32> to vector<16xf32>
        %swap3A_957 = vector.shape_cast %mul3A_945 : vector<16xf32> to vector<1x16xf32>
        tpu.vector_store %arg11[%swap3A_953, %swap3A_954], %swap3A_957 {strides = array<i32>} : memref<256x64xf32, #tpu.memory_space<vmem>>, vector<1x16xf32>,
        %swap3A_958 = arith.index_cast %add3A_924 : i32 to index
        %swap3A_959 = arith.constant 32 : index
        %swap3A_960 = tpu.vector_load %arg11[%swap3A_958, %swap3A_959] {strides = array<i32>} : memref<256x64xf32, #tpu.memory_space<vmem>>, vector<1x16xf32>,
        %swap3A_961 = vector.shape_cast %swap3A_960 : vector<1x16xf32> to vector<16xf32>
        %swap3A_962 = vector.shape_cast %mul3A_946 : vector<16xf32> to vector<1x16xf32>
        tpu.vector_store %arg11[%swap3A_958, %swap3A_959], %swap3A_962 {strides = array<i32>} : memref<256x64xf32, #tpu.memory_space<vmem>>, vector<1x16xf32>,
        %swap3A_963 = arith.index_cast %add3A_924 : i32 to index
        %swap3A_964 = arith.constant 48 : index
        %swap3A_965 = tpu.vector_load %arg11[%swap3A_963, %swap3A_964] {strides = array<i32>} : memref<256x64xf32, #tpu.memory_space<vmem>>, vector<1x16xf32>,
        %swap3A_966 = vector.shape_cast %swap3A_965 : vector<1x16xf32> to vector<16xf32>
        %swap3A_967 = vector.shape_cast %mul3A_947 : vector<16xf32> to vector<1x16xf32>
        tpu.vector_store %arg11[%swap3A_963, %swap3A_964], %swap3A_967 {strides = array<i32>} : memref<256x64xf32, #tpu.memory_space<vmem>>, vector<1x16xf32>,
        %scan3A_968 = arith.constant 0 : i32
        scf.yield %scan3A_968 : i32
      }
      %scan3A_192 = arith.constant 16 : i32
      %eq3A_193 = arith.constant 1 : i32
      %eq3A_194 = arith.cmpi eq, %arg0, %eq3A_193 : i32
      %convert_element_type3A_195 = arith.extui %eq3A_194 : i1 to i32
      %cond3A_196 = arith.constant 0 : i32
      %cond3A_197 = arith.cmpi ne, %convert_element_type3A_195, %cond3A_196 : i32
      scf.if %cond3A_197 {
        %scan3A_212 = arith.constant 0 : i32
        %scan3A_213 = arith.constant 0 : i32
        %scan3A_214 = arith.constant 16 : i32
        %scan3A_215 = arith.addi %scan3A_213, %scan3A_214 : i32
        %scan3A_216 = arith.constant 1 : i32
        %scan3A_217 = scf.for %scan3A_219 = %scan3A_213 to %scan3A_215 step %scan3A_216 iter_args(%scan3A_220 = %scan3A_212) -> (i32)  : i32 {
          %mul3A_221 = arith.constant 16 : i32
          %mul3A_222 = arith.muli %scan3A_219, %mul3A_221 : i32
          %add3A_223 = arith.addi %mul3A_185, %mul3A_222 : i32
          %get3A = arith.index_cast %add3A_223 : i32 to index
          %get3A_224 = tpu.vector_load %arg9[%get3A] {strides = array<i32>} : memref<10240xf32, #tpu.memory_space<vmem>>, vector<16xf32>,
          %get3A_225 = vector.shape_cast %get3A_224 : vector<16xf32> to vector<16xf32>
          %slice3A = vector.extract_strided_slice %get3A_225 {offsets = [0], sizes = [1], strides = [1]} : vector<16xf32> to vector<1xf32>
          %squeeze3A = vector.extract %slice3A[0] : f32 from vector<1xf32>
          %broadcast_in_dim3A_226 = vector.broadcast %squeeze3A : f32 to vector<16xf32>
          %mul3A_227 = arith.constant 16 : i32
          %mul3A_228 = arith.muli %scan3A_219, %mul3A_227 : i32
          %add3A_229 = arith.constant 0 : i32
          %add3A_230 = arith.addi %mul3A_228, %add3A_229 : i32
          %swap3A = arith.index_cast %add3A_230 : i32 to index
          %swap3A_231 = arith.constant 0 : index
          %swap3A_232 = tpu.vector_load %arg13[%swap3A, %swap3A_231] {strides = array<i32>} : memref<256x16xf32, #tpu.memory_space<vmem>>, vector<1x16xf32>,
          %swap3A_233 = vector.shape_cast %swap3A_232 : vector<1x16xf32> to vector<16xf32>
          %swap3A_234 = vector.shape_cast %broadcast_in_dim3A_226 : vector<16xf32> to vector<1x16xf32>
          tpu.vector_store %arg13[%swap3A, %swap3A_231], %swap3A_234 {strides = array<i32>} : memref<256x16xf32, #tpu.memory_space<vmem>>, vector<1x16xf32>,
          %slice3A_235 = vector.extract_strided_slice %get3A_225 {offsets = [1], sizes = [1], strides = [1]} : vector<16xf32> to vector<1xf32>
          %squeeze3A_236 = vector.extract %slice3A_235[0] : f32 from vector<1xf32>
          %broadcast_in_dim3A_237 = vector.broadcast %squeeze3A_236 : f32 to vector<16xf32>
          %mul3A_238 = arith.constant 16 : i32
          %mul3A_239 = arith.muli %scan3A_219, %mul3A_238 : i32
          %add3A_240 = arith.constant 1 : i32
          %add3A_241 = arith.addi %mul3A_239, %add3A_240 : i32
          %swap3A_242 = arith.index_cast %add3A_241 : i32 to index
          %swap3A_243 = arith.constant 0 : index
          %swap3A_244 = tpu.vector_load %arg13[%swap3A_242, %swap3A_243] {strides = array<i32>} : memref<256x16xf32, #tpu.memory_space<vmem>>, vector<1x16xf32>,
          %swap3A_245 = vector.shape_cast %swap3A_244 : vector<1x16xf32> to vector<16xf32>
          %swap3A_246 = vector.shape_cast %broadcast_in_dim3A_237 : vector<16xf32> to vector<1x16xf32>
          tpu.vector_store %arg13[%swap3A_242, %swap3A_243], %swap3A_246 {strides = array<i32>} : memref<256x16xf32, #tpu.memory_space<vmem>>, vector<1x16xf32>,
          %slice3A_247 = vector.extract_strided_slice %get3A_225 {offsets = [2], sizes = [1], strides = [1]} : vector<16xf32> to vector<1xf32>
          %squeeze3A_248 = vector.extract %slice3A_247[0] : f32 from vector<1xf32>
          %broadcast_in_dim3A_249 = vector.broadcast %squeeze3A_248 : f32 to vector<16xf32>
          %mul3A_250 = arith.constant 16 : i32
          %mul3A_251 = arith.muli %scan3A_219, %mul3A_250 : i32
          %add3A_252 = arith.constant 2 : i32
          %add3A_253 = arith.addi %mul3A_251, %add3A_252 : i32
          %swap3A_254 = arith.index_cast %add3A_253 : i32 to index
          %swap3A_255 = arith.constant 0 : index
          %swap3A_256 = tpu.vector_load %arg13[%swap3A_254, %swap3A_255] {strides = array<i32>} : memref<256x16xf32, #tpu.memory_space<vmem>>, vector<1x16xf32>,
          %swap3A_257 = vector.shape_cast %swap3A_256 : vector<1x16xf32> to vector<16xf32>
          %swap3A_258 = vector.shape_cast %broadcast_in_dim3A_249 : vector<16xf32> to vector<1x16xf32>
          tpu.vector_store %arg13[%swap3A_254, %swap3A_255], %swap3A_258 {strides = array<i32>} : memref<256x16xf32, #tpu.memory_space<vmem>>, vector<1x16xf32>,
          %slice3A_259 = vector.extract_strided_slice %get3A_225 {offsets = [3], sizes = [1], strides = [1]} : vector<16xf32> to vector<1xf32>
          %squeeze3A_260 = vector.extract %slice3A_259[0] : f32 from vector<1xf32>
          %broadcast_in_dim3A_261 = vector.broadcast %squeeze3A_260 : f32 to vector<16xf32>
          %mul3A_262 = arith.constant 16 : i32
          %mul3A_263 = arith.muli %scan3A_219, %mul3A_262 : i32
          %add3A_264 = arith.constant 3 : i32
          %add3A_265 = arith.addi %mul3A_263, %add3A_264 : i32
          %swap3A_266 = arith.index_cast %add3A_265 : i32 to index
          %swap3A_267 = arith.constant 0 : index
          %swap3A_268 = tpu.vector_load %arg13[%swap3A_266, %swap3A_267] {strides = array<i32>} : memref<256x16xf32, #tpu.memory_space<vmem>>, vector<1x16xf32>,
          %swap3A_269 = vector.shape_cast %swap3A_268 : vector<1x16xf32> to vector<16xf32>
          %swap3A_270 = vector.shape_cast %broadcast_in_dim3A_261 : vector<16xf32> to vector<1x16xf32>
          tpu.vector_store %arg13[%swap3A_266, %swap3A_267], %swap3A_270 {strides = array<i32>} : memref<256x16xf32, #tpu.memory_space<vmem>>, vector<1x16xf32>,
          %slice3A_271 = vector.extract_strided_slice %get3A_225 {offsets = [4], sizes = [1], strides = [1]} : vector<16xf32> to vector<1xf32>
          %squeeze3A_272 = vector.extract %slice3A_271[0] : f32 from vector<1xf32>
          %broadcast_in_dim3A_273 = vector.broadcast %squeeze3A_272 : f32 to vector<16xf32>
          %mul3A_274 = arith.constant 16 : i32
          %mul3A_275 = arith.muli %scan3A_219, %mul3A_274 : i32
          %add3A_276 = arith.constant 4 : i32
          %add3A_277 = arith.addi %mul3A_275, %add3A_276 : i32
          %swap3A_278 = arith.index_cast %add3A_277 : i32 to index
          %swap3A_279 = arith.constant 0 : index
          %swap3A_280 = tpu.vector_load %arg13[%swap3A_278, %swap3A_279] {strides = array<i32>} : memref<256x16xf32, #tpu.memory_space<vmem>>, vector<1x16xf32>,
          %swap3A_281 = vector.shape_cast %swap3A_280 : vector<1x16xf32> to vector<16xf32>
          %swap3A_282 = vector.shape_cast %broadcast_in_dim3A_273 : vector<16xf32> to vector<1x16xf32>
          tpu.vector_store %arg13[%swap3A_278, %swap3A_279], %swap3A_282 {strides = array<i32>} : memref<256x16xf32, #tpu.memory_space<vmem>>, vector<1x16xf32>,
          %slice3A_283 = vector.extract_strided_slice %get3A_225 {offsets = [5], sizes = [1], strides = [1]} : vector<16xf32> to vector<1xf32>
          %squeeze3A_284 = vector.extract %slice3A_283[0] : f32 from vector<1xf32>
          %broadcast_in_dim3A_285 = vector.broadcast %squeeze3A_284 : f32 to vector<16xf32>
          %mul3A_286 = arith.constant 16 : i32
          %mul3A_287 = arith.muli %scan3A_219, %mul3A_286 : i32
          %add3A_288 = arith.constant 5 : i32
          %add3A_289 = arith.addi %mul3A_287, %add3A_288 : i32
          %swap3A_290 = arith.index_cast %add3A_289 : i32 to index
          %swap3A_291 = arith.constant 0 : index
          %swap3A_292 = tpu.vector_load %arg13[%swap3A_290, %swap3A_291] {strides = array<i32>} : memref<256x16xf32, #tpu.memory_space<vmem>>, vector<1x16xf32>,
          %swap3A_293 = vector.shape_cast %swap3A_292 : vector<1x16xf32> to vector<16xf32>
          %swap3A_294 = vector.shape_cast %broadcast_in_dim3A_285 : vector<16xf32> to vector<1x16xf32>
          tpu.vector_store %arg13[%swap3A_290, %swap3A_291], %swap3A_294 {strides = array<i32>} : memref<256x16xf32, #tpu.memory_space<vmem>>, vector<1x16xf32>,
          %slice3A_295 = vector.extract_strided_slice %get3A_225 {offsets = [6], sizes = [1], strides = [1]} : vector<16xf32> to vector<1xf32>
          %squeeze3A_296 = vector.extract %slice3A_295[0] : f32 from vector<1xf32>
          %broadcast_in_dim3A_297 = vector.broadcast %squeeze3A_296 : f32 to vector<16xf32>
          %mul3A_298 = arith.constant 16 : i32
          %mul3A_299 = arith.muli %scan3A_219, %mul3A_298 : i32
          %add3A_300 = arith.constant 6 : i32
          %add3A_301 = arith.addi %mul3A_299, %add3A_300 : i32
          %swap3A_302 = arith.index_cast %add3A_301 : i32 to index
          %swap3A_303 = arith.constant 0 : index
          %swap3A_304 = tpu.vector_load %arg13[%swap3A_302, %swap3A_303] {strides = array<i32>} : memref<256x16xf32, #tpu.memory_space<vmem>>, vector<1x16xf32>,
          %swap3A_305 = vector.shape_cast %swap3A_304 : vector<1x16xf32> to vector<16xf32>
          %swap3A_306 = vector.shape_cast %broadcast_in_dim3A_297 : vector<16xf32> to vector<1x16xf32>
          tpu.vector_store %arg13[%swap3A_302, %swap3A_303], %swap3A_306 {strides = array<i32>} : memref<256x16xf32, #tpu.memory_space<vmem>>, vector<1x16xf32>,
          %slice3A_307 = vector.extract_strided_slice %get3A_225 {offsets = [7], sizes = [1], strides = [1]} : vector<16xf32> to vector<1xf32>
          %squeeze3A_308 = vector.extract %slice3A_307[0] : f32 from vector<1xf32>
          %broadcast_in_dim3A_309 = vector.broadcast %squeeze3A_308 : f32 to vector<16xf32>
          %mul3A_310 = arith.constant 16 : i32
          %mul3A_311 = arith.muli %scan3A_219, %mul3A_310 : i32
          %add3A_312 = arith.constant 7 : i32
          %add3A_313 = arith.addi %mul3A_311, %add3A_312 : i32
          %swap3A_314 = arith.index_cast %add3A_313 : i32 to index
          %swap3A_315 = arith.constant 0 : index
          %swap3A_316 = tpu.vector_load %arg13[%swap3A_314, %swap3A_315] {strides = array<i32>} : memref<256x16xf32, #tpu.memory_space<vmem>>, vector<1x16xf32>,
          %swap3A_317 = vector.shape_cast %swap3A_316 : vector<1x16xf32> to vector<16xf32>
          %swap3A_318 = vector.shape_cast %broadcast_in_dim3A_309 : vector<16xf32> to vector<1x16xf32>
          tpu.vector_store %arg13[%swap3A_314, %swap3A_315], %swap3A_318 {strides = array<i32>} : memref<256x16xf32, #tpu.memory_space<vmem>>, vector<1x16xf32>,
          %slice3A_319 = vector.extract_strided_slice %get3A_225 {offsets = [8], sizes = [1], strides = [1]} : vector<16xf32> to vector<1xf32>
          %squeeze3A_320 = vector.extract %slice3A_319[0] : f32 from vector<1xf32>
          %broadcast_in_dim3A_321 = vector.broadcast %squeeze3A_320 : f32 to vector<16xf32>
          %mul3A_322 = arith.constant 16 : i32
          %mul3A_323 = arith.muli %scan3A_219, %mul3A_322 : i32
          %add3A_324 = arith.constant 8 : i32
          %add3A_325 = arith.addi %mul3A_323, %add3A_324 : i32
          %swap3A_326 = arith.index_cast %add3A_325 : i32 to index
          %swap3A_327 = arith.constant 0 : index
          %swap3A_328 = tpu.vector_load %arg13[%swap3A_326, %swap3A_327] {strides = array<i32>} : memref<256x16xf32, #tpu.memory_space<vmem>>, vector<1x16xf32>,
          %swap3A_329 = vector.shape_cast %swap3A_328 : vector<1x16xf32> to vector<16xf32>
          %swap3A_330 = vector.shape_cast %broadcast_in_dim3A_321 : vector<16xf32> to vector<1x16xf32>
          tpu.vector_store %arg13[%swap3A_326, %swap3A_327], %swap3A_330 {strides = array<i32>} : memref<256x16xf32, #tpu.memory_space<vmem>>, vector<1x16xf32>,
          %slice3A_331 = vector.extract_strided_slice %get3A_225 {offsets = [9], sizes = [1], strides = [1]} : vector<16xf32> to vector<1xf32>
          %squeeze3A_332 = vector.extract %slice3A_331[0] : f32 from vector<1xf32>
          %broadcast_in_dim3A_333 = vector.broadcast %squeeze3A_332 : f32 to vector<16xf32>
          %mul3A_334 = arith.constant 16 : i32
          %mul3A_335 = arith.muli %scan3A_219, %mul3A_334 : i32
          %add3A_336 = arith.constant 9 : i32
          %add3A_337 = arith.addi %mul3A_335, %add3A_336 : i32
          %swap3A_338 = arith.index_cast %add3A_337 : i32 to index
          %swap3A_339 = arith.constant 0 : index
          %swap3A_340 = tpu.vector_load %arg13[%swap3A_338, %swap3A_339] {strides = array<i32>} : memref<256x16xf32, #tpu.memory_space<vmem>>, vector<1x16xf32>,
          %swap3A_341 = vector.shape_cast %swap3A_340 : vector<1x16xf32> to vector<16xf32>
          %swap3A_342 = vector.shape_cast %broadcast_in_dim3A_333 : vector<16xf32> to vector<1x16xf32>
          tpu.vector_store %arg13[%swap3A_338, %swap3A_339], %swap3A_342 {strides = array<i32>} : memref<256x16xf32, #tpu.memory_space<vmem>>, vector<1x16xf32>,
          %slice3A_343 = vector.extract_strided_slice %get3A_225 {offsets = [10], sizes = [1], strides = [1]} : vector<16xf32> to vector<1xf32>
          %squeeze3A_344 = vector.extract %slice3A_343[0] : f32 from vector<1xf32>
          %broadcast_in_dim3A_345 = vector.broadcast %squeeze3A_344 : f32 to vector<16xf32>
          %mul3A_346 = arith.constant 16 : i32
          %mul3A_347 = arith.muli %scan3A_219, %mul3A_346 : i32
          %add3A_348 = arith.constant 10 : i32
          %add3A_349 = arith.addi %mul3A_347, %add3A_348 : i32
          %swap3A_350 = arith.index_cast %add3A_349 : i32 to index
          %swap3A_351 = arith.constant 0 : index
          %swap3A_352 = tpu.vector_load %arg13[%swap3A_350, %swap3A_351] {strides = array<i32>} : memref<256x16xf32, #tpu.memory_space<vmem>>, vector<1x16xf32>,
          %swap3A_353 = vector.shape_cast %swap3A_352 : vector<1x16xf32> to vector<16xf32>
          %swap3A_354 = vector.shape_cast %broadcast_in_dim3A_345 : vector<16xf32> to vector<1x16xf32>
          tpu.vector_store %arg13[%swap3A_350, %swap3A_351], %swap3A_354 {strides = array<i32>} : memref<256x16xf32, #tpu.memory_space<vmem>>, vector<1x16xf32>,
          %slice3A_355 = vector.extract_strided_slice %get3A_225 {offsets = [11], sizes = [1], strides = [1]} : vector<16xf32> to vector<1xf32>
          %squeeze3A_356 = vector.extract %slice3A_355[0] : f32 from vector<1xf32>
          %broadcast_in_dim3A_357 = vector.broadcast %squeeze3A_356 : f32 to vector<16xf32>
          %mul3A_358 = arith.constant 16 : i32
          %mul3A_359 = arith.muli %scan3A_219, %mul3A_358 : i32
          %add3A_360 = arith.constant 11 : i32
          %add3A_361 = arith.addi %mul3A_359, %add3A_360 : i32
          %swap3A_362 = arith.index_cast %add3A_361 : i32 to index
          %swap3A_363 = arith.constant 0 : index
          %swap3A_364 = tpu.vector_load %arg13[%swap3A_362, %swap3A_363] {strides = array<i32>} : memref<256x16xf32, #tpu.memory_space<vmem>>, vector<1x16xf32>,
          %swap3A_365 = vector.shape_cast %swap3A_364 : vector<1x16xf32> to vector<16xf32>
          %swap3A_366 = vector.shape_cast %broadcast_in_dim3A_357 : vector<16xf32> to vector<1x16xf32>
          tpu.vector_store %arg13[%swap3A_362, %swap3A_363], %swap3A_366 {strides = array<i32>} : memref<256x16xf32, #tpu.memory_space<vmem>>, vector<1x16xf32>,
          %slice3A_367 = vector.extract_strided_slice %get3A_225 {offsets = [12], sizes = [1], strides = [1]} : vector<16xf32> to vector<1xf32>
          %squeeze3A_368 = vector.extract %slice3A_367[0] : f32 from vector<1xf32>
          %broadcast_in_dim3A_369 = vector.broadcast %squeeze3A_368 : f32 to vector<16xf32>
          %mul3A_370 = arith.constant 16 : i32
          %mul3A_371 = arith.muli %scan3A_219, %mul3A_370 : i32
          %add3A_372 = arith.constant 12 : i32
          %add3A_373 = arith.addi %mul3A_371, %add3A_372 : i32
          %swap3A_374 = arith.index_cast %add3A_373 : i32 to index
          %swap3A_375 = arith.constant 0 : index
          %swap3A_376 = tpu.vector_load %arg13[%swap3A_374, %swap3A_375] {strides = array<i32>} : memref<256x16xf32, #tpu.memory_space<vmem>>, vector<1x16xf32>,
          %swap3A_377 = vector.shape_cast %swap3A_376 : vector<1x16xf32> to vector<16xf32>
          %swap3A_378 = vector.shape_cast %broadcast_in_dim3A_369 : vector<16xf32> to vector<1x16xf32>
          tpu.vector_store %arg13[%swap3A_374, %swap3A_375], %swap3A_378 {strides = array<i32>} : memref<256x16xf32, #tpu.memory_space<vmem>>, vector<1x16xf32>,
          %slice3A_379 = vector.extract_strided_slice %get3A_225 {offsets = [13], sizes = [1], strides = [1]} : vector<16xf32> to vector<1xf32>
          %squeeze3A_380 = vector.extract %slice3A_379[0] : f32 from vector<1xf32>
          %broadcast_in_dim3A_381 = vector.broadcast %squeeze3A_380 : f32 to vector<16xf32>
          %mul3A_382 = arith.constant 16 : i32
          %mul3A_383 = arith.muli %scan3A_219, %mul3A_382 : i32
          %add3A_384 = arith.constant 13 : i32
          %add3A_385 = arith.addi %mul3A_383, %add3A_384 : i32
          %swap3A_386 = arith.index_cast %add3A_385 : i32 to index
          %swap3A_387 = arith.constant 0 : index
          %swap3A_388 = tpu.vector_load %arg13[%swap3A_386, %swap3A_387] {strides = array<i32>} : memref<256x16xf32, #tpu.memory_space<vmem>>, vector<1x16xf32>,
          %swap3A_389 = vector.shape_cast %swap3A_388 : vector<1x16xf32> to vector<16xf32>
          %swap3A_390 = vector.shape_cast %broadcast_in_dim3A_381 : vector<16xf32> to vector<1x16xf32>
          tpu.vector_store %arg13[%swap3A_386, %swap3A_387], %swap3A_390 {strides = array<i32>} : memref<256x16xf32, #tpu.memory_space<vmem>>, vector<1x16xf32>,
          %slice3A_391 = vector.extract_strided_slice %get3A_225 {offsets = [14], sizes = [1], strides = [1]} : vector<16xf32> to vector<1xf32>
          %squeeze3A_392 = vector.extract %slice3A_391[0] : f32 from vector<1xf32>
          %broadcast_in_dim3A_393 = vector.broadcast %squeeze3A_392 : f32 to vector<16xf32>
          %mul3A_394 = arith.constant 16 : i32
          %mul3A_395 = arith.muli %scan3A_219, %mul3A_394 : i32
          %add3A_396 = arith.constant 14 : i32
          %add3A_397 = arith.addi %mul3A_395, %add3A_396 : i32
          %swap3A_398 = arith.index_cast %add3A_397 : i32 to index
          %swap3A_399 = arith.constant 0 : index
          %swap3A_400 = tpu.vector_load %arg13[%swap3A_398, %swap3A_399] {strides = array<i32>} : memref<256x16xf32, #tpu.memory_space<vmem>>, vector<1x16xf32>,
          %swap3A_401 = vector.shape_cast %swap3A_400 : vector<1x16xf32> to vector<16xf32>
          %swap3A_402 = vector.shape_cast %broadcast_in_dim3A_393 : vector<16xf32> to vector<1x16xf32>
          tpu.vector_store %arg13[%swap3A_398, %swap3A_399], %swap3A_402 {strides = array<i32>} : memref<256x16xf32, #tpu.memory_space<vmem>>, vector<1x16xf32>,
          %slice3A_403 = vector.extract_strided_slice %get3A_225 {offsets = [15], sizes = [1], strides = [1]} : vector<16xf32> to vector<1xf32>
          %squeeze3A_404 = vector.extract %slice3A_403[0] : f32 from vector<1xf32>
          %broadcast_in_dim3A_405 = vector.broadcast %squeeze3A_404 : f32 to vector<16xf32>
          %mul3A_406 = arith.constant 16 : i32
          %mul3A_407 = arith.muli %scan3A_219, %mul3A_406 : i32
          %add3A_408 = arith.constant 15 : i32
          %add3A_409 = arith.addi %mul3A_407, %add3A_408 : i32
          %swap3A_410 = arith.index_cast %add3A_409 : i32 to index
          %swap3A_411 = arith.constant 0 : index
          %swap3A_412 = tpu.vector_load %arg13[%swap3A_410, %swap3A_411] {strides = array<i32>} : memref<256x16xf32, #tpu.memory_space<vmem>>, vector<1x16xf32>,
          %swap3A_413 = vector.shape_cast %swap3A_412 : vector<1x16xf32> to vector<16xf32>
          %swap3A_414 = vector.shape_cast %broadcast_in_dim3A_405 : vector<16xf32> to vector<1x16xf32>
          tpu.vector_store %arg13[%swap3A_410, %swap3A_411], %swap3A_414 {strides = array<i32>} : memref<256x16xf32, #tpu.memory_space<vmem>>, vector<1x16xf32>,
          %scan3A_415 = arith.constant 0 : i32
          scf.yield %scan3A_415 : i32
        }
        %scan3A_218 = arith.constant 16 : i32
      } else {
      }
      %add3A_198 = arith.constant 1 : i32
      %add3A_199 = arith.addi %mul3A_103, %add3A_198 : i32
      %dma_start3A_200 = arith.constant 0 : i32
      %dma_start3A_201 = tpu.memref_slice %arg8[%add3A_199, %dma_start3A_200] : memref<40x256xi32, #tpu.memory_space<vmem>> -> memref<1x256xi32, #tpu.memory_space<vmem>>
      %dma_start3A_202 = tpu.memref_squeeze %dma_start3A_201 : memref<1x256xi32, #tpu.memory_space<vmem>> -> memref<256xi32, #tpu.memory_space<vmem>>
      %dma_start3A_203 = arith.constant 0 : i32
      %dma_start3A_204 = arith.constant 0 : i32
      %dma_start3A_205 = tpu.memref_slice %arg14[%dma_start3A_203, %dma_start3A_204] : memref<10240x64xf32, #tpu.memory_space<vmem_shared>> -> memref<10240x64xf32, #tpu.memory_space<vmem_shared>>
      tpu.enqueue_indirect_dma source(%arg11 : memref<256x64xf32, #tpu.memory_space<vmem>>) target(%dma_start3A_205 : memref<10240x64xf32, #tpu.memory_space<vmem_shared>>) offsets(%dma_start3A_202 : memref<256xi32, #tpu.memory_space<vmem>>) semaphore(%arg19 : memref<!tpu.dma_semaphore, #tpu.memory_space<semaphore_mem>>) {add = true}
      %eq3A_206 = arith.constant 1 : i32
      %eq3A_207 = arith.cmpi eq, %arg0, %eq3A_206 : i32
      %convert_element_type3A_208 = arith.extui %eq3A_207 : i1 to i32
      %cond3A_209 = arith.constant 0 : i32
      %cond3A_210 = arith.cmpi ne, %convert_element_type3A_208, %cond3A_209 : i32
      scf.if %cond3A_210 {
        %dma_start3A_212 = arith.constant 0 : i32
        %dma_start3A_213 = tpu.memref_slice %arg8[%add3A_199, %dma_start3A_212] : memref<40x256xi32, #tpu.memory_space<vmem>> -> memref<1x256xi32, #tpu.memory_space<vmem>>
        %dma_start3A_214 = tpu.memref_squeeze %dma_start3A_213 : memref<1x256xi32, #tpu.memory_space<vmem>> -> memref<256xi32, #tpu.memory_space<vmem>>
        %dma_start3A_215 = arith.constant 0 : i32
        %dma_start3A_216 = arith.constant 0 : i32
        %dma_start3A_217 = tpu.memref_slice %arg15[%dma_start3A_215, %dma_start3A_216] : memref<10240x16xf32, #tpu.memory_space<vmem_shared>> -> memref<10240x16xf32, #tpu.memory_space<vmem_shared>>
        tpu.enqueue_indirect_dma source(%arg13 : memref<256x16xf32, #tpu.memory_space<vmem>>) target(%dma_start3A_217 : memref<10240x16xf32, #tpu.memory_space<vmem_shared>>) offsets(%dma_start3A_214 : memref<256xi32, #tpu.memory_space<vmem>>) semaphore(%arg21 : memref<!tpu.dma_semaphore, #tpu.memory_space<semaphore_mem>>) {add = true}
      } else {
      }
      %scan3A_211 = arith.constant 0 : i32
      scf.yield %scan3A_211 : i32
    }
    %scan3A_46 = arith.constant 20 : i32
    %dma_wait3A = arith.constant 39 : i32
    %dma_wait3A_47 = arith.constant 0 : i32
    %dma_wait3A_48 = tpu.memref_slice %arg8[%dma_wait3A, %dma_wait3A_47] : memref<40x256xi32, #tpu.memory_space<vmem>> -> memref<1x256xi32, #tpu.memory_space<vmem>>
    %dma_wait3A_49 = tpu.memref_squeeze %dma_wait3A_48 : memref<1x256xi32, #tpu.memory_space<vmem>> -> memref<256xi32, #tpu.memory_space<vmem>>
    %dma_wait3A_50 = arith.constant 0 : i32
    %dma_wait3A_51 = arith.constant 0 : i32
    %dma_wait3A_52 = tpu.memref_slice %arg14[%dma_wait3A_50, %dma_wait3A_51] : memref<10240x64xf32, #tpu.memory_space<vmem_shared>> -> memref<10240x64xf32, #tpu.memory_space<vmem_shared>>
    tpu.wait_indirect_dma semaphore(%arg19 : memref<!tpu.dma_semaphore, #tpu.memory_space<semaphore_mem>>) src(%arg11 : memref<256x64xf32, #tpu.memory_space<vmem>>) dst(%dma_wait3A_52 : memref<10240x64xf32, #tpu.memory_space<vmem_shared>>)
    %eq3A = arith.constant 1 : i32
    %eq3A_53 = arith.cmpi eq, %arg0, %eq3A : i32
    %convert_element_type3A = arith.extui %eq3A_53 : i1 to i32
    %cond3A = arith.constant 0 : i32
    %cond3A_54 = arith.cmpi ne, %convert_element_type3A, %cond3A : i32
    scf.if %cond3A_54 {
      %dma_wait3A_100 = arith.constant 39 : i32
      %dma_wait3A_101 = arith.constant 0 : i32
      %dma_wait3A_102 = tpu.memref_slice %arg8[%dma_wait3A_100, %dma_wait3A_101] : memref<40x256xi32, #tpu.memory_space<vmem>> -> memref<1x256xi32, #tpu.memory_space<vmem>>
      %dma_wait3A_103 = tpu.memref_squeeze %dma_wait3A_102 : memref<1x256xi32, #tpu.memory_space<vmem>> -> memref<256xi32, #tpu.memory_space<vmem>>
      %dma_wait3A_104 = arith.constant 0 : i32
      %dma_wait3A_105 = arith.constant 0 : i32
      %dma_wait3A_106 = tpu.memref_slice %arg15[%dma_wait3A_104, %dma_wait3A_105] : memref<10240x16xf32, #tpu.memory_space<vmem_shared>> -> memref<10240x16xf32, #tpu.memory_space<vmem_shared>>
      tpu.wait_indirect_dma semaphore(%arg21 : memref<!tpu.dma_semaphore, #tpu.memory_space<semaphore_mem>>) src(%arg13 : memref<256x16xf32, #tpu.memory_space<vmem>>) dst(%dma_wait3A_106 : memref<10240x16xf32, #tpu.memory_space<vmem_shared>>)
    } else {
    }
    %mul3A_55 = arith.constant 80 : i32
    %mul3A_56 = arith.muli %arg1, %mul3A_55 : i32
    %add3A_57 = arith.constant 40 : i32
    %add3A_58 = arith.addi %mul3A_56, %add3A_57 : i32
    %run_scoped3A_59 = arith.constant 1 : i32
    "tpu.region"() ({
      %run_scoped3A_100 = tpu.sem_alloc : memref<!tpu.dma_semaphore, #tpu.memory_space<semaphore_mem>>
      %dma_start3A_101 = arith.constant 0 : i32
      %dma_start3A_102 = tpu.memref_slice %arg2[%run_scoped3A_59, %add3A_58, %dma_start3A_101] : memref<2x1280x256xi32, #tpu.memory_space<hbm>> -> memref<1x40x256xi32, #tpu.memory_space<hbm>>
      %dma_start3A_103 = tpu.memref_squeeze %dma_start3A_102 : memref<1x40x256xi32, #tpu.memory_space<hbm>> -> memref<40x256xi32, #tpu.memory_space<hbm>>
      %dma_start3A_104 = arith.constant 0 : i32
      %dma_start3A_105 = tpu.memref_slice %arg2[%run_scoped3A_59, %add3A_58, %dma_start3A_104] : memref<2x1280x256xi32, #tpu.memory_space<hbm>> -> memref<1x40x256xi32, #tpu.memory_space<hbm>>
      %dma_start3A_106 = tpu.memref_squeeze %dma_start3A_105 : memref<1x40x256xi32, #tpu.memory_space<hbm>> -> memref<40x256xi32, #tpu.memory_space<hbm>>
      tpu.enqueue_dma source(%dma_start3A_106 : memref<40x256xi32, #tpu.memory_space<hbm>>) target(%arg7 : memref<40x256xi32, #tpu.memory_space<vmem>>) target_semaphore(%run_scoped3A_100 : memref<!tpu.dma_semaphore, #tpu.memory_space<semaphore_mem>>)
      %dma_wait3A_107 = arith.constant 0 : i32
      %dma_wait3A_108 = tpu.memref_slice %arg2[%run_scoped3A_59, %add3A_58, %dma_wait3A_107] : memref<2x1280x256xi32, #tpu.memory_space<hbm>> -> memref<1x40x256xi32, #tpu.memory_space<hbm>>
      %dma_wait3A_109 = tpu.memref_squeeze %dma_wait3A_108 : memref<1x40x256xi32, #tpu.memory_space<hbm>> -> memref<40x256xi32, #tpu.memory_space<hbm>>
      %dma_wait3A_110 = arith.constant 0 : i32
      %dma_wait3A_111 = tpu.memref_slice %arg2[%run_scoped3A_59, %add3A_58, %dma_wait3A_110] : memref<2x1280x256xi32, #tpu.memory_space<hbm>> -> memref<1x40x256xi32, #tpu.memory_space<hbm>>
      %dma_wait3A_112 = tpu.memref_squeeze %dma_wait3A_111 : memref<1x40x256xi32, #tpu.memory_space<hbm>> -> memref<40x256xi32, #tpu.memory_space<hbm>>
      tpu.wait_dma2 semaphore(%run_scoped3A_100 : memref<!tpu.dma_semaphore, #tpu.memory_space<semaphore_mem>>) src(%dma_wait3A_112 : memref<40x256xi32, #tpu.memory_space<hbm>>) dst(%arg7 : memref<40x256xi32, #tpu.memory_space<vmem>>)
      tpu.yield
    }) : () -> ()
    %mul3A_60 = arith.constant 80 : i32
    %mul3A_61 = arith.muli %arg1, %mul3A_60 : i32
    %add3A_62 = arith.constant 40 : i32
    %add3A_63 = arith.addi %mul3A_61, %add3A_62 : i32
    %run_scoped3A_64 = arith.constant 0 : i32
    "tpu.region"() ({
      %run_scoped3A_100 = tpu.sem_alloc : memref<!tpu.dma_semaphore, #tpu.memory_space<semaphore_mem>>
      %dma_start3A_101 = arith.constant 0 : i32
      %dma_start3A_102 = tpu.memref_slice %arg2[%run_scoped3A_64, %add3A_63, %dma_start3A_101] : memref<2x1280x256xi32, #tpu.memory_space<hbm>> -> memref<1x40x256xi32, #tpu.memory_space<hbm>>
      %dma_start3A_103 = tpu.memref_squeeze %dma_start3A_102 : memref<1x40x256xi32, #tpu.memory_space<hbm>> -> memref<40x256xi32, #tpu.memory_space<hbm>>
      %dma_start3A_104 = arith.constant 0 : i32
      %dma_start3A_105 = tpu.memref_slice %arg2[%run_scoped3A_64, %add3A_63, %dma_start3A_104] : memref<2x1280x256xi32, #tpu.memory_space<hbm>> -> memref<1x40x256xi32, #tpu.memory_space<hbm>>
      %dma_start3A_106 = tpu.memref_squeeze %dma_start3A_105 : memref<1x40x256xi32, #tpu.memory_space<hbm>> -> memref<40x256xi32, #tpu.memory_space<hbm>>
      tpu.enqueue_dma source(%dma_start3A_106 : memref<40x256xi32, #tpu.memory_space<hbm>>) target(%arg8 : memref<40x256xi32, #tpu.memory_space<vmem>>) target_semaphore(%run_scoped3A_100 : memref<!tpu.dma_semaphore, #tpu.memory_space<semaphore_mem>>)
      %dma_wait3A_107 = arith.constant 0 : i32
      %dma_wait3A_108 = tpu.memref_slice %arg2[%run_scoped3A_64, %add3A_63, %dma_wait3A_107] : memref<2x1280x256xi32, #tpu.memory_space<hbm>> -> memref<1x40x256xi32, #tpu.memory_space<hbm>>
      %dma_wait3A_109 = tpu.memref_squeeze %dma_wait3A_108 : memref<1x40x256xi32, #tpu.memory_space<hbm>> -> memref<40x256xi32, #tpu.memory_space<hbm>>
      %dma_wait3A_110 = arith.constant 0 : i32
      %dma_wait3A_111 = tpu.memref_slice %arg2[%run_scoped3A_64, %add3A_63, %dma_wait3A_110] : memref<2x1280x256xi32, #tpu.memory_space<hbm>> -> memref<1x40x256xi32, #tpu.memory_space<hbm>>
      %dma_wait3A_112 = tpu.memref_squeeze %dma_wait3A_111 : memref<1x40x256xi32, #tpu.memory_space<hbm>> -> memref<40x256xi32, #tpu.memory_space<hbm>>
      tpu.wait_dma2 semaphore(%run_scoped3A_100 : memref<!tpu.dma_semaphore, #tpu.memory_space<semaphore_mem>>) src(%dma_wait3A_112 : memref<40x256xi32, #tpu.memory_space<hbm>>) dst(%arg8 : memref<40x256xi32, #tpu.memory_space<vmem>>)
      tpu.yield
    }) : () -> ()
    %mul3A_65 = arith.constant 20480 : i32
    %mul3A_66 = arith.muli %arg1, %mul3A_65 : i32
    %add3A_67 = arith.constant 10240 : i32
    %add3A_68 = arith.addi %mul3A_66, %add3A_67 : i32
    "tpu.region"() ({
      %run_scoped3A_100 = tpu.sem_alloc : memref<!tpu.dma_semaphore, #tpu.memory_space<semaphore_mem>>
      %dma_start3A_101 = tpu.memref_slice %arg3[%add3A_68] : memref<327680xf32, #tpu.memory_space<hbm>> -> memref<10240xf32, #tpu.memory_space<hbm>>
      %dma_start3A_102 = tpu.memref_slice %arg3[%add3A_68] : memref<327680xf32, #tpu.memory_space<hbm>> -> memref<10240xf32, #tpu.memory_space<hbm>>
      tpu.enqueue_dma source(%dma_start3A_102 : memref<10240xf32, #tpu.memory_space<hbm>>) target(%arg9 : memref<10240xf32, #tpu.memory_space<vmem>>) target_semaphore(%run_scoped3A_100 : memref<!tpu.dma_semaphore, #tpu.memory_space<semaphore_mem>>)
      %dma_wait3A_103 = tpu.memref_slice %arg3[%add3A_68] : memref<327680xf32, #tpu.memory_space<hbm>> -> memref<10240xf32, #tpu.memory_space<hbm>>
      %dma_wait3A_104 = tpu.memref_slice %arg3[%add3A_68] : memref<327680xf32, #tpu.memory_space<hbm>> -> memref<10240xf32, #tpu.memory_space<hbm>>
      tpu.wait_dma2 semaphore(%run_scoped3A_100 : memref<!tpu.dma_semaphore, #tpu.memory_space<semaphore_mem>>) src(%dma_wait3A_104 : memref<10240xf32, #tpu.memory_space<hbm>>) dst(%arg9 : memref<10240xf32, #tpu.memory_space<vmem>>)
      tpu.yield
    }) : () -> ()
    %dma_start3A_69 = arith.constant 0 : i32
    %dma_start3A_70 = arith.constant 0 : i32
    %dma_start3A_71 = tpu.memref_slice %arg7[%dma_start3A_69, %dma_start3A_70] : memref<40x256xi32, #tpu.memory_space<vmem>> -> memref<1x256xi32, #tpu.memory_space<vmem>>
    %dma_start3A_72 = tpu.memref_squeeze %dma_start3A_71 : memref<1x256xi32, #tpu.memory_space<vmem>> -> memref<256xi32, #tpu.memory_space<vmem>>
    %dma_start3A_73 = arith.constant 0 : i32
    %dma_start3A_74 = arith.constant 0 : i32
    %dma_start3A_75 = tpu.memref_slice %arg4[%arg0, %dma_start3A_73, %dma_start3A_74] : memref<2x10000x64xf32, #tpu.memory_space<hbm>> -> memref<1x10000x64xf32, #tpu.memory_space<hbm>>
    %dma_start3A_76 = tpu.memref_squeeze %dma_start3A_75 : memref<1x10000x64xf32, #tpu.memory_space<hbm>> -> memref<10000x64xf32, #tpu.memory_space<hbm>>
    %dma_start3A_77 = arith.constant 0 : i32
    %dma_start3A_78 = arith.constant 0 : i32
    %dma_start3A_79 = tpu.memref_slice %dma_start3A_76[%dma_start3A_77, %dma_start3A_78] : memref<10000x64xf32, #tpu.memory_space<hbm>> -> memref<10000x64xf32, #tpu.memory_space<hbm>>
    tpu.enqueue_indirect_dma source(%dma_start3A_79 : memref<10000x64xf32, #tpu.memory_space<hbm>>) target(%arg10 : memref<256x64xf32, #tpu.memory_space<vmem>>) offsets(%dma_start3A_72 : memref<256xi32, #tpu.memory_space<vmem>>) semaphore(%arg16 : memref<!tpu.dma_semaphore, #tpu.memory_space<semaphore_mem>>)
    %scan3A_80 = arith.constant 0 : i32
    %scan3A_81 = arith.constant 0 : i32
    %scan3A_82 = arith.constant 20 : i32
    %scan3A_83 = arith.addi %scan3A_81, %scan3A_82 : i32
    %scan3A_84 = arith.constant 1 : i32
    %scan3A_85 = scf.for %scan3A_100 = %scan3A_81 to %scan3A_83 step %scan3A_84 iter_args(%scan3A_101 = %scan3A_80) -> (i32)  : i32 {
      %mul3A_102 = arith.constant 2 : i32
      %mul3A_103 = arith.muli %mul3A_102, %scan3A_100 : i32
      %dma_wait3A_104 = arith.constant 0 : i32
      %dma_wait3A_105 = tpu.memref_slice %arg7[%mul3A_103, %dma_wait3A_104] : memref<40x256xi32, #tpu.memory_space<vmem>> -> memref<1x256xi32, #tpu.memory_space<vmem>>
      %dma_wait3A_106 = tpu.memref_squeeze %dma_wait3A_105 : memref<1x256xi32, #tpu.memory_space<vmem>> -> memref<256xi32, #tpu.memory_space<vmem>>
      %dma_wait3A_107 = arith.constant 0 : i32
      %dma_wait3A_108 = arith.constant 0 : i32
      %dma_wait3A_109 = tpu.memref_slice %arg4[%arg0, %dma_wait3A_107, %dma_wait3A_108] : memref<2x10000x64xf32, #tpu.memory_space<hbm>> -> memref<1x10000x64xf32, #tpu.memory_space<hbm>>
      %dma_wait3A_110 = tpu.memref_squeeze %dma_wait3A_109 : memref<1x10000x64xf32, #tpu.memory_space<hbm>> -> memref<10000x64xf32, #tpu.memory_space<hbm>>
      %dma_wait3A_111 = arith.constant 0 : i32
      %dma_wait3A_112 = arith.constant 0 : i32
      %dma_wait3A_113 = tpu.memref_slice %dma_wait3A_110[%dma_wait3A_111, %dma_wait3A_112] : memref<10000x64xf32, #tpu.memory_space<hbm>> -> memref<10000x64xf32, #tpu.memory_space<hbm>>
      tpu.wait_indirect_dma semaphore(%arg16 : memref<!tpu.dma_semaphore, #tpu.memory_space<semaphore_mem>>) src(%dma_wait3A_113 : memref<10000x64xf32, #tpu.memory_space<hbm>>) dst(%arg10 : memref<256x64xf32, #tpu.memory_space<vmem>>)
      %gt3A = arith.constant 0 : i32
      %gt3A_114 = arith.cmpi sgt, %scan3A_100, %gt3A : i32
      %convert_element_type3A_115 = arith.extui %gt3A_114 : i1 to i32
      %cond3A_116 = arith.constant 0 : i32
      %cond3A_117 = arith.cmpi ne, %convert_element_type3A_115, %cond3A_116 : i32
      scf.if %cond3A_117 {
        %sub3A = arith.constant 1 : i32
        %sub3A_212 = arith.subi %mul3A_103, %sub3A : i32
        %dma_wait3A_213 = arith.constant 0 : i32
        %dma_wait3A_214 = tpu.memref_slice %arg8[%sub3A_212, %dma_wait3A_213] : memref<40x256xi32, #tpu.memory_space<vmem>> -> memref<1x256xi32, #tpu.memory_space<vmem>>
        %dma_wait3A_215 = tpu.memref_squeeze %dma_wait3A_214 : memref<1x256xi32, #tpu.memory_space<vmem>> -> memref<256xi32, #tpu.memory_space<vmem>>
        %dma_wait3A_216 = arith.constant 0 : i32
        %dma_wait3A_217 = arith.constant 0 : i32
        %dma_wait3A_218 = tpu.memref_slice %arg14[%dma_wait3A_216, %dma_wait3A_217] : memref<10240x64xf32, #tpu.memory_space<vmem_shared>> -> memref<10240x64xf32, #tpu.memory_space<vmem_shared>>
        tpu.wait_indirect_dma semaphore(%arg19 : memref<!tpu.dma_semaphore, #tpu.memory_space<semaphore_mem>>) src(%arg11 : memref<256x64xf32, #tpu.memory_space<vmem>>) dst(%dma_wait3A_218 : memref<10240x64xf32, #tpu.memory_space<vmem_shared>>)
        %eq3A_219 = arith.constant 1 : i32
        %eq3A_220 = arith.cmpi eq, %arg0, %eq3A_219 : i32
        %convert_element_type3A_221 = arith.extui %eq3A_220 : i1 to i32
        %cond3A_222 = arith.constant 0 : i32
        %cond3A_223 = arith.cmpi ne, %convert_element_type3A_221, %cond3A_222 : i32
        scf.if %cond3A_223 {
          %dma_wait3A_224 = arith.constant 0 : i32
          %dma_wait3A_225 = tpu.memref_slice %arg8[%sub3A_212, %dma_wait3A_224] : memref<40x256xi32, #tpu.memory_space<vmem>> -> memref<1x256xi32, #tpu.memory_space<vmem>>
          %dma_wait3A_226 = tpu.memref_squeeze %dma_wait3A_225 : memref<1x256xi32, #tpu.memory_space<vmem>> -> memref<256xi32, #tpu.memory_space<vmem>>
          %dma_wait3A_227 = arith.constant 0 : i32
          %dma_wait3A_228 = arith.constant 0 : i32
          %dma_wait3A_229 = tpu.memref_slice %arg15[%dma_wait3A_227, %dma_wait3A_228] : memref<10240x16xf32, #tpu.memory_space<vmem_shared>> -> memref<10240x16xf32, #tpu.memory_space<vmem_shared>>
          tpu.wait_indirect_dma semaphore(%arg21 : memref<!tpu.dma_semaphore, #tpu.memory_space<semaphore_mem>>) src(%arg13 : memref<256x16xf32, #tpu.memory_space<vmem>>) dst(%dma_wait3A_229 : memref<10240x16xf32, #tpu.memory_space<vmem_shared>>)
        } else {
        }
      } else {
      }
      %add3A_118 = arith.constant 1 : i32
      %add3A_119 = arith.addi %mul3A_103, %add3A_118 : i32
      %dma_start3A_120 = arith.constant 0 : i32
      %dma_start3A_121 = tpu.memref_slice %arg7[%add3A_119, %dma_start3A_120] : memref<40x256xi32, #tpu.memory_space<vmem>> -> memref<1x256xi32, #tpu.memory_space<vmem>>
      %dma_start3A_122 = tpu.memref_squeeze %dma_start3A_121 : memref<1x256xi32, #tpu.memory_space<vmem>> -> memref<256xi32, #tpu.memory_space<vmem>>
      %dma_start3A_123 = arith.constant 0 : i32
      %dma_start3A_124 = arith.constant 0 : i32
      %dma_start3A_125 = tpu.memref_slice %arg4[%arg0, %dma_start3A_123, %dma_start3A_124] : memref<2x10000x64xf32, #tpu.memory_space<hbm>> -> memref<1x10000x64xf32, #tpu.memory_space<hbm>>
      %dma_start3A_126 = tpu.memref_squeeze %dma_start3A_125 : memref<1x10000x64xf32, #tpu.memory_space<hbm>> -> memref<10000x64xf32, #tpu.memory_space<hbm>>
      %dma_start3A_127 = arith.constant 0 : i32
      %dma_start3A_128 = arith.constant 0 : i32
      %dma_start3A_129 = tpu.memref_slice %dma_start3A_126[%dma_start3A_127, %dma_start3A_128] : memref<10000x64xf32, #tpu.memory_space<hbm>> -> memref<10000x64xf32, #tpu.memory_space<hbm>>
      tpu.enqueue_indirect_dma source(%dma_start3A_129 : memref<10000x64xf32, #tpu.memory_space<hbm>>) target(%arg11 : memref<256x64xf32, #tpu.memory_space<vmem>>) offsets(%dma_start3A_122 : memref<256xi32, #tpu.memory_space<vmem>>) semaphore(%arg17 : memref<!tpu.dma_semaphore, #tpu.memory_space<semaphore_mem>>)
      %mul3A_130 = arith.constant 256 : i32
      %mul3A_131 = arith.muli %mul3A_103, %mul3A_130 : i32
      %scan3A_132 = arith.constant 0 : i32
      %scan3A_133 = arith.constant 0 : i32
      %scan3A_134 = arith.constant 16 : i32
      %scan3A_135 = arith.addi %scan3A_133, %scan3A_134 : i32
      %scan3A_136 = arith.constant 1 : i32
      %scan3A_137 = scf.for %scan3A_212 = %scan3A_133 to %scan3A_135 step %scan3A_136 iter_args(%scan3A_213 = %scan3A_132) -> (i32)  : i32 {
        %mul3A_214 = arith.constant 16 : i32
        %mul3A_215 = arith.muli %scan3A_212, %mul3A_214 : i32
        %add3A_216 = arith.addi %mul3A_131, %mul3A_215 : i32
        %get3A = arith.index_cast %add3A_216 : i32 to index
        %get3A_217 = tpu.vector_load %arg9[%get3A] {strides = array<i32>} : memref<10240xf32, #tpu.memory_space<vmem>>, vector<16xf32>,
        %get3A_218 = vector.shape_cast %get3A_217 : vector<16xf32> to vector<16xf32>
        %mul3A_219 = arith.constant 16 : i32
        %mul3A_220 = arith.muli %scan3A_212, %mul3A_219 : i32
        %add3A_221 = arith.constant 0 : i32
        %add3A_222 = arith.addi %mul3A_220, %add3A_221 : i32
        %slice3A = vector.extract_strided_slice %get3A_218 {offsets = [0], sizes = [1], strides = [1]} : vector<16xf32> to vector<1xf32>
        %squeeze3A = vector.extract %slice3A[0] : f32 from vector<1xf32>
        %broadcast_in_dim3A_223 = vector.broadcast %squeeze3A : f32 to vector<16xf32>
        %get3A_224 = arith.index_cast %add3A_222 : i32 to index
        %get3A_225 = arith.constant 0 : index
        %get3A_226 = tpu.vector_load %arg10[%get3A_224, %get3A_225] {strides = array<i32>} : memref<256x64xf32, #tpu.memory_space<vmem>>, vector<1x16xf32>,
        %get3A_227 = vector.shape_cast %get3A_226 : vector<1x16xf32> to vector<16xf32>
        %get3A_228 = arith.index_cast %add3A_222 : i32 to index
        %get3A_229 = arith.constant 16 : index
        %get3A_230 = tpu.vector_load %arg10[%get3A_228, %get3A_229] {strides = array<i32>} : memref<256x64xf32, #tpu.memory_space<vmem>>, vector<1x16xf32>,
        %get3A_231 = vector.shape_cast %get3A_230 : vector<1x16xf32> to vector<16xf32>
        %get3A_232 = arith.index_cast %add3A_222 : i32 to index
        %get3A_233 = arith.constant 32 : index
        %get3A_234 = tpu.vector_load %arg10[%get3A_232, %get3A_233] {strides = array<i32>} : memref<256x64xf32, #tpu.memory_space<vmem>>, vector<1x16xf32>,
        %get3A_235 = vector.shape_cast %get3A_234 : vector<1x16xf32> to vector<16xf32>
        %get3A_236 = arith.index_cast %add3A_222 : i32 to index
        %get3A_237 = arith.constant 48 : index
        %get3A_238 = tpu.vector_load %arg10[%get3A_236, %get3A_237] {strides = array<i32>} : memref<256x64xf32, #tpu.memory_space<vmem>>, vector<1x16xf32>,
        %get3A_239 = vector.shape_cast %get3A_238 : vector<1x16xf32> to vector<16xf32>
        %mul3A_240 = arith.mulf %get3A_227, %broadcast_in_dim3A_223 : vector<16xf32>
        %mul3A_241 = arith.mulf %get3A_231, %broadcast_in_dim3A_223 : vector<16xf32>
        %mul3A_242 = arith.mulf %get3A_235, %broadcast_in_dim3A_223 : vector<16xf32>
        %mul3A_243 = arith.mulf %get3A_239, %broadcast_in_dim3A_223 : vector<16xf32>
        %swap3A = arith.index_cast %add3A_222 : i32 to index
        %swap3A_244 = arith.constant 0 : index
        %swap3A_245 = tpu.vector_load %arg10[%swap3A, %swap3A_244] {strides = array<i32>} : memref<256x64xf32, #tpu.memory_space<vmem>>, vector<1x16xf32>,
        %swap3A_246 = vector.shape_cast %swap3A_245 : vector<1x16xf32> to vector<16xf32>
        %swap3A_247 = vector.shape_cast %mul3A_240 : vector<16xf32> to vector<1x16xf32>
        tpu.vector_store %arg10[%swap3A, %swap3A_244], %swap3A_247 {strides = array<i32>} : memref<256x64xf32, #tpu.memory_space<vmem>>, vector<1x16xf32>,
        %swap3A_248 = arith.index_cast %add3A_222 : i32 to index
        %swap3A_249 = arith.constant 16 : index
        %swap3A_250 = tpu.vector_load %arg10[%swap3A_248, %swap3A_249] {strides = array<i32>} : memref<256x64xf32, #tpu.memory_space<vmem>>, vector<1x16xf32>,
        %swap3A_251 = vector.shape_cast %swap3A_250 : vector<1x16xf32> to vector<16xf32>
        %swap3A_252 = vector.shape_cast %mul3A_241 : vector<16xf32> to vector<1x16xf32>
        tpu.vector_store %arg10[%swap3A_248, %swap3A_249], %swap3A_252 {strides = array<i32>} : memref<256x64xf32, #tpu.memory_space<vmem>>, vector<1x16xf32>,
        %swap3A_253 = arith.index_cast %add3A_222 : i32 to index
        %swap3A_254 = arith.constant 32 : index
        %swap3A_255 = tpu.vector_load %arg10[%swap3A_253, %swap3A_254] {strides = array<i32>} : memref<256x64xf32, #tpu.memory_space<vmem>>, vector<1x16xf32>,
        %swap3A_256 = vector.shape_cast %swap3A_255 : vector<1x16xf32> to vector<16xf32>
        %swap3A_257 = vector.shape_cast %mul3A_242 : vector<16xf32> to vector<1x16xf32>
        tpu.vector_store %arg10[%swap3A_253, %swap3A_254], %swap3A_257 {strides = array<i32>} : memref<256x64xf32, #tpu.memory_space<vmem>>, vector<1x16xf32>,
        %swap3A_258 = arith.index_cast %add3A_222 : i32 to index
        %swap3A_259 = arith.constant 48 : index
        %swap3A_260 = tpu.vector_load %arg10[%swap3A_258, %swap3A_259] {strides = array<i32>} : memref<256x64xf32, #tpu.memory_space<vmem>>, vector<1x16xf32>,
        %swap3A_261 = vector.shape_cast %swap3A_260 : vector<1x16xf32> to vector<16xf32>
        %swap3A_262 = vector.shape_cast %mul3A_243 : vector<16xf32> to vector<1x16xf32>
        tpu.vector_store %arg10[%swap3A_258, %swap3A_259], %swap3A_262 {strides = array<i32>} : memref<256x64xf32, #tpu.memory_space<vmem>>, vector<1x16xf32>,
        %mul3A_263 = arith.constant 16 : i32
        %mul3A_264 = arith.muli %scan3A_212, %mul3A_263 : i32
        %add3A_265 = arith.constant 1 : i32
        %add3A_266 = arith.addi %mul3A_264, %add3A_265 : i32
        %slice3A_267 = vector.extract_strided_slice %get3A_218 {offsets = [1], sizes = [1], strides = [1]} : vector<16xf32> to vector<1xf32>
        %squeeze3A_268 = vector.extract %slice3A_267[0] : f32 from vector<1xf32>
        %broadcast_in_dim3A_269 = vector.broadcast %squeeze3A_268 : f32 to vector<16xf32>
        %get3A_270 = arith.index_cast %add3A_266 : i32 to index
        %get3A_271 = arith.constant 0 : index
        %get3A_272 = tpu.vector_load %arg10[%get3A_270, %get3A_271] {strides = array<i32>} : memref<256x64xf32, #tpu.memory_space<vmem>>, vector<1x16xf32>,
        %get3A_273 = vector.shape_cast %get3A_272 : vector<1x16xf32> to vector<16xf32>
        %get3A_274 = arith.index_cast %add3A_266 : i32 to index
        %get3A_275 = arith.constant 16 : index
        %get3A_276 = tpu.vector_load %arg10[%get3A_274, %get3A_275] {strides = array<i32>} : memref<256x64xf32, #tpu.memory_space<vmem>>, vector<1x16xf32>,
        %get3A_277 = vector.shape_cast %get3A_276 : vector<1x16xf32> to vector<16xf32>
        %get3A_278 = arith.index_cast %add3A_266 : i32 to index
        %get3A_279 = arith.constant 32 : index
        %get3A_280 = tpu.vector_load %arg10[%get3A_278, %get3A_279] {strides = array<i32>} : memref<256x64xf32, #tpu.memory_space<vmem>>, vector<1x16xf32>,
        %get3A_281 = vector.shape_cast %get3A_280 : vector<1x16xf32> to vector<16xf32>
        %get3A_282 = arith.index_cast %add3A_266 : i32 to index
        %get3A_283 = arith.constant 48 : index
        %get3A_284 = tpu.vector_load %arg10[%get3A_282, %get3A_283] {strides = array<i32>} : memref<256x64xf32, #tpu.memory_space<vmem>>, vector<1x16xf32>,
        %get3A_285 = vector.shape_cast %get3A_284 : vector<1x16xf32> to vector<16xf32>
        %mul3A_286 = arith.mulf %get3A_273, %broadcast_in_dim3A_269 : vector<16xf32>
        %mul3A_287 = arith.mulf %get3A_277, %broadcast_in_dim3A_269 : vector<16xf32>
        %mul3A_288 = arith.mulf %get3A_281, %broadcast_in_dim3A_269 : vector<16xf32>
        %mul3A_289 = arith.mulf %get3A_285, %broadcast_in_dim3A_269 : vector<16xf32>
        %swap3A_290 = arith.index_cast %add3A_266 : i32 to index
        %swap3A_291 = arith.constant 0 : index
        %swap3A_292 = tpu.vector_load %arg10[%swap3A_290, %swap3A_291] {strides = array<i32>} : memref<256x64xf32, #tpu.memory_space<vmem>>, vector<1x16xf32>,
        %swap3A_293 = vector.shape_cast %swap3A_292 : vector<1x16xf32> to vector<16xf32>
        %swap3A_294 = vector.shape_cast %mul3A_286 : vector<16xf32> to vector<1x16xf32>
        tpu.vector_store %arg10[%swap3A_290, %swap3A_291], %swap3A_294 {strides = array<i32>} : memref<256x64xf32, #tpu.memory_space<vmem>>, vector<1x16xf32>,
        %swap3A_295 = arith.index_cast %add3A_266 : i32 to index
        %swap3A_296 = arith.constant 16 : index
        %swap3A_297 = tpu.vector_load %arg10[%swap3A_295, %swap3A_296] {strides = array<i32>} : memref<256x64xf32, #tpu.memory_space<vmem>>, vector<1x16xf32>,
        %swap3A_298 = vector.shape_cast %swap3A_297 : vector<1x16xf32> to vector<16xf32>
        %swap3A_299 = vector.shape_cast %mul3A_287 : vector<16xf32> to vector<1x16xf32>
        tpu.vector_store %arg10[%swap3A_295, %swap3A_296], %swap3A_299 {strides = array<i32>} : memref<256x64xf32, #tpu.memory_space<vmem>>, vector<1x16xf32>,
        %swap3A_300 = arith.index_cast %add3A_266 : i32 to index
        %swap3A_301 = arith.constant 32 : index
        %swap3A_302 = tpu.vector_load %arg10[%swap3A_300, %swap3A_301] {strides = array<i32>} : memref<256x64xf32, #tpu.memory_space<vmem>>, vector<1x16xf32>,
        %swap3A_303 = vector.shape_cast %swap3A_302 : vector<1x16xf32> to vector<16xf32>
        %swap3A_304 = vector.shape_cast %mul3A_288 : vector<16xf32> to vector<1x16xf32>
        tpu.vector_store %arg10[%swap3A_300, %swap3A_301], %swap3A_304 {strides = array<i32>} : memref<256x64xf32, #tpu.memory_space<vmem>>, vector<1x16xf32>,
        %swap3A_305 = arith.index_cast %add3A_266 : i32 to index
        %swap3A_306 = arith.constant 48 : index
        %swap3A_307 = tpu.vector_load %arg10[%swap3A_305, %swap3A_306] {strides = array<i32>} : memref<256x64xf32, #tpu.memory_space<vmem>>, vector<1x16xf32>,
        %swap3A_308 = vector.shape_cast %swap3A_307 : vector<1x16xf32> to vector<16xf32>
        %swap3A_309 = vector.shape_cast %mul3A_289 : vector<16xf32> to vector<1x16xf32>
        tpu.vector_store %arg10[%swap3A_305, %swap3A_306], %swap3A_309 {strides = array<i32>} : memref<256x64xf32, #tpu.memory_space<vmem>>, vector<1x16xf32>,
        %mul3A_310 = arith.constant 16 : i32
        %mul3A_311 = arith.muli %scan3A_212, %mul3A_310 : i32
        %add3A_312 = arith.constant 2 : i32
        %add3A_313 = arith.addi %mul3A_311, %add3A_312 : i32
        %slice3A_314 = vector.extract_strided_slice %get3A_218 {offsets = [2], sizes = [1], strides = [1]} : vector<16xf32> to vector<1xf32>
        %squeeze3A_315 = vector.extract %slice3A_314[0] : f32 from vector<1xf32>
        %broadcast_in_dim3A_316 = vector.broadcast %squeeze3A_315 : f32 to vector<16xf32>
        %get3A_317 = arith.index_cast %add3A_313 : i32 to index
        %get3A_318 = arith.constant 0 : index
        %get3A_319 = tpu.vector_load %arg10[%get3A_317, %get3A_318] {strides = array<i32>} : memref<256x64xf32, #tpu.memory_space<vmem>>, vector<1x16xf32>,
        %get3A_320 = vector.shape_cast %get3A_319 : vector<1x16xf32> to vector<16xf32>
        %get3A_321 = arith.index_cast %add3A_313 : i32 to index
        %get3A_322 = arith.constant 16 : index
        %get3A_323 = tpu.vector_load %arg10[%get3A_321, %get3A_322] {strides = array<i32>} : memref<256x64xf32, #tpu.memory_space<vmem>>, vector<1x16xf32>,
        %get3A_324 = vector.shape_cast %get3A_323 : vector<1x16xf32> to vector<16xf32>
        %get3A_325 = arith.index_cast %add3A_313 : i32 to index
        %get3A_326 = arith.constant 32 : index
        %get3A_327 = tpu.vector_load %arg10[%get3A_325, %get3A_326] {strides = array<i32>} : memref<256x64xf32, #tpu.memory_space<vmem>>, vector<1x16xf32>,
        %get3A_328 = vector.shape_cast %get3A_327 : vector<1x16xf32> to vector<16xf32>
        %get3A_329 = arith.index_cast %add3A_313 : i32 to index
        %get3A_330 = arith.constant 48 : index
        %get3A_331 = tpu.vector_load %arg10[%get3A_329, %get3A_330] {strides = array<i32>} : memref<256x64xf32, #tpu.memory_space<vmem>>, vector<1x16xf32>,
        %get3A_332 = vector.shape_cast %get3A_331 : vector<1x16xf32> to vector<16xf32>
        %mul3A_333 = arith.mulf %get3A_320, %broadcast_in_dim3A_316 : vector<16xf32>
        %mul3A_334 = arith.mulf %get3A_324, %broadcast_in_dim3A_316 : vector<16xf32>
        %mul3A_335 = arith.mulf %get3A_328, %broadcast_in_dim3A_316 : vector<16xf32>
        %mul3A_336 = arith.mulf %get3A_332, %broadcast_in_dim3A_316 : vector<16xf32>
        %swap3A_337 = arith.index_cast %add3A_313 : i32 to index
        %swap3A_338 = arith.constant 0 : index
        %swap3A_339 = tpu.vector_load %arg10[%swap3A_337, %swap3A_338] {strides = array<i32>} : memref<256x64xf32, #tpu.memory_space<vmem>>, vector<1x16xf32>,
        %swap3A_340 = vector.shape_cast %swap3A_339 : vector<1x16xf32> to vector<16xf32>
        %swap3A_341 = vector.shape_cast %mul3A_333 : vector<16xf32> to vector<1x16xf32>
        tpu.vector_store %arg10[%swap3A_337, %swap3A_338], %swap3A_341 {strides = array<i32>} : memref<256x64xf32, #tpu.memory_space<vmem>>, vector<1x16xf32>,
        %swap3A_342 = arith.index_cast %add3A_313 : i32 to index
        %swap3A_343 = arith.constant 16 : index
        %swap3A_344 = tpu.vector_load %arg10[%swap3A_342, %swap3A_343] {strides = array<i32>} : memref<256x64xf32, #tpu.memory_space<vmem>>, vector<1x16xf32>,
        %swap3A_345 = vector.shape_cast %swap3A_344 : vector<1x16xf32> to vector<16xf32>
        %swap3A_346 = vector.shape_cast %mul3A_334 : vector<16xf32> to vector<1x16xf32>
        tpu.vector_store %arg10[%swap3A_342, %swap3A_343], %swap3A_346 {strides = array<i32>} : memref<256x64xf32, #tpu.memory_space<vmem>>, vector<1x16xf32>,
        %swap3A_347 = arith.index_cast %add3A_313 : i32 to index
        %swap3A_348 = arith.constant 32 : index
        %swap3A_349 = tpu.vector_load %arg10[%swap3A_347, %swap3A_348] {strides = array<i32>} : memref<256x64xf32, #tpu.memory_space<vmem>>, vector<1x16xf32>,
        %swap3A_350 = vector.shape_cast %swap3A_349 : vector<1x16xf32> to vector<16xf32>
        %swap3A_351 = vector.shape_cast %mul3A_335 : vector<16xf32> to vector<1x16xf32>
        tpu.vector_store %arg10[%swap3A_347, %swap3A_348], %swap3A_351 {strides = array<i32>} : memref<256x64xf32, #tpu.memory_space<vmem>>, vector<1x16xf32>,
        %swap3A_352 = arith.index_cast %add3A_313 : i32 to index
        %swap3A_353 = arith.constant 48 : index
        %swap3A_354 = tpu.vector_load %arg10[%swap3A_352, %swap3A_353] {strides = array<i32>} : memref<256x64xf32, #tpu.memory_space<vmem>>, vector<1x16xf32>,
        %swap3A_355 = vector.shape_cast %swap3A_354 : vector<1x16xf32> to vector<16xf32>
        %swap3A_356 = vector.shape_cast %mul3A_336 : vector<16xf32> to vector<1x16xf32>
        tpu.vector_store %arg10[%swap3A_352, %swap3A_353], %swap3A_356 {strides = array<i32>} : memref<256x64xf32, #tpu.memory_space<vmem>>, vector<1x16xf32>,
        %mul3A_357 = arith.constant 16 : i32
        %mul3A_358 = arith.muli %scan3A_212, %mul3A_357 : i32
        %add3A_359 = arith.constant 3 : i32
        %add3A_360 = arith.addi %mul3A_358, %add3A_359 : i32
        %slice3A_361 = vector.extract_strided_slice %get3A_218 {offsets = [3], sizes = [1], strides = [1]} : vector<16xf32> to vector<1xf32>
        %squeeze3A_362 = vector.extract %slice3A_361[0] : f32 from vector<1xf32>
        %broadcast_in_dim3A_363 = vector.broadcast %squeeze3A_362 : f32 to vector<16xf32>
        %get3A_364 = arith.index_cast %add3A_360 : i32 to index
        %get3A_365 = arith.constant 0 : index
        %get3A_366 = tpu.vector_load %arg10[%get3A_364, %get3A_365] {strides = array<i32>} : memref<256x64xf32, #tpu.memory_space<vmem>>, vector<1x16xf32>,
        %get3A_367 = vector.shape_cast %get3A_366 : vector<1x16xf32> to vector<16xf32>
        %get3A_368 = arith.index_cast %add3A_360 : i32 to index
        %get3A_369 = arith.constant 16 : index
        %get3A_370 = tpu.vector_load %arg10[%get3A_368, %get3A_369] {strides = array<i32>} : memref<256x64xf32, #tpu.memory_space<vmem>>, vector<1x16xf32>,
        %get3A_371 = vector.shape_cast %get3A_370 : vector<1x16xf32> to vector<16xf32>
        %get3A_372 = arith.index_cast %add3A_360 : i32 to index
        %get3A_373 = arith.constant 32 : index
        %get3A_374 = tpu.vector_load %arg10[%get3A_372, %get3A_373] {strides = array<i32>} : memref<256x64xf32, #tpu.memory_space<vmem>>, vector<1x16xf32>,
        %get3A_375 = vector.shape_cast %get3A_374 : vector<1x16xf32> to vector<16xf32>
        %get3A_376 = arith.index_cast %add3A_360 : i32 to index
        %get3A_377 = arith.constant 48 : index
        %get3A_378 = tpu.vector_load %arg10[%get3A_376, %get3A_377] {strides = array<i32>} : memref<256x64xf32, #tpu.memory_space<vmem>>, vector<1x16xf32>,
        %get3A_379 = vector.shape_cast %get3A_378 : vector<1x16xf32> to vector<16xf32>
        %mul3A_380 = arith.mulf %get3A_367, %broadcast_in_dim3A_363 : vector<16xf32>
        %mul3A_381 = arith.mulf %get3A_371, %broadcast_in_dim3A_363 : vector<16xf32>
        %mul3A_382 = arith.mulf %get3A_375, %broadcast_in_dim3A_363 : vector<16xf32>
        %mul3A_383 = arith.mulf %get3A_379, %broadcast_in_dim3A_363 : vector<16xf32>
        %swap3A_384 = arith.index_cast %add3A_360 : i32 to index
        %swap3A_385 = arith.constant 0 : index
        %swap3A_386 = tpu.vector_load %arg10[%swap3A_384, %swap3A_385] {strides = array<i32>} : memref<256x64xf32, #tpu.memory_space<vmem>>, vector<1x16xf32>,
        %swap3A_387 = vector.shape_cast %swap3A_386 : vector<1x16xf32> to vector<16xf32>
        %swap3A_388 = vector.shape_cast %mul3A_380 : vector<16xf32> to vector<1x16xf32>
        tpu.vector_store %arg10[%swap3A_384, %swap3A_385], %swap3A_388 {strides = array<i32>} : memref<256x64xf32, #tpu.memory_space<vmem>>, vector<1x16xf32>,
        %swap3A_389 = arith.index_cast %add3A_360 : i32 to index
        %swap3A_390 = arith.constant 16 : index
        %swap3A_391 = tpu.vector_load %arg10[%swap3A_389, %swap3A_390] {strides = array<i32>} : memref<256x64xf32, #tpu.memory_space<vmem>>, vector<1x16xf32>,
        %swap3A_392 = vector.shape_cast %swap3A_391 : vector<1x16xf32> to vector<16xf32>
        %swap3A_393 = vector.shape_cast %mul3A_381 : vector<16xf32> to vector<1x16xf32>
        tpu.vector_store %arg10[%swap3A_389, %swap3A_390], %swap3A_393 {strides = array<i32>} : memref<256x64xf32, #tpu.memory_space<vmem>>, vector<1x16xf32>,
        %swap3A_394 = arith.index_cast %add3A_360 : i32 to index
        %swap3A_395 = arith.constant 32 : index
        %swap3A_396 = tpu.vector_load %arg10[%swap3A_394, %swap3A_395] {strides = array<i32>} : memref<256x64xf32, #tpu.memory_space<vmem>>, vector<1x16xf32>,
        %swap3A_397 = vector.shape_cast %swap3A_396 : vector<1x16xf32> to vector<16xf32>
        %swap3A_398 = vector.shape_cast %mul3A_382 : vector<16xf32> to vector<1x16xf32>
        tpu.vector_store %arg10[%swap3A_394, %swap3A_395], %swap3A_398 {strides = array<i32>} : memref<256x64xf32, #tpu.memory_space<vmem>>, vector<1x16xf32>,
        %swap3A_399 = arith.index_cast %add3A_360 : i32 to index
        %swap3A_400 = arith.constant 48 : index
        %swap3A_401 = tpu.vector_load %arg10[%swap3A_399, %swap3A_400] {strides = array<i32>} : memref<256x64xf32, #tpu.memory_space<vmem>>, vector<1x16xf32>,
        %swap3A_402 = vector.shape_cast %swap3A_401 : vector<1x16xf32> to vector<16xf32>
        %swap3A_403 = vector.shape_cast %mul3A_383 : vector<16xf32> to vector<1x16xf32>
        tpu.vector_store %arg10[%swap3A_399, %swap3A_400], %swap3A_403 {strides = array<i32>} : memref<256x64xf32, #tpu.memory_space<vmem>>, vector<1x16xf32>,
        %mul3A_404 = arith.constant 16 : i32
        %mul3A_405 = arith.muli %scan3A_212, %mul3A_404 : i32
        %add3A_406 = arith.constant 4 : i32
        %add3A_407 = arith.addi %mul3A_405, %add3A_406 : i32
        %slice3A_408 = vector.extract_strided_slice %get3A_218 {offsets = [4], sizes = [1], strides = [1]} : vector<16xf32> to vector<1xf32>
        %squeeze3A_409 = vector.extract %slice3A_408[0] : f32 from vector<1xf32>
        %broadcast_in_dim3A_410 = vector.broadcast %squeeze3A_409 : f32 to vector<16xf32>
        %get3A_411 = arith.index_cast %add3A_407 : i32 to index
        %get3A_412 = arith.constant 0 : index
        %get3A_413 = tpu.vector_load %arg10[%get3A_411, %get3A_412] {strides = array<i32>} : memref<256x64xf32, #tpu.memory_space<vmem>>, vector<1x16xf32>,
        %get3A_414 = vector.shape_cast %get3A_413 : vector<1x16xf32> to vector<16xf32>
        %get3A_415 = arith.index_cast %add3A_407 : i32 to index
        %get3A_416 = arith.constant 16 : index
        %get3A_417 = tpu.vector_load %arg10[%get3A_415, %get3A_416] {strides = array<i32>} : memref<256x64xf32, #tpu.memory_space<vmem>>, vector<1x16xf32>,
        %get3A_418 = vector.shape_cast %get3A_417 : vector<1x16xf32> to vector<16xf32>
        %get3A_419 = arith.index_cast %add3A_407 : i32 to index
        %get3A_420 = arith.constant 32 : index
        %get3A_421 = tpu.vector_load %arg10[%get3A_419, %get3A_420] {strides = array<i32>} : memref<256x64xf32, #tpu.memory_space<vmem>>, vector<1x16xf32>,
        %get3A_422 = vector.shape_cast %get3A_421 : vector<1x16xf32> to vector<16xf32>
        %get3A_423 = arith.index_cast %add3A_407 : i32 to index
        %get3A_424 = arith.constant 48 : index
        %get3A_425 = tpu.vector_load %arg10[%get3A_423, %get3A_424] {strides = array<i32>} : memref<256x64xf32, #tpu.memory_space<vmem>>, vector<1x16xf32>,
        %get3A_426 = vector.shape_cast %get3A_425 : vector<1x16xf32> to vector<16xf32>
        %mul3A_427 = arith.mulf %get3A_414, %broadcast_in_dim3A_410 : vector<16xf32>
        %mul3A_428 = arith.mulf %get3A_418, %broadcast_in_dim3A_410 : vector<16xf32>
        %mul3A_429 = arith.mulf %get3A_422, %broadcast_in_dim3A_410 : vector<16xf32>
        %mul3A_430 = arith.mulf %get3A_426, %broadcast_in_dim3A_410 : vector<16xf32>
        %swap3A_431 = arith.index_cast %add3A_407 : i32 to index
        %swap3A_432 = arith.constant 0 : index
        %swap3A_433 = tpu.vector_load %arg10[%swap3A_431, %swap3A_432] {strides = array<i32>} : memref<256x64xf32, #tpu.memory_space<vmem>>, vector<1x16xf32>,
        %swap3A_434 = vector.shape_cast %swap3A_433 : vector<1x16xf32> to vector<16xf32>
        %swap3A_435 = vector.shape_cast %mul3A_427 : vector<16xf32> to vector<1x16xf32>
        tpu.vector_store %arg10[%swap3A_431, %swap3A_432], %swap3A_435 {strides = array<i32>} : memref<256x64xf32, #tpu.memory_space<vmem>>, vector<1x16xf32>,
        %swap3A_436 = arith.index_cast %add3A_407 : i32 to index
        %swap3A_437 = arith.constant 16 : index
        %swap3A_438 = tpu.vector_load %arg10[%swap3A_436, %swap3A_437] {strides = array<i32>} : memref<256x64xf32, #tpu.memory_space<vmem>>, vector<1x16xf32>,
        %swap3A_439 = vector.shape_cast %swap3A_438 : vector<1x16xf32> to vector<16xf32>
        %swap3A_440 = vector.shape_cast %mul3A_428 : vector<16xf32> to vector<1x16xf32>
        tpu.vector_store %arg10[%swap3A_436, %swap3A_437], %swap3A_440 {strides = array<i32>} : memref<256x64xf32, #tpu.memory_space<vmem>>, vector<1x16xf32>,
        %swap3A_441 = arith.index_cast %add3A_407 : i32 to index
        %swap3A_442 = arith.constant 32 : index
        %swap3A_443 = tpu.vector_load %arg10[%swap3A_441, %swap3A_442] {strides = array<i32>} : memref<256x64xf32, #tpu.memory_space<vmem>>, vector<1x16xf32>,
        %swap3A_444 = vector.shape_cast %swap3A_443 : vector<1x16xf32> to vector<16xf32>
        %swap3A_445 = vector.shape_cast %mul3A_429 : vector<16xf32> to vector<1x16xf32>
        tpu.vector_store %arg10[%swap3A_441, %swap3A_442], %swap3A_445 {strides = array<i32>} : memref<256x64xf32, #tpu.memory_space<vmem>>, vector<1x16xf32>,
        %swap3A_446 = arith.index_cast %add3A_407 : i32 to index
        %swap3A_447 = arith.constant 48 : index
        %swap3A_448 = tpu.vector_load %arg10[%swap3A_446, %swap3A_447] {strides = array<i32>} : memref<256x64xf32, #tpu.memory_space<vmem>>, vector<1x16xf32>,
        %swap3A_449 = vector.shape_cast %swap3A_448 : vector<1x16xf32> to vector<16xf32>
        %swap3A_450 = vector.shape_cast %mul3A_430 : vector<16xf32> to vector<1x16xf32>
        tpu.vector_store %arg10[%swap3A_446, %swap3A_447], %swap3A_450 {strides = array<i32>} : memref<256x64xf32, #tpu.memory_space<vmem>>, vector<1x16xf32>,
        %mul3A_451 = arith.constant 16 : i32
        %mul3A_452 = arith.muli %scan3A_212, %mul3A_451 : i32
        %add3A_453 = arith.constant 5 : i32
        %add3A_454 = arith.addi %mul3A_452, %add3A_453 : i32
        %slice3A_455 = vector.extract_strided_slice %get3A_218 {offsets = [5], sizes = [1], strides = [1]} : vector<16xf32> to vector<1xf32>
        %squeeze3A_456 = vector.extract %slice3A_455[0] : f32 from vector<1xf32>
        %broadcast_in_dim3A_457 = vector.broadcast %squeeze3A_456 : f32 to vector<16xf32>
        %get3A_458 = arith.index_cast %add3A_454 : i32 to index
        %get3A_459 = arith.constant 0 : index
        %get3A_460 = tpu.vector_load %arg10[%get3A_458, %get3A_459] {strides = array<i32>} : memref<256x64xf32, #tpu.memory_space<vmem>>, vector<1x16xf32>,
        %get3A_461 = vector.shape_cast %get3A_460 : vector<1x16xf32> to vector<16xf32>
        %get3A_462 = arith.index_cast %add3A_454 : i32 to index
        %get3A_463 = arith.constant 16 : index
        %get3A_464 = tpu.vector_load %arg10[%get3A_462, %get3A_463] {strides = array<i32>} : memref<256x64xf32, #tpu.memory_space<vmem>>, vector<1x16xf32>,
        %get3A_465 = vector.shape_cast %get3A_464 : vector<1x16xf32> to vector<16xf32>
        %get3A_466 = arith.index_cast %add3A_454 : i32 to index
        %get3A_467 = arith.constant 32 : index
        %get3A_468 = tpu.vector_load %arg10[%get3A_466, %get3A_467] {strides = array<i32>} : memref<256x64xf32, #tpu.memory_space<vmem>>, vector<1x16xf32>,
        %get3A_469 = vector.shape_cast %get3A_468 : vector<1x16xf32> to vector<16xf32>
        %get3A_470 = arith.index_cast %add3A_454 : i32 to index
        %get3A_471 = arith.constant 48 : index
        %get3A_472 = tpu.vector_load %arg10[%get3A_470, %get3A_471] {strides = array<i32>} : memref<256x64xf32, #tpu.memory_space<vmem>>, vector<1x16xf32>,
        %get3A_473 = vector.shape_cast %get3A_472 : vector<1x16xf32> to vector<16xf32>
        %mul3A_474 = arith.mulf %get3A_461, %broadcast_in_dim3A_457 : vector<16xf32>
        %mul3A_475 = arith.mulf %get3A_465, %broadcast_in_dim3A_457 : vector<16xf32>
        %mul3A_476 = arith.mulf %get3A_469, %broadcast_in_dim3A_457 : vector<16xf32>
        %mul3A_477 = arith.mulf %get3A_473, %broadcast_in_dim3A_457 : vector<16xf32>
        %swap3A_478 = arith.index_cast %add3A_454 : i32 to index
        %swap3A_479 = arith.constant 0 : index
        %swap3A_480 = tpu.vector_load %arg10[%swap3A_478, %swap3A_479] {strides = array<i32>} : memref<256x64xf32, #tpu.memory_space<vmem>>, vector<1x16xf32>,
        %swap3A_481 = vector.shape_cast %swap3A_480 : vector<1x16xf32> to vector<16xf32>
        %swap3A_482 = vector.shape_cast %mul3A_474 : vector<16xf32> to vector<1x16xf32>
        tpu.vector_store %arg10[%swap3A_478, %swap3A_479], %swap3A_482 {strides = array<i32>} : memref<256x64xf32, #tpu.memory_space<vmem>>, vector<1x16xf32>,
        %swap3A_483 = arith.index_cast %add3A_454 : i32 to index
        %swap3A_484 = arith.constant 16 : index
        %swap3A_485 = tpu.vector_load %arg10[%swap3A_483, %swap3A_484] {strides = array<i32>} : memref<256x64xf32, #tpu.memory_space<vmem>>, vector<1x16xf32>,
        %swap3A_486 = vector.shape_cast %swap3A_485 : vector<1x16xf32> to vector<16xf32>
        %swap3A_487 = vector.shape_cast %mul3A_475 : vector<16xf32> to vector<1x16xf32>
        tpu.vector_store %arg10[%swap3A_483, %swap3A_484], %swap3A_487 {strides = array<i32>} : memref<256x64xf32, #tpu.memory_space<vmem>>, vector<1x16xf32>,
        %swap3A_488 = arith.index_cast %add3A_454 : i32 to index
        %swap3A_489 = arith.constant 32 : index
        %swap3A_490 = tpu.vector_load %arg10[%swap3A_488, %swap3A_489] {strides = array<i32>} : memref<256x64xf32, #tpu.memory_space<vmem>>, vector<1x16xf32>,
        %swap3A_491 = vector.shape_cast %swap3A_490 : vector<1x16xf32> to vector<16xf32>
        %swap3A_492 = vector.shape_cast %mul3A_476 : vector<16xf32> to vector<1x16xf32>
        tpu.vector_store %arg10[%swap3A_488, %swap3A_489], %swap3A_492 {strides = array<i32>} : memref<256x64xf32, #tpu.memory_space<vmem>>, vector<1x16xf32>,
        %swap3A_493 = arith.index_cast %add3A_454 : i32 to index
        %swap3A_494 = arith.constant 48 : index
        %swap3A_495 = tpu.vector_load %arg10[%swap3A_493, %swap3A_494] {strides = array<i32>} : memref<256x64xf32, #tpu.memory_space<vmem>>, vector<1x16xf32>,
        %swap3A_496 = vector.shape_cast %swap3A_495 : vector<1x16xf32> to vector<16xf32>
        %swap3A_497 = vector.shape_cast %mul3A_477 : vector<16xf32> to vector<1x16xf32>
        tpu.vector_store %arg10[%swap3A_493, %swap3A_494], %swap3A_497 {strides = array<i32>} : memref<256x64xf32, #tpu.memory_space<vmem>>, vector<1x16xf32>,
        %mul3A_498 = arith.constant 16 : i32
        %mul3A_499 = arith.muli %scan3A_212, %mul3A_498 : i32
        %add3A_500 = arith.constant 6 : i32
        %add3A_501 = arith.addi %mul3A_499, %add3A_500 : i32
        %slice3A_502 = vector.extract_strided_slice %get3A_218 {offsets = [6], sizes = [1], strides = [1]} : vector<16xf32> to vector<1xf32>
        %squeeze3A_503 = vector.extract %slice3A_502[0] : f32 from vector<1xf32>
        %broadcast_in_dim3A_504 = vector.broadcast %squeeze3A_503 : f32 to vector<16xf32>
        %get3A_505 = arith.index_cast %add3A_501 : i32 to index
        %get3A_506 = arith.constant 0 : index
        %get3A_507 = tpu.vector_load %arg10[%get3A_505, %get3A_506] {strides = array<i32>} : memref<256x64xf32, #tpu.memory_space<vmem>>, vector<1x16xf32>,
        %get3A_508 = vector.shape_cast %get3A_507 : vector<1x16xf32> to vector<16xf32>
        %get3A_509 = arith.index_cast %add3A_501 : i32 to index
        %get3A_510 = arith.constant 16 : index
        %get3A_511 = tpu.vector_load %arg10[%get3A_509, %get3A_510] {strides = array<i32>} : memref<256x64xf32, #tpu.memory_space<vmem>>, vector<1x16xf32>,
        %get3A_512 = vector.shape_cast %get3A_511 : vector<1x16xf32> to vector<16xf32>
        %get3A_513 = arith.index_cast %add3A_501 : i32 to index
        %get3A_514 = arith.constant 32 : index
        %get3A_515 = tpu.vector_load %arg10[%get3A_513, %get3A_514] {strides = array<i32>} : memref<256x64xf32, #tpu.memory_space<vmem>>, vector<1x16xf32>,
        %get3A_516 = vector.shape_cast %get3A_515 : vector<1x16xf32> to vector<16xf32>
        %get3A_517 = arith.index_cast %add3A_501 : i32 to index
        %get3A_518 = arith.constant 48 : index
        %get3A_519 = tpu.vector_load %arg10[%get3A_517, %get3A_518] {strides = array<i32>} : memref<256x64xf32, #tpu.memory_space<vmem>>, vector<1x16xf32>,
        %get3A_520 = vector.shape_cast %get3A_519 : vector<1x16xf32> to vector<16xf32>
        %mul3A_521 = arith.mulf %get3A_508, %broadcast_in_dim3A_504 : vector<16xf32>
        %mul3A_522 = arith.mulf %get3A_512, %broadcast_in_dim3A_504 : vector<16xf32>
        %mul3A_523 = arith.mulf %get3A_516, %broadcast_in_dim3A_504 : vector<16xf32>
        %mul3A_524 = arith.mulf %get3A_520, %broadcast_in_dim3A_504 : vector<16xf32>
        %swap3A_525 = arith.index_cast %add3A_501 : i32 to index
        %swap3A_526 = arith.constant 0 : index
        %swap3A_527 = tpu.vector_load %arg10[%swap3A_525, %swap3A_526] {strides = array<i32>} : memref<256x64xf32, #tpu.memory_space<vmem>>, vector<1x16xf32>,
        %swap3A_528 = vector.shape_cast %swap3A_527 : vector<1x16xf32> to vector<16xf32>
        %swap3A_529 = vector.shape_cast %mul3A_521 : vector<16xf32> to vector<1x16xf32>
        tpu.vector_store %arg10[%swap3A_525, %swap3A_526], %swap3A_529 {strides = array<i32>} : memref<256x64xf32, #tpu.memory_space<vmem>>, vector<1x16xf32>,
        %swap3A_530 = arith.index_cast %add3A_501 : i32 to index
        %swap3A_531 = arith.constant 16 : index
        %swap3A_532 = tpu.vector_load %arg10[%swap3A_530, %swap3A_531] {strides = array<i32>} : memref<256x64xf32, #tpu.memory_space<vmem>>, vector<1x16xf32>,
        %swap3A_533 = vector.shape_cast %swap3A_532 : vector<1x16xf32> to vector<16xf32>
        %swap3A_534 = vector.shape_cast %mul3A_522 : vector<16xf32> to vector<1x16xf32>
        tpu.vector_store %arg10[%swap3A_530, %swap3A_531], %swap3A_534 {strides = array<i32>} : memref<256x64xf32, #tpu.memory_space<vmem>>, vector<1x16xf32>,
        %swap3A_535 = arith.index_cast %add3A_501 : i32 to index
        %swap3A_536 = arith.constant 32 : index
        %swap3A_537 = tpu.vector_load %arg10[%swap3A_535, %swap3A_536] {strides = array<i32>} : memref<256x64xf32, #tpu.memory_space<vmem>>, vector<1x16xf32>,
        %swap3A_538 = vector.shape_cast %swap3A_537 : vector<1x16xf32> to vector<16xf32>
        %swap3A_539 = vector.shape_cast %mul3A_523 : vector<16xf32> to vector<1x16xf32>
        tpu.vector_store %arg10[%swap3A_535, %swap3A_536], %swap3A_539 {strides = array<i32>} : memref<256x64xf32, #tpu.memory_space<vmem>>, vector<1x16xf32>,
        %swap3A_540 = arith.index_cast %add3A_501 : i32 to index
        %swap3A_541 = arith.constant 48 : index
        %swap3A_542 = tpu.vector_load %arg10[%swap3A_540, %swap3A_541] {strides = array<i32>} : memref<256x64xf32, #tpu.memory_space<vmem>>, vector<1x16xf32>,
        %swap3A_543 = vector.shape_cast %swap3A_542 : vector<1x16xf32> to vector<16xf32>
        %swap3A_544 = vector.shape_cast %mul3A_524 : vector<16xf32> to vector<1x16xf32>
        tpu.vector_store %arg10[%swap3A_540, %swap3A_541], %swap3A_544 {strides = array<i32>} : memref<256x64xf32, #tpu.memory_space<vmem>>, vector<1x16xf32>,
        %mul3A_545 = arith.constant 16 : i32
        %mul3A_546 = arith.muli %scan3A_212, %mul3A_545 : i32
        %add3A_547 = arith.constant 7 : i32
        %add3A_548 = arith.addi %mul3A_546, %add3A_547 : i32
        %slice3A_549 = vector.extract_strided_slice %get3A_218 {offsets = [7], sizes = [1], strides = [1]} : vector<16xf32> to vector<1xf32>
        %squeeze3A_550 = vector.extract %slice3A_549[0] : f32 from vector<1xf32>
        %broadcast_in_dim3A_551 = vector.broadcast %squeeze3A_550 : f32 to vector<16xf32>
        %get3A_552 = arith.index_cast %add3A_548 : i32 to index
        %get3A_553 = arith.constant 0 : index
        %get3A_554 = tpu.vector_load %arg10[%get3A_552, %get3A_553] {strides = array<i32>} : memref<256x64xf32, #tpu.memory_space<vmem>>, vector<1x16xf32>,
        %get3A_555 = vector.shape_cast %get3A_554 : vector<1x16xf32> to vector<16xf32>
        %get3A_556 = arith.index_cast %add3A_548 : i32 to index
        %get3A_557 = arith.constant 16 : index
        %get3A_558 = tpu.vector_load %arg10[%get3A_556, %get3A_557] {strides = array<i32>} : memref<256x64xf32, #tpu.memory_space<vmem>>, vector<1x16xf32>,
        %get3A_559 = vector.shape_cast %get3A_558 : vector<1x16xf32> to vector<16xf32>
        %get3A_560 = arith.index_cast %add3A_548 : i32 to index
        %get3A_561 = arith.constant 32 : index
        %get3A_562 = tpu.vector_load %arg10[%get3A_560, %get3A_561] {strides = array<i32>} : memref<256x64xf32, #tpu.memory_space<vmem>>, vector<1x16xf32>,
        %get3A_563 = vector.shape_cast %get3A_562 : vector<1x16xf32> to vector<16xf32>
        %get3A_564 = arith.index_cast %add3A_548 : i32 to index
        %get3A_565 = arith.constant 48 : index
        %get3A_566 = tpu.vector_load %arg10[%get3A_564, %get3A_565] {strides = array<i32>} : memref<256x64xf32, #tpu.memory_space<vmem>>, vector<1x16xf32>,
        %get3A_567 = vector.shape_cast %get3A_566 : vector<1x16xf32> to vector<16xf32>
        %mul3A_568 = arith.mulf %get3A_555, %broadcast_in_dim3A_551 : vector<16xf32>
        %mul3A_569 = arith.mulf %get3A_559, %broadcast_in_dim3A_551 : vector<16xf32>
        %mul3A_570 = arith.mulf %get3A_563, %broadcast_in_dim3A_551 : vector<16xf32>
        %mul3A_571 = arith.mulf %get3A_567, %broadcast_in_dim3A_551 : vector<16xf32>
        %swap3A_572 = arith.index_cast %add3A_548 : i32 to index
        %swap3A_573 = arith.constant 0 : index
        %swap3A_574 = tpu.vector_load %arg10[%swap3A_572, %swap3A_573] {strides = array<i32>} : memref<256x64xf32, #tpu.memory_space<vmem>>, vector<1x16xf32>,
        %swap3A_575 = vector.shape_cast %swap3A_574 : vector<1x16xf32> to vector<16xf32>
        %swap3A_576 = vector.shape_cast %mul3A_568 : vector<16xf32> to vector<1x16xf32>
        tpu.vector_store %arg10[%swap3A_572, %swap3A_573], %swap3A_576 {strides = array<i32>} : memref<256x64xf32, #tpu.memory_space<vmem>>, vector<1x16xf32>,
        %swap3A_577 = arith.index_cast %add3A_548 : i32 to index
        %swap3A_578 = arith.constant 16 : index
        %swap3A_579 = tpu.vector_load %arg10[%swap3A_577, %swap3A_578] {strides = array<i32>} : memref<256x64xf32, #tpu.memory_space<vmem>>, vector<1x16xf32>,
        %swap3A_580 = vector.shape_cast %swap3A_579 : vector<1x16xf32> to vector<16xf32>
        %swap3A_581 = vector.shape_cast %mul3A_569 : vector<16xf32> to vector<1x16xf32>
        tpu.vector_store %arg10[%swap3A_577, %swap3A_578], %swap3A_581 {strides = array<i32>} : memref<256x64xf32, #tpu.memory_space<vmem>>, vector<1x16xf32>,
        %swap3A_582 = arith.index_cast %add3A_548 : i32 to index
        %swap3A_583 = arith.constant 32 : index
        %swap3A_584 = tpu.vector_load %arg10[%swap3A_582, %swap3A_583] {strides = array<i32>} : memref<256x64xf32, #tpu.memory_space<vmem>>, vector<1x16xf32>,
        %swap3A_585 = vector.shape_cast %swap3A_584 : vector<1x16xf32> to vector<16xf32>
        %swap3A_586 = vector.shape_cast %mul3A_570 : vector<16xf32> to vector<1x16xf32>
        tpu.vector_store %arg10[%swap3A_582, %swap3A_583], %swap3A_586 {strides = array<i32>} : memref<256x64xf32, #tpu.memory_space<vmem>>, vector<1x16xf32>,
        %swap3A_587 = arith.index_cast %add3A_548 : i32 to index
        %swap3A_588 = arith.constant 48 : index
        %swap3A_589 = tpu.vector_load %arg10[%swap3A_587, %swap3A_588] {strides = array<i32>} : memref<256x64xf32, #tpu.memory_space<vmem>>, vector<1x16xf32>,
        %swap3A_590 = vector.shape_cast %swap3A_589 : vector<1x16xf32> to vector<16xf32>
        %swap3A_591 = vector.shape_cast %mul3A_571 : vector<16xf32> to vector<1x16xf32>
        tpu.vector_store %arg10[%swap3A_587, %swap3A_588], %swap3A_591 {strides = array<i32>} : memref<256x64xf32, #tpu.memory_space<vmem>>, vector<1x16xf32>,
        %mul3A_592 = arith.constant 16 : i32
        %mul3A_593 = arith.muli %scan3A_212, %mul3A_592 : i32
        %add3A_594 = arith.constant 8 : i32
        %add3A_595 = arith.addi %mul3A_593, %add3A_594 : i32
        %slice3A_596 = vector.extract_strided_slice %get3A_218 {offsets = [8], sizes = [1], strides = [1]} : vector<16xf32> to vector<1xf32>
        %squeeze3A_597 = vector.extract %slice3A_596[0] : f32 from vector<1xf32>
        %broadcast_in_dim3A_598 = vector.broadcast %squeeze3A_597 : f32 to vector<16xf32>
        %get3A_599 = arith.index_cast %add3A_595 : i32 to index
        %get3A_600 = arith.constant 0 : index
        %get3A_601 = tpu.vector_load %arg10[%get3A_599, %get3A_600] {strides = array<i32>} : memref<256x64xf32, #tpu.memory_space<vmem>>, vector<1x16xf32>,
        %get3A_602 = vector.shape_cast %get3A_601 : vector<1x16xf32> to vector<16xf32>
        %get3A_603 = arith.index_cast %add3A_595 : i32 to index
        %get3A_604 = arith.constant 16 : index
        %get3A_605 = tpu.vector_load %arg10[%get3A_603, %get3A_604] {strides = array<i32>} : memref<256x64xf32, #tpu.memory_space<vmem>>, vector<1x16xf32>,
        %get3A_606 = vector.shape_cast %get3A_605 : vector<1x16xf32> to vector<16xf32>
        %get3A_607 = arith.index_cast %add3A_595 : i32 to index
        %get3A_608 = arith.constant 32 : index
        %get3A_609 = tpu.vector_load %arg10[%get3A_607, %get3A_608] {strides = array<i32>} : memref<256x64xf32, #tpu.memory_space<vmem>>, vector<1x16xf32>,
        %get3A_610 = vector.shape_cast %get3A_609 : vector<1x16xf32> to vector<16xf32>
        %get3A_611 = arith.index_cast %add3A_595 : i32 to index
        %get3A_612 = arith.constant 48 : index
        %get3A_613 = tpu.vector_load %arg10[%get3A_611, %get3A_612] {strides = array<i32>} : memref<256x64xf32, #tpu.memory_space<vmem>>, vector<1x16xf32>,
        %get3A_614 = vector.shape_cast %get3A_613 : vector<1x16xf32> to vector<16xf32>
        %mul3A_615 = arith.mulf %get3A_602, %broadcast_in_dim3A_598 : vector<16xf32>
        %mul3A_616 = arith.mulf %get3A_606, %broadcast_in_dim3A_598 : vector<16xf32>
        %mul3A_617 = arith.mulf %get3A_610, %broadcast_in_dim3A_598 : vector<16xf32>
        %mul3A_618 = arith.mulf %get3A_614, %broadcast_in_dim3A_598 : vector<16xf32>
        %swap3A_619 = arith.index_cast %add3A_595 : i32 to index
        %swap3A_620 = arith.constant 0 : index
        %swap3A_621 = tpu.vector_load %arg10[%swap3A_619, %swap3A_620] {strides = array<i32>} : memref<256x64xf32, #tpu.memory_space<vmem>>, vector<1x16xf32>,
        %swap3A_622 = vector.shape_cast %swap3A_621 : vector<1x16xf32> to vector<16xf32>
        %swap3A_623 = vector.shape_cast %mul3A_615 : vector<16xf32> to vector<1x16xf32>
        tpu.vector_store %arg10[%swap3A_619, %swap3A_620], %swap3A_623 {strides = array<i32>} : memref<256x64xf32, #tpu.memory_space<vmem>>, vector<1x16xf32>,
        %swap3A_624 = arith.index_cast %add3A_595 : i32 to index
        %swap3A_625 = arith.constant 16 : index
        %swap3A_626 = tpu.vector_load %arg10[%swap3A_624, %swap3A_625] {strides = array<i32>} : memref<256x64xf32, #tpu.memory_space<vmem>>, vector<1x16xf32>,
        %swap3A_627 = vector.shape_cast %swap3A_626 : vector<1x16xf32> to vector<16xf32>
        %swap3A_628 = vector.shape_cast %mul3A_616 : vector<16xf32> to vector<1x16xf32>
        tpu.vector_store %arg10[%swap3A_624, %swap3A_625], %swap3A_628 {strides = array<i32>} : memref<256x64xf32, #tpu.memory_space<vmem>>, vector<1x16xf32>,
        %swap3A_629 = arith.index_cast %add3A_595 : i32 to index
        %swap3A_630 = arith.constant 32 : index
        %swap3A_631 = tpu.vector_load %arg10[%swap3A_629, %swap3A_630] {strides = array<i32>} : memref<256x64xf32, #tpu.memory_space<vmem>>, vector<1x16xf32>,
        %swap3A_632 = vector.shape_cast %swap3A_631 : vector<1x16xf32> to vector<16xf32>
        %swap3A_633 = vector.shape_cast %mul3A_617 : vector<16xf32> to vector<1x16xf32>
        tpu.vector_store %arg10[%swap3A_629, %swap3A_630], %swap3A_633 {strides = array<i32>} : memref<256x64xf32, #tpu.memory_space<vmem>>, vector<1x16xf32>,
        %swap3A_634 = arith.index_cast %add3A_595 : i32 to index
        %swap3A_635 = arith.constant 48 : index
        %swap3A_636 = tpu.vector_load %arg10[%swap3A_634, %swap3A_635] {strides = array<i32>} : memref<256x64xf32, #tpu.memory_space<vmem>>, vector<1x16xf32>,
        %swap3A_637 = vector.shape_cast %swap3A_636 : vector<1x16xf32> to vector<16xf32>
        %swap3A_638 = vector.shape_cast %mul3A_618 : vector<16xf32> to vector<1x16xf32>
        tpu.vector_store %arg10[%swap3A_634, %swap3A_635], %swap3A_638 {strides = array<i32>} : memref<256x64xf32, #tpu.memory_space<vmem>>, vector<1x16xf32>,
        %mul3A_639 = arith.constant 16 : i32
        %mul3A_640 = arith.muli %scan3A_212, %mul3A_639 : i32
        %add3A_641 = arith.constant 9 : i32
        %add3A_642 = arith.addi %mul3A_640, %add3A_641 : i32
        %slice3A_643 = vector.extract_strided_slice %get3A_218 {offsets = [9], sizes = [1], strides = [1]} : vector<16xf32> to vector<1xf32>
        %squeeze3A_644 = vector.extract %slice3A_643[0] : f32 from vector<1xf32>
        %broadcast_in_dim3A_645 = vector.broadcast %squeeze3A_644 : f32 to vector<16xf32>
        %get3A_646 = arith.index_cast %add3A_642 : i32 to index
        %get3A_647 = arith.constant 0 : index
        %get3A_648 = tpu.vector_load %arg10[%get3A_646, %get3A_647] {strides = array<i32>} : memref<256x64xf32, #tpu.memory_space<vmem>>, vector<1x16xf32>,
        %get3A_649 = vector.shape_cast %get3A_648 : vector<1x16xf32> to vector<16xf32>
        %get3A_650 = arith.index_cast %add3A_642 : i32 to index
        %get3A_651 = arith.constant 16 : index
        %get3A_652 = tpu.vector_load %arg10[%get3A_650, %get3A_651] {strides = array<i32>} : memref<256x64xf32, #tpu.memory_space<vmem>>, vector<1x16xf32>,
        %get3A_653 = vector.shape_cast %get3A_652 : vector<1x16xf32> to vector<16xf32>
        %get3A_654 = arith.index_cast %add3A_642 : i32 to index
        %get3A_655 = arith.constant 32 : index
        %get3A_656 = tpu.vector_load %arg10[%get3A_654, %get3A_655] {strides = array<i32>} : memref<256x64xf32, #tpu.memory_space<vmem>>, vector<1x16xf32>,
        %get3A_657 = vector.shape_cast %get3A_656 : vector<1x16xf32> to vector<16xf32>
        %get3A_658 = arith.index_cast %add3A_642 : i32 to index
        %get3A_659 = arith.constant 48 : index
        %get3A_660 = tpu.vector_load %arg10[%get3A_658, %get3A_659] {strides = array<i32>} : memref<256x64xf32, #tpu.memory_space<vmem>>, vector<1x16xf32>,
        %get3A_661 = vector.shape_cast %get3A_660 : vector<1x16xf32> to vector<16xf32>
        %mul3A_662 = arith.mulf %get3A_649, %broadcast_in_dim3A_645 : vector<16xf32>
        %mul3A_663 = arith.mulf %get3A_653, %broadcast_in_dim3A_645 : vector<16xf32>
        %mul3A_664 = arith.mulf %get3A_657, %broadcast_in_dim3A_645 : vector<16xf32>
        %mul3A_665 = arith.mulf %get3A_661, %broadcast_in_dim3A_645 : vector<16xf32>
        %swap3A_666 = arith.index_cast %add3A_642 : i32 to index
        %swap3A_667 = arith.constant 0 : index
        %swap3A_668 = tpu.vector_load %arg10[%swap3A_666, %swap3A_667] {strides = array<i32>} : memref<256x64xf32, #tpu.memory_space<vmem>>, vector<1x16xf32>,
        %swap3A_669 = vector.shape_cast %swap3A_668 : vector<1x16xf32> to vector<16xf32>
        %swap3A_670 = vector.shape_cast %mul3A_662 : vector<16xf32> to vector<1x16xf32>
        tpu.vector_store %arg10[%swap3A_666, %swap3A_667], %swap3A_670 {strides = array<i32>} : memref<256x64xf32, #tpu.memory_space<vmem>>, vector<1x16xf32>,
        %swap3A_671 = arith.index_cast %add3A_642 : i32 to index
        %swap3A_672 = arith.constant 16 : index
        %swap3A_673 = tpu.vector_load %arg10[%swap3A_671, %swap3A_672] {strides = array<i32>} : memref<256x64xf32, #tpu.memory_space<vmem>>, vector<1x16xf32>,
        %swap3A_674 = vector.shape_cast %swap3A_673 : vector<1x16xf32> to vector<16xf32>
        %swap3A_675 = vector.shape_cast %mul3A_663 : vector<16xf32> to vector<1x16xf32>
        tpu.vector_store %arg10[%swap3A_671, %swap3A_672], %swap3A_675 {strides = array<i32>} : memref<256x64xf32, #tpu.memory_space<vmem>>, vector<1x16xf32>,
        %swap3A_676 = arith.index_cast %add3A_642 : i32 to index
        %swap3A_677 = arith.constant 32 : index
        %swap3A_678 = tpu.vector_load %arg10[%swap3A_676, %swap3A_677] {strides = array<i32>} : memref<256x64xf32, #tpu.memory_space<vmem>>, vector<1x16xf32>,
        %swap3A_679 = vector.shape_cast %swap3A_678 : vector<1x16xf32> to vector<16xf32>
        %swap3A_680 = vector.shape_cast %mul3A_664 : vector<16xf32> to vector<1x16xf32>
        tpu.vector_store %arg10[%swap3A_676, %swap3A_677], %swap3A_680 {strides = array<i32>} : memref<256x64xf32, #tpu.memory_space<vmem>>, vector<1x16xf32>,
        %swap3A_681 = arith.index_cast %add3A_642 : i32 to index
        %swap3A_682 = arith.constant 48 : index
        %swap3A_683 = tpu.vector_load %arg10[%swap3A_681, %swap3A_682] {strides = array<i32>} : memref<256x64xf32, #tpu.memory_space<vmem>>, vector<1x16xf32>,
        %swap3A_684 = vector.shape_cast %swap3A_683 : vector<1x16xf32> to vector<16xf32>
        %swap3A_685 = vector.shape_cast %mul3A_665 : vector<16xf32> to vector<1x16xf32>
        tpu.vector_store %arg10[%swap3A_681, %swap3A_682], %swap3A_685 {strides = array<i32>} : memref<256x64xf32, #tpu.memory_space<vmem>>, vector<1x16xf32>,
        %mul3A_686 = arith.constant 16 : i32
        %mul3A_687 = arith.muli %scan3A_212, %mul3A_686 : i32
        %add3A_688 = arith.constant 10 : i32
        %add3A_689 = arith.addi %mul3A_687, %add3A_688 : i32
        %slice3A_690 = vector.extract_strided_slice %get3A_218 {offsets = [10], sizes = [1], strides = [1]} : vector<16xf32> to vector<1xf32>
        %squeeze3A_691 = vector.extract %slice3A_690[0] : f32 from vector<1xf32>
        %broadcast_in_dim3A_692 = vector.broadcast %squeeze3A_691 : f32 to vector<16xf32>
        %get3A_693 = arith.index_cast %add3A_689 : i32 to index
        %get3A_694 = arith.constant 0 : index
        %get3A_695 = tpu.vector_load %arg10[%get3A_693, %get3A_694] {strides = array<i32>} : memref<256x64xf32, #tpu.memory_space<vmem>>, vector<1x16xf32>,
        %get3A_696 = vector.shape_cast %get3A_695 : vector<1x16xf32> to vector<16xf32>
        %get3A_697 = arith.index_cast %add3A_689 : i32 to index
        %get3A_698 = arith.constant 16 : index
        %get3A_699 = tpu.vector_load %arg10[%get3A_697, %get3A_698] {strides = array<i32>} : memref<256x64xf32, #tpu.memory_space<vmem>>, vector<1x16xf32>,
        %get3A_700 = vector.shape_cast %get3A_699 : vector<1x16xf32> to vector<16xf32>
        %get3A_701 = arith.index_cast %add3A_689 : i32 to index
        %get3A_702 = arith.constant 32 : index
        %get3A_703 = tpu.vector_load %arg10[%get3A_701, %get3A_702] {strides = array<i32>} : memref<256x64xf32, #tpu.memory_space<vmem>>, vector<1x16xf32>,
        %get3A_704 = vector.shape_cast %get3A_703 : vector<1x16xf32> to vector<16xf32>
        %get3A_705 = arith.index_cast %add3A_689 : i32 to index
        %get3A_706 = arith.constant 48 : index
        %get3A_707 = tpu.vector_load %arg10[%get3A_705, %get3A_706] {strides = array<i32>} : memref<256x64xf32, #tpu.memory_space<vmem>>, vector<1x16xf32>,
        %get3A_708 = vector.shape_cast %get3A_707 : vector<1x16xf32> to vector<16xf32>
        %mul3A_709 = arith.mulf %get3A_696, %broadcast_in_dim3A_692 : vector<16xf32>
        %mul3A_710 = arith.mulf %get3A_700, %broadcast_in_dim3A_692 : vector<16xf32>
        %mul3A_711 = arith.mulf %get3A_704, %broadcast_in_dim3A_692 : vector<16xf32>
        %mul3A_712 = arith.mulf %get3A_708, %broadcast_in_dim3A_692 : vector<16xf32>
        %swap3A_713 = arith.index_cast %add3A_689 : i32 to index
        %swap3A_714 = arith.constant 0 : index
        %swap3A_715 = tpu.vector_load %arg10[%swap3A_713, %swap3A_714] {strides = array<i32>} : memref<256x64xf32, #tpu.memory_space<vmem>>, vector<1x16xf32>,
        %swap3A_716 = vector.shape_cast %swap3A_715 : vector<1x16xf32> to vector<16xf32>
        %swap3A_717 = vector.shape_cast %mul3A_709 : vector<16xf32> to vector<1x16xf32>
        tpu.vector_store %arg10[%swap3A_713, %swap3A_714], %swap3A_717 {strides = array<i32>} : memref<256x64xf32, #tpu.memory_space<vmem>>, vector<1x16xf32>,
        %swap3A_718 = arith.index_cast %add3A_689 : i32 to index
        %swap3A_719 = arith.constant 16 : index
        %swap3A_720 = tpu.vector_load %arg10[%swap3A_718, %swap3A_719] {strides = array<i32>} : memref<256x64xf32, #tpu.memory_space<vmem>>, vector<1x16xf32>,
        %swap3A_721 = vector.shape_cast %swap3A_720 : vector<1x16xf32> to vector<16xf32>
        %swap3A_722 = vector.shape_cast %mul3A_710 : vector<16xf32> to vector<1x16xf32>
        tpu.vector_store %arg10[%swap3A_718, %swap3A_719], %swap3A_722 {strides = array<i32>} : memref<256x64xf32, #tpu.memory_space<vmem>>, vector<1x16xf32>,
        %swap3A_723 = arith.index_cast %add3A_689 : i32 to index
        %swap3A_724 = arith.constant 32 : index
        %swap3A_725 = tpu.vector_load %arg10[%swap3A_723, %swap3A_724] {strides = array<i32>} : memref<256x64xf32, #tpu.memory_space<vmem>>, vector<1x16xf32>,
        %swap3A_726 = vector.shape_cast %swap3A_725 : vector<1x16xf32> to vector<16xf32>
        %swap3A_727 = vector.shape_cast %mul3A_711 : vector<16xf32> to vector<1x16xf32>
        tpu.vector_store %arg10[%swap3A_723, %swap3A_724], %swap3A_727 {strides = array<i32>} : memref<256x64xf32, #tpu.memory_space<vmem>>, vector<1x16xf32>,
        %swap3A_728 = arith.index_cast %add3A_689 : i32 to index
        %swap3A_729 = arith.constant 48 : index
        %swap3A_730 = tpu.vector_load %arg10[%swap3A_728, %swap3A_729] {strides = array<i32>} : memref<256x64xf32, #tpu.memory_space<vmem>>, vector<1x16xf32>,
        %swap3A_731 = vector.shape_cast %swap3A_730 : vector<1x16xf32> to vector<16xf32>
        %swap3A_732 = vector.shape_cast %mul3A_712 : vector<16xf32> to vector<1x16xf32>
        tpu.vector_store %arg10[%swap3A_728, %swap3A_729], %swap3A_732 {strides = array<i32>} : memref<256x64xf32, #tpu.memory_space<vmem>>, vector<1x16xf32>,
        %mul3A_733 = arith.constant 16 : i32
        %mul3A_734 = arith.muli %scan3A_212, %mul3A_733 : i32
        %add3A_735 = arith.constant 11 : i32
        %add3A_736 = arith.addi %mul3A_734, %add3A_735 : i32
        %slice3A_737 = vector.extract_strided_slice %get3A_218 {offsets = [11], sizes = [1], strides = [1]} : vector<16xf32> to vector<1xf32>
        %squeeze3A_738 = vector.extract %slice3A_737[0] : f32 from vector<1xf32>
        %broadcast_in_dim3A_739 = vector.broadcast %squeeze3A_738 : f32 to vector<16xf32>
        %get3A_740 = arith.index_cast %add3A_736 : i32 to index
        %get3A_741 = arith.constant 0 : index
        %get3A_742 = tpu.vector_load %arg10[%get3A_740, %get3A_741] {strides = array<i32>} : memref<256x64xf32, #tpu.memory_space<vmem>>, vector<1x16xf32>,
        %get3A_743 = vector.shape_cast %get3A_742 : vector<1x16xf32> to vector<16xf32>
        %get3A_744 = arith.index_cast %add3A_736 : i32 to index
        %get3A_745 = arith.constant 16 : index
        %get3A_746 = tpu.vector_load %arg10[%get3A_744, %get3A_745] {strides = array<i32>} : memref<256x64xf32, #tpu.memory_space<vmem>>, vector<1x16xf32>,
        %get3A_747 = vector.shape_cast %get3A_746 : vector<1x16xf32> to vector<16xf32>
        %get3A_748 = arith.index_cast %add3A_736 : i32 to index
        %get3A_749 = arith.constant 32 : index
        %get3A_750 = tpu.vector_load %arg10[%get3A_748, %get3A_749] {strides = array<i32>} : memref<256x64xf32, #tpu.memory_space<vmem>>, vector<1x16xf32>,
        %get3A_751 = vector.shape_cast %get3A_750 : vector<1x16xf32> to vector<16xf32>
        %get3A_752 = arith.index_cast %add3A_736 : i32 to index
        %get3A_753 = arith.constant 48 : index
        %get3A_754 = tpu.vector_load %arg10[%get3A_752, %get3A_753] {strides = array<i32>} : memref<256x64xf32, #tpu.memory_space<vmem>>, vector<1x16xf32>,
        %get3A_755 = vector.shape_cast %get3A_754 : vector<1x16xf32> to vector<16xf32>
        %mul3A_756 = arith.mulf %get3A_743, %broadcast_in_dim3A_739 : vector<16xf32>
        %mul3A_757 = arith.mulf %get3A_747, %broadcast_in_dim3A_739 : vector<16xf32>
        %mul3A_758 = arith.mulf %get3A_751, %broadcast_in_dim3A_739 : vector<16xf32>
        %mul3A_759 = arith.mulf %get3A_755, %broadcast_in_dim3A_739 : vector<16xf32>
        %swap3A_760 = arith.index_cast %add3A_736 : i32 to index
        %swap3A_761 = arith.constant 0 : index
        %swap3A_762 = tpu.vector_load %arg10[%swap3A_760, %swap3A_761] {strides = array<i32>} : memref<256x64xf32, #tpu.memory_space<vmem>>, vector<1x16xf32>,
        %swap3A_763 = vector.shape_cast %swap3A_762 : vector<1x16xf32> to vector<16xf32>
        %swap3A_764 = vector.shape_cast %mul3A_756 : vector<16xf32> to vector<1x16xf32>
        tpu.vector_store %arg10[%swap3A_760, %swap3A_761], %swap3A_764 {strides = array<i32>} : memref<256x64xf32, #tpu.memory_space<vmem>>, vector<1x16xf32>,
        %swap3A_765 = arith.index_cast %add3A_736 : i32 to index
        %swap3A_766 = arith.constant 16 : index
        %swap3A_767 = tpu.vector_load %arg10[%swap3A_765, %swap3A_766] {strides = array<i32>} : memref<256x64xf32, #tpu.memory_space<vmem>>, vector<1x16xf32>,
        %swap3A_768 = vector.shape_cast %swap3A_767 : vector<1x16xf32> to vector<16xf32>
        %swap3A_769 = vector.shape_cast %mul3A_757 : vector<16xf32> to vector<1x16xf32>
        tpu.vector_store %arg10[%swap3A_765, %swap3A_766], %swap3A_769 {strides = array<i32>} : memref<256x64xf32, #tpu.memory_space<vmem>>, vector<1x16xf32>,
        %swap3A_770 = arith.index_cast %add3A_736 : i32 to index
        %swap3A_771 = arith.constant 32 : index
        %swap3A_772 = tpu.vector_load %arg10[%swap3A_770, %swap3A_771] {strides = array<i32>} : memref<256x64xf32, #tpu.memory_space<vmem>>, vector<1x16xf32>,
        %swap3A_773 = vector.shape_cast %swap3A_772 : vector<1x16xf32> to vector<16xf32>
        %swap3A_774 = vector.shape_cast %mul3A_758 : vector<16xf32> to vector<1x16xf32>
        tpu.vector_store %arg10[%swap3A_770, %swap3A_771], %swap3A_774 {strides = array<i32>} : memref<256x64xf32, #tpu.memory_space<vmem>>, vector<1x16xf32>,
        %swap3A_775 = arith.index_cast %add3A_736 : i32 to index
        %swap3A_776 = arith.constant 48 : index
        %swap3A_777 = tpu.vector_load %arg10[%swap3A_775, %swap3A_776] {strides = array<i32>} : memref<256x64xf32, #tpu.memory_space<vmem>>, vector<1x16xf32>,
        %swap3A_778 = vector.shape_cast %swap3A_777 : vector<1x16xf32> to vector<16xf32>
        %swap3A_779 = vector.shape_cast %mul3A_759 : vector<16xf32> to vector<1x16xf32>
        tpu.vector_store %arg10[%swap3A_775, %swap3A_776], %swap3A_779 {strides = array<i32>} : memref<256x64xf32, #tpu.memory_space<vmem>>, vector<1x16xf32>,
        %mul3A_780 = arith.constant 16 : i32
        %mul3A_781 = arith.muli %scan3A_212, %mul3A_780 : i32
        %add3A_782 = arith.constant 12 : i32
        %add3A_783 = arith.addi %mul3A_781, %add3A_782 : i32
        %slice3A_784 = vector.extract_strided_slice %get3A_218 {offsets = [12], sizes = [1], strides = [1]} : vector<16xf32> to vector<1xf32>
        %squeeze3A_785 = vector.extract %slice3A_784[0] : f32 from vector<1xf32>
        %broadcast_in_dim3A_786 = vector.broadcast %squeeze3A_785 : f32 to vector<16xf32>
        %get3A_787 = arith.index_cast %add3A_783 : i32 to index
        %get3A_788 = arith.constant 0 : index
        %get3A_789 = tpu.vector_load %arg10[%get3A_787, %get3A_788] {strides = array<i32>} : memref<256x64xf32, #tpu.memory_space<vmem>>, vector<1x16xf32>,
        %get3A_790 = vector.shape_cast %get3A_789 : vector<1x16xf32> to vector<16xf32>
        %get3A_791 = arith.index_cast %add3A_783 : i32 to index
        %get3A_792 = arith.constant 16 : index
        %get3A_793 = tpu.vector_load %arg10[%get3A_791, %get3A_792] {strides = array<i32>} : memref<256x64xf32, #tpu.memory_space<vmem>>, vector<1x16xf32>,
        %get3A_794 = vector.shape_cast %get3A_793 : vector<1x16xf32> to vector<16xf32>
        %get3A_795 = arith.index_cast %add3A_783 : i32 to index
        %get3A_796 = arith.constant 32 : index
        %get3A_797 = tpu.vector_load %arg10[%get3A_795, %get3A_796] {strides = array<i32>} : memref<256x64xf32, #tpu.memory_space<vmem>>, vector<1x16xf32>,
        %get3A_798 = vector.shape_cast %get3A_797 : vector<1x16xf32> to vector<16xf32>
        %get3A_799 = arith.index_cast %add3A_783 : i32 to index
        %get3A_800 = arith.constant 48 : index
        %get3A_801 = tpu.vector_load %arg10[%get3A_799, %get3A_800] {strides = array<i32>} : memref<256x64xf32, #tpu.memory_space<vmem>>, vector<1x16xf32>,
        %get3A_802 = vector.shape_cast %get3A_801 : vector<1x16xf32> to vector<16xf32>
        %mul3A_803 = arith.mulf %get3A_790, %broadcast_in_dim3A_786 : vector<16xf32>
        %mul3A_804 = arith.mulf %get3A_794, %broadcast_in_dim3A_786 : vector<16xf32>
        %mul3A_805 = arith.mulf %get3A_798, %broadcast_in_dim3A_786 : vector<16xf32>
        %mul3A_806 = arith.mulf %get3A_802, %broadcast_in_dim3A_786 : vector<16xf32>
        %swap3A_807 = arith.index_cast %add3A_783 : i32 to index
        %swap3A_808 = arith.constant 0 : index
        %swap3A_809 = tpu.vector_load %arg10[%swap3A_807, %swap3A_808] {strides = array<i32>} : memref<256x64xf32, #tpu.memory_space<vmem>>, vector<1x16xf32>,
        %swap3A_810 = vector.shape_cast %swap3A_809 : vector<1x16xf32> to vector<16xf32>
        %swap3A_811 = vector.shape_cast %mul3A_803 : vector<16xf32> to vector<1x16xf32>
        tpu.vector_store %arg10[%swap3A_807, %swap3A_808], %swap3A_811 {strides = array<i32>} : memref<256x64xf32, #tpu.memory_space<vmem>>, vector<1x16xf32>,
        %swap3A_812 = arith.index_cast %add3A_783 : i32 to index
        %swap3A_813 = arith.constant 16 : index
        %swap3A_814 = tpu.vector_load %arg10[%swap3A_812, %swap3A_813] {strides = array<i32>} : memref<256x64xf32, #tpu.memory_space<vmem>>, vector<1x16xf32>,
        %swap3A_815 = vector.shape_cast %swap3A_814 : vector<1x16xf32> to vector<16xf32>
        %swap3A_816 = vector.shape_cast %mul3A_804 : vector<16xf32> to vector<1x16xf32>
        tpu.vector_store %arg10[%swap3A_812, %swap3A_813], %swap3A_816 {strides = array<i32>} : memref<256x64xf32, #tpu.memory_space<vmem>>, vector<1x16xf32>,
        %swap3A_817 = arith.index_cast %add3A_783 : i32 to index
        %swap3A_818 = arith.constant 32 : index
        %swap3A_819 = tpu.vector_load %arg10[%swap3A_817, %swap3A_818] {strides = array<i32>} : memref<256x64xf32, #tpu.memory_space<vmem>>, vector<1x16xf32>,
        %swap3A_820 = vector.shape_cast %swap3A_819 : vector<1x16xf32> to vector<16xf32>
        %swap3A_821 = vector.shape_cast %mul3A_805 : vector<16xf32> to vector<1x16xf32>
        tpu.vector_store %arg10[%swap3A_817, %swap3A_818], %swap3A_821 {strides = array<i32>} : memref<256x64xf32, #tpu.memory_space<vmem>>, vector<1x16xf32>,
        %swap3A_822 = arith.index_cast %add3A_783 : i32 to index
        %swap3A_823 = arith.constant 48 : index
        %swap3A_824 = tpu.vector_load %arg10[%swap3A_822, %swap3A_823] {strides = array<i32>} : memref<256x64xf32, #tpu.memory_space<vmem>>, vector<1x16xf32>,
        %swap3A_825 = vector.shape_cast %swap3A_824 : vector<1x16xf32> to vector<16xf32>
        %swap3A_826 = vector.shape_cast %mul3A_806 : vector<16xf32> to vector<1x16xf32>
        tpu.vector_store %arg10[%swap3A_822, %swap3A_823], %swap3A_826 {strides = array<i32>} : memref<256x64xf32, #tpu.memory_space<vmem>>, vector<1x16xf32>,
        %mul3A_827 = arith.constant 16 : i32
        %mul3A_828 = arith.muli %scan3A_212, %mul3A_827 : i32
        %add3A_829 = arith.constant 13 : i32
        %add3A_830 = arith.addi %mul3A_828, %add3A_829 : i32
        %slice3A_831 = vector.extract_strided_slice %get3A_218 {offsets = [13], sizes = [1], strides = [1]} : vector<16xf32> to vector<1xf32>
        %squeeze3A_832 = vector.extract %slice3A_831[0] : f32 from vector<1xf32>
        %broadcast_in_dim3A_833 = vector.broadcast %squeeze3A_832 : f32 to vector<16xf32>
        %get3A_834 = arith.index_cast %add3A_830 : i32 to index
        %get3A_835 = arith.constant 0 : index
        %get3A_836 = tpu.vector_load %arg10[%get3A_834, %get3A_835] {strides = array<i32>} : memref<256x64xf32, #tpu.memory_space<vmem>>, vector<1x16xf32>,
        %get3A_837 = vector.shape_cast %get3A_836 : vector<1x16xf32> to vector<16xf32>
        %get3A_838 = arith.index_cast %add3A_830 : i32 to index
        %get3A_839 = arith.constant 16 : index
        %get3A_840 = tpu.vector_load %arg10[%get3A_838, %get3A_839] {strides = array<i32>} : memref<256x64xf32, #tpu.memory_space<vmem>>, vector<1x16xf32>,
        %get3A_841 = vector.shape_cast %get3A_840 : vector<1x16xf32> to vector<16xf32>
        %get3A_842 = arith.index_cast %add3A_830 : i32 to index
        %get3A_843 = arith.constant 32 : index
        %get3A_844 = tpu.vector_load %arg10[%get3A_842, %get3A_843] {strides = array<i32>} : memref<256x64xf32, #tpu.memory_space<vmem>>, vector<1x16xf32>,
        %get3A_845 = vector.shape_cast %get3A_844 : vector<1x16xf32> to vector<16xf32>
        %get3A_846 = arith.index_cast %add3A_830 : i32 to index
        %get3A_847 = arith.constant 48 : index
        %get3A_848 = tpu.vector_load %arg10[%get3A_846, %get3A_847] {strides = array<i32>} : memref<256x64xf32, #tpu.memory_space<vmem>>, vector<1x16xf32>,
        %get3A_849 = vector.shape_cast %get3A_848 : vector<1x16xf32> to vector<16xf32>
        %mul3A_850 = arith.mulf %get3A_837, %broadcast_in_dim3A_833 : vector<16xf32>
        %mul3A_851 = arith.mulf %get3A_841, %broadcast_in_dim3A_833 : vector<16xf32>
        %mul3A_852 = arith.mulf %get3A_845, %broadcast_in_dim3A_833 : vector<16xf32>
        %mul3A_853 = arith.mulf %get3A_849, %broadcast_in_dim3A_833 : vector<16xf32>
        %swap3A_854 = arith.index_cast %add3A_830 : i32 to index
        %swap3A_855 = arith.constant 0 : index
        %swap3A_856 = tpu.vector_load %arg10[%swap3A_854, %swap3A_855] {strides = array<i32>} : memref<256x64xf32, #tpu.memory_space<vmem>>, vector<1x16xf32>,
        %swap3A_857 = vector.shape_cast %swap3A_856 : vector<1x16xf32> to vector<16xf32>
        %swap3A_858 = vector.shape_cast %mul3A_850 : vector<16xf32> to vector<1x16xf32>
        tpu.vector_store %arg10[%swap3A_854, %swap3A_855], %swap3A_858 {strides = array<i32>} : memref<256x64xf32, #tpu.memory_space<vmem>>, vector<1x16xf32>,
        %swap3A_859 = arith.index_cast %add3A_830 : i32 to index
        %swap3A_860 = arith.constant 16 : index
        %swap3A_861 = tpu.vector_load %arg10[%swap3A_859, %swap3A_860] {strides = array<i32>} : memref<256x64xf32, #tpu.memory_space<vmem>>, vector<1x16xf32>,
        %swap3A_862 = vector.shape_cast %swap3A_861 : vector<1x16xf32> to vector<16xf32>
        %swap3A_863 = vector.shape_cast %mul3A_851 : vector<16xf32> to vector<1x16xf32>
        tpu.vector_store %arg10[%swap3A_859, %swap3A_860], %swap3A_863 {strides = array<i32>} : memref<256x64xf32, #tpu.memory_space<vmem>>, vector<1x16xf32>,
        %swap3A_864 = arith.index_cast %add3A_830 : i32 to index
        %swap3A_865 = arith.constant 32 : index
        %swap3A_866 = tpu.vector_load %arg10[%swap3A_864, %swap3A_865] {strides = array<i32>} : memref<256x64xf32, #tpu.memory_space<vmem>>, vector<1x16xf32>,
        %swap3A_867 = vector.shape_cast %swap3A_866 : vector<1x16xf32> to vector<16xf32>
        %swap3A_868 = vector.shape_cast %mul3A_852 : vector<16xf32> to vector<1x16xf32>
        tpu.vector_store %arg10[%swap3A_864, %swap3A_865], %swap3A_868 {strides = array<i32>} : memref<256x64xf32, #tpu.memory_space<vmem>>, vector<1x16xf32>,
        %swap3A_869 = arith.index_cast %add3A_830 : i32 to index
        %swap3A_870 = arith.constant 48 : index
        %swap3A_871 = tpu.vector_load %arg10[%swap3A_869, %swap3A_870] {strides = array<i32>} : memref<256x64xf32, #tpu.memory_space<vmem>>, vector<1x16xf32>,
        %swap3A_872 = vector.shape_cast %swap3A_871 : vector<1x16xf32> to vector<16xf32>
        %swap3A_873 = vector.shape_cast %mul3A_853 : vector<16xf32> to vector<1x16xf32>
        tpu.vector_store %arg10[%swap3A_869, %swap3A_870], %swap3A_873 {strides = array<i32>} : memref<256x64xf32, #tpu.memory_space<vmem>>, vector<1x16xf32>,
        %mul3A_874 = arith.constant 16 : i32
        %mul3A_875 = arith.muli %scan3A_212, %mul3A_874 : i32
        %add3A_876 = arith.constant 14 : i32
        %add3A_877 = arith.addi %mul3A_875, %add3A_876 : i32
        %slice3A_878 = vector.extract_strided_slice %get3A_218 {offsets = [14], sizes = [1], strides = [1]} : vector<16xf32> to vector<1xf32>
        %squeeze3A_879 = vector.extract %slice3A_878[0] : f32 from vector<1xf32>
        %broadcast_in_dim3A_880 = vector.broadcast %squeeze3A_879 : f32 to vector<16xf32>
        %get3A_881 = arith.index_cast %add3A_877 : i32 to index
        %get3A_882 = arith.constant 0 : index
        %get3A_883 = tpu.vector_load %arg10[%get3A_881, %get3A_882] {strides = array<i32>} : memref<256x64xf32, #tpu.memory_space<vmem>>, vector<1x16xf32>,
        %get3A_884 = vector.shape_cast %get3A_883 : vector<1x16xf32> to vector<16xf32>
        %get3A_885 = arith.index_cast %add3A_877 : i32 to index
        %get3A_886 = arith.constant 16 : index
        %get3A_887 = tpu.vector_load %arg10[%get3A_885, %get3A_886] {strides = array<i32>} : memref<256x64xf32, #tpu.memory_space<vmem>>, vector<1x16xf32>,
        %get3A_888 = vector.shape_cast %get3A_887 : vector<1x16xf32> to vector<16xf32>
        %get3A_889 = arith.index_cast %add3A_877 : i32 to index
        %get3A_890 = arith.constant 32 : index
        %get3A_891 = tpu.vector_load %arg10[%get3A_889, %get3A_890] {strides = array<i32>} : memref<256x64xf32, #tpu.memory_space<vmem>>, vector<1x16xf32>,
        %get3A_892 = vector.shape_cast %get3A_891 : vector<1x16xf32> to vector<16xf32>
        %get3A_893 = arith.index_cast %add3A_877 : i32 to index
        %get3A_894 = arith.constant 48 : index
        %get3A_895 = tpu.vector_load %arg10[%get3A_893, %get3A_894] {strides = array<i32>} : memref<256x64xf32, #tpu.memory_space<vmem>>, vector<1x16xf32>,
        %get3A_896 = vector.shape_cast %get3A_895 : vector<1x16xf32> to vector<16xf32>
        %mul3A_897 = arith.mulf %get3A_884, %broadcast_in_dim3A_880 : vector<16xf32>
        %mul3A_898 = arith.mulf %get3A_888, %broadcast_in_dim3A_880 : vector<16xf32>
        %mul3A_899 = arith.mulf %get3A_892, %broadcast_in_dim3A_880 : vector<16xf32>
        %mul3A_900 = arith.mulf %get3A_896, %broadcast_in_dim3A_880 : vector<16xf32>
        %swap3A_901 = arith.index_cast %add3A_877 : i32 to index
        %swap3A_902 = arith.constant 0 : index
        %swap3A_903 = tpu.vector_load %arg10[%swap3A_901, %swap3A_902] {strides = array<i32>} : memref<256x64xf32, #tpu.memory_space<vmem>>, vector<1x16xf32>,
        %swap3A_904 = vector.shape_cast %swap3A_903 : vector<1x16xf32> to vector<16xf32>
        %swap3A_905 = vector.shape_cast %mul3A_897 : vector<16xf32> to vector<1x16xf32>
        tpu.vector_store %arg10[%swap3A_901, %swap3A_902], %swap3A_905 {strides = array<i32>} : memref<256x64xf32, #tpu.memory_space<vmem>>, vector<1x16xf32>,
        %swap3A_906 = arith.index_cast %add3A_877 : i32 to index
        %swap3A_907 = arith.constant 16 : index
        %swap3A_908 = tpu.vector_load %arg10[%swap3A_906, %swap3A_907] {strides = array<i32>} : memref<256x64xf32, #tpu.memory_space<vmem>>, vector<1x16xf32>,
        %swap3A_909 = vector.shape_cast %swap3A_908 : vector<1x16xf32> to vector<16xf32>
        %swap3A_910 = vector.shape_cast %mul3A_898 : vector<16xf32> to vector<1x16xf32>
        tpu.vector_store %arg10[%swap3A_906, %swap3A_907], %swap3A_910 {strides = array<i32>} : memref<256x64xf32, #tpu.memory_space<vmem>>, vector<1x16xf32>,
        %swap3A_911 = arith.index_cast %add3A_877 : i32 to index
        %swap3A_912 = arith.constant 32 : index
        %swap3A_913 = tpu.vector_load %arg10[%swap3A_911, %swap3A_912] {strides = array<i32>} : memref<256x64xf32, #tpu.memory_space<vmem>>, vector<1x16xf32>,
        %swap3A_914 = vector.shape_cast %swap3A_913 : vector<1x16xf32> to vector<16xf32>
        %swap3A_915 = vector.shape_cast %mul3A_899 : vector<16xf32> to vector<1x16xf32>
        tpu.vector_store %arg10[%swap3A_911, %swap3A_912], %swap3A_915 {strides = array<i32>} : memref<256x64xf32, #tpu.memory_space<vmem>>, vector<1x16xf32>,
        %swap3A_916 = arith.index_cast %add3A_877 : i32 to index
        %swap3A_917 = arith.constant 48 : index
        %swap3A_918 = tpu.vector_load %arg10[%swap3A_916, %swap3A_917] {strides = array<i32>} : memref<256x64xf32, #tpu.memory_space<vmem>>, vector<1x16xf32>,
        %swap3A_919 = vector.shape_cast %swap3A_918 : vector<1x16xf32> to vector<16xf32>
        %swap3A_920 = vector.shape_cast %mul3A_900 : vector<16xf32> to vector<1x16xf32>
        tpu.vector_store %arg10[%swap3A_916, %swap3A_917], %swap3A_920 {strides = array<i32>} : memref<256x64xf32, #tpu.memory_space<vmem>>, vector<1x16xf32>,
        %mul3A_921 = arith.constant 16 : i32
        %mul3A_922 = arith.muli %scan3A_212, %mul3A_921 : i32
        %add3A_923 = arith.constant 15 : i32
        %add3A_924 = arith.addi %mul3A_922, %add3A_923 : i32
        %slice3A_925 = vector.extract_strided_slice %get3A_218 {offsets = [15], sizes = [1], strides = [1]} : vector<16xf32> to vector<1xf32>
        %squeeze3A_926 = vector.extract %slice3A_925[0] : f32 from vector<1xf32>
        %broadcast_in_dim3A_927 = vector.broadcast %squeeze3A_926 : f32 to vector<16xf32>
        %get3A_928 = arith.index_cast %add3A_924 : i32 to index
        %get3A_929 = arith.constant 0 : index
        %get3A_930 = tpu.vector_load %arg10[%get3A_928, %get3A_929] {strides = array<i32>} : memref<256x64xf32, #tpu.memory_space<vmem>>, vector<1x16xf32>,
        %get3A_931 = vector.shape_cast %get3A_930 : vector<1x16xf32> to vector<16xf32>
        %get3A_932 = arith.index_cast %add3A_924 : i32 to index
        %get3A_933 = arith.constant 16 : index
        %get3A_934 = tpu.vector_load %arg10[%get3A_932, %get3A_933] {strides = array<i32>} : memref<256x64xf32, #tpu.memory_space<vmem>>, vector<1x16xf32>,
        %get3A_935 = vector.shape_cast %get3A_934 : vector<1x16xf32> to vector<16xf32>
        %get3A_936 = arith.index_cast %add3A_924 : i32 to index
        %get3A_937 = arith.constant 32 : index
        %get3A_938 = tpu.vector_load %arg10[%get3A_936, %get3A_937] {strides = array<i32>} : memref<256x64xf32, #tpu.memory_space<vmem>>, vector<1x16xf32>,
        %get3A_939 = vector.shape_cast %get3A_938 : vector<1x16xf32> to vector<16xf32>
        %get3A_940 = arith.index_cast %add3A_924 : i32 to index
        %get3A_941 = arith.constant 48 : index
        %get3A_942 = tpu.vector_load %arg10[%get3A_940, %get3A_941] {strides = array<i32>} : memref<256x64xf32, #tpu.memory_space<vmem>>, vector<1x16xf32>,
        %get3A_943 = vector.shape_cast %get3A_942 : vector<1x16xf32> to vector<16xf32>
        %mul3A_944 = arith.mulf %get3A_931, %broadcast_in_dim3A_927 : vector<16xf32>
        %mul3A_945 = arith.mulf %get3A_935, %broadcast_in_dim3A_927 : vector<16xf32>
        %mul3A_946 = arith.mulf %get3A_939, %broadcast_in_dim3A_927 : vector<16xf32>
        %mul3A_947 = arith.mulf %get3A_943, %broadcast_in_dim3A_927 : vector<16xf32>
        %swap3A_948 = arith.index_cast %add3A_924 : i32 to index
        %swap3A_949 = arith.constant 0 : index
        %swap3A_950 = tpu.vector_load %arg10[%swap3A_948, %swap3A_949] {strides = array<i32>} : memref<256x64xf32, #tpu.memory_space<vmem>>, vector<1x16xf32>,
        %swap3A_951 = vector.shape_cast %swap3A_950 : vector<1x16xf32> to vector<16xf32>
        %swap3A_952 = vector.shape_cast %mul3A_944 : vector<16xf32> to vector<1x16xf32>
        tpu.vector_store %arg10[%swap3A_948, %swap3A_949], %swap3A_952 {strides = array<i32>} : memref<256x64xf32, #tpu.memory_space<vmem>>, vector<1x16xf32>,
        %swap3A_953 = arith.index_cast %add3A_924 : i32 to index
        %swap3A_954 = arith.constant 16 : index
        %swap3A_955 = tpu.vector_load %arg10[%swap3A_953, %swap3A_954] {strides = array<i32>} : memref<256x64xf32, #tpu.memory_space<vmem>>, vector<1x16xf32>,
        %swap3A_956 = vector.shape_cast %swap3A_955 : vector<1x16xf32> to vector<16xf32>
        %swap3A_957 = vector.shape_cast %mul3A_945 : vector<16xf32> to vector<1x16xf32>
        tpu.vector_store %arg10[%swap3A_953, %swap3A_954], %swap3A_957 {strides = array<i32>} : memref<256x64xf32, #tpu.memory_space<vmem>>, vector<1x16xf32>,
        %swap3A_958 = arith.index_cast %add3A_924 : i32 to index
        %swap3A_959 = arith.constant 32 : index
        %swap3A_960 = tpu.vector_load %arg10[%swap3A_958, %swap3A_959] {strides = array<i32>} : memref<256x64xf32, #tpu.memory_space<vmem>>, vector<1x16xf32>,
        %swap3A_961 = vector.shape_cast %swap3A_960 : vector<1x16xf32> to vector<16xf32>
        %swap3A_962 = vector.shape_cast %mul3A_946 : vector<16xf32> to vector<1x16xf32>
        tpu.vector_store %arg10[%swap3A_958, %swap3A_959], %swap3A_962 {strides = array<i32>} : memref<256x64xf32, #tpu.memory_space<vmem>>, vector<1x16xf32>,
        %swap3A_963 = arith.index_cast %add3A_924 : i32 to index
        %swap3A_964 = arith.constant 48 : index
        %swap3A_965 = tpu.vector_load %arg10[%swap3A_963, %swap3A_964] {strides = array<i32>} : memref<256x64xf32, #tpu.memory_space<vmem>>, vector<1x16xf32>,
        %swap3A_966 = vector.shape_cast %swap3A_965 : vector<1x16xf32> to vector<16xf32>
        %swap3A_967 = vector.shape_cast %mul3A_947 : vector<16xf32> to vector<1x16xf32>
        tpu.vector_store %arg10[%swap3A_963, %swap3A_964], %swap3A_967 {strides = array<i32>} : memref<256x64xf32, #tpu.memory_space<vmem>>, vector<1x16xf32>,
        %scan3A_968 = arith.constant 0 : i32
        scf.yield %scan3A_968 : i32
      }
      %scan3A_138 = arith.constant 16 : i32
      %eq3A_139 = arith.constant 0 : i32
      %eq3A_140 = arith.cmpi eq, %arg0, %eq3A_139 : i32
      %convert_element_type3A_141 = arith.extui %eq3A_140 : i1 to i32
      %cond3A_142 = arith.constant 0 : i32
      %cond3A_143 = arith.cmpi ne, %convert_element_type3A_141, %cond3A_142 : i32
      scf.if %cond3A_143 {
        %scan3A_212 = arith.constant 0 : i32
        %scan3A_213 = arith.constant 0 : i32
        %scan3A_214 = arith.constant 16 : i32
        %scan3A_215 = arith.addi %scan3A_213, %scan3A_214 : i32
        %scan3A_216 = arith.constant 1 : i32
        %scan3A_217 = scf.for %scan3A_219 = %scan3A_213 to %scan3A_215 step %scan3A_216 iter_args(%scan3A_220 = %scan3A_212) -> (i32)  : i32 {
          %mul3A_221 = arith.constant 16 : i32
          %mul3A_222 = arith.muli %scan3A_219, %mul3A_221 : i32
          %add3A_223 = arith.addi %mul3A_131, %mul3A_222 : i32
          %get3A = arith.index_cast %add3A_223 : i32 to index
          %get3A_224 = tpu.vector_load %arg9[%get3A] {strides = array<i32>} : memref<10240xf32, #tpu.memory_space<vmem>>, vector<16xf32>,
          %get3A_225 = vector.shape_cast %get3A_224 : vector<16xf32> to vector<16xf32>
          %slice3A = vector.extract_strided_slice %get3A_225 {offsets = [0], sizes = [1], strides = [1]} : vector<16xf32> to vector<1xf32>
          %squeeze3A = vector.extract %slice3A[0] : f32 from vector<1xf32>
          %broadcast_in_dim3A_226 = vector.broadcast %squeeze3A : f32 to vector<16xf32>
          %mul3A_227 = arith.constant 16 : i32
          %mul3A_228 = arith.muli %scan3A_219, %mul3A_227 : i32
          %add3A_229 = arith.constant 0 : i32
          %add3A_230 = arith.addi %mul3A_228, %add3A_229 : i32
          %swap3A = arith.index_cast %add3A_230 : i32 to index
          %swap3A_231 = arith.constant 0 : index
          %swap3A_232 = tpu.vector_load %arg12[%swap3A, %swap3A_231] {strides = array<i32>} : memref<256x16xf32, #tpu.memory_space<vmem>>, vector<1x16xf32>,
          %swap3A_233 = vector.shape_cast %swap3A_232 : vector<1x16xf32> to vector<16xf32>
          %swap3A_234 = vector.shape_cast %broadcast_in_dim3A_226 : vector<16xf32> to vector<1x16xf32>
          tpu.vector_store %arg12[%swap3A, %swap3A_231], %swap3A_234 {strides = array<i32>} : memref<256x16xf32, #tpu.memory_space<vmem>>, vector<1x16xf32>,
          %slice3A_235 = vector.extract_strided_slice %get3A_225 {offsets = [1], sizes = [1], strides = [1]} : vector<16xf32> to vector<1xf32>
          %squeeze3A_236 = vector.extract %slice3A_235[0] : f32 from vector<1xf32>
          %broadcast_in_dim3A_237 = vector.broadcast %squeeze3A_236 : f32 to vector<16xf32>
          %mul3A_238 = arith.constant 16 : i32
          %mul3A_239 = arith.muli %scan3A_219, %mul3A_238 : i32
          %add3A_240 = arith.constant 1 : i32
          %add3A_241 = arith.addi %mul3A_239, %add3A_240 : i32
          %swap3A_242 = arith.index_cast %add3A_241 : i32 to index
          %swap3A_243 = arith.constant 0 : index
          %swap3A_244 = tpu.vector_load %arg12[%swap3A_242, %swap3A_243] {strides = array<i32>} : memref<256x16xf32, #tpu.memory_space<vmem>>, vector<1x16xf32>,
          %swap3A_245 = vector.shape_cast %swap3A_244 : vector<1x16xf32> to vector<16xf32>
          %swap3A_246 = vector.shape_cast %broadcast_in_dim3A_237 : vector<16xf32> to vector<1x16xf32>
          tpu.vector_store %arg12[%swap3A_242, %swap3A_243], %swap3A_246 {strides = array<i32>} : memref<256x16xf32, #tpu.memory_space<vmem>>, vector<1x16xf32>,
          %slice3A_247 = vector.extract_strided_slice %get3A_225 {offsets = [2], sizes = [1], strides = [1]} : vector<16xf32> to vector<1xf32>
          %squeeze3A_248 = vector.extract %slice3A_247[0] : f32 from vector<1xf32>
          %broadcast_in_dim3A_249 = vector.broadcast %squeeze3A_248 : f32 to vector<16xf32>
          %mul3A_250 = arith.constant 16 : i32
          %mul3A_251 = arith.muli %scan3A_219, %mul3A_250 : i32
          %add3A_252 = arith.constant 2 : i32
          %add3A_253 = arith.addi %mul3A_251, %add3A_252 : i32
          %swap3A_254 = arith.index_cast %add3A_253 : i32 to index
          %swap3A_255 = arith.constant 0 : index
          %swap3A_256 = tpu.vector_load %arg12[%swap3A_254, %swap3A_255] {strides = array<i32>} : memref<256x16xf32, #tpu.memory_space<vmem>>, vector<1x16xf32>,
          %swap3A_257 = vector.shape_cast %swap3A_256 : vector<1x16xf32> to vector<16xf32>
          %swap3A_258 = vector.shape_cast %broadcast_in_dim3A_249 : vector<16xf32> to vector<1x16xf32>
          tpu.vector_store %arg12[%swap3A_254, %swap3A_255], %swap3A_258 {strides = array<i32>} : memref<256x16xf32, #tpu.memory_space<vmem>>, vector<1x16xf32>,
          %slice3A_259 = vector.extract_strided_slice %get3A_225 {offsets = [3], sizes = [1], strides = [1]} : vector<16xf32> to vector<1xf32>
          %squeeze3A_260 = vector.extract %slice3A_259[0] : f32 from vector<1xf32>
          %broadcast_in_dim3A_261 = vector.broadcast %squeeze3A_260 : f32 to vector<16xf32>
          %mul3A_262 = arith.constant 16 : i32
          %mul3A_263 = arith.muli %scan3A_219, %mul3A_262 : i32
          %add3A_264 = arith.constant 3 : i32
          %add3A_265 = arith.addi %mul3A_263, %add3A_264 : i32
          %swap3A_266 = arith.index_cast %add3A_265 : i32 to index
          %swap3A_267 = arith.constant 0 : index
          %swap3A_268 = tpu.vector_load %arg12[%swap3A_266, %swap3A_267] {strides = array<i32>} : memref<256x16xf32, #tpu.memory_space<vmem>>, vector<1x16xf32>,
          %swap3A_269 = vector.shape_cast %swap3A_268 : vector<1x16xf32> to vector<16xf32>
          %swap3A_270 = vector.shape_cast %broadcast_in_dim3A_261 : vector<16xf32> to vector<1x16xf32>
          tpu.vector_store %arg12[%swap3A_266, %swap3A_267], %swap3A_270 {strides = array<i32>} : memref<256x16xf32, #tpu.memory_space<vmem>>, vector<1x16xf32>,
          %slice3A_271 = vector.extract_strided_slice %get3A_225 {offsets = [4], sizes = [1], strides = [1]} : vector<16xf32> to vector<1xf32>
          %squeeze3A_272 = vector.extract %slice3A_271[0] : f32 from vector<1xf32>
          %broadcast_in_dim3A_273 = vector.broadcast %squeeze3A_272 : f32 to vector<16xf32>
          %mul3A_274 = arith.constant 16 : i32
          %mul3A_275 = arith.muli %scan3A_219, %mul3A_274 : i32
          %add3A_276 = arith.constant 4 : i32
          %add3A_277 = arith.addi %mul3A_275, %add3A_276 : i32
          %swap3A_278 = arith.index_cast %add3A_277 : i32 to index
          %swap3A_279 = arith.constant 0 : index
          %swap3A_280 = tpu.vector_load %arg12[%swap3A_278, %swap3A_279] {strides = array<i32>} : memref<256x16xf32, #tpu.memory_space<vmem>>, vector<1x16xf32>,
          %swap3A_281 = vector.shape_cast %swap3A_280 : vector<1x16xf32> to vector<16xf32>
          %swap3A_282 = vector.shape_cast %broadcast_in_dim3A_273 : vector<16xf32> to vector<1x16xf32>
          tpu.vector_store %arg12[%swap3A_278, %swap3A_279], %swap3A_282 {strides = array<i32>} : memref<256x16xf32, #tpu.memory_space<vmem>>, vector<1x16xf32>,
          %slice3A_283 = vector.extract_strided_slice %get3A_225 {offsets = [5], sizes = [1], strides = [1]} : vector<16xf32> to vector<1xf32>
          %squeeze3A_284 = vector.extract %slice3A_283[0] : f32 from vector<1xf32>
          %broadcast_in_dim3A_285 = vector.broadcast %squeeze3A_284 : f32 to vector<16xf32>
          %mul3A_286 = arith.constant 16 : i32
          %mul3A_287 = arith.muli %scan3A_219, %mul3A_286 : i32
          %add3A_288 = arith.constant 5 : i32
          %add3A_289 = arith.addi %mul3A_287, %add3A_288 : i32
          %swap3A_290 = arith.index_cast %add3A_289 : i32 to index
          %swap3A_291 = arith.constant 0 : index
          %swap3A_292 = tpu.vector_load %arg12[%swap3A_290, %swap3A_291] {strides = array<i32>} : memref<256x16xf32, #tpu.memory_space<vmem>>, vector<1x16xf32>,
          %swap3A_293 = vector.shape_cast %swap3A_292 : vector<1x16xf32> to vector<16xf32>
          %swap3A_294 = vector.shape_cast %broadcast_in_dim3A_285 : vector<16xf32> to vector<1x16xf32>
          tpu.vector_store %arg12[%swap3A_290, %swap3A_291], %swap3A_294 {strides = array<i32>} : memref<256x16xf32, #tpu.memory_space<vmem>>, vector<1x16xf32>,
          %slice3A_295 = vector.extract_strided_slice %get3A_225 {offsets = [6], sizes = [1], strides = [1]} : vector<16xf32> to vector<1xf32>
          %squeeze3A_296 = vector.extract %slice3A_295[0] : f32 from vector<1xf32>
          %broadcast_in_dim3A_297 = vector.broadcast %squeeze3A_296 : f32 to vector<16xf32>
          %mul3A_298 = arith.constant 16 : i32
          %mul3A_299 = arith.muli %scan3A_219, %mul3A_298 : i32
          %add3A_300 = arith.constant 6 : i32
          %add3A_301 = arith.addi %mul3A_299, %add3A_300 : i32
          %swap3A_302 = arith.index_cast %add3A_301 : i32 to index
          %swap3A_303 = arith.constant 0 : index
          %swap3A_304 = tpu.vector_load %arg12[%swap3A_302, %swap3A_303] {strides = array<i32>} : memref<256x16xf32, #tpu.memory_space<vmem>>, vector<1x16xf32>,
          %swap3A_305 = vector.shape_cast %swap3A_304 : vector<1x16xf32> to vector<16xf32>
          %swap3A_306 = vector.shape_cast %broadcast_in_dim3A_297 : vector<16xf32> to vector<1x16xf32>
          tpu.vector_store %arg12[%swap3A_302, %swap3A_303], %swap3A_306 {strides = array<i32>} : memref<256x16xf32, #tpu.memory_space<vmem>>, vector<1x16xf32>,
          %slice3A_307 = vector.extract_strided_slice %get3A_225 {offsets = [7], sizes = [1], strides = [1]} : vector<16xf32> to vector<1xf32>
          %squeeze3A_308 = vector.extract %slice3A_307[0] : f32 from vector<1xf32>
          %broadcast_in_dim3A_309 = vector.broadcast %squeeze3A_308 : f32 to vector<16xf32>
          %mul3A_310 = arith.constant 16 : i32
          %mul3A_311 = arith.muli %scan3A_219, %mul3A_310 : i32
          %add3A_312 = arith.constant 7 : i32
          %add3A_313 = arith.addi %mul3A_311, %add3A_312 : i32
          %swap3A_314 = arith.index_cast %add3A_313 : i32 to index
          %swap3A_315 = arith.constant 0 : index
          %swap3A_316 = tpu.vector_load %arg12[%swap3A_314, %swap3A_315] {strides = array<i32>} : memref<256x16xf32, #tpu.memory_space<vmem>>, vector<1x16xf32>,
          %swap3A_317 = vector.shape_cast %swap3A_316 : vector<1x16xf32> to vector<16xf32>
          %swap3A_318 = vector.shape_cast %broadcast_in_dim3A_309 : vector<16xf32> to vector<1x16xf32>
          tpu.vector_store %arg12[%swap3A_314, %swap3A_315], %swap3A_318 {strides = array<i32>} : memref<256x16xf32, #tpu.memory_space<vmem>>, vector<1x16xf32>,
          %slice3A_319 = vector.extract_strided_slice %get3A_225 {offsets = [8], sizes = [1], strides = [1]} : vector<16xf32> to vector<1xf32>
          %squeeze3A_320 = vector.extract %slice3A_319[0] : f32 from vector<1xf32>
          %broadcast_in_dim3A_321 = vector.broadcast %squeeze3A_320 : f32 to vector<16xf32>
          %mul3A_322 = arith.constant 16 : i32
          %mul3A_323 = arith.muli %scan3A_219, %mul3A_322 : i32
          %add3A_324 = arith.constant 8 : i32
          %add3A_325 = arith.addi %mul3A_323, %add3A_324 : i32
          %swap3A_326 = arith.index_cast %add3A_325 : i32 to index
          %swap3A_327 = arith.constant 0 : index
          %swap3A_328 = tpu.vector_load %arg12[%swap3A_326, %swap3A_327] {strides = array<i32>} : memref<256x16xf32, #tpu.memory_space<vmem>>, vector<1x16xf32>,
          %swap3A_329 = vector.shape_cast %swap3A_328 : vector<1x16xf32> to vector<16xf32>
          %swap3A_330 = vector.shape_cast %broadcast_in_dim3A_321 : vector<16xf32> to vector<1x16xf32>
          tpu.vector_store %arg12[%swap3A_326, %swap3A_327], %swap3A_330 {strides = array<i32>} : memref<256x16xf32, #tpu.memory_space<vmem>>, vector<1x16xf32>,
          %slice3A_331 = vector.extract_strided_slice %get3A_225 {offsets = [9], sizes = [1], strides = [1]} : vector<16xf32> to vector<1xf32>
          %squeeze3A_332 = vector.extract %slice3A_331[0] : f32 from vector<1xf32>
          %broadcast_in_dim3A_333 = vector.broadcast %squeeze3A_332 : f32 to vector<16xf32>
          %mul3A_334 = arith.constant 16 : i32
          %mul3A_335 = arith.muli %scan3A_219, %mul3A_334 : i32
          %add3A_336 = arith.constant 9 : i32
          %add3A_337 = arith.addi %mul3A_335, %add3A_336 : i32
          %swap3A_338 = arith.index_cast %add3A_337 : i32 to index
          %swap3A_339 = arith.constant 0 : index
          %swap3A_340 = tpu.vector_load %arg12[%swap3A_338, %swap3A_339] {strides = array<i32>} : memref<256x16xf32, #tpu.memory_space<vmem>>, vector<1x16xf32>,
          %swap3A_341 = vector.shape_cast %swap3A_340 : vector<1x16xf32> to vector<16xf32>
          %swap3A_342 = vector.shape_cast %broadcast_in_dim3A_333 : vector<16xf32> to vector<1x16xf32>
          tpu.vector_store %arg12[%swap3A_338, %swap3A_339], %swap3A_342 {strides = array<i32>} : memref<256x16xf32, #tpu.memory_space<vmem>>, vector<1x16xf32>,
          %slice3A_343 = vector.extract_strided_slice %get3A_225 {offsets = [10], sizes = [1], strides = [1]} : vector<16xf32> to vector<1xf32>
          %squeeze3A_344 = vector.extract %slice3A_343[0] : f32 from vector<1xf32>
          %broadcast_in_dim3A_345 = vector.broadcast %squeeze3A_344 : f32 to vector<16xf32>
          %mul3A_346 = arith.constant 16 : i32
          %mul3A_347 = arith.muli %scan3A_219, %mul3A_346 : i32
          %add3A_348 = arith.constant 10 : i32
          %add3A_349 = arith.addi %mul3A_347, %add3A_348 : i32
          %swap3A_350 = arith.index_cast %add3A_349 : i32 to index
          %swap3A_351 = arith.constant 0 : index
          %swap3A_352 = tpu.vector_load %arg12[%swap3A_350, %swap3A_351] {strides = array<i32>} : memref<256x16xf32, #tpu.memory_space<vmem>>, vector<1x16xf32>,
          %swap3A_353 = vector.shape_cast %swap3A_352 : vector<1x16xf32> to vector<16xf32>
          %swap3A_354 = vector.shape_cast %broadcast_in_dim3A_345 : vector<16xf32> to vector<1x16xf32>
          tpu.vector_store %arg12[%swap3A_350, %swap3A_351], %swap3A_354 {strides = array<i32>} : memref<256x16xf32, #tpu.memory_space<vmem>>, vector<1x16xf32>,
          %slice3A_355 = vector.extract_strided_slice %get3A_225 {offsets = [11], sizes = [1], strides = [1]} : vector<16xf32> to vector<1xf32>
          %squeeze3A_356 = vector.extract %slice3A_355[0] : f32 from vector<1xf32>
          %broadcast_in_dim3A_357 = vector.broadcast %squeeze3A_356 : f32 to vector<16xf32>
          %mul3A_358 = arith.constant 16 : i32
          %mul3A_359 = arith.muli %scan3A_219, %mul3A_358 : i32
          %add3A_360 = arith.constant 11 : i32
          %add3A_361 = arith.addi %mul3A_359, %add3A_360 : i32
          %swap3A_362 = arith.index_cast %add3A_361 : i32 to index
          %swap3A_363 = arith.constant 0 : index
          %swap3A_364 = tpu.vector_load %arg12[%swap3A_362, %swap3A_363] {strides = array<i32>} : memref<256x16xf32, #tpu.memory_space<vmem>>, vector<1x16xf32>,
          %swap3A_365 = vector.shape_cast %swap3A_364 : vector<1x16xf32> to vector<16xf32>
          %swap3A_366 = vector.shape_cast %broadcast_in_dim3A_357 : vector<16xf32> to vector<1x16xf32>
          tpu.vector_store %arg12[%swap3A_362, %swap3A_363], %swap3A_366 {strides = array<i32>} : memref<256x16xf32, #tpu.memory_space<vmem>>, vector<1x16xf32>,
          %slice3A_367 = vector.extract_strided_slice %get3A_225 {offsets = [12], sizes = [1], strides = [1]} : vector<16xf32> to vector<1xf32>
          %squeeze3A_368 = vector.extract %slice3A_367[0] : f32 from vector<1xf32>
          %broadcast_in_dim3A_369 = vector.broadcast %squeeze3A_368 : f32 to vector<16xf32>
          %mul3A_370 = arith.constant 16 : i32
          %mul3A_371 = arith.muli %scan3A_219, %mul3A_370 : i32
          %add3A_372 = arith.constant 12 : i32
          %add3A_373 = arith.addi %mul3A_371, %add3A_372 : i32
          %swap3A_374 = arith.index_cast %add3A_373 : i32 to index
          %swap3A_375 = arith.constant 0 : index
          %swap3A_376 = tpu.vector_load %arg12[%swap3A_374, %swap3A_375] {strides = array<i32>} : memref<256x16xf32, #tpu.memory_space<vmem>>, vector<1x16xf32>,
          %swap3A_377 = vector.shape_cast %swap3A_376 : vector<1x16xf32> to vector<16xf32>
          %swap3A_378 = vector.shape_cast %broadcast_in_dim3A_369 : vector<16xf32> to vector<1x16xf32>
          tpu.vector_store %arg12[%swap3A_374, %swap3A_375], %swap3A_378 {strides = array<i32>} : memref<256x16xf32, #tpu.memory_space<vmem>>, vector<1x16xf32>,
          %slice3A_379 = vector.extract_strided_slice %get3A_225 {offsets = [13], sizes = [1], strides = [1]} : vector<16xf32> to vector<1xf32>
          %squeeze3A_380 = vector.extract %slice3A_379[0] : f32 from vector<1xf32>
          %broadcast_in_dim3A_381 = vector.broadcast %squeeze3A_380 : f32 to vector<16xf32>
          %mul3A_382 = arith.constant 16 : i32
          %mul3A_383 = arith.muli %scan3A_219, %mul3A_382 : i32
          %add3A_384 = arith.constant 13 : i32
          %add3A_385 = arith.addi %mul3A_383, %add3A_384 : i32
          %swap3A_386 = arith.index_cast %add3A_385 : i32 to index
          %swap3A_387 = arith.constant 0 : index
          %swap3A_388 = tpu.vector_load %arg12[%swap3A_386, %swap3A_387] {strides = array<i32>} : memref<256x16xf32, #tpu.memory_space<vmem>>, vector<1x16xf32>,
          %swap3A_389 = vector.shape_cast %swap3A_388 : vector<1x16xf32> to vector<16xf32>
          %swap3A_390 = vector.shape_cast %broadcast_in_dim3A_381 : vector<16xf32> to vector<1x16xf32>
          tpu.vector_store %arg12[%swap3A_386, %swap3A_387], %swap3A_390 {strides = array<i32>} : memref<256x16xf32, #tpu.memory_space<vmem>>, vector<1x16xf32>,
          %slice3A_391 = vector.extract_strided_slice %get3A_225 {offsets = [14], sizes = [1], strides = [1]} : vector<16xf32> to vector<1xf32>
          %squeeze3A_392 = vector.extract %slice3A_391[0] : f32 from vector<1xf32>
          %broadcast_in_dim3A_393 = vector.broadcast %squeeze3A_392 : f32 to vector<16xf32>
          %mul3A_394 = arith.constant 16 : i32
          %mul3A_395 = arith.muli %scan3A_219, %mul3A_394 : i32
          %add3A_396 = arith.constant 14 : i32
          %add3A_397 = arith.addi %mul3A_395, %add3A_396 : i32
          %swap3A_398 = arith.index_cast %add3A_397 : i32 to index
          %swap3A_399 = arith.constant 0 : index
          %swap3A_400 = tpu.vector_load %arg12[%swap3A_398, %swap3A_399] {strides = array<i32>} : memref<256x16xf32, #tpu.memory_space<vmem>>, vector<1x16xf32>,
          %swap3A_401 = vector.shape_cast %swap3A_400 : vector<1x16xf32> to vector<16xf32>
          %swap3A_402 = vector.shape_cast %broadcast_in_dim3A_393 : vector<16xf32> to vector<1x16xf32>
          tpu.vector_store %arg12[%swap3A_398, %swap3A_399], %swap3A_402 {strides = array<i32>} : memref<256x16xf32, #tpu.memory_space<vmem>>, vector<1x16xf32>,
          %slice3A_403 = vector.extract_strided_slice %get3A_225 {offsets = [15], sizes = [1], strides = [1]} : vector<16xf32> to vector<1xf32>
          %squeeze3A_404 = vector.extract %slice3A_403[0] : f32 from vector<1xf32>
          %broadcast_in_dim3A_405 = vector.broadcast %squeeze3A_404 : f32 to vector<16xf32>
          %mul3A_406 = arith.constant 16 : i32
          %mul3A_407 = arith.muli %scan3A_219, %mul3A_406 : i32
          %add3A_408 = arith.constant 15 : i32
          %add3A_409 = arith.addi %mul3A_407, %add3A_408 : i32
          %swap3A_410 = arith.index_cast %add3A_409 : i32 to index
          %swap3A_411 = arith.constant 0 : index
          %swap3A_412 = tpu.vector_load %arg12[%swap3A_410, %swap3A_411] {strides = array<i32>} : memref<256x16xf32, #tpu.memory_space<vmem>>, vector<1x16xf32>,
          %swap3A_413 = vector.shape_cast %swap3A_412 : vector<1x16xf32> to vector<16xf32>
          %swap3A_414 = vector.shape_cast %broadcast_in_dim3A_405 : vector<16xf32> to vector<1x16xf32>
          tpu.vector_store %arg12[%swap3A_410, %swap3A_411], %swap3A_414 {strides = array<i32>} : memref<256x16xf32, #tpu.memory_space<vmem>>, vector<1x16xf32>,
          %scan3A_415 = arith.constant 0 : i32
          scf.yield %scan3A_415 : i32
        }
        %scan3A_218 = arith.constant 16 : i32
      } else {
      }
      %dma_start3A_144 = arith.constant 0 : i32
      %dma_start3A_145 = tpu.memref_slice %arg8[%mul3A_103, %dma_start3A_144] : memref<40x256xi32, #tpu.memory_space<vmem>> -> memref<1x256xi32, #tpu.memory_space<vmem>>
      %dma_start3A_146 = tpu.memref_squeeze %dma_start3A_145 : memref<1x256xi32, #tpu.memory_space<vmem>> -> memref<256xi32, #tpu.memory_space<vmem>>
      %dma_start3A_147 = arith.constant 0 : i32
      %dma_start3A_148 = arith.constant 0 : i32
      %dma_start3A_149 = tpu.memref_slice %arg14[%dma_start3A_147, %dma_start3A_148] : memref<10240x64xf32, #tpu.memory_space<vmem_shared>> -> memref<10240x64xf32, #tpu.memory_space<vmem_shared>>
      tpu.enqueue_indirect_dma source(%arg10 : memref<256x64xf32, #tpu.memory_space<vmem>>) target(%dma_start3A_149 : memref<10240x64xf32, #tpu.memory_space<vmem_shared>>) offsets(%dma_start3A_146 : memref<256xi32, #tpu.memory_space<vmem>>) semaphore(%arg18 : memref<!tpu.dma_semaphore, #tpu.memory_space<semaphore_mem>>) {add = true}
      %eq3A_150 = arith.constant 0 : i32
      %eq3A_151 = arith.cmpi eq, %arg0, %eq3A_150 : i32
      %convert_element_type3A_152 = arith.extui %eq3A_151 : i1 to i32
      %cond3A_153 = arith.constant 0 : i32
      %cond3A_154 = arith.cmpi ne, %convert_element_type3A_152, %cond3A_153 : i32
      scf.if %cond3A_154 {
        %dma_start3A_212 = arith.constant 0 : i32
        %dma_start3A_213 = tpu.memref_slice %arg8[%mul3A_103, %dma_start3A_212] : memref<40x256xi32, #tpu.memory_space<vmem>> -> memref<1x256xi32, #tpu.memory_space<vmem>>
        %dma_start3A_214 = tpu.memref_squeeze %dma_start3A_213 : memref<1x256xi32, #tpu.memory_space<vmem>> -> memref<256xi32, #tpu.memory_space<vmem>>
        %dma_start3A_215 = arith.constant 0 : i32
        %dma_start3A_216 = arith.constant 0 : i32
        %dma_start3A_217 = tpu.memref_slice %arg15[%dma_start3A_215, %dma_start3A_216] : memref<10240x16xf32, #tpu.memory_space<vmem_shared>> -> memref<10240x16xf32, #tpu.memory_space<vmem_shared>>
        tpu.enqueue_indirect_dma source(%arg12 : memref<256x16xf32, #tpu.memory_space<vmem>>) target(%dma_start3A_217 : memref<10240x16xf32, #tpu.memory_space<vmem_shared>>) offsets(%dma_start3A_214 : memref<256xi32, #tpu.memory_space<vmem>>) semaphore(%arg20 : memref<!tpu.dma_semaphore, #tpu.memory_space<semaphore_mem>>) {add = true}
      } else {
      }
      %add3A_155 = arith.constant 1 : i32
      %add3A_156 = arith.addi %mul3A_103, %add3A_155 : i32
      %dma_wait3A_157 = arith.constant 0 : i32
      %dma_wait3A_158 = tpu.memref_slice %arg7[%add3A_156, %dma_wait3A_157] : memref<40x256xi32, #tpu.memory_space<vmem>> -> memref<1x256xi32, #tpu.memory_space<vmem>>
      %dma_wait3A_159 = tpu.memref_squeeze %dma_wait3A_158 : memref<1x256xi32, #tpu.memory_space<vmem>> -> memref<256xi32, #tpu.memory_space<vmem>>
      %dma_wait3A_160 = arith.constant 0 : i32
      %dma_wait3A_161 = arith.constant 0 : i32
      %dma_wait3A_162 = tpu.memref_slice %arg4[%arg0, %dma_wait3A_160, %dma_wait3A_161] : memref<2x10000x64xf32, #tpu.memory_space<hbm>> -> memref<1x10000x64xf32, #tpu.memory_space<hbm>>
      %dma_wait3A_163 = tpu.memref_squeeze %dma_wait3A_162 : memref<1x10000x64xf32, #tpu.memory_space<hbm>> -> memref<10000x64xf32, #tpu.memory_space<hbm>>
      %dma_wait3A_164 = arith.constant 0 : i32
      %dma_wait3A_165 = arith.constant 0 : i32
      %dma_wait3A_166 = tpu.memref_slice %dma_wait3A_163[%dma_wait3A_164, %dma_wait3A_165] : memref<10000x64xf32, #tpu.memory_space<hbm>> -> memref<10000x64xf32, #tpu.memory_space<hbm>>
      tpu.wait_indirect_dma semaphore(%arg17 : memref<!tpu.dma_semaphore, #tpu.memory_space<semaphore_mem>>) src(%dma_wait3A_166 : memref<10000x64xf32, #tpu.memory_space<hbm>>) dst(%arg11 : memref<256x64xf32, #tpu.memory_space<vmem>>)
      %dma_wait3A_167 = arith.constant 0 : i32
      %dma_wait3A_168 = tpu.memref_slice %arg8[%mul3A_103, %dma_wait3A_167] : memref<40x256xi32, #tpu.memory_space<vmem>> -> memref<1x256xi32, #tpu.memory_space<vmem>>
      %dma_wait3A_169 = tpu.memref_squeeze %dma_wait3A_168 : memref<1x256xi32, #tpu.memory_space<vmem>> -> memref<256xi32, #tpu.memory_space<vmem>>
      %dma_wait3A_170 = arith.constant 0 : i32
      %dma_wait3A_171 = arith.constant 0 : i32
      %dma_wait3A_172 = tpu.memref_slice %arg14[%dma_wait3A_170, %dma_wait3A_171] : memref<10240x64xf32, #tpu.memory_space<vmem_shared>> -> memref<10240x64xf32, #tpu.memory_space<vmem_shared>>
      tpu.wait_indirect_dma semaphore(%arg18 : memref<!tpu.dma_semaphore, #tpu.memory_space<semaphore_mem>>) src(%arg10 : memref<256x64xf32, #tpu.memory_space<vmem>>) dst(%dma_wait3A_172 : memref<10240x64xf32, #tpu.memory_space<vmem_shared>>)
      %eq3A_173 = arith.constant 0 : i32
      %eq3A_174 = arith.cmpi eq, %arg0, %eq3A_173 : i32
      %convert_element_type3A_175 = arith.extui %eq3A_174 : i1 to i32
      %cond3A_176 = arith.constant 0 : i32
      %cond3A_177 = arith.cmpi ne, %convert_element_type3A_175, %cond3A_176 : i32
      scf.if %cond3A_177 {
        %dma_wait3A_212 = arith.constant 0 : i32
        %dma_wait3A_213 = tpu.memref_slice %arg8[%mul3A_103, %dma_wait3A_212] : memref<40x256xi32, #tpu.memory_space<vmem>> -> memref<1x256xi32, #tpu.memory_space<vmem>>
        %dma_wait3A_214 = tpu.memref_squeeze %dma_wait3A_213 : memref<1x256xi32, #tpu.memory_space<vmem>> -> memref<256xi32, #tpu.memory_space<vmem>>
        %dma_wait3A_215 = arith.constant 0 : i32
        %dma_wait3A_216 = arith.constant 0 : i32
        %dma_wait3A_217 = tpu.memref_slice %arg15[%dma_wait3A_215, %dma_wait3A_216] : memref<10240x16xf32, #tpu.memory_space<vmem_shared>> -> memref<10240x16xf32, #tpu.memory_space<vmem_shared>>
        tpu.wait_indirect_dma semaphore(%arg20 : memref<!tpu.dma_semaphore, #tpu.memory_space<semaphore_mem>>) src(%arg12 : memref<256x16xf32, #tpu.memory_space<vmem>>) dst(%dma_wait3A_217 : memref<10240x16xf32, #tpu.memory_space<vmem_shared>>)
      } else {
      }
      %lt3A = arith.constant 19 : i32
      %lt3A_178 = arith.cmpi slt, %scan3A_100, %lt3A : i32
      %convert_element_type3A_179 = arith.extui %lt3A_178 : i1 to i32
      %cond3A_180 = arith.constant 0 : i32
      %cond3A_181 = arith.cmpi ne, %convert_element_type3A_179, %cond3A_180 : i32
      scf.if %cond3A_181 {
        %add3A_212 = arith.constant 2 : i32
        %add3A_213 = arith.addi %mul3A_103, %add3A_212 : i32
        %dma_start3A_214 = arith.constant 0 : i32
        %dma_start3A_215 = tpu.memref_slice %arg7[%add3A_213, %dma_start3A_214] : memref<40x256xi32, #tpu.memory_space<vmem>> -> memref<1x256xi32, #tpu.memory_space<vmem>>
        %dma_start3A_216 = tpu.memref_squeeze %dma_start3A_215 : memref<1x256xi32, #tpu.memory_space<vmem>> -> memref<256xi32, #tpu.memory_space<vmem>>
        %dma_start3A_217 = arith.constant 0 : i32
        %dma_start3A_218 = arith.constant 0 : i32
        %dma_start3A_219 = tpu.memref_slice %arg4[%arg0, %dma_start3A_217, %dma_start3A_218] : memref<2x10000x64xf32, #tpu.memory_space<hbm>> -> memref<1x10000x64xf32, #tpu.memory_space<hbm>>
        %dma_start3A_220 = tpu.memref_squeeze %dma_start3A_219 : memref<1x10000x64xf32, #tpu.memory_space<hbm>> -> memref<10000x64xf32, #tpu.memory_space<hbm>>
        %dma_start3A_221 = arith.constant 0 : i32
        %dma_start3A_222 = arith.constant 0 : i32
        %dma_start3A_223 = tpu.memref_slice %dma_start3A_220[%dma_start3A_221, %dma_start3A_222] : memref<10000x64xf32, #tpu.memory_space<hbm>> -> memref<10000x64xf32, #tpu.memory_space<hbm>>
        tpu.enqueue_indirect_dma source(%dma_start3A_223 : memref<10000x64xf32, #tpu.memory_space<hbm>>) target(%arg10 : memref<256x64xf32, #tpu.memory_space<vmem>>) offsets(%dma_start3A_216 : memref<256xi32, #tpu.memory_space<vmem>>) semaphore(%arg16 : memref<!tpu.dma_semaphore, #tpu.memory_space<semaphore_mem>>)
      } else {
      }
      %add3A_182 = arith.constant 1 : i32
      %add3A_183 = arith.addi %mul3A_103, %add3A_182 : i32
      %mul3A_184 = arith.constant 256 : i32
      %mul3A_185 = arith.muli %add3A_183, %mul3A_184 : i32
      %scan3A_186 = arith.constant 0 : i32
      %scan3A_187 = arith.constant 0 : i32
      %scan3A_188 = arith.constant 16 : i32
      %scan3A_189 = arith.addi %scan3A_187, %scan3A_188 : i32
      %scan3A_190 = arith.constant 1 : i32
      %scan3A_191 = scf.for %scan3A_212 = %scan3A_187 to %scan3A_189 step %scan3A_190 iter_args(%scan3A_213 = %scan3A_186) -> (i32)  : i32 {
        %mul3A_214 = arith.constant 16 : i32
        %mul3A_215 = arith.muli %scan3A_212, %mul3A_214 : i32
        %add3A_216 = arith.addi %mul3A_185, %mul3A_215 : i32
        %get3A = arith.index_cast %add3A_216 : i32 to index
        %get3A_217 = tpu.vector_load %arg9[%get3A] {strides = array<i32>} : memref<10240xf32, #tpu.memory_space<vmem>>, vector<16xf32>,
        %get3A_218 = vector.shape_cast %get3A_217 : vector<16xf32> to vector<16xf32>
        %mul3A_219 = arith.constant 16 : i32
        %mul3A_220 = arith.muli %scan3A_212, %mul3A_219 : i32
        %add3A_221 = arith.constant 0 : i32
        %add3A_222 = arith.addi %mul3A_220, %add3A_221 : i32
        %slice3A = vector.extract_strided_slice %get3A_218 {offsets = [0], sizes = [1], strides = [1]} : vector<16xf32> to vector<1xf32>
        %squeeze3A = vector.extract %slice3A[0] : f32 from vector<1xf32>
        %broadcast_in_dim3A_223 = vector.broadcast %squeeze3A : f32 to vector<16xf32>
        %get3A_224 = arith.index_cast %add3A_222 : i32 to index
        %get3A_225 = arith.constant 0 : index
        %get3A_226 = tpu.vector_load %arg11[%get3A_224, %get3A_225] {strides = array<i32>} : memref<256x64xf32, #tpu.memory_space<vmem>>, vector<1x16xf32>,
        %get3A_227 = vector.shape_cast %get3A_226 : vector<1x16xf32> to vector<16xf32>
        %get3A_228 = arith.index_cast %add3A_222 : i32 to index
        %get3A_229 = arith.constant 16 : index
        %get3A_230 = tpu.vector_load %arg11[%get3A_228, %get3A_229] {strides = array<i32>} : memref<256x64xf32, #tpu.memory_space<vmem>>, vector<1x16xf32>,
        %get3A_231 = vector.shape_cast %get3A_230 : vector<1x16xf32> to vector<16xf32>
        %get3A_232 = arith.index_cast %add3A_222 : i32 to index
        %get3A_233 = arith.constant 32 : index
        %get3A_234 = tpu.vector_load %arg11[%get3A_232, %get3A_233] {strides = array<i32>} : memref<256x64xf32, #tpu.memory_space<vmem>>, vector<1x16xf32>,
        %get3A_235 = vector.shape_cast %get3A_234 : vector<1x16xf32> to vector<16xf32>
        %get3A_236 = arith.index_cast %add3A_222 : i32 to index
        %get3A_237 = arith.constant 48 : index
        %get3A_238 = tpu.vector_load %arg11[%get3A_236, %get3A_237] {strides = array<i32>} : memref<256x64xf32, #tpu.memory_space<vmem>>, vector<1x16xf32>,
        %get3A_239 = vector.shape_cast %get3A_238 : vector<1x16xf32> to vector<16xf32>
        %mul3A_240 = arith.mulf %get3A_227, %broadcast_in_dim3A_223 : vector<16xf32>
        %mul3A_241 = arith.mulf %get3A_231, %broadcast_in_dim3A_223 : vector<16xf32>
        %mul3A_242 = arith.mulf %get3A_235, %broadcast_in_dim3A_223 : vector<16xf32>
        %mul3A_243 = arith.mulf %get3A_239, %broadcast_in_dim3A_223 : vector<16xf32>
        %swap3A = arith.index_cast %add3A_222 : i32 to index
        %swap3A_244 = arith.constant 0 : index
        %swap3A_245 = tpu.vector_load %arg11[%swap3A, %swap3A_244] {strides = array<i32>} : memref<256x64xf32, #tpu.memory_space<vmem>>, vector<1x16xf32>,
        %swap3A_246 = vector.shape_cast %swap3A_245 : vector<1x16xf32> to vector<16xf32>
        %swap3A_247 = vector.shape_cast %mul3A_240 : vector<16xf32> to vector<1x16xf32>
        tpu.vector_store %arg11[%swap3A, %swap3A_244], %swap3A_247 {strides = array<i32>} : memref<256x64xf32, #tpu.memory_space<vmem>>, vector<1x16xf32>,
        %swap3A_248 = arith.index_cast %add3A_222 : i32 to index
        %swap3A_249 = arith.constant 16 : index
        %swap3A_250 = tpu.vector_load %arg11[%swap3A_248, %swap3A_249] {strides = array<i32>} : memref<256x64xf32, #tpu.memory_space<vmem>>, vector<1x16xf32>,
        %swap3A_251 = vector.shape_cast %swap3A_250 : vector<1x16xf32> to vector<16xf32>
        %swap3A_252 = vector.shape_cast %mul3A_241 : vector<16xf32> to vector<1x16xf32>
        tpu.vector_store %arg11[%swap3A_248, %swap3A_249], %swap3A_252 {strides = array<i32>} : memref<256x64xf32, #tpu.memory_space<vmem>>, vector<1x16xf32>,
        %swap3A_253 = arith.index_cast %add3A_222 : i32 to index
        %swap3A_254 = arith.constant 32 : index
        %swap3A_255 = tpu.vector_load %arg11[%swap3A_253, %swap3A_254] {strides = array<i32>} : memref<256x64xf32, #tpu.memory_space<vmem>>, vector<1x16xf32>,
        %swap3A_256 = vector.shape_cast %swap3A_255 : vector<1x16xf32> to vector<16xf32>
        %swap3A_257 = vector.shape_cast %mul3A_242 : vector<16xf32> to vector<1x16xf32>
        tpu.vector_store %arg11[%swap3A_253, %swap3A_254], %swap3A_257 {strides = array<i32>} : memref<256x64xf32, #tpu.memory_space<vmem>>, vector<1x16xf32>,
        %swap3A_258 = arith.index_cast %add3A_222 : i32 to index
        %swap3A_259 = arith.constant 48 : index
        %swap3A_260 = tpu.vector_load %arg11[%swap3A_258, %swap3A_259] {strides = array<i32>} : memref<256x64xf32, #tpu.memory_space<vmem>>, vector<1x16xf32>,
        %swap3A_261 = vector.shape_cast %swap3A_260 : vector<1x16xf32> to vector<16xf32>
        %swap3A_262 = vector.shape_cast %mul3A_243 : vector<16xf32> to vector<1x16xf32>
        tpu.vector_store %arg11[%swap3A_258, %swap3A_259], %swap3A_262 {strides = array<i32>} : memref<256x64xf32, #tpu.memory_space<vmem>>, vector<1x16xf32>,
        %mul3A_263 = arith.constant 16 : i32
        %mul3A_264 = arith.muli %scan3A_212, %mul3A_263 : i32
        %add3A_265 = arith.constant 1 : i32
        %add3A_266 = arith.addi %mul3A_264, %add3A_265 : i32
        %slice3A_267 = vector.extract_strided_slice %get3A_218 {offsets = [1], sizes = [1], strides = [1]} : vector<16xf32> to vector<1xf32>
        %squeeze3A_268 = vector.extract %slice3A_267[0] : f32 from vector<1xf32>
        %broadcast_in_dim3A_269 = vector.broadcast %squeeze3A_268 : f32 to vector<16xf32>
        %get3A_270 = arith.index_cast %add3A_266 : i32 to index
        %get3A_271 = arith.constant 0 : index
        %get3A_272 = tpu.vector_load %arg11[%get3A_270, %get3A_271] {strides = array<i32>} : memref<256x64xf32, #tpu.memory_space<vmem>>, vector<1x16xf32>,
        %get3A_273 = vector.shape_cast %get3A_272 : vector<1x16xf32> to vector<16xf32>
        %get3A_274 = arith.index_cast %add3A_266 : i32 to index
        %get3A_275 = arith.constant 16 : index
        %get3A_276 = tpu.vector_load %arg11[%get3A_274, %get3A_275] {strides = array<i32>} : memref<256x64xf32, #tpu.memory_space<vmem>>, vector<1x16xf32>,
        %get3A_277 = vector.shape_cast %get3A_276 : vector<1x16xf32> to vector<16xf32>
        %get3A_278 = arith.index_cast %add3A_266 : i32 to index
        %get3A_279 = arith.constant 32 : index
        %get3A_280 = tpu.vector_load %arg11[%get3A_278, %get3A_279] {strides = array<i32>} : memref<256x64xf32, #tpu.memory_space<vmem>>, vector<1x16xf32>,
        %get3A_281 = vector.shape_cast %get3A_280 : vector<1x16xf32> to vector<16xf32>
        %get3A_282 = arith.index_cast %add3A_266 : i32 to index
        %get3A_283 = arith.constant 48 : index
        %get3A_284 = tpu.vector_load %arg11[%get3A_282, %get3A_283] {strides = array<i32>} : memref<256x64xf32, #tpu.memory_space<vmem>>, vector<1x16xf32>,
        %get3A_285 = vector.shape_cast %get3A_284 : vector<1x16xf32> to vector<16xf32>
        %mul3A_286 = arith.mulf %get3A_273, %broadcast_in_dim3A_269 : vector<16xf32>
        %mul3A_287 = arith.mulf %get3A_277, %broadcast_in_dim3A_269 : vector<16xf32>
        %mul3A_288 = arith.mulf %get3A_281, %broadcast_in_dim3A_269 : vector<16xf32>
        %mul3A_289 = arith.mulf %get3A_285, %broadcast_in_dim3A_269 : vector<16xf32>
        %swap3A_290 = arith.index_cast %add3A_266 : i32 to index
        %swap3A_291 = arith.constant 0 : index
        %swap3A_292 = tpu.vector_load %arg11[%swap3A_290, %swap3A_291] {strides = array<i32>} : memref<256x64xf32, #tpu.memory_space<vmem>>, vector<1x16xf32>,
        %swap3A_293 = vector.shape_cast %swap3A_292 : vector<1x16xf32> to vector<16xf32>
        %swap3A_294 = vector.shape_cast %mul3A_286 : vector<16xf32> to vector<1x16xf32>
        tpu.vector_store %arg11[%swap3A_290, %swap3A_291], %swap3A_294 {strides = array<i32>} : memref<256x64xf32, #tpu.memory_space<vmem>>, vector<1x16xf32>,
        %swap3A_295 = arith.index_cast %add3A_266 : i32 to index
        %swap3A_296 = arith.constant 16 : index
        %swap3A_297 = tpu.vector_load %arg11[%swap3A_295, %swap3A_296] {strides = array<i32>} : memref<256x64xf32, #tpu.memory_space<vmem>>, vector<1x16xf32>,
        %swap3A_298 = vector.shape_cast %swap3A_297 : vector<1x16xf32> to vector<16xf32>
        %swap3A_299 = vector.shape_cast %mul3A_287 : vector<16xf32> to vector<1x16xf32>
        tpu.vector_store %arg11[%swap3A_295, %swap3A_296], %swap3A_299 {strides = array<i32>} : memref<256x64xf32, #tpu.memory_space<vmem>>, vector<1x16xf32>,
        %swap3A_300 = arith.index_cast %add3A_266 : i32 to index
        %swap3A_301 = arith.constant 32 : index
        %swap3A_302 = tpu.vector_load %arg11[%swap3A_300, %swap3A_301] {strides = array<i32>} : memref<256x64xf32, #tpu.memory_space<vmem>>, vector<1x16xf32>,
        %swap3A_303 = vector.shape_cast %swap3A_302 : vector<1x16xf32> to vector<16xf32>
        %swap3A_304 = vector.shape_cast %mul3A_288 : vector<16xf32> to vector<1x16xf32>
        tpu.vector_store %arg11[%swap3A_300, %swap3A_301], %swap3A_304 {strides = array<i32>} : memref<256x64xf32, #tpu.memory_space<vmem>>, vector<1x16xf32>,
        %swap3A_305 = arith.index_cast %add3A_266 : i32 to index
        %swap3A_306 = arith.constant 48 : index
        %swap3A_307 = tpu.vector_load %arg11[%swap3A_305, %swap3A_306] {strides = array<i32>} : memref<256x64xf32, #tpu.memory_space<vmem>>, vector<1x16xf32>,
        %swap3A_308 = vector.shape_cast %swap3A_307 : vector<1x16xf32> to vector<16xf32>
        %swap3A_309 = vector.shape_cast %mul3A_289 : vector<16xf32> to vector<1x16xf32>
        tpu.vector_store %arg11[%swap3A_305, %swap3A_306], %swap3A_309 {strides = array<i32>} : memref<256x64xf32, #tpu.memory_space<vmem>>, vector<1x16xf32>,
        %mul3A_310 = arith.constant 16 : i32
        %mul3A_311 = arith.muli %scan3A_212, %mul3A_310 : i32
        %add3A_312 = arith.constant 2 : i32
        %add3A_313 = arith.addi %mul3A_311, %add3A_312 : i32
        %slice3A_314 = vector.extract_strided_slice %get3A_218 {offsets = [2], sizes = [1], strides = [1]} : vector<16xf32> to vector<1xf32>
        %squeeze3A_315 = vector.extract %slice3A_314[0] : f32 from vector<1xf32>
        %broadcast_in_dim3A_316 = vector.broadcast %squeeze3A_315 : f32 to vector<16xf32>
        %get3A_317 = arith.index_cast %add3A_313 : i32 to index
        %get3A_318 = arith.constant 0 : index
        %get3A_319 = tpu.vector_load %arg11[%get3A_317, %get3A_318] {strides = array<i32>} : memref<256x64xf32, #tpu.memory_space<vmem>>, vector<1x16xf32>,
        %get3A_320 = vector.shape_cast %get3A_319 : vector<1x16xf32> to vector<16xf32>
        %get3A_321 = arith.index_cast %add3A_313 : i32 to index
        %get3A_322 = arith.constant 16 : index
        %get3A_323 = tpu.vector_load %arg11[%get3A_321, %get3A_322] {strides = array<i32>} : memref<256x64xf32, #tpu.memory_space<vmem>>, vector<1x16xf32>,
        %get3A_324 = vector.shape_cast %get3A_323 : vector<1x16xf32> to vector<16xf32>
        %get3A_325 = arith.index_cast %add3A_313 : i32 to index
        %get3A_326 = arith.constant 32 : index
        %get3A_327 = tpu.vector_load %arg11[%get3A_325, %get3A_326] {strides = array<i32>} : memref<256x64xf32, #tpu.memory_space<vmem>>, vector<1x16xf32>,
        %get3A_328 = vector.shape_cast %get3A_327 : vector<1x16xf32> to vector<16xf32>
        %get3A_329 = arith.index_cast %add3A_313 : i32 to index
        %get3A_330 = arith.constant 48 : index
        %get3A_331 = tpu.vector_load %arg11[%get3A_329, %get3A_330] {strides = array<i32>} : memref<256x64xf32, #tpu.memory_space<vmem>>, vector<1x16xf32>,
        %get3A_332 = vector.shape_cast %get3A_331 : vector<1x16xf32> to vector<16xf32>
        %mul3A_333 = arith.mulf %get3A_320, %broadcast_in_dim3A_316 : vector<16xf32>
        %mul3A_334 = arith.mulf %get3A_324, %broadcast_in_dim3A_316 : vector<16xf32>
        %mul3A_335 = arith.mulf %get3A_328, %broadcast_in_dim3A_316 : vector<16xf32>
        %mul3A_336 = arith.mulf %get3A_332, %broadcast_in_dim3A_316 : vector<16xf32>
        %swap3A_337 = arith.index_cast %add3A_313 : i32 to index
        %swap3A_338 = arith.constant 0 : index
        %swap3A_339 = tpu.vector_load %arg11[%swap3A_337, %swap3A_338] {strides = array<i32>} : memref<256x64xf32, #tpu.memory_space<vmem>>, vector<1x16xf32>,
        %swap3A_340 = vector.shape_cast %swap3A_339 : vector<1x16xf32> to vector<16xf32>
        %swap3A_341 = vector.shape_cast %mul3A_333 : vector<16xf32> to vector<1x16xf32>
        tpu.vector_store %arg11[%swap3A_337, %swap3A_338], %swap3A_341 {strides = array<i32>} : memref<256x64xf32, #tpu.memory_space<vmem>>, vector<1x16xf32>,
        %swap3A_342 = arith.index_cast %add3A_313 : i32 to index
        %swap3A_343 = arith.constant 16 : index
        %swap3A_344 = tpu.vector_load %arg11[%swap3A_342, %swap3A_343] {strides = array<i32>} : memref<256x64xf32, #tpu.memory_space<vmem>>, vector<1x16xf32>,
        %swap3A_345 = vector.shape_cast %swap3A_344 : vector<1x16xf32> to vector<16xf32>
        %swap3A_346 = vector.shape_cast %mul3A_334 : vector<16xf32> to vector<1x16xf32>
        tpu.vector_store %arg11[%swap3A_342, %swap3A_343], %swap3A_346 {strides = array<i32>} : memref<256x64xf32, #tpu.memory_space<vmem>>, vector<1x16xf32>,
        %swap3A_347 = arith.index_cast %add3A_313 : i32 to index
        %swap3A_348 = arith.constant 32 : index
        %swap3A_349 = tpu.vector_load %arg11[%swap3A_347, %swap3A_348] {strides = array<i32>} : memref<256x64xf32, #tpu.memory_space<vmem>>, vector<1x16xf32>,
        %swap3A_350 = vector.shape_cast %swap3A_349 : vector<1x16xf32> to vector<16xf32>
        %swap3A_351 = vector.shape_cast %mul3A_335 : vector<16xf32> to vector<1x16xf32>
        tpu.vector_store %arg11[%swap3A_347, %swap3A_348], %swap3A_351 {strides = array<i32>} : memref<256x64xf32, #tpu.memory_space<vmem>>, vector<1x16xf32>,
        %swap3A_352 = arith.index_cast %add3A_313 : i32 to index
        %swap3A_353 = arith.constant 48 : index
        %swap3A_354 = tpu.vector_load %arg11[%swap3A_352, %swap3A_353] {strides = array<i32>} : memref<256x64xf32, #tpu.memory_space<vmem>>, vector<1x16xf32>,
        %swap3A_355 = vector.shape_cast %swap3A_354 : vector<1x16xf32> to vector<16xf32>
        %swap3A_356 = vector.shape_cast %mul3A_336 : vector<16xf32> to vector<1x16xf32>
        tpu.vector_store %arg11[%swap3A_352, %swap3A_353], %swap3A_356 {strides = array<i32>} : memref<256x64xf32, #tpu.memory_space<vmem>>, vector<1x16xf32>,
        %mul3A_357 = arith.constant 16 : i32
        %mul3A_358 = arith.muli %scan3A_212, %mul3A_357 : i32
        %add3A_359 = arith.constant 3 : i32
        %add3A_360 = arith.addi %mul3A_358, %add3A_359 : i32
        %slice3A_361 = vector.extract_strided_slice %get3A_218 {offsets = [3], sizes = [1], strides = [1]} : vector<16xf32> to vector<1xf32>
        %squeeze3A_362 = vector.extract %slice3A_361[0] : f32 from vector<1xf32>
        %broadcast_in_dim3A_363 = vector.broadcast %squeeze3A_362 : f32 to vector<16xf32>
        %get3A_364 = arith.index_cast %add3A_360 : i32 to index
        %get3A_365 = arith.constant 0 : index
        %get3A_366 = tpu.vector_load %arg11[%get3A_364, %get3A_365] {strides = array<i32>} : memref<256x64xf32, #tpu.memory_space<vmem>>, vector<1x16xf32>,
        %get3A_367 = vector.shape_cast %get3A_366 : vector<1x16xf32> to vector<16xf32>
        %get3A_368 = arith.index_cast %add3A_360 : i32 to index
        %get3A_369 = arith.constant 16 : index
        %get3A_370 = tpu.vector_load %arg11[%get3A_368, %get3A_369] {strides = array<i32>} : memref<256x64xf32, #tpu.memory_space<vmem>>, vector<1x16xf32>,
        %get3A_371 = vector.shape_cast %get3A_370 : vector<1x16xf32> to vector<16xf32>
        %get3A_372 = arith.index_cast %add3A_360 : i32 to index
        %get3A_373 = arith.constant 32 : index
        %get3A_374 = tpu.vector_load %arg11[%get3A_372, %get3A_373] {strides = array<i32>} : memref<256x64xf32, #tpu.memory_space<vmem>>, vector<1x16xf32>,
        %get3A_375 = vector.shape_cast %get3A_374 : vector<1x16xf32> to vector<16xf32>
        %get3A_376 = arith.index_cast %add3A_360 : i32 to index
        %get3A_377 = arith.constant 48 : index
        %get3A_378 = tpu.vector_load %arg11[%get3A_376, %get3A_377] {strides = array<i32>} : memref<256x64xf32, #tpu.memory_space<vmem>>, vector<1x16xf32>,
        %get3A_379 = vector.shape_cast %get3A_378 : vector<1x16xf32> to vector<16xf32>
        %mul3A_380 = arith.mulf %get3A_367, %broadcast_in_dim3A_363 : vector<16xf32>
        %mul3A_381 = arith.mulf %get3A_371, %broadcast_in_dim3A_363 : vector<16xf32>
        %mul3A_382 = arith.mulf %get3A_375, %broadcast_in_dim3A_363 : vector<16xf32>
        %mul3A_383 = arith.mulf %get3A_379, %broadcast_in_dim3A_363 : vector<16xf32>
        %swap3A_384 = arith.index_cast %add3A_360 : i32 to index
        %swap3A_385 = arith.constant 0 : index
        %swap3A_386 = tpu.vector_load %arg11[%swap3A_384, %swap3A_385] {strides = array<i32>} : memref<256x64xf32, #tpu.memory_space<vmem>>, vector<1x16xf32>,
        %swap3A_387 = vector.shape_cast %swap3A_386 : vector<1x16xf32> to vector<16xf32>
        %swap3A_388 = vector.shape_cast %mul3A_380 : vector<16xf32> to vector<1x16xf32>
        tpu.vector_store %arg11[%swap3A_384, %swap3A_385], %swap3A_388 {strides = array<i32>} : memref<256x64xf32, #tpu.memory_space<vmem>>, vector<1x16xf32>,
        %swap3A_389 = arith.index_cast %add3A_360 : i32 to index
        %swap3A_390 = arith.constant 16 : index
        %swap3A_391 = tpu.vector_load %arg11[%swap3A_389, %swap3A_390] {strides = array<i32>} : memref<256x64xf32, #tpu.memory_space<vmem>>, vector<1x16xf32>,
        %swap3A_392 = vector.shape_cast %swap3A_391 : vector<1x16xf32> to vector<16xf32>
        %swap3A_393 = vector.shape_cast %mul3A_381 : vector<16xf32> to vector<1x16xf32>
        tpu.vector_store %arg11[%swap3A_389, %swap3A_390], %swap3A_393 {strides = array<i32>} : memref<256x64xf32, #tpu.memory_space<vmem>>, vector<1x16xf32>,
        %swap3A_394 = arith.index_cast %add3A_360 : i32 to index
        %swap3A_395 = arith.constant 32 : index
        %swap3A_396 = tpu.vector_load %arg11[%swap3A_394, %swap3A_395] {strides = array<i32>} : memref<256x64xf32, #tpu.memory_space<vmem>>, vector<1x16xf32>,
        %swap3A_397 = vector.shape_cast %swap3A_396 : vector<1x16xf32> to vector<16xf32>
        %swap3A_398 = vector.shape_cast %mul3A_382 : vector<16xf32> to vector<1x16xf32>
        tpu.vector_store %arg11[%swap3A_394, %swap3A_395], %swap3A_398 {strides = array<i32>} : memref<256x64xf32, #tpu.memory_space<vmem>>, vector<1x16xf32>,
        %swap3A_399 = arith.index_cast %add3A_360 : i32 to index
        %swap3A_400 = arith.constant 48 : index
        %swap3A_401 = tpu.vector_load %arg11[%swap3A_399, %swap3A_400] {strides = array<i32>} : memref<256x64xf32, #tpu.memory_space<vmem>>, vector<1x16xf32>,
        %swap3A_402 = vector.shape_cast %swap3A_401 : vector<1x16xf32> to vector<16xf32>
        %swap3A_403 = vector.shape_cast %mul3A_383 : vector<16xf32> to vector<1x16xf32>
        tpu.vector_store %arg11[%swap3A_399, %swap3A_400], %swap3A_403 {strides = array<i32>} : memref<256x64xf32, #tpu.memory_space<vmem>>, vector<1x16xf32>,
        %mul3A_404 = arith.constant 16 : i32
        %mul3A_405 = arith.muli %scan3A_212, %mul3A_404 : i32
        %add3A_406 = arith.constant 4 : i32
        %add3A_407 = arith.addi %mul3A_405, %add3A_406 : i32
        %slice3A_408 = vector.extract_strided_slice %get3A_218 {offsets = [4], sizes = [1], strides = [1]} : vector<16xf32> to vector<1xf32>
        %squeeze3A_409 = vector.extract %slice3A_408[0] : f32 from vector<1xf32>
        %broadcast_in_dim3A_410 = vector.broadcast %squeeze3A_409 : f32 to vector<16xf32>
        %get3A_411 = arith.index_cast %add3A_407 : i32 to index
        %get3A_412 = arith.constant 0 : index
        %get3A_413 = tpu.vector_load %arg11[%get3A_411, %get3A_412] {strides = array<i32>} : memref<256x64xf32, #tpu.memory_space<vmem>>, vector<1x16xf32>,
        %get3A_414 = vector.shape_cast %get3A_413 : vector<1x16xf32> to vector<16xf32>
        %get3A_415 = arith.index_cast %add3A_407 : i32 to index
        %get3A_416 = arith.constant 16 : index
        %get3A_417 = tpu.vector_load %arg11[%get3A_415, %get3A_416] {strides = array<i32>} : memref<256x64xf32, #tpu.memory_space<vmem>>, vector<1x16xf32>,
        %get3A_418 = vector.shape_cast %get3A_417 : vector<1x16xf32> to vector<16xf32>
        %get3A_419 = arith.index_cast %add3A_407 : i32 to index
        %get3A_420 = arith.constant 32 : index
        %get3A_421 = tpu.vector_load %arg11[%get3A_419, %get3A_420] {strides = array<i32>} : memref<256x64xf32, #tpu.memory_space<vmem>>, vector<1x16xf32>,
        %get3A_422 = vector.shape_cast %get3A_421 : vector<1x16xf32> to vector<16xf32>
        %get3A_423 = arith.index_cast %add3A_407 : i32 to index
        %get3A_424 = arith.constant 48 : index
        %get3A_425 = tpu.vector_load %arg11[%get3A_423, %get3A_424] {strides = array<i32>} : memref<256x64xf32, #tpu.memory_space<vmem>>, vector<1x16xf32>,
        %get3A_426 = vector.shape_cast %get3A_425 : vector<1x16xf32> to vector<16xf32>
        %mul3A_427 = arith.mulf %get3A_414, %broadcast_in_dim3A_410 : vector<16xf32>
        %mul3A_428 = arith.mulf %get3A_418, %broadcast_in_dim3A_410 : vector<16xf32>
        %mul3A_429 = arith.mulf %get3A_422, %broadcast_in_dim3A_410 : vector<16xf32>
        %mul3A_430 = arith.mulf %get3A_426, %broadcast_in_dim3A_410 : vector<16xf32>
        %swap3A_431 = arith.index_cast %add3A_407 : i32 to index
        %swap3A_432 = arith.constant 0 : index
        %swap3A_433 = tpu.vector_load %arg11[%swap3A_431, %swap3A_432] {strides = array<i32>} : memref<256x64xf32, #tpu.memory_space<vmem>>, vector<1x16xf32>,
        %swap3A_434 = vector.shape_cast %swap3A_433 : vector<1x16xf32> to vector<16xf32>
        %swap3A_435 = vector.shape_cast %mul3A_427 : vector<16xf32> to vector<1x16xf32>
        tpu.vector_store %arg11[%swap3A_431, %swap3A_432], %swap3A_435 {strides = array<i32>} : memref<256x64xf32, #tpu.memory_space<vmem>>, vector<1x16xf32>,
        %swap3A_436 = arith.index_cast %add3A_407 : i32 to index
        %swap3A_437 = arith.constant 16 : index
        %swap3A_438 = tpu.vector_load %arg11[%swap3A_436, %swap3A_437] {strides = array<i32>} : memref<256x64xf32, #tpu.memory_space<vmem>>, vector<1x16xf32>,
        %swap3A_439 = vector.shape_cast %swap3A_438 : vector<1x16xf32> to vector<16xf32>
        %swap3A_440 = vector.shape_cast %mul3A_428 : vector<16xf32> to vector<1x16xf32>
        tpu.vector_store %arg11[%swap3A_436, %swap3A_437], %swap3A_440 {strides = array<i32>} : memref<256x64xf32, #tpu.memory_space<vmem>>, vector<1x16xf32>,
        %swap3A_441 = arith.index_cast %add3A_407 : i32 to index
        %swap3A_442 = arith.constant 32 : index
        %swap3A_443 = tpu.vector_load %arg11[%swap3A_441, %swap3A_442] {strides = array<i32>} : memref<256x64xf32, #tpu.memory_space<vmem>>, vector<1x16xf32>,
        %swap3A_444 = vector.shape_cast %swap3A_443 : vector<1x16xf32> to vector<16xf32>
        %swap3A_445 = vector.shape_cast %mul3A_429 : vector<16xf32> to vector<1x16xf32>
        tpu.vector_store %arg11[%swap3A_441, %swap3A_442], %swap3A_445 {strides = array<i32>} : memref<256x64xf32, #tpu.memory_space<vmem>>, vector<1x16xf32>,
        %swap3A_446 = arith.index_cast %add3A_407 : i32 to index
        %swap3A_447 = arith.constant 48 : index
        %swap3A_448 = tpu.vector_load %arg11[%swap3A_446, %swap3A_447] {strides = array<i32>} : memref<256x64xf32, #tpu.memory_space<vmem>>, vector<1x16xf32>,
        %swap3A_449 = vector.shape_cast %swap3A_448 : vector<1x16xf32> to vector<16xf32>
        %swap3A_450 = vector.shape_cast %mul3A_430 : vector<16xf32> to vector<1x16xf32>
        tpu.vector_store %arg11[%swap3A_446, %swap3A_447], %swap3A_450 {strides = array<i32>} : memref<256x64xf32, #tpu.memory_space<vmem>>, vector<1x16xf32>,
        %mul3A_451 = arith.constant 16 : i32
        %mul3A_452 = arith.muli %scan3A_212, %mul3A_451 : i32
        %add3A_453 = arith.constant 5 : i32
        %add3A_454 = arith.addi %mul3A_452, %add3A_453 : i32
        %slice3A_455 = vector.extract_strided_slice %get3A_218 {offsets = [5], sizes = [1], strides = [1]} : vector<16xf32> to vector<1xf32>
        %squeeze3A_456 = vector.extract %slice3A_455[0] : f32 from vector<1xf32>
        %broadcast_in_dim3A_457 = vector.broadcast %squeeze3A_456 : f32 to vector<16xf32>
        %get3A_458 = arith.index_cast %add3A_454 : i32 to index
        %get3A_459 = arith.constant 0 : index
        %get3A_460 = tpu.vector_load %arg11[%get3A_458, %get3A_459] {strides = array<i32>} : memref<256x64xf32, #tpu.memory_space<vmem>>, vector<1x16xf32>,
        %get3A_461 = vector.shape_cast %get3A_460 : vector<1x16xf32> to vector<16xf32>
        %get3A_462 = arith.index_cast %add3A_454 : i32 to index
        %get3A_463 = arith.constant 16 : index
        %get3A_464 = tpu.vector_load %arg11[%get3A_462, %get3A_463] {strides = array<i32>} : memref<256x64xf32, #tpu.memory_space<vmem>>, vector<1x16xf32>,
        %get3A_465 = vector.shape_cast %get3A_464 : vector<1x16xf32> to vector<16xf32>
        %get3A_466 = arith.index_cast %add3A_454 : i32 to index
        %get3A_467 = arith.constant 32 : index
        %get3A_468 = tpu.vector_load %arg11[%get3A_466, %get3A_467] {strides = array<i32>} : memref<256x64xf32, #tpu.memory_space<vmem>>, vector<1x16xf32>,
        %get3A_469 = vector.shape_cast %get3A_468 : vector<1x16xf32> to vector<16xf32>
        %get3A_470 = arith.index_cast %add3A_454 : i32 to index
        %get3A_471 = arith.constant 48 : index
        %get3A_472 = tpu.vector_load %arg11[%get3A_470, %get3A_471] {strides = array<i32>} : memref<256x64xf32, #tpu.memory_space<vmem>>, vector<1x16xf32>,
        %get3A_473 = vector.shape_cast %get3A_472 : vector<1x16xf32> to vector<16xf32>
        %mul3A_474 = arith.mulf %get3A_461, %broadcast_in_dim3A_457 : vector<16xf32>
        %mul3A_475 = arith.mulf %get3A_465, %broadcast_in_dim3A_457 : vector<16xf32>
        %mul3A_476 = arith.mulf %get3A_469, %broadcast_in_dim3A_457 : vector<16xf32>
        %mul3A_477 = arith.mulf %get3A_473, %broadcast_in_dim3A_457 : vector<16xf32>
        %swap3A_478 = arith.index_cast %add3A_454 : i32 to index
        %swap3A_479 = arith.constant 0 : index
        %swap3A_480 = tpu.vector_load %arg11[%swap3A_478, %swap3A_479] {strides = array<i32>} : memref<256x64xf32, #tpu.memory_space<vmem>>, vector<1x16xf32>,
        %swap3A_481 = vector.shape_cast %swap3A_480 : vector<1x16xf32> to vector<16xf32>
        %swap3A_482 = vector.shape_cast %mul3A_474 : vector<16xf32> to vector<1x16xf32>
        tpu.vector_store %arg11[%swap3A_478, %swap3A_479], %swap3A_482 {strides = array<i32>} : memref<256x64xf32, #tpu.memory_space<vmem>>, vector<1x16xf32>,
        %swap3A_483 = arith.index_cast %add3A_454 : i32 to index
        %swap3A_484 = arith.constant 16 : index
        %swap3A_485 = tpu.vector_load %arg11[%swap3A_483, %swap3A_484] {strides = array<i32>} : memref<256x64xf32, #tpu.memory_space<vmem>>, vector<1x16xf32>,
        %swap3A_486 = vector.shape_cast %swap3A_485 : vector<1x16xf32> to vector<16xf32>
        %swap3A_487 = vector.shape_cast %mul3A_475 : vector<16xf32> to vector<1x16xf32>
        tpu.vector_store %arg11[%swap3A_483, %swap3A_484], %swap3A_487 {strides = array<i32>} : memref<256x64xf32, #tpu.memory_space<vmem>>, vector<1x16xf32>,
        %swap3A_488 = arith.index_cast %add3A_454 : i32 to index
        %swap3A_489 = arith.constant 32 : index
        %swap3A_490 = tpu.vector_load %arg11[%swap3A_488, %swap3A_489] {strides = array<i32>} : memref<256x64xf32, #tpu.memory_space<vmem>>, vector<1x16xf32>,
        %swap3A_491 = vector.shape_cast %swap3A_490 : vector<1x16xf32> to vector<16xf32>
        %swap3A_492 = vector.shape_cast %mul3A_476 : vector<16xf32> to vector<1x16xf32>
        tpu.vector_store %arg11[%swap3A_488, %swap3A_489], %swap3A_492 {strides = array<i32>} : memref<256x64xf32, #tpu.memory_space<vmem>>, vector<1x16xf32>,
        %swap3A_493 = arith.index_cast %add3A_454 : i32 to index
        %swap3A_494 = arith.constant 48 : index
        %swap3A_495 = tpu.vector_load %arg11[%swap3A_493, %swap3A_494] {strides = array<i32>} : memref<256x64xf32, #tpu.memory_space<vmem>>, vector<1x16xf32>,
        %swap3A_496 = vector.shape_cast %swap3A_495 : vector<1x16xf32> to vector<16xf32>
        %swap3A_497 = vector.shape_cast %mul3A_477 : vector<16xf32> to vector<1x16xf32>
        tpu.vector_store %arg11[%swap3A_493, %swap3A_494], %swap3A_497 {strides = array<i32>} : memref<256x64xf32, #tpu.memory_space<vmem>>, vector<1x16xf32>,
        %mul3A_498 = arith.constant 16 : i32
        %mul3A_499 = arith.muli %scan3A_212, %mul3A_498 : i32
        %add3A_500 = arith.constant 6 : i32
        %add3A_501 = arith.addi %mul3A_499, %add3A_500 : i32
        %slice3A_502 = vector.extract_strided_slice %get3A_218 {offsets = [6], sizes = [1], strides = [1]} : vector<16xf32> to vector<1xf32>
        %squeeze3A_503 = vector.extract %slice3A_502[0] : f32 from vector<1xf32>
        %broadcast_in_dim3A_504 = vector.broadcast %squeeze3A_503 : f32 to vector<16xf32>
        %get3A_505 = arith.index_cast %add3A_501 : i32 to index
        %get3A_506 = arith.constant 0 : index
        %get3A_507 = tpu.vector_load %arg11[%get3A_505, %get3A_506] {strides = array<i32>} : memref<256x64xf32, #tpu.memory_space<vmem>>, vector<1x16xf32>,
        %get3A_508 = vector.shape_cast %get3A_507 : vector<1x16xf32> to vector<16xf32>
        %get3A_509 = arith.index_cast %add3A_501 : i32 to index
        %get3A_510 = arith.constant 16 : index
        %get3A_511 = tpu.vector_load %arg11[%get3A_509, %get3A_510] {strides = array<i32>} : memref<256x64xf32, #tpu.memory_space<vmem>>, vector<1x16xf32>,
        %get3A_512 = vector.shape_cast %get3A_511 : vector<1x16xf32> to vector<16xf32>
        %get3A_513 = arith.index_cast %add3A_501 : i32 to index
        %get3A_514 = arith.constant 32 : index
        %get3A_515 = tpu.vector_load %arg11[%get3A_513, %get3A_514] {strides = array<i32>} : memref<256x64xf32, #tpu.memory_space<vmem>>, vector<1x16xf32>,
        %get3A_516 = vector.shape_cast %get3A_515 : vector<1x16xf32> to vector<16xf32>
        %get3A_517 = arith.index_cast %add3A_501 : i32 to index
        %get3A_518 = arith.constant 48 : index
        %get3A_519 = tpu.vector_load %arg11[%get3A_517, %get3A_518] {strides = array<i32>} : memref<256x64xf32, #tpu.memory_space<vmem>>, vector<1x16xf32>,
        %get3A_520 = vector.shape_cast %get3A_519 : vector<1x16xf32> to vector<16xf32>
        %mul3A_521 = arith.mulf %get3A_508, %broadcast_in_dim3A_504 : vector<16xf32>
        %mul3A_522 = arith.mulf %get3A_512, %broadcast_in_dim3A_504 : vector<16xf32>
        %mul3A_523 = arith.mulf %get3A_516, %broadcast_in_dim3A_504 : vector<16xf32>
        %mul3A_524 = arith.mulf %get3A_520, %broadcast_in_dim3A_504 : vector<16xf32>
        %swap3A_525 = arith.index_cast %add3A_501 : i32 to index
        %swap3A_526 = arith.constant 0 : index
        %swap3A_527 = tpu.vector_load %arg11[%swap3A_525, %swap3A_526] {strides = array<i32>} : memref<256x64xf32, #tpu.memory_space<vmem>>, vector<1x16xf32>,
        %swap3A_528 = vector.shape_cast %swap3A_527 : vector<1x16xf32> to vector<16xf32>
        %swap3A_529 = vector.shape_cast %mul3A_521 : vector<16xf32> to vector<1x16xf32>
        tpu.vector_store %arg11[%swap3A_525, %swap3A_526], %swap3A_529 {strides = array<i32>} : memref<256x64xf32, #tpu.memory_space<vmem>>, vector<1x16xf32>,
        %swap3A_530 = arith.index_cast %add3A_501 : i32 to index
        %swap3A_531 = arith.constant 16 : index
        %swap3A_532 = tpu.vector_load %arg11[%swap3A_530, %swap3A_531] {strides = array<i32>} : memref<256x64xf32, #tpu.memory_space<vmem>>, vector<1x16xf32>,
        %swap3A_533 = vector.shape_cast %swap3A_532 : vector<1x16xf32> to vector<16xf32>
        %swap3A_534 = vector.shape_cast %mul3A_522 : vector<16xf32> to vector<1x16xf32>
        tpu.vector_store %arg11[%swap3A_530, %swap3A_531], %swap3A_534 {strides = array<i32>} : memref<256x64xf32, #tpu.memory_space<vmem>>, vector<1x16xf32>,
        %swap3A_535 = arith.index_cast %add3A_501 : i32 to index
        %swap3A_536 = arith.constant 32 : index
        %swap3A_537 = tpu.vector_load %arg11[%swap3A_535, %swap3A_536] {strides = array<i32>} : memref<256x64xf32, #tpu.memory_space<vmem>>, vector<1x16xf32>,
        %swap3A_538 = vector.shape_cast %swap3A_537 : vector<1x16xf32> to vector<16xf32>
        %swap3A_539 = vector.shape_cast %mul3A_523 : vector<16xf32> to vector<1x16xf32>
        tpu.vector_store %arg11[%swap3A_535, %swap3A_536], %swap3A_539 {strides = array<i32>} : memref<256x64xf32, #tpu.memory_space<vmem>>, vector<1x16xf32>,
        %swap3A_540 = arith.index_cast %add3A_501 : i32 to index
        %swap3A_541 = arith.constant 48 : index
        %swap3A_542 = tpu.vector_load %arg11[%swap3A_540, %swap3A_541] {strides = array<i32>} : memref<256x64xf32, #tpu.memory_space<vmem>>, vector<1x16xf32>,
        %swap3A_543 = vector.shape_cast %swap3A_542 : vector<1x16xf32> to vector<16xf32>
        %swap3A_544 = vector.shape_cast %mul3A_524 : vector<16xf32> to vector<1x16xf32>
        tpu.vector_store %arg11[%swap3A_540, %swap3A_541], %swap3A_544 {strides = array<i32>} : memref<256x64xf32, #tpu.memory_space<vmem>>, vector<1x16xf32>,
        %mul3A_545 = arith.constant 16 : i32
        %mul3A_546 = arith.muli %scan3A_212, %mul3A_545 : i32
        %add3A_547 = arith.constant 7 : i32
        %add3A_548 = arith.addi %mul3A_546, %add3A_547 : i32
        %slice3A_549 = vector.extract_strided_slice %get3A_218 {offsets = [7], sizes = [1], strides = [1]} : vector<16xf32> to vector<1xf32>
        %squeeze3A_550 = vector.extract %slice3A_549[0] : f32 from vector<1xf32>
        %broadcast_in_dim3A_551 = vector.broadcast %squeeze3A_550 : f32 to vector<16xf32>
        %get3A_552 = arith.index_cast %add3A_548 : i32 to index
        %get3A_553 = arith.constant 0 : index
        %get3A_554 = tpu.vector_load %arg11[%get3A_552, %get3A_553] {strides = array<i32>} : memref<256x64xf32, #tpu.memory_space<vmem>>, vector<1x16xf32>,
        %get3A_555 = vector.shape_cast %get3A_554 : vector<1x16xf32> to vector<16xf32>
        %get3A_556 = arith.index_cast %add3A_548 : i32 to index
        %get3A_557 = arith.constant 16 : index
        %get3A_558 = tpu.vector_load %arg11[%get3A_556, %get3A_557] {strides = array<i32>} : memref<256x64xf32, #tpu.memory_space<vmem>>, vector<1x16xf32>,
        %get3A_559 = vector.shape_cast %get3A_558 : vector<1x16xf32> to vector<16xf32>
        %get3A_560 = arith.index_cast %add3A_548 : i32 to index
        %get3A_561 = arith.constant 32 : index
        %get3A_562 = tpu.vector_load %arg11[%get3A_560, %get3A_561] {strides = array<i32>} : memref<256x64xf32, #tpu.memory_space<vmem>>, vector<1x16xf32>,
        %get3A_563 = vector.shape_cast %get3A_562 : vector<1x16xf32> to vector<16xf32>
        %get3A_564 = arith.index_cast %add3A_548 : i32 to index
        %get3A_565 = arith.constant 48 : index
        %get3A_566 = tpu.vector_load %arg11[%get3A_564, %get3A_565] {strides = array<i32>} : memref<256x64xf32, #tpu.memory_space<vmem>>, vector<1x16xf32>,
        %get3A_567 = vector.shape_cast %get3A_566 : vector<1x16xf32> to vector<16xf32>
        %mul3A_568 = arith.mulf %get3A_555, %broadcast_in_dim3A_551 : vector<16xf32>
        %mul3A_569 = arith.mulf %get3A_559, %broadcast_in_dim3A_551 : vector<16xf32>
        %mul3A_570 = arith.mulf %get3A_563, %broadcast_in_dim3A_551 : vector<16xf32>
        %mul3A_571 = arith.mulf %get3A_567, %broadcast_in_dim3A_551 : vector<16xf32>
        %swap3A_572 = arith.index_cast %add3A_548 : i32 to index
        %swap3A_573 = arith.constant 0 : index
        %swap3A_574 = tpu.vector_load %arg11[%swap3A_572, %swap3A_573] {strides = array<i32>} : memref<256x64xf32, #tpu.memory_space<vmem>>, vector<1x16xf32>,
        %swap3A_575 = vector.shape_cast %swap3A_574 : vector<1x16xf32> to vector<16xf32>
        %swap3A_576 = vector.shape_cast %mul3A_568 : vector<16xf32> to vector<1x16xf32>
        tpu.vector_store %arg11[%swap3A_572, %swap3A_573], %swap3A_576 {strides = array<i32>} : memref<256x64xf32, #tpu.memory_space<vmem>>, vector<1x16xf32>,
        %swap3A_577 = arith.index_cast %add3A_548 : i32 to index
        %swap3A_578 = arith.constant 16 : index
        %swap3A_579 = tpu.vector_load %arg11[%swap3A_577, %swap3A_578] {strides = array<i32>} : memref<256x64xf32, #tpu.memory_space<vmem>>, vector<1x16xf32>,
        %swap3A_580 = vector.shape_cast %swap3A_579 : vector<1x16xf32> to vector<16xf32>
        %swap3A_581 = vector.shape_cast %mul3A_569 : vector<16xf32> to vector<1x16xf32>
        tpu.vector_store %arg11[%swap3A_577, %swap3A_578], %swap3A_581 {strides = array<i32>} : memref<256x64xf32, #tpu.memory_space<vmem>>, vector<1x16xf32>,
        %swap3A_582 = arith.index_cast %add3A_548 : i32 to index
        %swap3A_583 = arith.constant 32 : index
        %swap3A_584 = tpu.vector_load %arg11[%swap3A_582, %swap3A_583] {strides = array<i32>} : memref<256x64xf32, #tpu.memory_space<vmem>>, vector<1x16xf32>,
        %swap3A_585 = vector.shape_cast %swap3A_584 : vector<1x16xf32> to vector<16xf32>
        %swap3A_586 = vector.shape_cast %mul3A_570 : vector<16xf32> to vector<1x16xf32>
        tpu.vector_store %arg11[%swap3A_582, %swap3A_583], %swap3A_586 {strides = array<i32>} : memref<256x64xf32, #tpu.memory_space<vmem>>, vector<1x16xf32>,
        %swap3A_587 = arith.index_cast %add3A_548 : i32 to index
        %swap3A_588 = arith.constant 48 : index
        %swap3A_589 = tpu.vector_load %arg11[%swap3A_587, %swap3A_588] {strides = array<i32>} : memref<256x64xf32, #tpu.memory_space<vmem>>, vector<1x16xf32>,
        %swap3A_590 = vector.shape_cast %swap3A_589 : vector<1x16xf32> to vector<16xf32>
        %swap3A_591 = vector.shape_cast %mul3A_571 : vector<16xf32> to vector<1x16xf32>
        tpu.vector_store %arg11[%swap3A_587, %swap3A_588], %swap3A_591 {strides = array<i32>} : memref<256x64xf32, #tpu.memory_space<vmem>>, vector<1x16xf32>,
        %mul3A_592 = arith.constant 16 : i32
        %mul3A_593 = arith.muli %scan3A_212, %mul3A_592 : i32
        %add3A_594 = arith.constant 8 : i32
        %add3A_595 = arith.addi %mul3A_593, %add3A_594 : i32
        %slice3A_596 = vector.extract_strided_slice %get3A_218 {offsets = [8], sizes = [1], strides = [1]} : vector<16xf32> to vector<1xf32>
        %squeeze3A_597 = vector.extract %slice3A_596[0] : f32 from vector<1xf32>
        %broadcast_in_dim3A_598 = vector.broadcast %squeeze3A_597 : f32 to vector<16xf32>
        %get3A_599 = arith.index_cast %add3A_595 : i32 to index
        %get3A_600 = arith.constant 0 : index
        %get3A_601 = tpu.vector_load %arg11[%get3A_599, %get3A_600] {strides = array<i32>} : memref<256x64xf32, #tpu.memory_space<vmem>>, vector<1x16xf32>,
        %get3A_602 = vector.shape_cast %get3A_601 : vector<1x16xf32> to vector<16xf32>
        %get3A_603 = arith.index_cast %add3A_595 : i32 to index
        %get3A_604 = arith.constant 16 : index
        %get3A_605 = tpu.vector_load %arg11[%get3A_603, %get3A_604] {strides = array<i32>} : memref<256x64xf32, #tpu.memory_space<vmem>>, vector<1x16xf32>,
        %get3A_606 = vector.shape_cast %get3A_605 : vector<1x16xf32> to vector<16xf32>
        %get3A_607 = arith.index_cast %add3A_595 : i32 to index
        %get3A_608 = arith.constant 32 : index
        %get3A_609 = tpu.vector_load %arg11[%get3A_607, %get3A_608] {strides = array<i32>} : memref<256x64xf32, #tpu.memory_space<vmem>>, vector<1x16xf32>,
        %get3A_610 = vector.shape_cast %get3A_609 : vector<1x16xf32> to vector<16xf32>
        %get3A_611 = arith.index_cast %add3A_595 : i32 to index
        %get3A_612 = arith.constant 48 : index
        %get3A_613 = tpu.vector_load %arg11[%get3A_611, %get3A_612] {strides = array<i32>} : memref<256x64xf32, #tpu.memory_space<vmem>>, vector<1x16xf32>,
        %get3A_614 = vector.shape_cast %get3A_613 : vector<1x16xf32> to vector<16xf32>
        %mul3A_615 = arith.mulf %get3A_602, %broadcast_in_dim3A_598 : vector<16xf32>
        %mul3A_616 = arith.mulf %get3A_606, %broadcast_in_dim3A_598 : vector<16xf32>
        %mul3A_617 = arith.mulf %get3A_610, %broadcast_in_dim3A_598 : vector<16xf32>
        %mul3A_618 = arith.mulf %get3A_614, %broadcast_in_dim3A_598 : vector<16xf32>
        %swap3A_619 = arith.index_cast %add3A_595 : i32 to index
        %swap3A_620 = arith.constant 0 : index
        %swap3A_621 = tpu.vector_load %arg11[%swap3A_619, %swap3A_620] {strides = array<i32>} : memref<256x64xf32, #tpu.memory_space<vmem>>, vector<1x16xf32>,
        %swap3A_622 = vector.shape_cast %swap3A_621 : vector<1x16xf32> to vector<16xf32>
        %swap3A_623 = vector.shape_cast %mul3A_615 : vector<16xf32> to vector<1x16xf32>
        tpu.vector_store %arg11[%swap3A_619, %swap3A_620], %swap3A_623 {strides = array<i32>} : memref<256x64xf32, #tpu.memory_space<vmem>>, vector<1x16xf32>,
        %swap3A_624 = arith.index_cast %add3A_595 : i32 to index
        %swap3A_625 = arith.constant 16 : index
        %swap3A_626 = tpu.vector_load %arg11[%swap3A_624, %swap3A_625] {strides = array<i32>} : memref<256x64xf32, #tpu.memory_space<vmem>>, vector<1x16xf32>,
        %swap3A_627 = vector.shape_cast %swap3A_626 : vector<1x16xf32> to vector<16xf32>
        %swap3A_628 = vector.shape_cast %mul3A_616 : vector<16xf32> to vector<1x16xf32>
        tpu.vector_store %arg11[%swap3A_624, %swap3A_625], %swap3A_628 {strides = array<i32>} : memref<256x64xf32, #tpu.memory_space<vmem>>, vector<1x16xf32>,
        %swap3A_629 = arith.index_cast %add3A_595 : i32 to index
        %swap3A_630 = arith.constant 32 : index
        %swap3A_631 = tpu.vector_load %arg11[%swap3A_629, %swap3A_630] {strides = array<i32>} : memref<256x64xf32, #tpu.memory_space<vmem>>, vector<1x16xf32>,
        %swap3A_632 = vector.shape_cast %swap3A_631 : vector<1x16xf32> to vector<16xf32>
        %swap3A_633 = vector.shape_cast %mul3A_617 : vector<16xf32> to vector<1x16xf32>
        tpu.vector_store %arg11[%swap3A_629, %swap3A_630], %swap3A_633 {strides = array<i32>} : memref<256x64xf32, #tpu.memory_space<vmem>>, vector<1x16xf32>,
        %swap3A_634 = arith.index_cast %add3A_595 : i32 to index
        %swap3A_635 = arith.constant 48 : index
        %swap3A_636 = tpu.vector_load %arg11[%swap3A_634, %swap3A_635] {strides = array<i32>} : memref<256x64xf32, #tpu.memory_space<vmem>>, vector<1x16xf32>,
        %swap3A_637 = vector.shape_cast %swap3A_636 : vector<1x16xf32> to vector<16xf32>
        %swap3A_638 = vector.shape_cast %mul3A_618 : vector<16xf32> to vector<1x16xf32>
        tpu.vector_store %arg11[%swap3A_634, %swap3A_635], %swap3A_638 {strides = array<i32>} : memref<256x64xf32, #tpu.memory_space<vmem>>, vector<1x16xf32>,
        %mul3A_639 = arith.constant 16 : i32
        %mul3A_640 = arith.muli %scan3A_212, %mul3A_639 : i32
        %add3A_641 = arith.constant 9 : i32
        %add3A_642 = arith.addi %mul3A_640, %add3A_641 : i32
        %slice3A_643 = vector.extract_strided_slice %get3A_218 {offsets = [9], sizes = [1], strides = [1]} : vector<16xf32> to vector<1xf32>
        %squeeze3A_644 = vector.extract %slice3A_643[0] : f32 from vector<1xf32>
        %broadcast_in_dim3A_645 = vector.broadcast %squeeze3A_644 : f32 to vector<16xf32>
        %get3A_646 = arith.index_cast %add3A_642 : i32 to index
        %get3A_647 = arith.constant 0 : index
        %get3A_648 = tpu.vector_load %arg11[%get3A_646, %get3A_647] {strides = array<i32>} : memref<256x64xf32, #tpu.memory_space<vmem>>, vector<1x16xf32>,
        %get3A_649 = vector.shape_cast %get3A_648 : vector<1x16xf32> to vector<16xf32>
        %get3A_650 = arith.index_cast %add3A_642 : i32 to index
        %get3A_651 = arith.constant 16 : index
        %get3A_652 = tpu.vector_load %arg11[%get3A_650, %get3A_651] {strides = array<i32>} : memref<256x64xf32, #tpu.memory_space<vmem>>, vector<1x16xf32>,
        %get3A_653 = vector.shape_cast %get3A_652 : vector<1x16xf32> to vector<16xf32>
        %get3A_654 = arith.index_cast %add3A_642 : i32 to index
        %get3A_655 = arith.constant 32 : index
        %get3A_656 = tpu.vector_load %arg11[%get3A_654, %get3A_655] {strides = array<i32>} : memref<256x64xf32, #tpu.memory_space<vmem>>, vector<1x16xf32>,
        %get3A_657 = vector.shape_cast %get3A_656 : vector<1x16xf32> to vector<16xf32>
        %get3A_658 = arith.index_cast %add3A_642 : i32 to index
        %get3A_659 = arith.constant 48 : index
        %get3A_660 = tpu.vector_load %arg11[%get3A_658, %get3A_659] {strides = array<i32>} : memref<256x64xf32, #tpu.memory_space<vmem>>, vector<1x16xf32>,
        %get3A_661 = vector.shape_cast %get3A_660 : vector<1x16xf32> to vector<16xf32>
        %mul3A_662 = arith.mulf %get3A_649, %broadcast_in_dim3A_645 : vector<16xf32>
        %mul3A_663 = arith.mulf %get3A_653, %broadcast_in_dim3A_645 : vector<16xf32>
        %mul3A_664 = arith.mulf %get3A_657, %broadcast_in_dim3A_645 : vector<16xf32>
        %mul3A_665 = arith.mulf %get3A_661, %broadcast_in_dim3A_645 : vector<16xf32>
        %swap3A_666 = arith.index_cast %add3A_642 : i32 to index
        %swap3A_667 = arith.constant 0 : index
        %swap3A_668 = tpu.vector_load %arg11[%swap3A_666, %swap3A_667] {strides = array<i32>} : memref<256x64xf32, #tpu.memory_space<vmem>>, vector<1x16xf32>,
        %swap3A_669 = vector.shape_cast %swap3A_668 : vector<1x16xf32> to vector<16xf32>
        %swap3A_670 = vector.shape_cast %mul3A_662 : vector<16xf32> to vector<1x16xf32>
        tpu.vector_store %arg11[%swap3A_666, %swap3A_667], %swap3A_670 {strides = array<i32>} : memref<256x64xf32, #tpu.memory_space<vmem>>, vector<1x16xf32>,
        %swap3A_671 = arith.index_cast %add3A_642 : i32 to index
        %swap3A_672 = arith.constant 16 : index
        %swap3A_673 = tpu.vector_load %arg11[%swap3A_671, %swap3A_672] {strides = array<i32>} : memref<256x64xf32, #tpu.memory_space<vmem>>, vector<1x16xf32>,
        %swap3A_674 = vector.shape_cast %swap3A_673 : vector<1x16xf32> to vector<16xf32>
        %swap3A_675 = vector.shape_cast %mul3A_663 : vector<16xf32> to vector<1x16xf32>
        tpu.vector_store %arg11[%swap3A_671, %swap3A_672], %swap3A_675 {strides = array<i32>} : memref<256x64xf32, #tpu.memory_space<vmem>>, vector<1x16xf32>,
        %swap3A_676 = arith.index_cast %add3A_642 : i32 to index
        %swap3A_677 = arith.constant 32 : index
        %swap3A_678 = tpu.vector_load %arg11[%swap3A_676, %swap3A_677] {strides = array<i32>} : memref<256x64xf32, #tpu.memory_space<vmem>>, vector<1x16xf32>,
        %swap3A_679 = vector.shape_cast %swap3A_678 : vector<1x16xf32> to vector<16xf32>
        %swap3A_680 = vector.shape_cast %mul3A_664 : vector<16xf32> to vector<1x16xf32>
        tpu.vector_store %arg11[%swap3A_676, %swap3A_677], %swap3A_680 {strides = array<i32>} : memref<256x64xf32, #tpu.memory_space<vmem>>, vector<1x16xf32>,
        %swap3A_681 = arith.index_cast %add3A_642 : i32 to index
        %swap3A_682 = arith.constant 48 : index
        %swap3A_683 = tpu.vector_load %arg11[%swap3A_681, %swap3A_682] {strides = array<i32>} : memref<256x64xf32, #tpu.memory_space<vmem>>, vector<1x16xf32>,
        %swap3A_684 = vector.shape_cast %swap3A_683 : vector<1x16xf32> to vector<16xf32>
        %swap3A_685 = vector.shape_cast %mul3A_665 : vector<16xf32> to vector<1x16xf32>
        tpu.vector_store %arg11[%swap3A_681, %swap3A_682], %swap3A_685 {strides = array<i32>} : memref<256x64xf32, #tpu.memory_space<vmem>>, vector<1x16xf32>,
        %mul3A_686 = arith.constant 16 : i32
        %mul3A_687 = arith.muli %scan3A_212, %mul3A_686 : i32
        %add3A_688 = arith.constant 10 : i32
        %add3A_689 = arith.addi %mul3A_687, %add3A_688 : i32
        %slice3A_690 = vector.extract_strided_slice %get3A_218 {offsets = [10], sizes = [1], strides = [1]} : vector<16xf32> to vector<1xf32>
        %squeeze3A_691 = vector.extract %slice3A_690[0] : f32 from vector<1xf32>
        %broadcast_in_dim3A_692 = vector.broadcast %squeeze3A_691 : f32 to vector<16xf32>
        %get3A_693 = arith.index_cast %add3A_689 : i32 to index
        %get3A_694 = arith.constant 0 : index
        %get3A_695 = tpu.vector_load %arg11[%get3A_693, %get3A_694] {strides = array<i32>} : memref<256x64xf32, #tpu.memory_space<vmem>>, vector<1x16xf32>,
        %get3A_696 = vector.shape_cast %get3A_695 : vector<1x16xf32> to vector<16xf32>
        %get3A_697 = arith.index_cast %add3A_689 : i32 to index
        %get3A_698 = arith.constant 16 : index
        %get3A_699 = tpu.vector_load %arg11[%get3A_697, %get3A_698] {strides = array<i32>} : memref<256x64xf32, #tpu.memory_space<vmem>>, vector<1x16xf32>,
        %get3A_700 = vector.shape_cast %get3A_699 : vector<1x16xf32> to vector<16xf32>
        %get3A_701 = arith.index_cast %add3A_689 : i32 to index
        %get3A_702 = arith.constant 32 : index
        %get3A_703 = tpu.vector_load %arg11[%get3A_701, %get3A_702] {strides = array<i32>} : memref<256x64xf32, #tpu.memory_space<vmem>>, vector<1x16xf32>,
        %get3A_704 = vector.shape_cast %get3A_703 : vector<1x16xf32> to vector<16xf32>
        %get3A_705 = arith.index_cast %add3A_689 : i32 to index
        %get3A_706 = arith.constant 48 : index
        %get3A_707 = tpu.vector_load %arg11[%get3A_705, %get3A_706] {strides = array<i32>} : memref<256x64xf32, #tpu.memory_space<vmem>>, vector<1x16xf32>,
        %get3A_708 = vector.shape_cast %get3A_707 : vector<1x16xf32> to vector<16xf32>
        %mul3A_709 = arith.mulf %get3A_696, %broadcast_in_dim3A_692 : vector<16xf32>
        %mul3A_710 = arith.mulf %get3A_700, %broadcast_in_dim3A_692 : vector<16xf32>
        %mul3A_711 = arith.mulf %get3A_704, %broadcast_in_dim3A_692 : vector<16xf32>
        %mul3A_712 = arith.mulf %get3A_708, %broadcast_in_dim3A_692 : vector<16xf32>
        %swap3A_713 = arith.index_cast %add3A_689 : i32 to index
        %swap3A_714 = arith.constant 0 : index
        %swap3A_715 = tpu.vector_load %arg11[%swap3A_713, %swap3A_714] {strides = array<i32>} : memref<256x64xf32, #tpu.memory_space<vmem>>, vector<1x16xf32>,
        %swap3A_716 = vector.shape_cast %swap3A_715 : vector<1x16xf32> to vector<16xf32>
        %swap3A_717 = vector.shape_cast %mul3A_709 : vector<16xf32> to vector<1x16xf32>
        tpu.vector_store %arg11[%swap3A_713, %swap3A_714], %swap3A_717 {strides = array<i32>} : memref<256x64xf32, #tpu.memory_space<vmem>>, vector<1x16xf32>,
        %swap3A_718 = arith.index_cast %add3A_689 : i32 to index
        %swap3A_719 = arith.constant 16 : index
        %swap3A_720 = tpu.vector_load %arg11[%swap3A_718, %swap3A_719] {strides = array<i32>} : memref<256x64xf32, #tpu.memory_space<vmem>>, vector<1x16xf32>,
        %swap3A_721 = vector.shape_cast %swap3A_720 : vector<1x16xf32> to vector<16xf32>
        %swap3A_722 = vector.shape_cast %mul3A_710 : vector<16xf32> to vector<1x16xf32>
        tpu.vector_store %arg11[%swap3A_718, %swap3A_719], %swap3A_722 {strides = array<i32>} : memref<256x64xf32, #tpu.memory_space<vmem>>, vector<1x16xf32>,
        %swap3A_723 = arith.index_cast %add3A_689 : i32 to index
        %swap3A_724 = arith.constant 32 : index
        %swap3A_725 = tpu.vector_load %arg11[%swap3A_723, %swap3A_724] {strides = array<i32>} : memref<256x64xf32, #tpu.memory_space<vmem>>, vector<1x16xf32>,
        %swap3A_726 = vector.shape_cast %swap3A_725 : vector<1x16xf32> to vector<16xf32>
        %swap3A_727 = vector.shape_cast %mul3A_711 : vector<16xf32> to vector<1x16xf32>
        tpu.vector_store %arg11[%swap3A_723, %swap3A_724], %swap3A_727 {strides = array<i32>} : memref<256x64xf32, #tpu.memory_space<vmem>>, vector<1x16xf32>,
        %swap3A_728 = arith.index_cast %add3A_689 : i32 to index
        %swap3A_729 = arith.constant 48 : index
        %swap3A_730 = tpu.vector_load %arg11[%swap3A_728, %swap3A_729] {strides = array<i32>} : memref<256x64xf32, #tpu.memory_space<vmem>>, vector<1x16xf32>,
        %swap3A_731 = vector.shape_cast %swap3A_730 : vector<1x16xf32> to vector<16xf32>
        %swap3A_732 = vector.shape_cast %mul3A_712 : vector<16xf32> to vector<1x16xf32>
        tpu.vector_store %arg11[%swap3A_728, %swap3A_729], %swap3A_732 {strides = array<i32>} : memref<256x64xf32, #tpu.memory_space<vmem>>, vector<1x16xf32>,
        %mul3A_733 = arith.constant 16 : i32
        %mul3A_734 = arith.muli %scan3A_212, %mul3A_733 : i32
        %add3A_735 = arith.constant 11 : i32
        %add3A_736 = arith.addi %mul3A_734, %add3A_735 : i32
        %slice3A_737 = vector.extract_strided_slice %get3A_218 {offsets = [11], sizes = [1], strides = [1]} : vector<16xf32> to vector<1xf32>
        %squeeze3A_738 = vector.extract %slice3A_737[0] : f32 from vector<1xf32>
        %broadcast_in_dim3A_739 = vector.broadcast %squeeze3A_738 : f32 to vector<16xf32>
        %get3A_740 = arith.index_cast %add3A_736 : i32 to index
        %get3A_741 = arith.constant 0 : index
        %get3A_742 = tpu.vector_load %arg11[%get3A_740, %get3A_741] {strides = array<i32>} : memref<256x64xf32, #tpu.memory_space<vmem>>, vector<1x16xf32>,
        %get3A_743 = vector.shape_cast %get3A_742 : vector<1x16xf32> to vector<16xf32>
        %get3A_744 = arith.index_cast %add3A_736 : i32 to index
        %get3A_745 = arith.constant 16 : index
        %get3A_746 = tpu.vector_load %arg11[%get3A_744, %get3A_745] {strides = array<i32>} : memref<256x64xf32, #tpu.memory_space<vmem>>, vector<1x16xf32>,
        %get3A_747 = vector.shape_cast %get3A_746 : vector<1x16xf32> to vector<16xf32>
        %get3A_748 = arith.index_cast %add3A_736 : i32 to index
        %get3A_749 = arith.constant 32 : index
        %get3A_750 = tpu.vector_load %arg11[%get3A_748, %get3A_749] {strides = array<i32>} : memref<256x64xf32, #tpu.memory_space<vmem>>, vector<1x16xf32>,
        %get3A_751 = vector.shape_cast %get3A_750 : vector<1x16xf32> to vector<16xf32>
        %get3A_752 = arith.index_cast %add3A_736 : i32 to index
        %get3A_753 = arith.constant 48 : index
        %get3A_754 = tpu.vector_load %arg11[%get3A_752, %get3A_753] {strides = array<i32>} : memref<256x64xf32, #tpu.memory_space<vmem>>, vector<1x16xf32>,
        %get3A_755 = vector.shape_cast %get3A_754 : vector<1x16xf32> to vector<16xf32>
        %mul3A_756 = arith.mulf %get3A_743, %broadcast_in_dim3A_739 : vector<16xf32>
        %mul3A_757 = arith.mulf %get3A_747, %broadcast_in_dim3A_739 : vector<16xf32>
        %mul3A_758 = arith.mulf %get3A_751, %broadcast_in_dim3A_739 : vector<16xf32>
        %mul3A_759 = arith.mulf %get3A_755, %broadcast_in_dim3A_739 : vector<16xf32>
        %swap3A_760 = arith.index_cast %add3A_736 : i32 to index
        %swap3A_761 = arith.constant 0 : index
        %swap3A_762 = tpu.vector_load %arg11[%swap3A_760, %swap3A_761] {strides = array<i32>} : memref<256x64xf32, #tpu.memory_space<vmem>>, vector<1x16xf32>,
        %swap3A_763 = vector.shape_cast %swap3A_762 : vector<1x16xf32> to vector<16xf32>
        %swap3A_764 = vector.shape_cast %mul3A_756 : vector<16xf32> to vector<1x16xf32>
        tpu.vector_store %arg11[%swap3A_760, %swap3A_761], %swap3A_764 {strides = array<i32>} : memref<256x64xf32, #tpu.memory_space<vmem>>, vector<1x16xf32>,
        %swap3A_765 = arith.index_cast %add3A_736 : i32 to index
        %swap3A_766 = arith.constant 16 : index
        %swap3A_767 = tpu.vector_load %arg11[%swap3A_765, %swap3A_766] {strides = array<i32>} : memref<256x64xf32, #tpu.memory_space<vmem>>, vector<1x16xf32>,
        %swap3A_768 = vector.shape_cast %swap3A_767 : vector<1x16xf32> to vector<16xf32>
        %swap3A_769 = vector.shape_cast %mul3A_757 : vector<16xf32> to vector<1x16xf32>
        tpu.vector_store %arg11[%swap3A_765, %swap3A_766], %swap3A_769 {strides = array<i32>} : memref<256x64xf32, #tpu.memory_space<vmem>>, vector<1x16xf32>,
        %swap3A_770 = arith.index_cast %add3A_736 : i32 to index
        %swap3A_771 = arith.constant 32 : index
        %swap3A_772 = tpu.vector_load %arg11[%swap3A_770, %swap3A_771] {strides = array<i32>} : memref<256x64xf32, #tpu.memory_space<vmem>>, vector<1x16xf32>,
        %swap3A_773 = vector.shape_cast %swap3A_772 : vector<1x16xf32> to vector<16xf32>
        %swap3A_774 = vector.shape_cast %mul3A_758 : vector<16xf32> to vector<1x16xf32>
        tpu.vector_store %arg11[%swap3A_770, %swap3A_771], %swap3A_774 {strides = array<i32>} : memref<256x64xf32, #tpu.memory_space<vmem>>, vector<1x16xf32>,
        %swap3A_775 = arith.index_cast %add3A_736 : i32 to index
        %swap3A_776 = arith.constant 48 : index
        %swap3A_777 = tpu.vector_load %arg11[%swap3A_775, %swap3A_776] {strides = array<i32>} : memref<256x64xf32, #tpu.memory_space<vmem>>, vector<1x16xf32>,
        %swap3A_778 = vector.shape_cast %swap3A_777 : vector<1x16xf32> to vector<16xf32>
        %swap3A_779 = vector.shape_cast %mul3A_759 : vector<16xf32> to vector<1x16xf32>
        tpu.vector_store %arg11[%swap3A_775, %swap3A_776], %swap3A_779 {strides = array<i32>} : memref<256x64xf32, #tpu.memory_space<vmem>>, vector<1x16xf32>,
        %mul3A_780 = arith.constant 16 : i32
        %mul3A_781 = arith.muli %scan3A_212, %mul3A_780 : i32
        %add3A_782 = arith.constant 12 : i32
        %add3A_783 = arith.addi %mul3A_781, %add3A_782 : i32
        %slice3A_784 = vector.extract_strided_slice %get3A_218 {offsets = [12], sizes = [1], strides = [1]} : vector<16xf32> to vector<1xf32>
        %squeeze3A_785 = vector.extract %slice3A_784[0] : f32 from vector<1xf32>
        %broadcast_in_dim3A_786 = vector.broadcast %squeeze3A_785 : f32 to vector<16xf32>
        %get3A_787 = arith.index_cast %add3A_783 : i32 to index
        %get3A_788 = arith.constant 0 : index
        %get3A_789 = tpu.vector_load %arg11[%get3A_787, %get3A_788] {strides = array<i32>} : memref<256x64xf32, #tpu.memory_space<vmem>>, vector<1x16xf32>,
        %get3A_790 = vector.shape_cast %get3A_789 : vector<1x16xf32> to vector<16xf32>
        %get3A_791 = arith.index_cast %add3A_783 : i32 to index
        %get3A_792 = arith.constant 16 : index
        %get3A_793 = tpu.vector_load %arg11[%get3A_791, %get3A_792] {strides = array<i32>} : memref<256x64xf32, #tpu.memory_space<vmem>>, vector<1x16xf32>,
        %get3A_794 = vector.shape_cast %get3A_793 : vector<1x16xf32> to vector<16xf32>
        %get3A_795 = arith.index_cast %add3A_783 : i32 to index
        %get3A_796 = arith.constant 32 : index
        %get3A_797 = tpu.vector_load %arg11[%get3A_795, %get3A_796] {strides = array<i32>} : memref<256x64xf32, #tpu.memory_space<vmem>>, vector<1x16xf32>,
        %get3A_798 = vector.shape_cast %get3A_797 : vector<1x16xf32> to vector<16xf32>
        %get3A_799 = arith.index_cast %add3A_783 : i32 to index
        %get3A_800 = arith.constant 48 : index
        %get3A_801 = tpu.vector_load %arg11[%get3A_799, %get3A_800] {strides = array<i32>} : memref<256x64xf32, #tpu.memory_space<vmem>>, vector<1x16xf32>,
        %get3A_802 = vector.shape_cast %get3A_801 : vector<1x16xf32> to vector<16xf32>
        %mul3A_803 = arith.mulf %get3A_790, %broadcast_in_dim3A_786 : vector<16xf32>
        %mul3A_804 = arith.mulf %get3A_794, %broadcast_in_dim3A_786 : vector<16xf32>
        %mul3A_805 = arith.mulf %get3A_798, %broadcast_in_dim3A_786 : vector<16xf32>
        %mul3A_806 = arith.mulf %get3A_802, %broadcast_in_dim3A_786 : vector<16xf32>
        %swap3A_807 = arith.index_cast %add3A_783 : i32 to index
        %swap3A_808 = arith.constant 0 : index
        %swap3A_809 = tpu.vector_load %arg11[%swap3A_807, %swap3A_808] {strides = array<i32>} : memref<256x64xf32, #tpu.memory_space<vmem>>, vector<1x16xf32>,
        %swap3A_810 = vector.shape_cast %swap3A_809 : vector<1x16xf32> to vector<16xf32>
        %swap3A_811 = vector.shape_cast %mul3A_803 : vector<16xf32> to vector<1x16xf32>
        tpu.vector_store %arg11[%swap3A_807, %swap3A_808], %swap3A_811 {strides = array<i32>} : memref<256x64xf32, #tpu.memory_space<vmem>>, vector<1x16xf32>,
        %swap3A_812 = arith.index_cast %add3A_783 : i32 to index
        %swap3A_813 = arith.constant 16 : index
        %swap3A_814 = tpu.vector_load %arg11[%swap3A_812, %swap3A_813] {strides = array<i32>} : memref<256x64xf32, #tpu.memory_space<vmem>>, vector<1x16xf32>,
        %swap3A_815 = vector.shape_cast %swap3A_814 : vector<1x16xf32> to vector<16xf32>
        %swap3A_816 = vector.shape_cast %mul3A_804 : vector<16xf32> to vector<1x16xf32>
        tpu.vector_store %arg11[%swap3A_812, %swap3A_813], %swap3A_816 {strides = array<i32>} : memref<256x64xf32, #tpu.memory_space<vmem>>, vector<1x16xf32>,
        %swap3A_817 = arith.index_cast %add3A_783 : i32 to index
        %swap3A_818 = arith.constant 32 : index
        %swap3A_819 = tpu.vector_load %arg11[%swap3A_817, %swap3A_818] {strides = array<i32>} : memref<256x64xf32, #tpu.memory_space<vmem>>, vector<1x16xf32>,
        %swap3A_820 = vector.shape_cast %swap3A_819 : vector<1x16xf32> to vector<16xf32>
        %swap3A_821 = vector.shape_cast %mul3A_805 : vector<16xf32> to vector<1x16xf32>
        tpu.vector_store %arg11[%swap3A_817, %swap3A_818], %swap3A_821 {strides = array<i32>} : memref<256x64xf32, #tpu.memory_space<vmem>>, vector<1x16xf32>,
        %swap3A_822 = arith.index_cast %add3A_783 : i32 to index
        %swap3A_823 = arith.constant 48 : index
        %swap3A_824 = tpu.vector_load %arg11[%swap3A_822, %swap3A_823] {strides = array<i32>} : memref<256x64xf32, #tpu.memory_space<vmem>>, vector<1x16xf32>,
        %swap3A_825 = vector.shape_cast %swap3A_824 : vector<1x16xf32> to vector<16xf32>
        %swap3A_826 = vector.shape_cast %mul3A_806 : vector<16xf32> to vector<1x16xf32>
        tpu.vector_store %arg11[%swap3A_822, %swap3A_823], %swap3A_826 {strides = array<i32>} : memref<256x64xf32, #tpu.memory_space<vmem>>, vector<1x16xf32>,
        %mul3A_827 = arith.constant 16 : i32
        %mul3A_828 = arith.muli %scan3A_212, %mul3A_827 : i32
        %add3A_829 = arith.constant 13 : i32
        %add3A_830 = arith.addi %mul3A_828, %add3A_829 : i32
        %slice3A_831 = vector.extract_strided_slice %get3A_218 {offsets = [13], sizes = [1], strides = [1]} : vector<16xf32> to vector<1xf32>
        %squeeze3A_832 = vector.extract %slice3A_831[0] : f32 from vector<1xf32>
        %broadcast_in_dim3A_833 = vector.broadcast %squeeze3A_832 : f32 to vector<16xf32>
        %get3A_834 = arith.index_cast %add3A_830 : i32 to index
        %get3A_835 = arith.constant 0 : index
        %get3A_836 = tpu.vector_load %arg11[%get3A_834, %get3A_835] {strides = array<i32>} : memref<256x64xf32, #tpu.memory_space<vmem>>, vector<1x16xf32>,
        %get3A_837 = vector.shape_cast %get3A_836 : vector<1x16xf32> to vector<16xf32>
        %get3A_838 = arith.index_cast %add3A_830 : i32 to index
        %get3A_839 = arith.constant 16 : index
        %get3A_840 = tpu.vector_load %arg11[%get3A_838, %get3A_839] {strides = array<i32>} : memref<256x64xf32, #tpu.memory_space<vmem>>, vector<1x16xf32>,
        %get3A_841 = vector.shape_cast %get3A_840 : vector<1x16xf32> to vector<16xf32>
        %get3A_842 = arith.index_cast %add3A_830 : i32 to index
        %get3A_843 = arith.constant 32 : index
        %get3A_844 = tpu.vector_load %arg11[%get3A_842, %get3A_843] {strides = array<i32>} : memref<256x64xf32, #tpu.memory_space<vmem>>, vector<1x16xf32>,
        %get3A_845 = vector.shape_cast %get3A_844 : vector<1x16xf32> to vector<16xf32>
        %get3A_846 = arith.index_cast %add3A_830 : i32 to index
        %get3A_847 = arith.constant 48 : index
        %get3A_848 = tpu.vector_load %arg11[%get3A_846, %get3A_847] {strides = array<i32>} : memref<256x64xf32, #tpu.memory_space<vmem>>, vector<1x16xf32>,
        %get3A_849 = vector.shape_cast %get3A_848 : vector<1x16xf32> to vector<16xf32>
        %mul3A_850 = arith.mulf %get3A_837, %broadcast_in_dim3A_833 : vector<16xf32>
        %mul3A_851 = arith.mulf %get3A_841, %broadcast_in_dim3A_833 : vector<16xf32>
        %mul3A_852 = arith.mulf %get3A_845, %broadcast_in_dim3A_833 : vector<16xf32>
        %mul3A_853 = arith.mulf %get3A_849, %broadcast_in_dim3A_833 : vector<16xf32>
        %swap3A_854 = arith.index_cast %add3A_830 : i32 to index
        %swap3A_855 = arith.constant 0 : index
        %swap3A_856 = tpu.vector_load %arg11[%swap3A_854, %swap3A_855] {strides = array<i32>} : memref<256x64xf32, #tpu.memory_space<vmem>>, vector<1x16xf32>,
        %swap3A_857 = vector.shape_cast %swap3A_856 : vector<1x16xf32> to vector<16xf32>
        %swap3A_858 = vector.shape_cast %mul3A_850 : vector<16xf32> to vector<1x16xf32>
        tpu.vector_store %arg11[%swap3A_854, %swap3A_855], %swap3A_858 {strides = array<i32>} : memref<256x64xf32, #tpu.memory_space<vmem>>, vector<1x16xf32>,
        %swap3A_859 = arith.index_cast %add3A_830 : i32 to index
        %swap3A_860 = arith.constant 16 : index
        %swap3A_861 = tpu.vector_load %arg11[%swap3A_859, %swap3A_860] {strides = array<i32>} : memref<256x64xf32, #tpu.memory_space<vmem>>, vector<1x16xf32>,
        %swap3A_862 = vector.shape_cast %swap3A_861 : vector<1x16xf32> to vector<16xf32>
        %swap3A_863 = vector.shape_cast %mul3A_851 : vector<16xf32> to vector<1x16xf32>
        tpu.vector_store %arg11[%swap3A_859, %swap3A_860], %swap3A_863 {strides = array<i32>} : memref<256x64xf32, #tpu.memory_space<vmem>>, vector<1x16xf32>,
        %swap3A_864 = arith.index_cast %add3A_830 : i32 to index
        %swap3A_865 = arith.constant 32 : index
        %swap3A_866 = tpu.vector_load %arg11[%swap3A_864, %swap3A_865] {strides = array<i32>} : memref<256x64xf32, #tpu.memory_space<vmem>>, vector<1x16xf32>,
        %swap3A_867 = vector.shape_cast %swap3A_866 : vector<1x16xf32> to vector<16xf32>
        %swap3A_868 = vector.shape_cast %mul3A_852 : vector<16xf32> to vector<1x16xf32>
        tpu.vector_store %arg11[%swap3A_864, %swap3A_865], %swap3A_868 {strides = array<i32>} : memref<256x64xf32, #tpu.memory_space<vmem>>, vector<1x16xf32>,
        %swap3A_869 = arith.index_cast %add3A_830 : i32 to index
        %swap3A_870 = arith.constant 48 : index
        %swap3A_871 = tpu.vector_load %arg11[%swap3A_869, %swap3A_870] {strides = array<i32>} : memref<256x64xf32, #tpu.memory_space<vmem>>, vector<1x16xf32>,
        %swap3A_872 = vector.shape_cast %swap3A_871 : vector<1x16xf32> to vector<16xf32>
        %swap3A_873 = vector.shape_cast %mul3A_853 : vector<16xf32> to vector<1x16xf32>
        tpu.vector_store %arg11[%swap3A_869, %swap3A_870], %swap3A_873 {strides = array<i32>} : memref<256x64xf32, #tpu.memory_space<vmem>>, vector<1x16xf32>,
        %mul3A_874 = arith.constant 16 : i32
        %mul3A_875 = arith.muli %scan3A_212, %mul3A_874 : i32
        %add3A_876 = arith.constant 14 : i32
        %add3A_877 = arith.addi %mul3A_875, %add3A_876 : i32
        %slice3A_878 = vector.extract_strided_slice %get3A_218 {offsets = [14], sizes = [1], strides = [1]} : vector<16xf32> to vector<1xf32>
        %squeeze3A_879 = vector.extract %slice3A_878[0] : f32 from vector<1xf32>
        %broadcast_in_dim3A_880 = vector.broadcast %squeeze3A_879 : f32 to vector<16xf32>
        %get3A_881 = arith.index_cast %add3A_877 : i32 to index
        %get3A_882 = arith.constant 0 : index
        %get3A_883 = tpu.vector_load %arg11[%get3A_881, %get3A_882] {strides = array<i32>} : memref<256x64xf32, #tpu.memory_space<vmem>>, vector<1x16xf32>,
        %get3A_884 = vector.shape_cast %get3A_883 : vector<1x16xf32> to vector<16xf32>
        %get3A_885 = arith.index_cast %add3A_877 : i32 to index
        %get3A_886 = arith.constant 16 : index
        %get3A_887 = tpu.vector_load %arg11[%get3A_885, %get3A_886] {strides = array<i32>} : memref<256x64xf32, #tpu.memory_space<vmem>>, vector<1x16xf32>,
        %get3A_888 = vector.shape_cast %get3A_887 : vector<1x16xf32> to vector<16xf32>
        %get3A_889 = arith.index_cast %add3A_877 : i32 to index
        %get3A_890 = arith.constant 32 : index
        %get3A_891 = tpu.vector_load %arg11[%get3A_889, %get3A_890] {strides = array<i32>} : memref<256x64xf32, #tpu.memory_space<vmem>>, vector<1x16xf32>,
        %get3A_892 = vector.shape_cast %get3A_891 : vector<1x16xf32> to vector<16xf32>
        %get3A_893 = arith.index_cast %add3A_877 : i32 to index
        %get3A_894 = arith.constant 48 : index
        %get3A_895 = tpu.vector_load %arg11[%get3A_893, %get3A_894] {strides = array<i32>} : memref<256x64xf32, #tpu.memory_space<vmem>>, vector<1x16xf32>,
        %get3A_896 = vector.shape_cast %get3A_895 : vector<1x16xf32> to vector<16xf32>
        %mul3A_897 = arith.mulf %get3A_884, %broadcast_in_dim3A_880 : vector<16xf32>
        %mul3A_898 = arith.mulf %get3A_888, %broadcast_in_dim3A_880 : vector<16xf32>
        %mul3A_899 = arith.mulf %get3A_892, %broadcast_in_dim3A_880 : vector<16xf32>
        %mul3A_900 = arith.mulf %get3A_896, %broadcast_in_dim3A_880 : vector<16xf32>
        %swap3A_901 = arith.index_cast %add3A_877 : i32 to index
        %swap3A_902 = arith.constant 0 : index
        %swap3A_903 = tpu.vector_load %arg11[%swap3A_901, %swap3A_902] {strides = array<i32>} : memref<256x64xf32, #tpu.memory_space<vmem>>, vector<1x16xf32>,
        %swap3A_904 = vector.shape_cast %swap3A_903 : vector<1x16xf32> to vector<16xf32>
        %swap3A_905 = vector.shape_cast %mul3A_897 : vector<16xf32> to vector<1x16xf32>
        tpu.vector_store %arg11[%swap3A_901, %swap3A_902], %swap3A_905 {strides = array<i32>} : memref<256x64xf32, #tpu.memory_space<vmem>>, vector<1x16xf32>,
        %swap3A_906 = arith.index_cast %add3A_877 : i32 to index
        %swap3A_907 = arith.constant 16 : index
        %swap3A_908 = tpu.vector_load %arg11[%swap3A_906, %swap3A_907] {strides = array<i32>} : memref<256x64xf32, #tpu.memory_space<vmem>>, vector<1x16xf32>,
        %swap3A_909 = vector.shape_cast %swap3A_908 : vector<1x16xf32> to vector<16xf32>
        %swap3A_910 = vector.shape_cast %mul3A_898 : vector<16xf32> to vector<1x16xf32>
        tpu.vector_store %arg11[%swap3A_906, %swap3A_907], %swap3A_910 {strides = array<i32>} : memref<256x64xf32, #tpu.memory_space<vmem>>, vector<1x16xf32>,
        %swap3A_911 = arith.index_cast %add3A_877 : i32 to index
        %swap3A_912 = arith.constant 32 : index
        %swap3A_913 = tpu.vector_load %arg11[%swap3A_911, %swap3A_912] {strides = array<i32>} : memref<256x64xf32, #tpu.memory_space<vmem>>, vector<1x16xf32>,
        %swap3A_914 = vector.shape_cast %swap3A_913 : vector<1x16xf32> to vector<16xf32>
        %swap3A_915 = vector.shape_cast %mul3A_899 : vector<16xf32> to vector<1x16xf32>
        tpu.vector_store %arg11[%swap3A_911, %swap3A_912], %swap3A_915 {strides = array<i32>} : memref<256x64xf32, #tpu.memory_space<vmem>>, vector<1x16xf32>,
        %swap3A_916 = arith.index_cast %add3A_877 : i32 to index
        %swap3A_917 = arith.constant 48 : index
        %swap3A_918 = tpu.vector_load %arg11[%swap3A_916, %swap3A_917] {strides = array<i32>} : memref<256x64xf32, #tpu.memory_space<vmem>>, vector<1x16xf32>,
        %swap3A_919 = vector.shape_cast %swap3A_918 : vector<1x16xf32> to vector<16xf32>
        %swap3A_920 = vector.shape_cast %mul3A_900 : vector<16xf32> to vector<1x16xf32>
        tpu.vector_store %arg11[%swap3A_916, %swap3A_917], %swap3A_920 {strides = array<i32>} : memref<256x64xf32, #tpu.memory_space<vmem>>, vector<1x16xf32>,
        %mul3A_921 = arith.constant 16 : i32
        %mul3A_922 = arith.muli %scan3A_212, %mul3A_921 : i32
        %add3A_923 = arith.constant 15 : i32
        %add3A_924 = arith.addi %mul3A_922, %add3A_923 : i32
        %slice3A_925 = vector.extract_strided_slice %get3A_218 {offsets = [15], sizes = [1], strides = [1]} : vector<16xf32> to vector<1xf32>
        %squeeze3A_926 = vector.extract %slice3A_925[0] : f32 from vector<1xf32>
        %broadcast_in_dim3A_927 = vector.broadcast %squeeze3A_926 : f32 to vector<16xf32>
        %get3A_928 = arith.index_cast %add3A_924 : i32 to index
        %get3A_929 = arith.constant 0 : index
        %get3A_930 = tpu.vector_load %arg11[%get3A_928, %get3A_929] {strides = array<i32>} : memref<256x64xf32, #tpu.memory_space<vmem>>, vector<1x16xf32>,
        %get3A_931 = vector.shape_cast %get3A_930 : vector<1x16xf32> to vector<16xf32>
        %get3A_932 = arith.index_cast %add3A_924 : i32 to index
        %get3A_933 = arith.constant 16 : index
        %get3A_934 = tpu.vector_load %arg11[%get3A_932, %get3A_933] {strides = array<i32>} : memref<256x64xf32, #tpu.memory_space<vmem>>, vector<1x16xf32>,
        %get3A_935 = vector.shape_cast %get3A_934 : vector<1x16xf32> to vector<16xf32>
        %get3A_936 = arith.index_cast %add3A_924 : i32 to index
        %get3A_937 = arith.constant 32 : index
        %get3A_938 = tpu.vector_load %arg11[%get3A_936, %get3A_937] {strides = array<i32>} : memref<256x64xf32, #tpu.memory_space<vmem>>, vector<1x16xf32>,
        %get3A_939 = vector.shape_cast %get3A_938 : vector<1x16xf32> to vector<16xf32>
        %get3A_940 = arith.index_cast %add3A_924 : i32 to index
        %get3A_941 = arith.constant 48 : index
        %get3A_942 = tpu.vector_load %arg11[%get3A_940, %get3A_941] {strides = array<i32>} : memref<256x64xf32, #tpu.memory_space<vmem>>, vector<1x16xf32>,
        %get3A_943 = vector.shape_cast %get3A_942 : vector<1x16xf32> to vector<16xf32>
        %mul3A_944 = arith.mulf %get3A_931, %broadcast_in_dim3A_927 : vector<16xf32>
        %mul3A_945 = arith.mulf %get3A_935, %broadcast_in_dim3A_927 : vector<16xf32>
        %mul3A_946 = arith.mulf %get3A_939, %broadcast_in_dim3A_927 : vector<16xf32>
        %mul3A_947 = arith.mulf %get3A_943, %broadcast_in_dim3A_927 : vector<16xf32>
        %swap3A_948 = arith.index_cast %add3A_924 : i32 to index
        %swap3A_949 = arith.constant 0 : index
        %swap3A_950 = tpu.vector_load %arg11[%swap3A_948, %swap3A_949] {strides = array<i32>} : memref<256x64xf32, #tpu.memory_space<vmem>>, vector<1x16xf32>,
        %swap3A_951 = vector.shape_cast %swap3A_950 : vector<1x16xf32> to vector<16xf32>
        %swap3A_952 = vector.shape_cast %mul3A_944 : vector<16xf32> to vector<1x16xf32>
        tpu.vector_store %arg11[%swap3A_948, %swap3A_949], %swap3A_952 {strides = array<i32>} : memref<256x64xf32, #tpu.memory_space<vmem>>, vector<1x16xf32>,
        %swap3A_953 = arith.index_cast %add3A_924 : i32 to index
        %swap3A_954 = arith.constant 16 : index
        %swap3A_955 = tpu.vector_load %arg11[%swap3A_953, %swap3A_954] {strides = array<i32>} : memref<256x64xf32, #tpu.memory_space<vmem>>, vector<1x16xf32>,
        %swap3A_956 = vector.shape_cast %swap3A_955 : vector<1x16xf32> to vector<16xf32>
        %swap3A_957 = vector.shape_cast %mul3A_945 : vector<16xf32> to vector<1x16xf32>
        tpu.vector_store %arg11[%swap3A_953, %swap3A_954], %swap3A_957 {strides = array<i32>} : memref<256x64xf32, #tpu.memory_space<vmem>>, vector<1x16xf32>,
        %swap3A_958 = arith.index_cast %add3A_924 : i32 to index
        %swap3A_959 = arith.constant 32 : index
        %swap3A_960 = tpu.vector_load %arg11[%swap3A_958, %swap3A_959] {strides = array<i32>} : memref<256x64xf32, #tpu.memory_space<vmem>>, vector<1x16xf32>,
        %swap3A_961 = vector.shape_cast %swap3A_960 : vector<1x16xf32> to vector<16xf32>
        %swap3A_962 = vector.shape_cast %mul3A_946 : vector<16xf32> to vector<1x16xf32>
        tpu.vector_store %arg11[%swap3A_958, %swap3A_959], %swap3A_962 {strides = array<i32>} : memref<256x64xf32, #tpu.memory_space<vmem>>, vector<1x16xf32>,
        %swap3A_963 = arith.index_cast %add3A_924 : i32 to index
        %swap3A_964 = arith.constant 48 : index
        %swap3A_965 = tpu.vector_load %arg11[%swap3A_963, %swap3A_964] {strides = array<i32>} : memref<256x64xf32, #tpu.memory_space<vmem>>, vector<1x16xf32>,
        %swap3A_966 = vector.shape_cast %swap3A_965 : vector<1x16xf32> to vector<16xf32>
        %swap3A_967 = vector.shape_cast %mul3A_947 : vector<16xf32> to vector<1x16xf32>
        tpu.vector_store %arg11[%swap3A_963, %swap3A_964], %swap3A_967 {strides = array<i32>} : memref<256x64xf32, #tpu.memory_space<vmem>>, vector<1x16xf32>,
        %scan3A_968 = arith.constant 0 : i32
        scf.yield %scan3A_968 : i32
      }
      %scan3A_192 = arith.constant 16 : i32
      %eq3A_193 = arith.constant 1 : i32
      %eq3A_194 = arith.cmpi eq, %arg0, %eq3A_193 : i32
      %convert_element_type3A_195 = arith.extui %eq3A_194 : i1 to i32
      %cond3A_196 = arith.constant 0 : i32
      %cond3A_197 = arith.cmpi ne, %convert_element_type3A_195, %cond3A_196 : i32
      scf.if %cond3A_197 {
        %scan3A_212 = arith.constant 0 : i32
        %scan3A_213 = arith.constant 0 : i32
        %scan3A_214 = arith.constant 16 : i32
        %scan3A_215 = arith.addi %scan3A_213, %scan3A_214 : i32
        %scan3A_216 = arith.constant 1 : i32
        %scan3A_217 = scf.for %scan3A_219 = %scan3A_213 to %scan3A_215 step %scan3A_216 iter_args(%scan3A_220 = %scan3A_212) -> (i32)  : i32 {
          %mul3A_221 = arith.constant 16 : i32
          %mul3A_222 = arith.muli %scan3A_219, %mul3A_221 : i32
          %add3A_223 = arith.addi %mul3A_185, %mul3A_222 : i32
          %get3A = arith.index_cast %add3A_223 : i32 to index
          %get3A_224 = tpu.vector_load %arg9[%get3A] {strides = array<i32>} : memref<10240xf32, #tpu.memory_space<vmem>>, vector<16xf32>,
          %get3A_225 = vector.shape_cast %get3A_224 : vector<16xf32> to vector<16xf32>
          %slice3A = vector.extract_strided_slice %get3A_225 {offsets = [0], sizes = [1], strides = [1]} : vector<16xf32> to vector<1xf32>
          %squeeze3A = vector.extract %slice3A[0] : f32 from vector<1xf32>
          %broadcast_in_dim3A_226 = vector.broadcast %squeeze3A : f32 to vector<16xf32>
          %mul3A_227 = arith.constant 16 : i32
          %mul3A_228 = arith.muli %scan3A_219, %mul3A_227 : i32
          %add3A_229 = arith.constant 0 : i32
          %add3A_230 = arith.addi %mul3A_228, %add3A_229 : i32
          %swap3A = arith.index_cast %add3A_230 : i32 to index
          %swap3A_231 = arith.constant 0 : index
          %swap3A_232 = tpu.vector_load %arg13[%swap3A, %swap3A_231] {strides = array<i32>} : memref<256x16xf32, #tpu.memory_space<vmem>>, vector<1x16xf32>,
          %swap3A_233 = vector.shape_cast %swap3A_232 : vector<1x16xf32> to vector<16xf32>
          %swap3A_234 = vector.shape_cast %broadcast_in_dim3A_226 : vector<16xf32> to vector<1x16xf32>
          tpu.vector_store %arg13[%swap3A, %swap3A_231], %swap3A_234 {strides = array<i32>} : memref<256x16xf32, #tpu.memory_space<vmem>>, vector<1x16xf32>,
          %slice3A_235 = vector.extract_strided_slice %get3A_225 {offsets = [1], sizes = [1], strides = [1]} : vector<16xf32> to vector<1xf32>
          %squeeze3A_236 = vector.extract %slice3A_235[0] : f32 from vector<1xf32>
          %broadcast_in_dim3A_237 = vector.broadcast %squeeze3A_236 : f32 to vector<16xf32>
          %mul3A_238 = arith.constant 16 : i32
          %mul3A_239 = arith.muli %scan3A_219, %mul3A_238 : i32
          %add3A_240 = arith.constant 1 : i32
          %add3A_241 = arith.addi %mul3A_239, %add3A_240 : i32
          %swap3A_242 = arith.index_cast %add3A_241 : i32 to index
          %swap3A_243 = arith.constant 0 : index
          %swap3A_244 = tpu.vector_load %arg13[%swap3A_242, %swap3A_243] {strides = array<i32>} : memref<256x16xf32, #tpu.memory_space<vmem>>, vector<1x16xf32>,
          %swap3A_245 = vector.shape_cast %swap3A_244 : vector<1x16xf32> to vector<16xf32>
          %swap3A_246 = vector.shape_cast %broadcast_in_dim3A_237 : vector<16xf32> to vector<1x16xf32>
          tpu.vector_store %arg13[%swap3A_242, %swap3A_243], %swap3A_246 {strides = array<i32>} : memref<256x16xf32, #tpu.memory_space<vmem>>, vector<1x16xf32>,
          %slice3A_247 = vector.extract_strided_slice %get3A_225 {offsets = [2], sizes = [1], strides = [1]} : vector<16xf32> to vector<1xf32>
          %squeeze3A_248 = vector.extract %slice3A_247[0] : f32 from vector<1xf32>
          %broadcast_in_dim3A_249 = vector.broadcast %squeeze3A_248 : f32 to vector<16xf32>
          %mul3A_250 = arith.constant 16 : i32
          %mul3A_251 = arith.muli %scan3A_219, %mul3A_250 : i32
          %add3A_252 = arith.constant 2 : i32
          %add3A_253 = arith.addi %mul3A_251, %add3A_252 : i32
          %swap3A_254 = arith.index_cast %add3A_253 : i32 to index
          %swap3A_255 = arith.constant 0 : index
          %swap3A_256 = tpu.vector_load %arg13[%swap3A_254, %swap3A_255] {strides = array<i32>} : memref<256x16xf32, #tpu.memory_space<vmem>>, vector<1x16xf32>,
          %swap3A_257 = vector.shape_cast %swap3A_256 : vector<1x16xf32> to vector<16xf32>
          %swap3A_258 = vector.shape_cast %broadcast_in_dim3A_249 : vector<16xf32> to vector<1x16xf32>
          tpu.vector_store %arg13[%swap3A_254, %swap3A_255], %swap3A_258 {strides = array<i32>} : memref<256x16xf32, #tpu.memory_space<vmem>>, vector<1x16xf32>,
          %slice3A_259 = vector.extract_strided_slice %get3A_225 {offsets = [3], sizes = [1], strides = [1]} : vector<16xf32> to vector<1xf32>
          %squeeze3A_260 = vector.extract %slice3A_259[0] : f32 from vector<1xf32>
          %broadcast_in_dim3A_261 = vector.broadcast %squeeze3A_260 : f32 to vector<16xf32>
          %mul3A_262 = arith.constant 16 : i32
          %mul3A_263 = arith.muli %scan3A_219, %mul3A_262 : i32
          %add3A_264 = arith.constant 3 : i32
          %add3A_265 = arith.addi %mul3A_263, %add3A_264 : i32
          %swap3A_266 = arith.index_cast %add3A_265 : i32 to index
          %swap3A_267 = arith.constant 0 : index
          %swap3A_268 = tpu.vector_load %arg13[%swap3A_266, %swap3A_267] {strides = array<i32>} : memref<256x16xf32, #tpu.memory_space<vmem>>, vector<1x16xf32>,
          %swap3A_269 = vector.shape_cast %swap3A_268 : vector<1x16xf32> to vector<16xf32>
          %swap3A_270 = vector.shape_cast %broadcast_in_dim3A_261 : vector<16xf32> to vector<1x16xf32>
          tpu.vector_store %arg13[%swap3A_266, %swap3A_267], %swap3A_270 {strides = array<i32>} : memref<256x16xf32, #tpu.memory_space<vmem>>, vector<1x16xf32>,
          %slice3A_271 = vector.extract_strided_slice %get3A_225 {offsets = [4], sizes = [1], strides = [1]} : vector<16xf32> to vector<1xf32>
          %squeeze3A_272 = vector.extract %slice3A_271[0] : f32 from vector<1xf32>
          %broadcast_in_dim3A_273 = vector.broadcast %squeeze3A_272 : f32 to vector<16xf32>
          %mul3A_274 = arith.constant 16 : i32
          %mul3A_275 = arith.muli %scan3A_219, %mul3A_274 : i32
          %add3A_276 = arith.constant 4 : i32
          %add3A_277 = arith.addi %mul3A_275, %add3A_276 : i32
          %swap3A_278 = arith.index_cast %add3A_277 : i32 to index
          %swap3A_279 = arith.constant 0 : index
          %swap3A_280 = tpu.vector_load %arg13[%swap3A_278, %swap3A_279] {strides = array<i32>} : memref<256x16xf32, #tpu.memory_space<vmem>>, vector<1x16xf32>,
          %swap3A_281 = vector.shape_cast %swap3A_280 : vector<1x16xf32> to vector<16xf32>
          %swap3A_282 = vector.shape_cast %broadcast_in_dim3A_273 : vector<16xf32> to vector<1x16xf32>
          tpu.vector_store %arg13[%swap3A_278, %swap3A_279], %swap3A_282 {strides = array<i32>} : memref<256x16xf32, #tpu.memory_space<vmem>>, vector<1x16xf32>,
          %slice3A_283 = vector.extract_strided_slice %get3A_225 {offsets = [5], sizes = [1], strides = [1]} : vector<16xf32> to vector<1xf32>
          %squeeze3A_284 = vector.extract %slice3A_283[0] : f32 from vector<1xf32>
          %broadcast_in_dim3A_285 = vector.broadcast %squeeze3A_284 : f32 to vector<16xf32>
          %mul3A_286 = arith.constant 16 : i32
          %mul3A_287 = arith.muli %scan3A_219, %mul3A_286 : i32
          %add3A_288 = arith.constant 5 : i32
          %add3A_289 = arith.addi %mul3A_287, %add3A_288 : i32
          %swap3A_290 = arith.index_cast %add3A_289 : i32 to index
          %swap3A_291 = arith.constant 0 : index
          %swap3A_292 = tpu.vector_load %arg13[%swap3A_290, %swap3A_291] {strides = array<i32>} : memref<256x16xf32, #tpu.memory_space<vmem>>, vector<1x16xf32>,
          %swap3A_293 = vector.shape_cast %swap3A_292 : vector<1x16xf32> to vector<16xf32>
          %swap3A_294 = vector.shape_cast %broadcast_in_dim3A_285 : vector<16xf32> to vector<1x16xf32>
          tpu.vector_store %arg13[%swap3A_290, %swap3A_291], %swap3A_294 {strides = array<i32>} : memref<256x16xf32, #tpu.memory_space<vmem>>, vector<1x16xf32>,
          %slice3A_295 = vector.extract_strided_slice %get3A_225 {offsets = [6], sizes = [1], strides = [1]} : vector<16xf32> to vector<1xf32>
          %squeeze3A_296 = vector.extract %slice3A_295[0] : f32 from vector<1xf32>
          %broadcast_in_dim3A_297 = vector.broadcast %squeeze3A_296 : f32 to vector<16xf32>
          %mul3A_298 = arith.constant 16 : i32
          %mul3A_299 = arith.muli %scan3A_219, %mul3A_298 : i32
          %add3A_300 = arith.constant 6 : i32
          %add3A_301 = arith.addi %mul3A_299, %add3A_300 : i32
          %swap3A_302 = arith.index_cast %add3A_301 : i32 to index
          %swap3A_303 = arith.constant 0 : index
          %swap3A_304 = tpu.vector_load %arg13[%swap3A_302, %swap3A_303] {strides = array<i32>} : memref<256x16xf32, #tpu.memory_space<vmem>>, vector<1x16xf32>,
          %swap3A_305 = vector.shape_cast %swap3A_304 : vector<1x16xf32> to vector<16xf32>
          %swap3A_306 = vector.shape_cast %broadcast_in_dim3A_297 : vector<16xf32> to vector<1x16xf32>
          tpu.vector_store %arg13[%swap3A_302, %swap3A_303], %swap3A_306 {strides = array<i32>} : memref<256x16xf32, #tpu.memory_space<vmem>>, vector<1x16xf32>,
          %slice3A_307 = vector.extract_strided_slice %get3A_225 {offsets = [7], sizes = [1], strides = [1]} : vector<16xf32> to vector<1xf32>
          %squeeze3A_308 = vector.extract %slice3A_307[0] : f32 from vector<1xf32>
          %broadcast_in_dim3A_309 = vector.broadcast %squeeze3A_308 : f32 to vector<16xf32>
          %mul3A_310 = arith.constant 16 : i32
          %mul3A_311 = arith.muli %scan3A_219, %mul3A_310 : i32
          %add3A_312 = arith.constant 7 : i32
          %add3A_313 = arith.addi %mul3A_311, %add3A_312 : i32
          %swap3A_314 = arith.index_cast %add3A_313 : i32 to index
          %swap3A_315 = arith.constant 0 : index
          %swap3A_316 = tpu.vector_load %arg13[%swap3A_314, %swap3A_315] {strides = array<i32>} : memref<256x16xf32, #tpu.memory_space<vmem>>, vector<1x16xf32>,
          %swap3A_317 = vector.shape_cast %swap3A_316 : vector<1x16xf32> to vector<16xf32>
          %swap3A_318 = vector.shape_cast %broadcast_in_dim3A_309 : vector<16xf32> to vector<1x16xf32>
          tpu.vector_store %arg13[%swap3A_314, %swap3A_315], %swap3A_318 {strides = array<i32>} : memref<256x16xf32, #tpu.memory_space<vmem>>, vector<1x16xf32>,
          %slice3A_319 = vector.extract_strided_slice %get3A_225 {offsets = [8], sizes = [1], strides = [1]} : vector<16xf32> to vector<1xf32>
          %squeeze3A_320 = vector.extract %slice3A_319[0] : f32 from vector<1xf32>
          %broadcast_in_dim3A_321 = vector.broadcast %squeeze3A_320 : f32 to vector<16xf32>
          %mul3A_322 = arith.constant 16 : i32
          %mul3A_323 = arith.muli %scan3A_219, %mul3A_322 : i32
          %add3A_324 = arith.constant 8 : i32
          %add3A_325 = arith.addi %mul3A_323, %add3A_324 : i32
          %swap3A_326 = arith.index_cast %add3A_325 : i32 to index
          %swap3A_327 = arith.constant 0 : index
          %swap3A_328 = tpu.vector_load %arg13[%swap3A_326, %swap3A_327] {strides = array<i32>} : memref<256x16xf32, #tpu.memory_space<vmem>>, vector<1x16xf32>,
          %swap3A_329 = vector.shape_cast %swap3A_328 : vector<1x16xf32> to vector<16xf32>
          %swap3A_330 = vector.shape_cast %broadcast_in_dim3A_321 : vector<16xf32> to vector<1x16xf32>
          tpu.vector_store %arg13[%swap3A_326, %swap3A_327], %swap3A_330 {strides = array<i32>} : memref<256x16xf32, #tpu.memory_space<vmem>>, vector<1x16xf32>,
          %slice3A_331 = vector.extract_strided_slice %get3A_225 {offsets = [9], sizes = [1], strides = [1]} : vector<16xf32> to vector<1xf32>
          %squeeze3A_332 = vector.extract %slice3A_331[0] : f32 from vector<1xf32>
          %broadcast_in_dim3A_333 = vector.broadcast %squeeze3A_332 : f32 to vector<16xf32>
          %mul3A_334 = arith.constant 16 : i32
          %mul3A_335 = arith.muli %scan3A_219, %mul3A_334 : i32
          %add3A_336 = arith.constant 9 : i32
          %add3A_337 = arith.addi %mul3A_335, %add3A_336 : i32
          %swap3A_338 = arith.index_cast %add3A_337 : i32 to index
          %swap3A_339 = arith.constant 0 : index
          %swap3A_340 = tpu.vector_load %arg13[%swap3A_338, %swap3A_339] {strides = array<i32>} : memref<256x16xf32, #tpu.memory_space<vmem>>, vector<1x16xf32>,
          %swap3A_341 = vector.shape_cast %swap3A_340 : vector<1x16xf32> to vector<16xf32>
          %swap3A_342 = vector.shape_cast %broadcast_in_dim3A_333 : vector<16xf32> to vector<1x16xf32>
          tpu.vector_store %arg13[%swap3A_338, %swap3A_339], %swap3A_342 {strides = array<i32>} : memref<256x16xf32, #tpu.memory_space<vmem>>, vector<1x16xf32>,
          %slice3A_343 = vector.extract_strided_slice %get3A_225 {offsets = [10], sizes = [1], strides = [1]} : vector<16xf32> to vector<1xf32>
          %squeeze3A_344 = vector.extract %slice3A_343[0] : f32 from vector<1xf32>
          %broadcast_in_dim3A_345 = vector.broadcast %squeeze3A_344 : f32 to vector<16xf32>
          %mul3A_346 = arith.constant 16 : i32
          %mul3A_347 = arith.muli %scan3A_219, %mul3A_346 : i32
          %add3A_348 = arith.constant 10 : i32
          %add3A_349 = arith.addi %mul3A_347, %add3A_348 : i32
          %swap3A_350 = arith.index_cast %add3A_349 : i32 to index
          %swap3A_351 = arith.constant 0 : index
          %swap3A_352 = tpu.vector_load %arg13[%swap3A_350, %swap3A_351] {strides = array<i32>} : memref<256x16xf32, #tpu.memory_space<vmem>>, vector<1x16xf32>,
          %swap3A_353 = vector.shape_cast %swap3A_352 : vector<1x16xf32> to vector<16xf32>
          %swap3A_354 = vector.shape_cast %broadcast_in_dim3A_345 : vector<16xf32> to vector<1x16xf32>
          tpu.vector_store %arg13[%swap3A_350, %swap3A_351], %swap3A_354 {strides = array<i32>} : memref<256x16xf32, #tpu.memory_space<vmem>>, vector<1x16xf32>,
          %slice3A_355 = vector.extract_strided_slice %get3A_225 {offsets = [11], sizes = [1], strides = [1]} : vector<16xf32> to vector<1xf32>
          %squeeze3A_356 = vector.extract %slice3A_355[0] : f32 from vector<1xf32>
          %broadcast_in_dim3A_357 = vector.broadcast %squeeze3A_356 : f32 to vector<16xf32>
          %mul3A_358 = arith.constant 16 : i32
          %mul3A_359 = arith.muli %scan3A_219, %mul3A_358 : i32
          %add3A_360 = arith.constant 11 : i32
          %add3A_361 = arith.addi %mul3A_359, %add3A_360 : i32
          %swap3A_362 = arith.index_cast %add3A_361 : i32 to index
          %swap3A_363 = arith.constant 0 : index
          %swap3A_364 = tpu.vector_load %arg13[%swap3A_362, %swap3A_363] {strides = array<i32>} : memref<256x16xf32, #tpu.memory_space<vmem>>, vector<1x16xf32>,
          %swap3A_365 = vector.shape_cast %swap3A_364 : vector<1x16xf32> to vector<16xf32>
          %swap3A_366 = vector.shape_cast %broadcast_in_dim3A_357 : vector<16xf32> to vector<1x16xf32>
          tpu.vector_store %arg13[%swap3A_362, %swap3A_363], %swap3A_366 {strides = array<i32>} : memref<256x16xf32, #tpu.memory_space<vmem>>, vector<1x16xf32>,
          %slice3A_367 = vector.extract_strided_slice %get3A_225 {offsets = [12], sizes = [1], strides = [1]} : vector<16xf32> to vector<1xf32>
          %squeeze3A_368 = vector.extract %slice3A_367[0] : f32 from vector<1xf32>
          %broadcast_in_dim3A_369 = vector.broadcast %squeeze3A_368 : f32 to vector<16xf32>
          %mul3A_370 = arith.constant 16 : i32
          %mul3A_371 = arith.muli %scan3A_219, %mul3A_370 : i32
          %add3A_372 = arith.constant 12 : i32
          %add3A_373 = arith.addi %mul3A_371, %add3A_372 : i32
          %swap3A_374 = arith.index_cast %add3A_373 : i32 to index
          %swap3A_375 = arith.constant 0 : index
          %swap3A_376 = tpu.vector_load %arg13[%swap3A_374, %swap3A_375] {strides = array<i32>} : memref<256x16xf32, #tpu.memory_space<vmem>>, vector<1x16xf32>,
          %swap3A_377 = vector.shape_cast %swap3A_376 : vector<1x16xf32> to vector<16xf32>
          %swap3A_378 = vector.shape_cast %broadcast_in_dim3A_369 : vector<16xf32> to vector<1x16xf32>
          tpu.vector_store %arg13[%swap3A_374, %swap3A_375], %swap3A_378 {strides = array<i32>} : memref<256x16xf32, #tpu.memory_space<vmem>>, vector<1x16xf32>,
          %slice3A_379 = vector.extract_strided_slice %get3A_225 {offsets = [13], sizes = [1], strides = [1]} : vector<16xf32> to vector<1xf32>
          %squeeze3A_380 = vector.extract %slice3A_379[0] : f32 from vector<1xf32>
          %broadcast_in_dim3A_381 = vector.broadcast %squeeze3A_380 : f32 to vector<16xf32>
          %mul3A_382 = arith.constant 16 : i32
          %mul3A_383 = arith.muli %scan3A_219, %mul3A_382 : i32
          %add3A_384 = arith.constant 13 : i32
          %add3A_385 = arith.addi %mul3A_383, %add3A_384 : i32
          %swap3A_386 = arith.index_cast %add3A_385 : i32 to index
          %swap3A_387 = arith.constant 0 : index
          %swap3A_388 = tpu.vector_load %arg13[%swap3A_386, %swap3A_387] {strides = array<i32>} : memref<256x16xf32, #tpu.memory_space<vmem>>, vector<1x16xf32>,
          %swap3A_389 = vector.shape_cast %swap3A_388 : vector<1x16xf32> to vector<16xf32>
          %swap3A_390 = vector.shape_cast %broadcast_in_dim3A_381 : vector<16xf32> to vector<1x16xf32>
          tpu.vector_store %arg13[%swap3A_386, %swap3A_387], %swap3A_390 {strides = array<i32>} : memref<256x16xf32, #tpu.memory_space<vmem>>, vector<1x16xf32>,
          %slice3A_391 = vector.extract_strided_slice %get3A_225 {offsets = [14], sizes = [1], strides = [1]} : vector<16xf32> to vector<1xf32>
          %squeeze3A_392 = vector.extract %slice3A_391[0] : f32 from vector<1xf32>
          %broadcast_in_dim3A_393 = vector.broadcast %squeeze3A_392 : f32 to vector<16xf32>
          %mul3A_394 = arith.constant 16 : i32
          %mul3A_395 = arith.muli %scan3A_219, %mul3A_394 : i32
          %add3A_396 = arith.constant 14 : i32
          %add3A_397 = arith.addi %mul3A_395, %add3A_396 : i32
          %swap3A_398 = arith.index_cast %add3A_397 : i32 to index
          %swap3A_399 = arith.constant 0 : index
          %swap3A_400 = tpu.vector_load %arg13[%swap3A_398, %swap3A_399] {strides = array<i32>} : memref<256x16xf32, #tpu.memory_space<vmem>>, vector<1x16xf32>,
          %swap3A_401 = vector.shape_cast %swap3A_400 : vector<1x16xf32> to vector<16xf32>
          %swap3A_402 = vector.shape_cast %broadcast_in_dim3A_393 : vector<16xf32> to vector<1x16xf32>
          tpu.vector_store %arg13[%swap3A_398, %swap3A_399], %swap3A_402 {strides = array<i32>} : memref<256x16xf32, #tpu.memory_space<vmem>>, vector<1x16xf32>,
          %slice3A_403 = vector.extract_strided_slice %get3A_225 {offsets = [15], sizes = [1], strides = [1]} : vector<16xf32> to vector<1xf32>
          %squeeze3A_404 = vector.extract %slice3A_403[0] : f32 from vector<1xf32>
          %broadcast_in_dim3A_405 = vector.broadcast %squeeze3A_404 : f32 to vector<16xf32>
          %mul3A_406 = arith.constant 16 : i32
          %mul3A_407 = arith.muli %scan3A_219, %mul3A_406 : i32
          %add3A_408 = arith.constant 15 : i32
          %add3A_409 = arith.addi %mul3A_407, %add3A_408 : i32
          %swap3A_410 = arith.index_cast %add3A_409 : i32 to index
          %swap3A_411 = arith.constant 0 : index
          %swap3A_412 = tpu.vector_load %arg13[%swap3A_410, %swap3A_411] {strides = array<i32>} : memref<256x16xf32, #tpu.memory_space<vmem>>, vector<1x16xf32>,
          %swap3A_413 = vector.shape_cast %swap3A_412 : vector<1x16xf32> to vector<16xf32>
          %swap3A_414 = vector.shape_cast %broadcast_in_dim3A_405 : vector<16xf32> to vector<1x16xf32>
          tpu.vector_store %arg13[%swap3A_410, %swap3A_411], %swap3A_414 {strides = array<i32>} : memref<256x16xf32, #tpu.memory_space<vmem>>, vector<1x16xf32>,
          %scan3A_415 = arith.constant 0 : i32
          scf.yield %scan3A_415 : i32
        }
        %scan3A_218 = arith.constant 16 : i32
      } else {
      }
      %add3A_198 = arith.constant 1 : i32
      %add3A_199 = arith.addi %mul3A_103, %add3A_198 : i32
      %dma_start3A_200 = arith.constant 0 : i32
      %dma_start3A_201 = tpu.memref_slice %arg8[%add3A_199, %dma_start3A_200] : memref<40x256xi32, #tpu.memory_space<vmem>> -> memref<1x256xi32, #tpu.memory_space<vmem>>
      %dma_start3A_202 = tpu.memref_squeeze %dma_start3A_201 : memref<1x256xi32, #tpu.memory_space<vmem>> -> memref<256xi32, #tpu.memory_space<vmem>>
      %dma_start3A_203 = arith.constant 0 : i32
      %dma_start3A_204 = arith.constant 0 : i32
      %dma_start3A_205 = tpu.memref_slice %arg14[%dma_start3A_203, %dma_start3A_204] : memref<10240x64xf32, #tpu.memory_space<vmem_shared>> -> memref<10240x64xf32, #tpu.memory_space<vmem_shared>>
      tpu.enqueue_indirect_dma source(%arg11 : memref<256x64xf32, #tpu.memory_space<vmem>>) target(%dma_start3A_205 : memref<10240x64xf32, #tpu.memory_space<vmem_shared>>) offsets(%dma_start3A_202 : memref<256xi32, #tpu.memory_space<vmem>>) semaphore(%arg19 : memref<!tpu.dma_semaphore, #tpu.memory_space<semaphore_mem>>) {add = true}
      %eq3A_206 = arith.constant 1 : i32
      %eq3A_207 = arith.cmpi eq, %arg0, %eq3A_206 : i32
      %convert_element_type3A_208 = arith.extui %eq3A_207 : i1 to i32
      %cond3A_209 = arith.constant 0 : i32
      %cond3A_210 = arith.cmpi ne, %convert_element_type3A_208, %cond3A_209 : i32
      scf.if %cond3A_210 {
        %dma_start3A_212 = arith.constant 0 : i32
        %dma_start3A_213 = tpu.memref_slice %arg8[%add3A_199, %dma_start3A_212] : memref<40x256xi32, #tpu.memory_space<vmem>> -> memref<1x256xi32, #tpu.memory_space<vmem>>
        %dma_start3A_214 = tpu.memref_squeeze %dma_start3A_213 : memref<1x256xi32, #tpu.memory_space<vmem>> -> memref<256xi32, #tpu.memory_space<vmem>>
        %dma_start3A_215 = arith.constant 0 : i32
        %dma_start3A_216 = arith.constant 0 : i32
        %dma_start3A_217 = tpu.memref_slice %arg15[%dma_start3A_215, %dma_start3A_216] : memref<10240x16xf32, #tpu.memory_space<vmem_shared>> -> memref<10240x16xf32, #tpu.memory_space<vmem_shared>>
        tpu.enqueue_indirect_dma source(%arg13 : memref<256x16xf32, #tpu.memory_space<vmem>>) target(%dma_start3A_217 : memref<10240x16xf32, #tpu.memory_space<vmem_shared>>) offsets(%dma_start3A_214 : memref<256xi32, #tpu.memory_space<vmem>>) semaphore(%arg21 : memref<!tpu.dma_semaphore, #tpu.memory_space<semaphore_mem>>) {add = true}
      } else {
      }
      %scan3A_211 = arith.constant 0 : i32
      scf.yield %scan3A_211 : i32
    }
    %scan3A_86 = arith.constant 20 : i32
    %dma_wait3A_87 = arith.constant 39 : i32
    %dma_wait3A_88 = arith.constant 0 : i32
    %dma_wait3A_89 = tpu.memref_slice %arg8[%dma_wait3A_87, %dma_wait3A_88] : memref<40x256xi32, #tpu.memory_space<vmem>> -> memref<1x256xi32, #tpu.memory_space<vmem>>
    %dma_wait3A_90 = tpu.memref_squeeze %dma_wait3A_89 : memref<1x256xi32, #tpu.memory_space<vmem>> -> memref<256xi32, #tpu.memory_space<vmem>>
    %dma_wait3A_91 = arith.constant 0 : i32
    %dma_wait3A_92 = arith.constant 0 : i32
    %dma_wait3A_93 = tpu.memref_slice %arg14[%dma_wait3A_91, %dma_wait3A_92] : memref<10240x64xf32, #tpu.memory_space<vmem_shared>> -> memref<10240x64xf32, #tpu.memory_space<vmem_shared>>
    tpu.wait_indirect_dma semaphore(%arg19 : memref<!tpu.dma_semaphore, #tpu.memory_space<semaphore_mem>>) src(%arg11 : memref<256x64xf32, #tpu.memory_space<vmem>>) dst(%dma_wait3A_93 : memref<10240x64xf32, #tpu.memory_space<vmem_shared>>)
    %eq3A_94 = arith.constant 1 : i32
    %eq3A_95 = arith.cmpi eq, %arg0, %eq3A_94 : i32
    %convert_element_type3A_96 = arith.extui %eq3A_95 : i1 to i32
    %cond3A_97 = arith.constant 0 : i32
    %cond3A_98 = arith.cmpi ne, %convert_element_type3A_96, %cond3A_97 : i32
    scf.if %cond3A_98 {
      %dma_wait3A_100 = arith.constant 39 : i32
      %dma_wait3A_101 = arith.constant 0 : i32
      %dma_wait3A_102 = tpu.memref_slice %arg8[%dma_wait3A_100, %dma_wait3A_101] : memref<40x256xi32, #tpu.memory_space<vmem>> -> memref<1x256xi32, #tpu.memory_space<vmem>>
      %dma_wait3A_103 = tpu.memref_squeeze %dma_wait3A_102 : memref<1x256xi32, #tpu.memory_space<vmem>> -> memref<256xi32, #tpu.memory_space<vmem>>
      %dma_wait3A_104 = arith.constant 0 : i32
      %dma_wait3A_105 = arith.constant 0 : i32
      %dma_wait3A_106 = tpu.memref_slice %arg15[%dma_wait3A_104, %dma_wait3A_105] : memref<10240x16xf32, #tpu.memory_space<vmem_shared>> -> memref<10240x16xf32, #tpu.memory_space<vmem_shared>>
      tpu.wait_indirect_dma semaphore(%arg21 : memref<!tpu.dma_semaphore, #tpu.memory_space<semaphore_mem>>) src(%arg13 : memref<256x16xf32, #tpu.memory_space<vmem>>) dst(%dma_wait3A_106 : memref<10240x16xf32, #tpu.memory_space<vmem_shared>>)
    } else {
    }
    %barrier3A_99 = arith.constant 0 : index
    tpu.barrier barrier_id(%barrier3A_99)
    "tpu.region"() ({
      %run_scoped3A_100 = tpu.sem_alloc : memref<!tpu.dma_semaphore, #tpu.memory_space<semaphore_mem>>
      %dma_start3A_101 = arith.constant 0 : i32
      %dma_start3A_102 = tpu.memref_slice %arg5[%arg0, %mul3A_7, %dma_start3A_101] : memref<2x10240x64xf32, #tpu.memory_space<hbm>> -> memref<1x640x64xf32, #tpu.memory_space<hbm>>
      %dma_start3A_103 = tpu.memref_squeeze %dma_start3A_102 : memref<1x640x64xf32, #tpu.memory_space<hbm>> -> memref<640x64xf32, #tpu.memory_space<hbm>>
      %dma_start3A_104 = arith.constant 0 : i32
      %dma_start3A_105 = tpu.memref_slice %arg14[%mul3A_7, %dma_start3A_104] : memref<10240x64xf32, #tpu.memory_space<vmem_shared>> -> memref<640x64xf32, #tpu.memory_space<vmem_shared>>
      tpu.enqueue_dma source(%dma_start3A_105 : memref<640x64xf32, #tpu.memory_space<vmem_shared>>) target(%dma_start3A_103 : memref<640x64xf32, #tpu.memory_space<hbm>>) target_semaphore(%run_scoped3A_100 : memref<!tpu.dma_semaphore, #tpu.memory_space<semaphore_mem>>)
      %dma_wait3A_106 = arith.constant 0 : i32
      %dma_wait3A_107 = tpu.memref_slice %arg5[%arg0, %mul3A_7, %dma_wait3A_106] : memref<2x10240x64xf32, #tpu.memory_space<hbm>> -> memref<1x640x64xf32, #tpu.memory_space<hbm>>
      %dma_wait3A_108 = tpu.memref_squeeze %dma_wait3A_107 : memref<1x640x64xf32, #tpu.memory_space<hbm>> -> memref<640x64xf32, #tpu.memory_space<hbm>>
      %dma_wait3A_109 = arith.constant 0 : i32
      %dma_wait3A_110 = tpu.memref_slice %arg14[%mul3A_7, %dma_wait3A_109] : memref<10240x64xf32, #tpu.memory_space<vmem_shared>> -> memref<640x64xf32, #tpu.memory_space<vmem_shared>>
      tpu.wait_dma2 semaphore(%run_scoped3A_100 : memref<!tpu.dma_semaphore, #tpu.memory_space<semaphore_mem>>) src(%dma_wait3A_110 : memref<640x64xf32, #tpu.memory_space<vmem_shared>>) dst(%dma_wait3A_108 : memref<640x64xf32, #tpu.memory_space<hbm>>)
      tpu.yield
    }) : () -> ()
    "tpu.region"() ({
      %run_scoped3A_100 = tpu.sem_alloc : memref<!tpu.dma_semaphore, #tpu.memory_space<semaphore_mem>>
      %dma_start3A_101 = arith.constant 0 : i32
      %dma_start3A_102 = tpu.memref_slice %arg6[%arg0, %mul3A_7, %dma_start3A_101] : memref<2x10240x16xf32, #tpu.memory_space<hbm>> -> memref<1x640x16xf32, #tpu.memory_space<hbm>>
      %dma_start3A_103 = tpu.memref_squeeze %dma_start3A_102 : memref<1x640x16xf32, #tpu.memory_space<hbm>> -> memref<640x16xf32, #tpu.memory_space<hbm>>
      %dma_start3A_104 = arith.constant 0 : i32
      %dma_start3A_105 = tpu.memref_slice %arg15[%mul3A_7, %dma_start3A_104] : memref<10240x16xf32, #tpu.memory_space<vmem_shared>> -> memref<640x16xf32, #tpu.memory_space<vmem_shared>>
      tpu.enqueue_dma source(%dma_start3A_105 : memref<640x16xf32, #tpu.memory_space<vmem_shared>>) target(%dma_start3A_103 : memref<640x16xf32, #tpu.memory_space<hbm>>) target_semaphore(%run_scoped3A_100 : memref<!tpu.dma_semaphore, #tpu.memory_space<semaphore_mem>>)
      %dma_wait3A_106 = arith.constant 0 : i32
      %dma_wait3A_107 = tpu.memref_slice %arg6[%arg0, %mul3A_7, %dma_wait3A_106] : memref<2x10240x16xf32, #tpu.memory_space<hbm>> -> memref<1x640x16xf32, #tpu.memory_space<hbm>>
      %dma_wait3A_108 = tpu.memref_squeeze %dma_wait3A_107 : memref<1x640x16xf32, #tpu.memory_space<hbm>> -> memref<640x16xf32, #tpu.memory_space<hbm>>
      %dma_wait3A_109 = arith.constant 0 : i32
      %dma_wait3A_110 = tpu.memref_slice %arg15[%mul3A_7, %dma_wait3A_109] : memref<10240x16xf32, #tpu.memory_space<vmem_shared>> -> memref<640x16xf32, #tpu.memory_space<vmem_shared>>
      tpu.wait_dma2 semaphore(%run_scoped3A_100 : memref<!tpu.dma_semaphore, #tpu.memory_space<semaphore_mem>>) src(%dma_wait3A_110 : memref<640x16xf32, #tpu.memory_space<vmem_shared>>) dst(%dma_wait3A_108 : memref<640x16xf32, #tpu.memory_space<hbm>>)
      tpu.yield
    }) : () -> ()
    return
  }
}

module attributes {stable_mosaic.version = 14 : i64} {
  func.func @body(%arg0: i32, %arg1: memref<1000x128xf32, #tpu.memory_space<vmem>>, %arg2: memref<128x128xf32, #tpu.memory_space<vmem>>, %arg3: memref<1x128xf32, #tpu.memory_space<vmem>>, %arg4: memref<1000x128xf32, #tpu.memory_space<vmem>>) attributes {dimension_semantics = [#tpu.dimension_semantics<arbitrary>], iteration_bounds = array<i64: 10>, scalar_prefetch = 0 : i64, scratch_operands = 0 : i64, tpu.core_type = #tpu.core_type<tc>, window_params = [{transform_indices = @transform_0, window_bounds = array<i64: 1000, 128>}, {pipeline_mode = #tpu.pipeline_mode<synchronous>, transform_indices = @transform_1, window_bounds = array<i64: 128, 128>}, {pipeline_mode = #tpu.pipeline_mode<synchronous>, transform_indices = @transform_2, window_bounds = array<i64: 1, 128>}, {transform_indices = @transform_3, window_bounds = array<i64: 1000, 128>}]} {
    %get3A = arith.constant 0 : index
    %get3A_0 = arith.constant 0 : index
    %get3A_1 = vector.load %arg1[%get3A, %get3A_0] : memref<1000x128xf32, #tpu.memory_space<vmem>>, vector<1000x128xf32>
    %get3A_2 = arith.constant 0 : index
    %get3A_3 = arith.constant 0 : index
    %get3A_4 = vector.load %arg2[%get3A_2, %get3A_3] : memref<128x128xf32, #tpu.memory_space<vmem>>, vector<128x128xf32>
    %dot_general3A = arith.constant dense<0.000000e+00> : vector<1000x128xf32>
    %dot_general3A_5 = tpu.matmul %get3A_1, %get3A_4, %dot_general3A {dimension_numbers = #tpu.dot_dimension_numbers<[1], [0], [0], [1], [0, 0, 1, 1], [], []>, transpose_lhs_hint = false} : vector<1000x128xf32>, vector<128x128xf32>, vector<1000x128xf32> -> vector<1000x128xf32>
    %get3A_6 = arith.constant 0 : index
    %get3A_7 = arith.constant 0 : index
    %get3A_8 = vector.load %arg3[%get3A_6, %get3A_7] : memref<1x128xf32, #tpu.memory_space<vmem>>, vector<1x128xf32>
    %add3A = vector.broadcast %get3A_8 : vector<1x128xf32> to vector<1000x128xf32>
    %add3A_9 = arith.addf %dot_general3A_5, %add3A : vector<1000x128xf32>
    %swap3A = arith.constant 0 : index
    %swap3A_10 = arith.constant 0 : index
    %swap3A_11 = vector.load %arg4[%swap3A, %swap3A_10] : memref<1000x128xf32, #tpu.memory_space<vmem>>, vector<1000x128xf32>
    tpu.vector_store %arg4[%swap3A, %swap3A_10], %add3A_9 {strides = array<i32>} : memref<1000x128xf32, #tpu.memory_space<vmem>>, vector<1000x128xf32>,
    return
  }
  func.func @transform_0(%arg0: i32) -> (i32, i32) {
    %c0_i32 = arith.constant 0 : i32
    %c0_i32_0 = arith.constant 0 : i32
    return %arg0, %c0_i32 : i32, i32
  }
  func.func @transform_1(%arg0: i32) -> (i32, i32) {
    %c0_i32 = arith.constant 0 : i32
    %c0_i32_0 = arith.constant 0 : i32
    %c0_i32_1 = arith.constant 0 : i32
    return %c0_i32, %c0_i32_0 : i32, i32
  }
  func.func @transform_2(%arg0: i32) -> (i32, i32) {
    %c0_i32 = arith.constant 0 : i32
    %c0_i32_0 = arith.constant 0 : i32
    %c0_i32_1 = arith.constant 0 : i32
    return %c0_i32, %c0_i32_0 : i32, i32
  }
  func.func @transform_3(%arg0: i32) -> (i32, i32) {
    %c0_i32 = arith.constant 0 : i32
    %c0_i32_0 = arith.constant 0 : i32
    return %arg0, %c0_i32 : i32, i32
  }
}

module attributes {stable_mosaic.version = 14 : i64} {
  func.func @body(%arg0: i32, %arg1: memref<1000x128xf32, #tpu.memory_space<vmem>>, %arg2: memref<2x1000x64xf32, #tpu.memory_space<vmem>>, %arg3: memref<2x1000x16xf32, #tpu.memory_space<vmem>>, %arg4: memref<2x64x128xf32, #tpu.memory_space<vmem>>, %arg5: memref<1000x128xf32, #tpu.memory_space<vmem>>) attributes {dimension_semantics = [#tpu.dimension_semantics<arbitrary>], iteration_bounds = array<i64: 10>, scalar_prefetch = 0 : i64, scratch_operands = 0 : i64, tpu.core_type = #tpu.core_type<tc>, window_params = [{transform_indices = @transform_0, window_bounds = array<i64: 1000, 128>}, {transform_indices = @transform_1, window_bounds = array<i64: 2, 1000, 64>}, {transform_indices = @transform_2, window_bounds = array<i64: 2, 1000, 16>}, {pipeline_mode = #tpu.pipeline_mode<synchronous>, transform_indices = @transform_3, window_bounds = array<i64: 2, 64, 128>}, {transform_indices = @transform_4, window_bounds = array<i64: 1000, 128>}]} {
    %get3A = arith.constant 0 : index
    %get3A_0 = arith.constant 0 : index
    %get3A_1 = arith.constant 0 : index
    %get3A_2 = vector.load %arg3[%get3A, %get3A_0, %get3A_1] : memref<2x1000x16xf32, #tpu.memory_space<vmem>>, vector<1x1000x1xf32>
    %get3A_3 = vector.shape_cast %get3A_2 : vector<1x1000x1xf32> to vector<1000x1xf32>
    %get3A_4 = arith.constant 1 : index
    %get3A_5 = arith.constant 0 : index
    %get3A_6 = arith.constant 0 : index
    %get3A_7 = vector.load %arg3[%get3A_4, %get3A_5, %get3A_6] : memref<2x1000x16xf32, #tpu.memory_space<vmem>>, vector<1x1000x1xf32>
    %get3A_8 = vector.shape_cast %get3A_7 : vector<1x1000x1xf32> to vector<1000x1xf32>
    %add3A = arith.addf %get3A_3, %get3A_8 : vector<1000x1xf32>
    %get3A_9 = arith.constant 0 : index
    %get3A_10 = arith.constant 0 : index
    %get3A_11 = vector.load %arg1[%get3A_9, %get3A_10] : memref<1000x128xf32, #tpu.memory_space<vmem>>, vector<1000x128xf32>
    %mul3A = vector.broadcast %add3A : vector<1000x1xf32> to vector<1000x128xf32>
    %mul3A_12 = arith.mulf %mul3A, %get3A_11 : vector<1000x128xf32>
    %get3A_13 = arith.constant 0 : index
    %get3A_14 = arith.constant 0 : index
    %get3A_15 = arith.constant 0 : index
    %get3A_16 = vector.load %arg2[%get3A_13, %get3A_14, %get3A_15] : memref<2x1000x64xf32, #tpu.memory_space<vmem>>, vector<1x1000x64xf32>
    %get3A_17 = vector.shape_cast %get3A_16 : vector<1x1000x64xf32> to vector<1000x64xf32>
    %get3A_18 = arith.constant 0 : index
    %get3A_19 = arith.constant 0 : index
    %get3A_20 = arith.constant 0 : index
    %get3A_21 = vector.load %arg4[%get3A_18, %get3A_19, %get3A_20] : memref<2x64x128xf32, #tpu.memory_space<vmem>>, vector<1x64x128xf32>
    %get3A_22 = vector.shape_cast %get3A_21 : vector<1x64x128xf32> to vector<64x128xf32>
    %dot_general3A = arith.constant dense<0.000000e+00> : vector<1000x128xf32>
    %dot_general3A_23 = tpu.matmul %get3A_17, %get3A_22, %dot_general3A {dimension_numbers = #tpu.dot_dimension_numbers<[1], [0], [0], [1], [0, 0, 1, 1], [], []>, transpose_lhs_hint = false} : vector<1000x64xf32>, vector<64x128xf32>, vector<1000x128xf32> -> vector<1000x128xf32>
    %add3A_24 = arith.addf %mul3A_12, %dot_general3A_23 : vector<1000x128xf32>
    %get3A_25 = arith.constant 1 : index
    %get3A_26 = arith.constant 0 : index
    %get3A_27 = arith.constant 0 : index
    %get3A_28 = vector.load %arg2[%get3A_25, %get3A_26, %get3A_27] : memref<2x1000x64xf32, #tpu.memory_space<vmem>>, vector<1x1000x64xf32>
    %get3A_29 = vector.shape_cast %get3A_28 : vector<1x1000x64xf32> to vector<1000x64xf32>
    %get3A_30 = arith.constant 1 : index
    %get3A_31 = arith.constant 0 : index
    %get3A_32 = arith.constant 0 : index
    %get3A_33 = vector.load %arg4[%get3A_30, %get3A_31, %get3A_32] : memref<2x64x128xf32, #tpu.memory_space<vmem>>, vector<1x64x128xf32>
    %get3A_34 = vector.shape_cast %get3A_33 : vector<1x64x128xf32> to vector<64x128xf32>
    %dot_general3A_35 = arith.constant dense<0.000000e+00> : vector<1000x128xf32>
    %dot_general3A_36 = tpu.matmul %get3A_29, %get3A_34, %dot_general3A_35 {dimension_numbers = #tpu.dot_dimension_numbers<[1], [0], [0], [1], [0, 0, 1, 1], [], []>, transpose_lhs_hint = false} : vector<1000x64xf32>, vector<64x128xf32>, vector<1000x128xf32> -> vector<1000x128xf32>
    %add3A_37 = arith.addf %add3A_24, %dot_general3A_36 : vector<1000x128xf32>
    %swap3A = arith.constant 0 : index
    %swap3A_38 = arith.constant 0 : index
    %swap3A_39 = vector.load %arg5[%swap3A, %swap3A_38] : memref<1000x128xf32, #tpu.memory_space<vmem>>, vector<1000x128xf32>
    tpu.vector_store %arg5[%swap3A, %swap3A_38], %add3A_37 {strides = array<i32>} : memref<1000x128xf32, #tpu.memory_space<vmem>>, vector<1000x128xf32>,
    return
  }
  func.func @transform_0(%arg0: i32) -> (i32, i32) {
    %c0_i32 = arith.constant 0 : i32
    %c0_i32_0 = arith.constant 0 : i32
    return %arg0, %c0_i32 : i32, i32
  }
  func.func @transform_1(%arg0: i32) -> (i32, i32, i32) {
    %c0_i32 = arith.constant 0 : i32
    %c0_i32_0 = arith.constant 0 : i32
    %c0_i32_1 = arith.constant 0 : i32
    return %c0_i32, %arg0, %c0_i32_0 : i32, i32, i32
  }
  func.func @transform_2(%arg0: i32) -> (i32, i32, i32) {
    %c0_i32 = arith.constant 0 : i32
    %c0_i32_0 = arith.constant 0 : i32
    %c0_i32_1 = arith.constant 0 : i32
    return %c0_i32, %arg0, %c0_i32_0 : i32, i32, i32
  }
  func.func @transform_3(%arg0: i32) -> (i32, i32, i32) {
    %c0_i32 = arith.constant 0 : i32
    %c0_i32_0 = arith.constant 0 : i32
    %c0_i32_1 = arith.constant 0 : i32
    %c0_i32_2 = arith.constant 0 : i32
    return %c0_i32, %c0_i32_0, %c0_i32_1 : i32, i32, i32
  }
  func.func @transform_4(%arg0: i32) -> (i32, i32) {
    %c0_i32 = arith.constant 0 : i32
    %c0_i32_0 = arith.constant 0 : i32
    return %arg0, %c0_i32 : i32, i32
  }
}

</mosaic_0001>

<sc_bundles>
// kernel: kernel.5.cloned.1.call-start
scs
__scs_entry_jumppad:
0x0: {  	(pc) =	sbr.rel $0x88, $3  }
0x1: {  	(tag) =	ssettag $0x0;
	lr =	simm.s32 $0x1  }
0x2: {  	[smem:$0x3F9C] =	sst lr;
	_ =	strace $0xD0000000  }
0x3: {  	_ = 	snop  }
0x4: {  	_ = 	snop  }
0x5: {  	_ = 	snop  }
0x6: {  	_ = 	snop  }
0x7: {  	_ = 	snop  }
__scs_overlays_trampoline_lowered:
0x8: {  	[smem:$0x3FAB] =	sst s0  }
0x9: {  	[smem:$0x3FAC] =	sst s1  }
0xa: {  	[smem:$0x3FAD] =	sst s2  }
0xb: {  	[smem:$0x3FAE] =	sst s3  }
0xc: {  	[smem:$0x3FAF] =	sst s4  }
0xd: {  	[smem:$0x3FB0] =	sst s5  }
0xe: {  	[smem:$0x3FB1] =	sst s6  }
0xf: {  	[smem:$0x3FB2] =	sst s7  }
0x10: {  	[smem:$0x3FB3] =	sst s8  }
0x11: {  	[smem:$0x3FB4] =	sst s9;
	s0 =	simm.s32 @!p0 $0x0  }
0x12: {  	s1 =	sld [smem:$0x3F9A];
	s0 =	simm.s32 @p0 $0x1  }
0x13: {  	[smem:$0x3FB5] =	sst s0;
	s0 =	simm.s32 @!p1 $0x0  }
0x14: {  	s2 =	sld [smem:$0x3F99];
	s0 =	simm.s32 @p1 $0x1  }
0x15: {  	[smem:$0x3FB6] =	sst s0;
	s0 =	simm.s32 @!p2 $0x0  }
0x16: {  	s3 =	sld [smem:$0x3FDB];
	s0 =	simm.s32 @p2 $0x1  }
0x17: {  	s4 =	simm.s32 $0x1BF5;
	[smem:$0x3FB8] =	sst s0  }
0x18: {  	s0 =	sld [smem:$0x3F9B];
	_ =	swait.ge [sflag:s4], $0x0  }
0x19: {  	s7 =	sld [smem:$0x3F9C]  }
0x1a: {  	s8 =	sadd.s32 $0xFFFFE003, lr  }
0x1b: {  	s9 =	sadd.s32 $0xFFFFFEF7, lr;
	s5 =	simm.s32 $0xFFFFFFFF;
	p2 =	slt.u32 s8, $0xFFFFF086  }
0x1c: {  	p1 =	slt.u32 s9, $0xF7A;
	s5 =	simm.s32 @!p2 $0x0  }
0x1d: {  	s5 =	simm.s32 @p1 $0x1;
	p0 =	seq.s32 s7, s2  }
0x1e: {  	s7 =	smul.u32 @!p0 $0xF7A, s2;
	p2 =	seq.s32 @!p0 s5, $0x0  }
0x1f: {  	s9 =	smul.u32 $0xF7A, s1;
	s8 =	simm.s32 @!p0 $0x1BF5;
	p2 =	por !p2, p0  }
0x20: {  	[sflag:s8] =	ssyncset.s32 @!p0 $0xFFFFF086;
	s6 =	sadd.s32 @!p0 s3, s7;
	s7 =	simm.s32 @!p0 $0x108  }
0x21: {  	s3 =	sadd.s32 s3, s9;
	s6 =	sadd.s32 @!p0 $0x88, s6;
	s7 =	simm.s32 @p2 $0x1082  }
0x22: {  	[simem:s7], [sflag:s8] =	dma.local @!p0 [hbm:s6], $0xF7A  }
0x23: {  	s9 =	sor.u32 $0xD0000000, s2;
	s6 =	simm.s32 $0x108;
	_ =	swait.ge @!p0 [sflag:s8], $0x0  }
0x24: {  	s3 =	sadd.s32 $0x88, s3;
	s6 =	simm.s32 @!p1 $0x1082;
	[sflag:s4] =	ssyncset.s32 $0xFFFFF086  }
0x25: {  	[simem:s6], [sflag:s4] =	dma.local [hbm:s3], $0xF7A  }
0x26: {  	[smem:$0x3F9C] =	sst s1;
	(tag) =	ssettag s2;
	_ =	strace s9  }
0x27: {  	s1 =	sld [smem:$0x3FAC]  }
0x28: {  	s2 =	sld [smem:$0x3FAD]  }
0x29: {  	s4 =	sld [smem:$0x3FAF]  }
0x2a: {  	p0 =	seq.s32 s5, $0x0;
	s5 =	sld [smem:$0x3FB0]  }
0x2b: {  	s6 =	sld [smem:$0x3FB1]  }
0x2c: {  	s7 =	sld [smem:$0x3FB2]  }
0x2d: {  	s3 =	simm.s32 $0x108;
	s8 =	sld [smem:$0x3FB3]  }
0x2e: {  	s3 =	simm.s32 @!p0 $0x1082;
	s9 =	sld [smem:$0x3FB4]  }
0x2f: {  	lr =	sadd.s32 s0, s3;
	s0 =	sld [smem:$0x3FAB]  }
0x30: {  	s3 =	sld [smem:$0x3FAE]  }
0x31: {  	[smem:$0x3FB7] =	sst s10  }
0x32: {  	s10 =	sld [smem:$0x3FB5];
	_ =	sdelay $0x3  }
0x33: {  	p0 =	seq.s32 s10, $0x1;
	s10 =	sld [smem:$0x3FB7];
	_ =	sdelay $0x3  }
0x34: {  	[smem:$0x3FB7] =	sst s10  }
0x35: {  	s10 =	sld [smem:$0x3FB6];
	_ =	sdelay $0x3  }
0x36: {  	p1 =	seq.s32 s10, $0x1;
	s10 =	sld [smem:$0x3FB7];
	_ =	sdelay $0x3  }
0x37: {  	[smem:$0x3FB7] =	sst s10  }
0x38: {  	s10 =	sld [smem:$0x3FB8]  }
0x39: {  	_ = 	snop;
	(pc) =	sbr.ind lr, $3  }
0x3a: {  	_ = 	snop  }
0x3b: {  	_ = 	snop  }
0x3c: {  	p2 =	seq.s32 s10, $0x1;
	s10 =	sld [smem:$0x3FB7]  }
0x3d: {  	_ =	shalt  }
0x3e: {  	_ =	shalt  }
0x3f: {  	_ =	shalt  }
0x40: {  	_ =	shalt  }
0x41: {  	_ =	shalt  }
0x42: {  	_ =	shalt  }
0x43: {  	_ =	shalt  }
0x44: {  	_ =	shalt  }
0x45: {  	_ =	shalt  }
0x46: {  	_ =	shalt  }
0x47: {  	_ =	shalt  }
0x48: {  	_ =	shalt  }
0x49: {  	_ =	shalt  }
0x4a: {  	_ =	shalt  }
0x4b: {  	_ =	shalt  }
0x4c: {  	_ =	shalt  }
0x4d: {  	_ =	shalt  }
0x4e: {  	_ =	shalt  }
0x4f: {  	_ =	shalt  }
0x50: {  	_ =	shalt  }
0x51: {  	_ =	shalt  }
0x52: {  	_ =	shalt  }
0x53: {  	_ =	shalt  }
0x54: {  	_ =	shalt  }
0x55: {  	_ =	shalt  }
0x56: {  	_ =	shalt  }
0x57: {  	_ =	shalt  }
0x58: {  	_ =	shalt  }
0x59: {  	_ =	shalt  }
0x5a: {  	_ =	shalt  }
0x5b: {  	_ =	shalt  }
0x5c: {  	_ =	shalt  }
0x5d: {  	_ =	shalt  }
0x5e: {  	_ =	shalt  }
0x5f: {  	_ =	shalt  }
0x60: {  	_ =	shalt  }
0x61: {  	_ =	shalt  }
0x62: {  	_ =	shalt  }
0x63: {  	_ =	shalt  }
0x64: {  	_ =	shalt  }
0x65: {  	_ =	shalt  }
0x66: {  	_ =	shalt  }
0x67: {  	_ =	shalt  }
0x68: {  	_ =	shalt  }
0x69: {  	_ =	shalt  }
0x6a: {  	_ =	shalt  }
0x6b: {  	_ =	shalt  }
0x6c: {  	_ =	shalt  }
0x6d: {  	_ =	shalt  }
0x6e: {  	_ =	shalt  }
0x6f: {  	_ =	shalt  }
0x70: {  	_ =	shalt  }
0x71: {  	_ =	shalt  }
0x72: {  	_ =	shalt  }
0x73: {  	_ =	shalt  }
0x74: {  	_ =	shalt  }
0x75: {  	_ =	shalt  }
0x76: {  	_ =	shalt  }
0x77: {  	_ =	shalt  }
0x78: {  	_ =	shalt  }
0x79: {  	_ =	shalt  }
0x7a: {  	_ =	shalt  }
0x7b: {  	_ =	shalt  }
0x7c: {  	_ =	shalt  }
0x7d: {  	_ =	shalt  }
0x7e: {  	_ =	shalt  }
0x7f: {  	_ =	shalt  }
0x80: {  	_ =	shalt  }
0x81: {  	_ =	shalt  }
0x82: {  	_ =	shalt  }
0x83: {  	_ =	shalt  }
0x84: {  	_ =	shalt  }
0x85: {  	_ =	shalt  }
0x86: {  	_ =	shalt  }
0x87: {  	_ =	shalt  }
.Lfunc_end0:
.L_simem_size_0:
called_computation_lowered:
.L_overlay_start_0:
0x88: {  	s2 =	sld [smem:$0x3FD9]  }
0x89: {  	s3 =	sld [smem:$0x3FFE];
	_ =	sdelay $0x1  }
0x8a: {  	s1 =	srdreg.scid  }
0x8b: {  	s0 =	sand.u32 $0x1, s1  }
0x8c: {  	s17 =	sshll.u32 s0, $0xA;
	s2 =	sadd.s32 s3, s2  }
0x8d: {  	s2 =	sadd.s32 s2, s17  }
0x8e: {  	[smem:$0x3FC3] =	sst s2  }
0x8f: {  	_ = 	snop  }
0x90: {  	s2 =	sld [smem:$0x3FD0];
	(tm) =	ssettm $0x1  }
0x91: {  	s18 =	sld [smem:$0x3FFB];
	_ =	sdelay $0x3  }
0x92: {  	_ =	strace s18  }
0x93: {  	s3 =	sld [smem:$0x3FFC];
	_ =	sdelay $0x3  }
0x94: {  	_ =	strace s3  }
0x95: {  	s3 =	sld [smem:$0x3FFD];
	_ =	sdelay $0x3  }
0x96: {  	_ =	strace s3  }
0x97: {  	_ =	strace $0x8FFFFFFF  }
0x98: {  	s19 =	sld [smem:$0x3FDB];
	_ =	sdelay $0x1  }
0x99: {  	s4 =	simm.s32 $_scs_section_size  }
0x9a: {  	s5 =	simm.s32 $_size__tile_overlayer_lowered;
	s6 =	simm.s32 $_tile_overlayer_lowered  }
0x9b: {  	s22 =	simm.s32 $0x1BFF;
	s21 =	sshll.u32 s6, $0x1;
	s3 =	sadd.s32 s4, s19  }
0x9c: {  	s7 =	simm.s32 $0x0;
	s20 =	sshll.u32 s5, $0x1;
	s5 =	sadd.s32 s21, s3  }
0x9d: {  	[timem:s7], [sflag:s22] =	dma.local [hbm:s5], s20  }
0x9e: {  	_ =	swait.ge [sflag:s22], s20  }
0x9f: {  	s4 =	ssub.s32 $0x0, s20;
	[sflag:s22] =	ssyncset.done $0x0  }
0xa0: {  	[sflag:s22] =	ssyncadd.s32 s4;
	_ =	sdelay $0x1  }
0xa1: {  	s23 =	simm.s32 $0x1B8B  }
0xa2: {  	_ =	swait.ge [sflag:s23], $0x1  }
0xa3: {  	[sflag:s23] =	ssyncset.done $0x0  }
0xa4: {  	s25 =	simm.s32 $0x1B8E;
	s24 =	sld [smem:$0x3FFE];
	[sflag:s23] =	ssyncadd.s32 $0xFFFFFFFF  }
0xa5: {  	s26 =	simm.s32 $execute0_lowered;
	[smem:$0x3FD2] =	sst s25  }
0xa6: {  	s5 =	sshll.u32 s26, $0x1;
	_ =	strace $0x80000046;
	[dreg:$0x1] =	wrdreg $0xFFFFFFFF  }
0xa7: {  	s28 =	simm.s32 $_size_execute0_lowered;
	s3 =	sadd.s32 s3, s5;
	[dreg:$0x0] =	wrdreg $0x0  }
0xa8: {  	s5 =	sshll.u32 s28, $0x1;
	[dreg:$0x2] =	wrdreg s3  }
0xa9: {  	[dreg:$0x3] =	wrdreg s5  }
0xaa: {  	[dreg:$0x4] =	wrdreg $0xC0  }
0xab: {  	_ =	task [dreg:s7], $0x5FFFF  }
0xac: {  	[dreg:$0x1] =	wrdreg $0xFFFFFFFF  }
0xad: {  	[dreg:$0x0] =	wrdreg $0x60  }
0xae: {  	[dreg:$0x2] =	wrdreg s24  }
0xaf: {  	[dreg:$0x3] =	wrdreg s2  }
0xb0: {  	[dreg:$0x4] =	wrdreg $0x118000  }
0xb1: {  	[dreg:$0x5] =	wrdreg $0x1B8000  }
0xb2: {  	[dreg:$0x6] =	wrdreg $0x9  }
0xb3: {  	_ =	task.clear_ibuf [dreg:s7], $0x7FFFF;
	_ =	strace $0x90000046  }
0xb4: {  	s29 =	simm.s32 $0x9;
	_ =	strace $0x80000048  }
0xb5: {  	_ =	swait.ge [sflag:s29], $0x1  }
0xb6: {  	[sflag:s29] =	ssyncadd.s32 $0xFFFFFFFF  }
0xb7: {  	_ =	strace $0x90000048  }
0xb8: {  	_ =	sfence  }
0xb9: {  	s30 =	sld [smem:$0x0];
	_ =	sdelay $0x2  }
0xba: {  	s31 =	sshll.u32 s1, $0xD;
	s1 =	sshrl.u32 s1, $0x2  }
0xbb: {  	s3 =	sand.u32 $0x4000, s31;
	s1 =	sadd.s32 s1, s30  }
0xbc: {  	s0 =	sor.u32 s3, s0;
	s1 =	sshll.u32 s1, $0x11  }
0xbd: {  	s0 =	sor.u32 s1, s0  }
0xbe: {  	s0 =	sadd.s32 $0x8F2B, s0  }
0xbf: {  	[sflag:s0] =	ssyncadd.remote.s32 $0x1  }
0xc0: {  	_ =	sfence.sel $0xFFFF  }
0xc1: {  	[dreg:$0x0] =	wrdreg $0xFFFFFFFF;
	(pc) =	sbr.abs _section_cstart, $3  }
0xc2: {  	[dreg:$0x1] =	wrdreg $0xFFFFFFFF  }
0xc3: {  	_ =	task.clear_ibuf [dreg:s7], $0x2FFFF;
	_ =	strace $0x9FFFFFFF  }
0xc4: {  	(tm) =	ssettm $0x7FFFFFFF  }
0xc5: {  	_ =	shalt  }
tec
execute0_lowered:
.L_overlay_start_1:
0x0: {  	(tag) =	ssettag $0x1  }
0x1: {  	s0 =	rddreg [dreg:$0x0]  }
0x2: {  	s1 =	rddreg [dreg:$0x1]  }
0x3: {  	s2 =	rddreg [dreg:$0x2]  }
0x4: {  	s4 =	srdreg.scid;
	s15 =	stileid.u32  }
0x5: {  	s3 =	rddreg [dreg:$0x3];
	s5 =	simm.s32 $0x0;
	s6 =	smul.u32 $0xA000, s15  }
0x6: {  	s28 =	simm.s32 $0x1;
	s29 =	simm.s32 $0xB800;
	s8 =	smul.u32 $0x2800, s15  }
0x7: {  	s30 =	simm.s32 $0x2;
	s31 =	simm.s32 $0x3;
	s13 =	smul.u32 $0x280, s15  }
0x8: {  	s4 =	sand.u32 $0x1, s4;
	[smem:$0x7FF] =	sst s5;
	s15 =	smul.u32 $0x5000, s15  }
0x9: {  	s10 =	sadd.s32 $0x1C00, s0;
	s11 =	sadd.s32 $0x15C00, s0;
	s7 =	smul.u32 $0xA0000, s4  }
0xa: {  	_ =	strace $0x80000047;
	s9 =	smul.u32 $0x28000, s4;
	s12 =	ssub.s32 $0x2, s4  }
0xb: {  	s22 =	smul.u32 $0x13880, s4;
	p0 =	sne.s32 s4, $0x0;
	p1 =	seq.s32 s4, $0x0  }
0xc: {  	s26 =	sshrl.u32 s12, $0x1;
	s16 =	sadd.s32 $0x100, s13;
	s13 =	sadd.s32 $0x200, s13  }
0xd: {  	s21 =	sshrl.u32 s15, $0x3;
	s7 =	sadd.s32 s6, s7;
	s9 =	sadd.s32 s8, s9  }
0xe: {  	s6 =	sadd.s32 s6, s2;
	s17 =	sshll.u32 s16, $0x6;
	s19 =	sshll.u32 s13, $0x6  }
0xf: {  	s20 =	sshll.u32 s13, $0x4;
	s24 =	sadd.s32 s11, s21;
	s13 =	sadd.s32 $0x500, s21  }
0x10: {  	s15 =	sadd.s32 s1, s22;
	s22 =	simm.s32 $0x7800;
	s1 =	simm.s32 $0x5  }
0x11: {  	s7 =	sshrl.u32 s7, $0x3;
	s25 =	sshrl.u32 s9, $0x3;
	s9 =	ssub.s32 s12, s26  }
0x12: {  	s12 =	sshll.u32 s16, $0x4;
	[dreg:$0xa] =	wrdreg s24;
	s26 =	sadd.s32 s10, s13  }
0x13: {  	s24 =	simm.s32 $0xF800;
	s14 =	sadd.s32 s7, s0;
	s0 =	sadd.s32 s25, s0  }
0x14: {  	s7 =	sadd.s32 s8, s3;
	s8 =	sadd.s32 s17, s2;
	[dreg:$0xc] =	wrdreg s26  }
0x15: {  	s18 =	sadd.s32 s12, s3;
	s12 =	sadd.s32 s10, s21;
	[dreg:$0x5] =	wrdreg s8  }
0x16: {  	s21 =	smax.u32 s9, $0x1;
	s26 =	simm.s32 $0x100;
	[dreg:$0x6] =	wrdreg s18  }
.Ltmp0:
0x17: {  	s8 =	sadd.s32 s19, s2;
	s23 =	sadd.s32 $0xA000, s12;
	(pc) =	sbr.rel .LBB2_1-.Ltmp0, $4  }
0x18: {  	s25 =	sadd.s32 $0xA500, s12;
	s18 =	sadd.s32 s11, s13;
	[dreg:$0x7] =	wrdreg s8  }
0x19: {  	s19 =	sadd.s32 $0x1FC00, s14;
	s8 =	sadd.s32 s20, s3;
	[dreg:$0x9] =	wrdreg s23  }
0x1a: {  	[dreg:$0xb] =	wrdreg s25;
	s20 =	sadd.s32 $0x47C00, s0;
	s23 =	simm.s32 $0x7  }
0x1b: {  	v0 =	vimm.f32 $0.0e+00;
	s0 =	simm.s32 $0x4;
	s25 =	simm.s32 $0x10800;
	[dreg:$0x8] =	wrdreg s8  }
.LBB2_35:
0x1c: {  	_ =	swait.ge [sflag:s0], $0x4000  }
0x1d: {  	[sflag:s0] =	ssyncset.done $0x0  }
0x1e: {  	s8 =	simm.s32 @!p1 $0x6;
	[sflag:s0] =	ssyncadd.s32 $0xFFFFC000  }
0x1f: {  	_ =	swait.ge @!p1 [sflag:s8], $0x1000  }
0x20: {  	s16 =	stileid.u32;
	[sflag:s8] =	ssyncset.done @!p1 $0x0  }
0x21: {  	[sflag:s8] =	ssyncadd.s32 @!p1 $0xFFFFF000;
	s8 =	sshll.u32 s16, $0x6  }
0x22: {  	s9 =	sshrl.u32 s6, $0x3;
	[bflag:$0x0] =	sbarrier.arrive $0xFFFF;
	s8 =	sor.u32 $0x1C07, s8  }
0x23: {  	[hbm:s19], [sflag:s8] =	dma.local [spmem:s9], $0x1400  }
0x24: {  	s5 =	sadd.s32 $0x1, s5;
	_ =	swait.ge [sflag:s23], $0x1400  }
0x25: {  	p2 =	sne.s32 s5, s21;
	[sflag:s23] =	ssyncset.done $0x0  }
.Ltmp1:
0x26: {  	s17 =	sshrl.u32 s7, $0x3;
	[sflag:s23] =	ssyncadd.s32 $0xFFFFEC00;
	(pc) =	sbr.rel @!p2 .LBB2_36-.Ltmp1, $4  }
0x27: {  	[hbm:s20], [sflag:s8] =	dma.local [spmem:s17], $0x500  }
0x28: {  	_ =	swait.ge [sflag:s23], $0x500  }
0x29: {  	[sflag:s23] =	ssyncset.done $0x0  }
0x2a: {  	[sflag:s23] =	ssyncadd.s32 $0xFFFFFB00  }
.LBB2_1:
0x2b: {  	s8 =	simm.s32 $0x7820  }
0x2c: {  	[tilespmem:s8+$0x0] =	vst v0  }
0x2d: {  	[tilespmem:s8+$0xFFFFFFE0] =	vst v0  }
0x2e: {  	[tilespmem:s8+$0x10] =	vst v0  }
0x2f: {  	s9 =	simm.s32 $0x40;
	s10 =	simm.s32 $0x0;
	[tilespmem:s8+$0xFFFFFFF0] =	vst v0  }
.LBB2_2:
0x30: {  	p2 =	sne.s32 s9, $0x3FC0  }
0x31: {  	[tilespmem:s10+$0xF800] =	vst v0;
	s8 =	sadd.s32 $0x40, s8;
	s10 =	smov.u32 s9;
	s9 =	sadd.s32 $0x40, s9  }
.Ltmp2:
0x32: {  	[tilespmem:s8+$0x0] =	vst v0;
	(pc) =	sbr.rel @p2 .LBB2_2-.Ltmp2, $4  }
0x33: {  	_ = 	snop  }
0x34: {  	[tilespmem:s8+$0xFFFFFFE0] =	vst v0  }
0x35: {  	[tilespmem:s8+$0x10] =	vst v0  }
0x36: {  	s10 =	sshra.s32 s10, $0x2;
	[tilespmem:s8+$0xFFFFFFF0] =	vst v0  }
0x37: {  	[tilespmem:s10+$0xF800] =	vst v0  }
0x38: {  	[spmem:s6] =	stream.linear.scatter [tilespmem:s22], [sflag:$0x7], $0x4000, $0x38;
	[tilespmem:$0x1E000] =	vst v63  }
0x39: {  	_ =	swait.ge [sflag:s23], $0x4000  }
0x3a: {  	[sflag:s23] =	ssyncset.done $0x0  }
0x3b: {  	[sflag:s23] =	ssyncadd.s32 $0xFFFFC000  }
0x3c: {  	[spmem:s7] =	stream.linear.scatter [tilespmem:s24], [sflag:$0x7], $0x1000, $0x38;
	[tilespmem:$0x1E000] =	vst v63  }
0x3d: {  	_ =	swait.ge [sflag:s23], $0x1000  }
0x3e: {  	[sflag:s23] =	ssyncset.done $0x0  }
0x3f: {  	s8 =	rddreg [dreg:$0x5];
	[sflag:s23] =	ssyncadd.s32 $0xFFFFF000  }
0x40: {  	[spmem:s8] =	stream.linear.scatter [tilespmem:s22], [sflag:$0x7], $0x4000, $0x38;
	[tilespmem:$0x1E000] =	vst v63  }
0x41: {  	_ =	swait.ge [sflag:s23], $0x4000  }
0x42: {  	[sflag:s23] =	ssyncset.done $0x0  }
0x43: {  	s11 =	rddreg [dreg:$0x6];
	[sflag:s23] =	ssyncadd.s32 $0xFFFFC000  }
0x44: {  	[spmem:s11] =	stream.linear.scatter [tilespmem:s24], [sflag:$0x7], $0x1000, $0x38;
	[tilespmem:$0x1E000] =	vst v63  }
0x45: {  	_ =	swait.ge [sflag:s23], $0x1000  }
0x46: {  	[sflag:s23] =	ssyncset.done $0x0  }
0x47: {  	s13 =	rddreg [dreg:$0x7];
	[sflag:s23] =	ssyncadd.s32 $0xFFFFF000  }
0x48: {  	[spmem:s13] =	stream.linear.scatter [tilespmem:s22], [sflag:$0x7], $0x2000, $0x38;
	[tilespmem:$0x1E000] =	vst v63  }
0x49: {  	_ =	swait.ge [sflag:s23], $0x2000  }
0x4a: {  	[sflag:s23] =	ssyncset.done $0x0  }
0x4b: {  	s14 =	rddreg [dreg:$0x8];
	[sflag:s23] =	ssyncadd.s32 $0xFFFFE000  }
0x4c: {  	[spmem:s14] =	stream.linear.scatter [tilespmem:s24], [sflag:$0x7], $0x800, $0x38;
	[tilespmem:$0x1E000] =	vst v63  }
0x4d: {  	_ =	swait.ge [sflag:s23], $0x800  }
0x4e: {  	[sflag:s23] =	ssyncset.done $0x0  }
0x4f: {  	[sflag:s23] =	ssyncadd.s32 $0xFFFFF800  }
0x50: {  	[bflag:$0x0] =	sbarrier.arrive $0xFFFF  }
0x51: {  	s8 =	simm.s32 $0x0;
	s9 =	rddreg [dreg:$0x9]  }
0x52: {  	[tilespmem:s8], [sflag:$0x7] =	stream.linear.gather [hbm4b:s9+s8], $0x2800, $0x38;
	[tilespmem:$0x1E000] =	vst v63  }
0x53: {  	_ =	swait.ge [sflag:s23], $0x2800  }
0x54: {  	[sflag:s23] =	ssyncset.done $0x0  }
0x55: {  	s16 =	simm.s32 $0x2800;
	[sflag:s23] =	ssyncadd.s32 $0xFFFFD800  }
0x56: {  	[tilespmem:s16], [sflag:$0x7] =	stream.linear.gather [hbm4b:s12+s8], $0x2800, $0x38;
	[tilespmem:$0x1E000] =	vst v63  }
0x57: {  	_ =	swait.ge [sflag:s23], $0x2800  }
0x58: {  	[sflag:s23] =	ssyncset.done $0x0  }
0x59: {  	s9 =	simm.s32 $0x5000;
	s17 =	rddreg [dreg:$0xa];
	[sflag:s23] =	ssyncadd.s32 $0xFFFFD800  }
0x5a: {  	[tilespmem:s9], [sflag:$0x7] =	stream.linear.gather [hbm4b:s17+s8], $0x2800, $0x38;
	[tilespmem:$0x1E000] =	vst v63  }
.Ltmp3:
0x5b: {  	_ = 	snop;
	(pc) =	sbr.rel .LBB2_4-.Ltmp3, $4  }
0x5c: {  	_ =	swait.ge [sflag:s23], $0x2800  }
0x5d: {  	[sflag:s23] =	ssyncset.done $0x0  }
0x5e: {  	s10 =	simm.s32 $0x5100;
	[sflag:s23] =	ssyncadd.s32 $0xFFFFD800  }
0x5f: {  	[tilespmem:s22], [sflag:$0x1] =	stream.indirect.gather [hbm4b:s15+s26], $0x40, s8, s26, $0xb8;
	[tilespmem:$0x1E000] =	vst v63  }
.LBB2_17:
0x60: {  	[spmem:s2] =	stream.indirect.scatter.add.f32 [tilespmem:s29], [sflag:$0x4], $0x40, s11, s26, $0xb8;
	[tilespmem:$0x1E000] =	vst v63  }
.LBB2_18:
0x61: {  	s8 =	sadd.s32 $0x1, s8  }
0x62: {  	p2 =	sne.s32 s8, $0x14  }
.Ltmp4:
0x63: {  	_ = 	snop;
	(pc) =	sbr.rel @!p2 .LBB2_19-.Ltmp4, $2  }
0x64: {  	_ =	sdelay $0x2  }
0x65: {  	s9 =	sadd.s32 $0x200, s9;
	s10 =	sadd.s32 $0x200, s10  }
.LBB2_4:
0x66: {  	_ =	swait.ge [sflag:s28], $0x4000  }
0x67: {  	p2 =	seq.s32 s8, $0x0;
	[sflag:s28] =	ssyncset.done $0x0  }
0x68: {  	s11 =	simm.s32 @!p2 $0x4;
	[sflag:s28] =	ssyncadd.s32 $0xFFFFC000  }
0x69: {  	p3 =	seq.s32 @!p2 s4, $0x0;
	_ =	swait.ge @!p2 [sflag:s11], $0x4000  }
0x6a: {  	p3 =	por p3, p2;
	[sflag:s11] =	ssyncset.done @!p2 $0x0  }
0x6b: {  	v1 =	vmov s9;
	[sflag:s11] =	ssyncadd.s32 @!p2 $0xFFFFC000;
	s11 =	simm.s32 @!p3 $0x6  }
0x6c: {  	_ =	swait.ge @!p3 [sflag:s11], $0x1000  }
0x6d: {  	s13 =	sshll.u32 s8, $0x9;
	s14 =	simm.s32 $0x7A00;
	[sflag:s11] =	ssyncset.done @!p3 $0x0  }
0x6e: {  	s16 =	simm.s32 $0x0;
	[sflag:s11] =	ssyncadd.s32 @!p3 $0xFFFFF000;
	s11 =	sor.u32 $0x100, s13  }
0x6f: {  	[tilespmem:s29], [sflag:$0x2] =	stream.indirect.gather [hbm4b:s15+s26], $0x40, s11, s26, $0xb8;
	[tilespmem:$0x1E000] =	vst v63  }
.LBB2_5:
0x70: {  	s17 =	sshra.s32 s16, $0x2  }
0x71: {  	v2 =	vld.idx.msk [tilespmem:v1+s17+$0x0 ss:$0x1], $0xffff;
	_ =	sdelay $0x1  }
0x72: {  	v3 =	vld [tilespmem:s14+$0xFFFFFE00];
	_ =	sdelay $0x1  }
0x73: {  	v7 =	vld [tilespmem:s14+$0xFFFFFE30]  }
0x74: {  	v6 =	vbroadcast v2, $0x0;
	_ =	sdelay $0x1  }
0x75: {  	v3 =	vmul.f32 v6, v3;
	_ =	sdelay $0x1  }
0x76: {  	[tilespmem:s14+$0xFFFFFE00] =	vst v3;
	v3 =	vmul.f32 v7, v6;
	_ =	sdelay $0x1  }
0x77: {  	[tilespmem:s14+$0xFFFFFE30] =	vst v3;
	v3 =	vld [tilespmem:s14+$0xFFFFFE40];
	_ =	sdelay $0x1  }
0x78: {  	v63 =	vld [tilespmem:s14+$0xFFFFFE70]  }
0x79: {  	v62 =	vbroadcast v2, $0x1;
	_ =	sdelay $0x1  }
0x7a: {  	v3 =	vmul.f32 v3, v62;
	_ =	sdelay $0x1  }
0x7b: {  	[tilespmem:s14+$0xFFFFFE40] =	vst v3;
	v3 =	vmul.f32 v63, v62;
	_ =	sdelay $0x1  }
0x7c: {  	[tilespmem:s14+$0xFFFFFE70] =	vst v3;
	v3 =	vld [tilespmem:s14+$0xFFFFFE80];
	_ =	sdelay $0x1  }
0x7d: {  	v12 =	vld [tilespmem:s14+$0xFFFFFEB0]  }
0x7e: {  	v11 =	vbroadcast v2, $0x2;
	_ =	sdelay $0x1  }
0x7f: {  	v3 =	vmul.f32 v3, v11;
	_ =	sdelay $0x1  }
0x80: {  	[tilespmem:s14+$0xFFFFFE80] =	vst v3;
	v3 =	vmul.f32 v12, v11;
	_ =	sdelay $0x1  }
0x81: {  	[tilespmem:s14+$0xFFFFFEB0] =	vst v3;
	v3 =	vld [tilespmem:s14+$0xFFFFFEC0];
	_ =	sdelay $0x1  }
0x82: {  	v16 =	vld [tilespmem:s14+$0xFFFFFEF0]  }
0x83: {  	v15 =	vbroadcast v2, $0x3;
	_ =	sdelay $0x1  }
0x84: {  	v3 =	vmul.f32 v3, v15;
	_ =	sdelay $0x1  }
0x85: {  	[tilespmem:s14+$0xFFFFFEC0] =	vst v3;
	v3 =	vmul.f32 v16, v15;
	_ =	sdelay $0x1  }
0x86: {  	[tilespmem:s14+$0xFFFFFEF0] =	vst v3;
	v3 =	vld [tilespmem:s14+$0xFFFFFF00];
	_ =	sdelay $0x1  }
0x87: {  	v20 =	vld [tilespmem:s14+$0xFFFFFF30]  }
0x88: {  	v19 =	vbroadcast v2, $0x4;
	_ =	sdelay $0x1  }
0x89: {  	v3 =	vmul.f32 v3, v19;
	_ =	sdelay $0x1  }
0x8a: {  	[tilespmem:s14+$0xFFFFFF00] =	vst v3;
	v3 =	vmul.f32 v20, v19;
	_ =	sdelay $0x1  }
0x8b: {  	[tilespmem:s14+$0xFFFFFF30] =	vst v3;
	v3 =	vld [tilespmem:s14+$0xFFFFFF40];
	_ =	sdelay $0x1  }
0x8c: {  	v24 =	vld [tilespmem:s14+$0xFFFFFF70]  }
0x8d: {  	v23 =	vbroadcast v2, $0x5;
	_ =	sdelay $0x1  }
0x8e: {  	v3 =	vmul.f32 v3, v23;
	_ =	sdelay $0x1  }
0x8f: {  	[tilespmem:s14+$0xFFFFFF40] =	vst v3;
	v3 =	vmul.f32 v24, v23;
	_ =	sdelay $0x1  }
0x90: {  	[tilespmem:s14+$0xFFFFFF70] =	vst v3;
	v3 =	vld [tilespmem:s14+$0xFFFFFF80];
	_ =	sdelay $0x1  }
0x91: {  	v28 =	vld [tilespmem:s14+$0xFFFFFFB0]  }
0x92: {  	v27 =	vbroadcast v2, $0x6;
	_ =	sdelay $0x1  }
0x93: {  	v3 =	vmul.f32 v3, v27;
	_ =	sdelay $0x1  }
0x94: {  	[tilespmem:s14+$0xFFFFFF80] =	vst v3;
	v3 =	vmul.f32 v28, v27;
	_ =	sdelay $0x1  }
0x95: {  	[tilespmem:s14+$0xFFFFFFB0] =	vst v3;
	v3 =	vld [tilespmem:s14+$0xFFFFFFC0];
	_ =	sdelay $0x1  }
0x96: {  	v32 =	vld [tilespmem:s14+$0xFFFFFFF0]  }
0x97: {  	v31 =	vbroadcast v2, $0x7;
	_ =	sdelay $0x1  }
0x98: {  	v3 =	vmul.f32 v3, v31;
	_ =	sdelay $0x1  }
0x99: {  	[tilespmem:s14+$0xFFFFFFC0] =	vst v3;
	v3 =	vmul.f32 v32, v31;
	_ =	sdelay $0x1  }
0x9a: {  	[tilespmem:s14+$0xFFFFFFF0] =	vst v3;
	v3 =	vld [tilespmem:s14+$0x0];
	_ =	sdelay $0x1  }
0x9b: {  	v36 =	vld [tilespmem:s14+$0x30]  }
0x9c: {  	v35 =	vbroadcast v2, $0x8;
	_ =	sdelay $0x1  }
0x9d: {  	v3 =	vmul.f32 v3, v35;
	_ =	sdelay $0x1  }
0x9e: {  	[tilespmem:s14+$0x0] =	vst v3;
	v3 =	vmul.f32 v36, v35;
	_ =	sdelay $0x1  }
0x9f: {  	[tilespmem:s14+$0x30] =	vst v3;
	v3 =	vld [tilespmem:s14+$0x40];
	_ =	sdelay $0x1  }
0xa0: {  	v40 =	vld [tilespmem:s14+$0x70]  }
0xa1: {  	v39 =	vbroadcast v2, $0x9;
	_ =	sdelay $0x1  }
0xa2: {  	v3 =	vmul.f32 v3, v39;
	_ =	sdelay $0x1  }
0xa3: {  	[tilespmem:s14+$0x40] =	vst v3;
	v3 =	vmul.f32 v40, v39;
	_ =	sdelay $0x1  }
0xa4: {  	[tilespmem:s14+$0x70] =	vst v3;
	v3 =	vld [tilespmem:s14+$0x80];
	_ =	sdelay $0x1  }
0xa5: {  	v44 =	vld [tilespmem:s14+$0xB0]  }
0xa6: {  	v43 =	vbroadcast v2, $0xA;
	_ =	sdelay $0x1  }
0xa7: {  	v4 =	vld [tilespmem:s14+$0xFFFFFE10];
	v3 =	vmul.f32 v3, v43  }
0xa8: {  	v5 =	vld [tilespmem:s14+$0xFFFFFE20]  }
0xa9: {  	v60 =	vld [tilespmem:s14+$0xFFFFFE50];
	[tilespmem:s14+$0x80] =	vst v3;
	v3 =	vmul.f32 v44, v43  }
0xaa: {  	v61 =	vld [tilespmem:s14+$0xFFFFFE60]  }
0xab: {  	[tilespmem:s14+$0xB0] =	vst v3;
	v3 =	vld [tilespmem:s14+$0xC0]  }
0xac: {  	v9 =	vld [tilespmem:s14+$0xFFFFFE90];
	v4 =	vmul.f32 v4, v6  }
0xad: {  	v48 =	vld [tilespmem:s14+$0xF0];
	v5 =	vmul.f32 v5, v6  }
0xae: {  	v10 =	vld [tilespmem:s14+$0xFFFFFEA0];
	v47 =	vbroadcast v2, $0xB;
	[tilespmem:s14+$0xFFFFFE10] =	vst v4;
	v4 =	vmul.f32 v60, v62  }
0xaf: {  	v13 =	vld [tilespmem:s14+$0xFFFFFED0];
	[tilespmem:s14+$0xFFFFFE20] =	vst v5;
	v5 =	vmul.f32 v61, v62  }
0xb0: {  	v14 =	vld [tilespmem:s14+$0xFFFFFEE0];
	[tilespmem:s14+$0xFFFFFE50] =	vst v4;
	v3 =	vmul.f32 v3, v47  }
0xb1: {  	v17 =	vld [tilespmem:s14+$0xFFFFFF10];
	[tilespmem:s14+$0xFFFFFE60] =	vst v5;
	v4 =	vmul.f32 v9, v11  }
0xb2: {  	v18 =	vld [tilespmem:s14+$0xFFFFFF20];
	[tilespmem:s14+$0xC0] =	vst v3;
	v3 =	vmul.f32 v48, v47  }
0xb3: {  	v21 =	vld [tilespmem:s14+$0xFFFFFF50];
	v5 =	vmul.f32 v10, v11;
	[tilespmem:s14+$0xFFFFFE90] =	vst v4  }
0xb4: {  	v4 =	vmul.f32 v13, v15;
	[tilespmem:s14+$0xF0] =	vst v3;
	v3 =	vld [tilespmem:s14+$0x100]  }
0xb5: {  	v22 =	vld [tilespmem:s14+$0xFFFFFF60];
	[tilespmem:s14+$0xFFFFFEA0] =	vst v5;
	v5 =	vmul.f32 v14, v15  }
0xb6: {  	v52 =	vld [tilespmem:s14+$0x130];
	[tilespmem:s14+$0xFFFFFED0] =	vst v4;
	v4 =	vmul.f32 v17, v19  }
0xb7: {  	v25 =	vld [tilespmem:s14+$0xFFFFFF90];
	v51 =	vbroadcast v2, $0xC;
	[tilespmem:s14+$0xFFFFFEE0] =	vst v5;
	v5 =	vmul.f32 v18, v19  }
0xb8: {  	v26 =	vld [tilespmem:s14+$0xFFFFFFA0];
	[tilespmem:s14+$0xFFFFFF10] =	vst v4;
	v4 =	vmul.f32 v21, v23  }
0xb9: {  	v29 =	vld [tilespmem:s14+$0xFFFFFFD0];
	[tilespmem:s14+$0xFFFFFF20] =	vst v5;
	v3 =	vmul.f32 v3, v51  }
0xba: {  	v30 =	vld [tilespmem:s14+$0xFFFFFFE0];
	v5 =	vmul.f32 v22, v23;
	[tilespmem:s14+$0xFFFFFF50] =	vst v4  }
0xbb: {  	v33 =	vld [tilespmem:s14+$0x10];
	[tilespmem:s14+$0x100] =	vst v3;
	v3 =	vmul.f32 v52, v51  }
0xbc: {  	v34 =	vld [tilespmem:s14+$0x20];
	[tilespmem:s14+$0xFFFFFF60] =	vst v5;
	v4 =	vmul.f32 v25, v27  }
0xbd: {  	v5 =	vmul.f32 v26, v27;
	[tilespmem:s14+$0x130] =	vst v3;
	v3 =	vld [tilespmem:s14+$0x140]  }
0xbe: {  	v37 =	vld [tilespmem:s14+$0x50];
	[tilespmem:s14+$0xFFFFFF90] =	vst v4;
	v4 =	vmul.f32 v29, v31  }
0xbf: {  	v56 =	vld [tilespmem:s14+$0x170];
	[tilespmem:s14+$0xFFFFFFA0] =	vst v5;
	v5 =	vmul.f32 v30, v31  }
0xc0: {  	v38 =	vld [tilespmem:s14+$0x60];
	v55 =	vbroadcast v2, $0xD;
	[tilespmem:s14+$0xFFFFFFD0] =	vst v4;
	v4 =	vmul.f32 v33, v35  }
0xc1: {  	v41 =	vld [tilespmem:s14+$0x90];
	[tilespmem:s14+$0xFFFFFFE0] =	vst v5;
	v5 =	vmul.f32 v34, v35  }
0xc2: {  	v42 =	vld [tilespmem:s14+$0xA0];
	[tilespmem:s14+$0x10] =	vst v4;
	v3 =	vmul.f32 v3, v55  }
0xc3: {  	v45 =	vld [tilespmem:s14+$0xD0];
	[tilespmem:s14+$0x20] =	vst v5;
	v4 =	vmul.f32 v37, v39  }
0xc4: {  	v46 =	vld [tilespmem:s14+$0xE0];
	[tilespmem:s14+$0x140] =	vst v3;
	v3 =	vmul.f32 v56, v55  }
0xc5: {  	v49 =	vld [tilespmem:s14+$0x110];
	v5 =	vmul.f32 v38, v39;
	[tilespmem:s14+$0x50] =	vst v4  }
0xc6: {  	v4 =	vmul.f32 v41, v43;
	[tilespmem:s14+$0x170] =	vst v3;
	v3 =	vld [tilespmem:s14+$0x180]  }
0xc7: {  	v50 =	vld [tilespmem:s14+$0x120];
	[tilespmem:s14+$0x60] =	vst v5;
	v5 =	vmul.f32 v42, v43  }
0xc8: {  	v60 =	vld [tilespmem:s14+$0x1B0];
	[tilespmem:s14+$0x90] =	vst v4;
	v4 =	vmul.f32 v45, v47  }
0xc9: {  	v53 =	vld [tilespmem:s14+$0x150];
	v59 =	vbroadcast v2, $0xE;
	[tilespmem:s14+$0xA0] =	vst v5;
	v5 =	vmul.f32 v46, v47  }
0xca: {  	v54 =	vld [tilespmem:s14+$0x160];
	[tilespmem:s14+$0xD0] =	vst v4;
	v4 =	vmul.f32 v49, v51  }
0xcb: {  	v57 =	vld [tilespmem:s14+$0x190];
	[tilespmem:s14+$0xE0] =	vst v5;
	v3 =	vmul.f32 v3, v59  }
0xcc: {  	v58 =	vld [tilespmem:s14+$0x1A0];
	v5 =	vmul.f32 v50, v51;
	[tilespmem:s14+$0x110] =	vst v4  }
0xcd: {  	v61 =	vld [tilespmem:s14+$0x1D0];
	[tilespmem:s14+$0x180] =	vst v3;
	v3 =	vmul.f32 v60, v59  }
0xce: {  	v62 =	vld [tilespmem:s14+$0x1E0];
	[tilespmem:s14+$0x120] =	vst v5;
	v4 =	vmul.f32 v53, v55  }
0xcf: {  	v5 =	vmul.f32 v54, v55;
	[tilespmem:s14+$0x1B0] =	vst v3;
	v3 =	vld [tilespmem:s14+$0x1C0]  }
0xd0: {  	v2 =	vbroadcast v2, $0xF;
	v63 =	vld [tilespmem:s14+$0x1F0];
	[tilespmem:s14+$0x150] =	vst v4;
	v4 =	vmul.f32 v57, v59  }
0xd1: {  	[tilespmem:s14+$0x160] =	vst v5;
	v5 =	vmul.f32 v58, v59  }
0xd2: {  	p2 =	sne.s32 s16, $0x3C0;
	[tilespmem:s14+$0x190] =	vst v4;
	v4 =	vmul.f32 v61, v2  }
.Ltmp5:
0xd3: {  	[tilespmem:s14+$0x1A0] =	vst v5;
	v5 =	vmul.f32 v62, v2;
	(pc) =	sbr.rel @p2 .LBB2_5-.Ltmp5, $4  }
0xd4: {  	[tilespmem:s14+$0x1D0] =	vst v4;
	v3 =	vmul.f32 v3, v2  }
0xd5: {  	[tilespmem:s14+$0x1E0] =	vst v5;
	v2 =	vmul.f32 v63, v2  }
0xd6: {  	[tilespmem:s14+$0x1C0] =	vst v3  }
0xd7: {  	s16 =	sadd.s32 $0x40, s16;
	[tilespmem:s14+$0x1F0] =	vst v2;
	s14 =	sadd.s32 $0x400, s14  }
.Ltmp6:
0xd8: {  	(pc) =	sbr.rel @p0 .LBB2_10-.Ltmp6, $1  }
0xd9: {  	_ =	sdelay $0x3  }
0xda: {  	_ =	sdelay $0x2  }
0xdb: {  	s14 =	simm.s32 $0x0  }
0xdc: {  	v2 =	vld.idx.msk [tilespmem:v1+s14+$0x0 ss:$0x1], $0xffff;
	_ =	sdelay $0x4  }
0xdd: {  	v3 =	vbroadcast v2, $0x0  }
0xde: {  	s14 =	simm.s32 $0xF880;
	v4 =	vbroadcast v2, $0x1  }
0xdf: {  	v5 =	vbroadcast v2, $0x2;
	[tilespmem:s14+$0xFFFFFF80] =	vst v3  }
0xe0: {  	v56 =	vbroadcast v2, $0x4;
	[tilespmem:s14+$0xFFFFFF90] =	vst v4  }
0xe1: {  	v57 =	vbroadcast v2, $0x5;
	[tilespmem:s14+$0xFFFFFFA0] =	vst v5  }
0xe2: {  	v58 =	vbroadcast v2, $0x7;
	[tilespmem:s14+$0xFFFFFFC0] =	vst v56  }
0xe3: {  	v59 =	vbroadcast v2, $0x8;
	[tilespmem:s14+$0xFFFFFFD0] =	vst v57  }
0xe4: {  	v60 =	vbroadcast v2, $0xA;
	[tilespmem:s14+$0xFFFFFFF0] =	vst v58  }
0xe5: {  	v3 =	vbroadcast v2, $0x3;
	[tilespmem:s14+$0x0] =	vst v59  }
0xe6: {  	v61 =	vbroadcast v2, $0xB;
	[tilespmem:s14+$0x20] =	vst v60  }
0xe7: {  	[tilespmem:s14+$0xFFFFFFB0] =	vst v3;
	v3 =	vbroadcast v2, $0x6  }
0xe8: {  	v62 =	vbroadcast v2, $0xD;
	[tilespmem:s14+$0x30] =	vst v61  }
0xe9: {  	[tilespmem:s14+$0xFFFFFFE0] =	vst v3;
	v3 =	vbroadcast v2, $0x9  }
0xea: {  	v63 =	vbroadcast v2, $0xE;
	[tilespmem:s14+$0x50] =	vst v62  }
0xeb: {  	[tilespmem:s14+$0x10] =	vst v3;
	v3 =	vbroadcast v2, $0xC  }
0xec: {  	[tilespmem:s14+$0x60] =	vst v63;
	v2 =	vbroadcast v2, $0xF  }
0xed: {  	[tilespmem:s14+$0x40] =	vst v3  }
0xee: {  	s17 =	simm.s32 $0x10;
	s16 =	simm.s32 $0x80;
	[tilespmem:s14+$0x70] =	vst v2  }
.LBB2_8:
0xef: {  	p2 =	sne.s32 s16, $0x3C0;
	v2 =	vld.idx.msk [tilespmem:v1+s17+$0x0 ss:$0x1], $0xffff;
	_ =	sdelay $0x5  }
0xf0: {  	v3 =	vbroadcast v2, $0x0;
	v4 =	vbroadcast v2, $0x1  }
0xf1: {  	s14 =	sadd.s32 $0x100, s14;
	v5 =	vbroadcast v2, $0x2;
	v6 =	vbroadcast v2, $0x3  }
0xf2: {  	v7 =	vbroadcast v2, $0x5;
	[tilespmem:s14+$0xFFFFFF80] =	vst v3;
	v3 =	vbroadcast v2, $0x4  }
0xf3: {  	v8 =	vbroadcast v2, $0x7;
	[tilespmem:s14+$0xFFFFFF90] =	vst v4;
	v4 =	vbroadcast v2, $0x6  }
0xf4: {  	v9 =	vbroadcast v2, $0x9;
	[tilespmem:s14+$0xFFFFFFA0] =	vst v5;
	v5 =	vbroadcast v2, $0x8  }
0xf5: {  	v10 =	vbroadcast v2, $0xB;
	[tilespmem:s14+$0xFFFFFFB0] =	vst v6;
	v6 =	vbroadcast v2, $0xA  }
0xf6: {  	v11 =	vbroadcast v2, $0xD;
	[tilespmem:s14+$0xFFFFFFC0] =	vst v3;
	v3 =	vbroadcast v2, $0xC  }
0xf7: {  	[tilespmem:s14+$0xFFFFFFD0] =	vst v7;
	v7 =	vbroadcast v2, $0xE;
	v2 =	vbroadcast v2, $0xF  }
0xf8: {  	[tilespmem:s14+$0xFFFFFFE0] =	vst v4  }
0xf9: {  	[tilespmem:s14+$0xFFFFFFF0] =	vst v8  }
0xfa: {  	[tilespmem:s14+$0x0] =	vst v5  }
0xfb: {  	[tilespmem:s14+$0x10] =	vst v9  }
0xfc: {  	[tilespmem:s14+$0x20] =	vst v6  }
.Ltmp7:
0xfd: {  	[tilespmem:s14+$0x30] =	vst v10;
	(pc) =	sbr.rel @p2 .LBB2_8-.Ltmp7, $4  }
0xfe: {  	[tilespmem:s14+$0x40] =	vst v3  }
0xff: {  	[tilespmem:s14+$0x50] =	vst v11  }
0x100: {  	[tilespmem:s14+$0x60] =	vst v7  }
0x101: {  	s17 =	sshra.s32 s16, $0x2;
	s16 =	sadd.s32 $0x40, s16;
	[tilespmem:s14+$0x70] =	vst v2  }
0x102: {  	_ =	sdelay $0x3  }
0x103: {  	v1 =	vld.idx.msk [tilespmem:v1+s17+$0x0 ss:$0x1], $0xffff;
	_ =	sdelay $0x4  }
0x104: {  	v2 =	vbroadcast v1, $0x0  }
0x105: {  	s14 =	sadd.s32 $0x100, s14;
	v3 =	vbroadcast v1, $0x1  }
0x106: {  	v4 =	vbroadcast v1, $0x2;
	[tilespmem:s14+$0xFFFFFF80] =	vst v2  }
0x107: {  	v60 =	vbroadcast v1, $0x5;
	[tilespmem:s14+$0xFFFFFF90] =	vst v3  }
0x108: {  	v61 =	vbroadcast v1, $0x8;
	[tilespmem:s14+$0xFFFFFFA0] =	vst v4  }
0x109: {  	v62 =	vbroadcast v1, $0xB;
	[tilespmem:s14+$0xFFFFFFD0] =	vst v60  }
0x10a: {  	v63 =	vbroadcast v1, $0xE;
	[tilespmem:s14+$0x0] =	vst v61  }
0x10b: {  	v2 =	vbroadcast v1, $0x3;
	[tilespmem:s14+$0x30] =	vst v62  }
0x10c: {  	v3 =	vbroadcast v1, $0x4;
	[tilespmem:s14+$0x60] =	vst v63  }
0x10d: {  	[tilespmem:s14+$0xFFFFFFB0] =	vst v2;
	v2 =	vbroadcast v1, $0x6  }
0x10e: {  	[tilespmem:s14+$0xFFFFFFC0] =	vst v3;
	v3 =	vbroadcast v1, $0x7  }
0x10f: {  	[tilespmem:s14+$0xFFFFFFE0] =	vst v2;
	v2 =	vbroadcast v1, $0x9  }
0x110: {  	[tilespmem:s14+$0xFFFFFFF0] =	vst v3;
	v3 =	vbroadcast v1, $0xA  }
0x111: {  	[tilespmem:s14+$0x10] =	vst v2;
	v2 =	vbroadcast v1, $0xC  }
0x112: {  	[tilespmem:s14+$0x20] =	vst v3;
	v3 =	vbroadcast v1, $0xD  }
0x113: {  	v1 =	vbroadcast v1, $0xF;
	[tilespmem:s14+$0x40] =	vst v2  }
0x114: {  	s13 =	sand.u32 $0x3FFFFE00, s13;
	[tilespmem:s14+$0x50] =	vst v3  }
0x115: {  	s13 =	sadd.s32 $0x2800, s13;
	[tilespmem:s14+$0x70] =	vst v1  }
0x116: {  	[spmem:s2] =	stream.indirect.scatter.add.f32 [tilespmem:s22], [sflag:$0x3], $0x40, s13, s26, $0xb8;
	[tilespmem:$0x1E000] =	vst v63  }
0x117: {  	_ = 	snop  }
0x118: {  	[spmem:s3] =	stream.indirect.scatter.add.f32 [tilespmem:s24], [sflag:$0x5], $0x10, s13, s26, $0xb8;
	[tilespmem:$0x1E000] =	vst v63  }
0x119: {  	_ =	swait.ge [sflag:s30], $0x4000  }
0x11a: {  	[sflag:s30] =	ssyncset.done $0x0  }
0x11b: {  	[sflag:s30] =	ssyncadd.s32 $0xFFFFC000  }
0x11c: {  	_ =	swait.ge [sflag:s31], $0x4000  }
.Ltmp8:
0x11d: {  	[sflag:s31] =	ssyncset.done $0x0;
	(pc) =	sbr.rel .LBB2_11-.Ltmp8, $4  }
0x11e: {  	[sflag:s31] =	ssyncadd.s32 $0xFFFFC000  }
0x11f: {  	_ =	swait.ge [sflag:s1], $0x1000  }
0x120: {  	[sflag:s1] =	ssyncset.done $0x0  }
0x121: {  	[sflag:s1] =	ssyncadd.s32 $0xFFFFF000  }
.LBB2_10:
0x122: {  	s13 =	sand.u32 $0x3FFFFE00, s13  }
0x123: {  	s13 =	sadd.s32 $0x2800, s13  }
0x124: {  	[spmem:s2] =	stream.indirect.scatter.add.f32 [tilespmem:s22], [sflag:$0x3], $0x40, s13, s26, $0xb8;
	[tilespmem:$0x1E000] =	vst v63  }
0x125: {  	_ =	swait.ge [sflag:s30], $0x4000  }
0x126: {  	[sflag:s30] =	ssyncset.done $0x0  }
0x127: {  	[sflag:s30] =	ssyncadd.s32 $0xFFFFC000  }
0x128: {  	_ =	swait.ge [sflag:s31], $0x4000  }
0x129: {  	[sflag:s31] =	ssyncset.done $0x0  }
0x12a: {  	[sflag:s31] =	ssyncadd.s32 $0xFFFFC000  }
.LBB2_11:
0x12b: {  	p2 =	seq.s32 s8, $0x13  }
0x12c: {  	v1 =	vmov s10;
	s13 =	sshll.u32 @!p2 s8, $0x9  }
0x12d: {  	s13 =	sand.u32 @!p2 $0x3FFFFE00, s13  }
0x12e: {  	s14 =	simm.s32 @!p2 $0x100;
	s16 =	simm.s32 @!p2 $0x7800;
	s13 =	sadd.s32 @!p2 $0x200, s13  }
0x12f: {  	[tilespmem:s16], [sflag:$0x1] =	stream.indirect.gather @!p2 [hbm4b:s15+s14], $0x40, s13, s14, $0xb8;
	[tilespmem:$0x1E000] =	vst v63  }
0x130: {  	s13 =	simm.s32 $0x0;
	s14 =	simm.s32 $0xBA00  }
.LBB2_12:
0x131: {  	s16 =	sshra.s32 s13, $0x2  }
0x132: {  	v2 =	vld.idx.msk [tilespmem:v1+s16+$0x0 ss:$0x1], $0xffff;
	_ =	sdelay $0x1  }
0x133: {  	v3 =	vld [tilespmem:s14+$0xFFFFFE00];
	_ =	sdelay $0x1  }
0x134: {  	v7 =	vld [tilespmem:s14+$0xFFFFFE30]  }
0x135: {  	v6 =	vbroadcast v2, $0x0;
	_ =	sdelay $0x1  }
0x136: {  	v3 =	vmul.f32 v6, v3;
	_ =	sdelay $0x1  }
0x137: {  	[tilespmem:s14+$0xFFFFFE00] =	vst v3;
	v3 =	vmul.f32 v7, v6;
	_ =	sdelay $0x1  }
0x138: {  	[tilespmem:s14+$0xFFFFFE30] =	vst v3;
	v3 =	vld [tilespmem:s14+$0xFFFFFE40];
	_ =	sdelay $0x1  }
0x139: {  	v63 =	vld [tilespmem:s14+$0xFFFFFE70]  }
0x13a: {  	v62 =	vbroadcast v2, $0x1;
	_ =	sdelay $0x1  }
0x13b: {  	v3 =	vmul.f32 v3, v62;
	_ =	sdelay $0x1  }
0x13c: {  	[tilespmem:s14+$0xFFFFFE40] =	vst v3;
	v3 =	vmul.f32 v63, v62;
	_ =	sdelay $0x1  }
0x13d: {  	[tilespmem:s14+$0xFFFFFE70] =	vst v3;
	v3 =	vld [tilespmem:s14+$0xFFFFFE80];
	_ =	sdelay $0x1  }
0x13e: {  	v12 =	vld [tilespmem:s14+$0xFFFFFEB0]  }
0x13f: {  	v11 =	vbroadcast v2, $0x2;
	_ =	sdelay $0x1  }
0x140: {  	v3 =	vmul.f32 v3, v11;
	_ =	sdelay $0x1  }
0x141: {  	[tilespmem:s14+$0xFFFFFE80] =	vst v3;
	v3 =	vmul.f32 v12, v11;
	_ =	sdelay $0x1  }
0x142: {  	[tilespmem:s14+$0xFFFFFEB0] =	vst v3;
	v3 =	vld [tilespmem:s14+$0xFFFFFEC0];
	_ =	sdelay $0x1  }
0x143: {  	v16 =	vld [tilespmem:s14+$0xFFFFFEF0]  }
0x144: {  	v15 =	vbroadcast v2, $0x3;
	_ =	sdelay $0x1  }
0x145: {  	v3 =	vmul.f32 v3, v15;
	_ =	sdelay $0x1  }
0x146: {  	[tilespmem:s14+$0xFFFFFEC0] =	vst v3;
	v3 =	vmul.f32 v16, v15;
	_ =	sdelay $0x1  }
0x147: {  	[tilespmem:s14+$0xFFFFFEF0] =	vst v3;
	v3 =	vld [tilespmem:s14+$0xFFFFFF00];
	_ =	sdelay $0x1  }
0x148: {  	v20 =	vld [tilespmem:s14+$0xFFFFFF30]  }
0x149: {  	v19 =	vbroadcast v2, $0x4;
	_ =	sdelay $0x1  }
0x14a: {  	v3 =	vmul.f32 v3, v19;
	_ =	sdelay $0x1  }
0x14b: {  	[tilespmem:s14+$0xFFFFFF00] =	vst v3;
	v3 =	vmul.f32 v20, v19;
	_ =	sdelay $0x1  }
0x14c: {  	[tilespmem:s14+$0xFFFFFF30] =	vst v3;
	v3 =	vld [tilespmem:s14+$0xFFFFFF40];
	_ =	sdelay $0x1  }
0x14d: {  	v24 =	vld [tilespmem:s14+$0xFFFFFF70]  }
0x14e: {  	v23 =	vbroadcast v2, $0x5;
	_ =	sdelay $0x1  }
0x14f: {  	v3 =	vmul.f32 v3, v23;
	_ =	sdelay $0x1  }
0x150: {  	[tilespmem:s14+$0xFFFFFF40] =	vst v3;
	v3 =	vmul.f32 v24, v23;
	_ =	sdelay $0x1  }
0x151: {  	[tilespmem:s14+$0xFFFFFF70] =	vst v3;
	v3 =	vld [tilespmem:s14+$0xFFFFFF80];
	_ =	sdelay $0x1  }
0x152: {  	v28 =	vld [tilespmem:s14+$0xFFFFFFB0]  }
0x153: {  	v27 =	vbroadcast v2, $0x6;
	_ =	sdelay $0x1  }
0x154: {  	v3 =	vmul.f32 v3, v27;
	_ =	sdelay $0x1  }
0x155: {  	[tilespmem:s14+$0xFFFFFF80] =	vst v3;
	v3 =	vmul.f32 v28, v27;
	_ =	sdelay $0x1  }
0x156: {  	[tilespmem:s14+$0xFFFFFFB0] =	vst v3;
	v3 =	vld [tilespmem:s14+$0xFFFFFFC0];
	_ =	sdelay $0x1  }
0x157: {  	v32 =	vld [tilespmem:s14+$0xFFFFFFF0]  }
0x158: {  	v31 =	vbroadcast v2, $0x7;
	_ =	sdelay $0x1  }
0x159: {  	v3 =	vmul.f32 v3, v31;
	_ =	sdelay $0x1  }
0x15a: {  	[tilespmem:s14+$0xFFFFFFC0] =	vst v3;
	v3 =	vmul.f32 v32, v31;
	_ =	sdelay $0x1  }
0x15b: {  	[tilespmem:s14+$0xFFFFFFF0] =	vst v3;
	v3 =	vld [tilespmem:s14+$0x0];
	_ =	sdelay $0x1  }
0x15c: {  	v36 =	vld [tilespmem:s14+$0x30]  }
0x15d: {  	v35 =	vbroadcast v2, $0x8;
	_ =	sdelay $0x1  }
0x15e: {  	v3 =	vmul.f32 v3, v35;
	_ =	sdelay $0x1  }
0x15f: {  	[tilespmem:s14+$0x0] =	vst v3;
	v3 =	vmul.f32 v36, v35;
	_ =	sdelay $0x1  }
0x160: {  	[tilespmem:s14+$0x30] =	vst v3;
	v3 =	vld [tilespmem:s14+$0x40];
	_ =	sdelay $0x1  }
0x161: {  	v40 =	vld [tilespmem:s14+$0x70]  }
0x162: {  	v39 =	vbroadcast v2, $0x9;
	_ =	sdelay $0x1  }
0x163: {  	v3 =	vmul.f32 v3, v39;
	_ =	sdelay $0x1  }
0x164: {  	[tilespmem:s14+$0x40] =	vst v3;
	v3 =	vmul.f32 v40, v39;
	_ =	sdelay $0x1  }
0x165: {  	[tilespmem:s14+$0x70] =	vst v3;
	v3 =	vld [tilespmem:s14+$0x80];
	_ =	sdelay $0x1  }
0x166: {  	v44 =	vld [tilespmem:s14+$0xB0]  }
0x167: {  	v43 =	vbroadcast v2, $0xA;
	_ =	sdelay $0x1  }
0x168: {  	v4 =	vld [tilespmem:s14+$0xFFFFFE10];
	v3 =	vmul.f32 v3, v43  }
0x169: {  	v5 =	vld [tilespmem:s14+$0xFFFFFE20]  }
0x16a: {  	v60 =	vld [tilespmem:s14+$0xFFFFFE50];
	[tilespmem:s14+$0x80] =	vst v3;
	v3 =	vmul.f32 v44, v43  }
0x16b: {  	v61 =	vld [tilespmem:s14+$0xFFFFFE60]  }
0x16c: {  	[tilespmem:s14+$0xB0] =	vst v3;
	v3 =	vld [tilespmem:s14+$0xC0]  }
0x16d: {  	v9 =	vld [tilespmem:s14+$0xFFFFFE90];
	v4 =	vmul.f32 v4, v6  }
0x16e: {  	v48 =	vld [tilespmem:s14+$0xF0];
	v5 =	vmul.f32 v5, v6  }
0x16f: {  	v10 =	vld [tilespmem:s14+$0xFFFFFEA0];
	v47 =	vbroadcast v2, $0xB;
	[tilespmem:s14+$0xFFFFFE10] =	vst v4;
	v4 =	vmul.f32 v60, v62  }
0x170: {  	v13 =	vld [tilespmem:s14+$0xFFFFFED0];
	[tilespmem:s14+$0xFFFFFE20] =	vst v5;
	v5 =	vmul.f32 v61, v62  }
0x171: {  	v14 =	vld [tilespmem:s14+$0xFFFFFEE0];
	[tilespmem:s14+$0xFFFFFE50] =	vst v4;
	v3 =	vmul.f32 v3, v47  }
0x172: {  	v17 =	vld [tilespmem:s14+$0xFFFFFF10];
	[tilespmem:s14+$0xFFFFFE60] =	vst v5;
	v4 =	vmul.f32 v9, v11  }
0x173: {  	v18 =	vld [tilespmem:s14+$0xFFFFFF20];
	[tilespmem:s14+$0xC0] =	vst v3;
	v3 =	vmul.f32 v48, v47  }
0x174: {  	v21 =	vld [tilespmem:s14+$0xFFFFFF50];
	v5 =	vmul.f32 v10, v11;
	[tilespmem:s14+$0xFFFFFE90] =	vst v4  }
0x175: {  	v4 =	vmul.f32 v13, v15;
	[tilespmem:s14+$0xF0] =	vst v3;
	v3 =	vld [tilespmem:s14+$0x100]  }
0x176: {  	v22 =	vld [tilespmem:s14+$0xFFFFFF60];
	[tilespmem:s14+$0xFFFFFEA0] =	vst v5;
	v5 =	vmul.f32 v14, v15  }
0x177: {  	v52 =	vld [tilespmem:s14+$0x130];
	[tilespmem:s14+$0xFFFFFED0] =	vst v4;
	v4 =	vmul.f32 v17, v19  }
0x178: {  	v25 =	vld [tilespmem:s14+$0xFFFFFF90];
	v51 =	vbroadcast v2, $0xC;
	[tilespmem:s14+$0xFFFFFEE0] =	vst v5;
	v5 =	vmul.f32 v18, v19  }
0x179: {  	v26 =	vld [tilespmem:s14+$0xFFFFFFA0];
	[tilespmem:s14+$0xFFFFFF10] =	vst v4;
	v4 =	vmul.f32 v21, v23  }
0x17a: {  	v29 =	vld [tilespmem:s14+$0xFFFFFFD0];
	[tilespmem:s14+$0xFFFFFF20] =	vst v5;
	v3 =	vmul.f32 v3, v51  }
0x17b: {  	v30 =	vld [tilespmem:s14+$0xFFFFFFE0];
	v5 =	vmul.f32 v22, v23;
	[tilespmem:s14+$0xFFFFFF50] =	vst v4  }
0x17c: {  	v33 =	vld [tilespmem:s14+$0x10];
	[tilespmem:s14+$0x100] =	vst v3;
	v3 =	vmul.f32 v52, v51  }
0x17d: {  	v34 =	vld [tilespmem:s14+$0x20];
	[tilespmem:s14+$0xFFFFFF60] =	vst v5;
	v4 =	vmul.f32 v25, v27  }
0x17e: {  	v5 =	vmul.f32 v26, v27;
	[tilespmem:s14+$0x130] =	vst v3;
	v3 =	vld [tilespmem:s14+$0x140]  }
0x17f: {  	v37 =	vld [tilespmem:s14+$0x50];
	[tilespmem:s14+$0xFFFFFF90] =	vst v4;
	v4 =	vmul.f32 v29, v31  }
0x180: {  	v56 =	vld [tilespmem:s14+$0x170];
	[tilespmem:s14+$0xFFFFFFA0] =	vst v5;
	v5 =	vmul.f32 v30, v31  }
0x181: {  	v38 =	vld [tilespmem:s14+$0x60];
	v55 =	vbroadcast v2, $0xD;
	[tilespmem:s14+$0xFFFFFFD0] =	vst v4;
	v4 =	vmul.f32 v33, v35  }
0x182: {  	v41 =	vld [tilespmem:s14+$0x90];
	[tilespmem:s14+$0xFFFFFFE0] =	vst v5;
	v5 =	vmul.f32 v34, v35  }
0x183: {  	v42 =	vld [tilespmem:s14+$0xA0];
	[tilespmem:s14+$0x10] =	vst v4;
	v3 =	vmul.f32 v3, v55  }
0x184: {  	v45 =	vld [tilespmem:s14+$0xD0];
	[tilespmem:s14+$0x20] =	vst v5;
	v4 =	vmul.f32 v37, v39  }
0x185: {  	v46 =	vld [tilespmem:s14+$0xE0];
	[tilespmem:s14+$0x140] =	vst v3;
	v3 =	vmul.f32 v56, v55  }
0x186: {  	v49 =	vld [tilespmem:s14+$0x110];
	v5 =	vmul.f32 v38, v39;
	[tilespmem:s14+$0x50] =	vst v4  }
0x187: {  	v4 =	vmul.f32 v41, v43;
	[tilespmem:s14+$0x170] =	vst v3;
	v3 =	vld [tilespmem:s14+$0x180]  }
0x188: {  	v50 =	vld [tilespmem:s14+$0x120];
	[tilespmem:s14+$0x60] =	vst v5;
	v5 =	vmul.f32 v42, v43  }
0x189: {  	v60 =	vld [tilespmem:s14+$0x1B0];
	[tilespmem:s14+$0x90] =	vst v4;
	v4 =	vmul.f32 v45, v47  }
0x18a: {  	v53 =	vld [tilespmem:s14+$0x150];
	v59 =	vbroadcast v2, $0xE;
	[tilespmem:s14+$0xA0] =	vst v5;
	v5 =	vmul.f32 v46, v47  }
0x18b: {  	v54 =	vld [tilespmem:s14+$0x160];
	[tilespmem:s14+$0xD0] =	vst v4;
	v4 =	vmul.f32 v49, v51  }
0x18c: {  	v57 =	vld [tilespmem:s14+$0x190];
	[tilespmem:s14+$0xE0] =	vst v5;
	v3 =	vmul.f32 v3, v59  }
0x18d: {  	v58 =	vld [tilespmem:s14+$0x1A0];
	v5 =	vmul.f32 v50, v51;
	[tilespmem:s14+$0x110] =	vst v4  }
0x18e: {  	v61 =	vld [tilespmem:s14+$0x1D0];
	[tilespmem:s14+$0x180] =	vst v3;
	v3 =	vmul.f32 v60, v59  }
0x18f: {  	v62 =	vld [tilespmem:s14+$0x1E0];
	[tilespmem:s14+$0x120] =	vst v5;
	v4 =	vmul.f32 v53, v55  }
0x190: {  	v5 =	vmul.f32 v54, v55;
	[tilespmem:s14+$0x1B0] =	vst v3;
	v3 =	vld [tilespmem:s14+$0x1C0]  }
0x191: {  	v2 =	vbroadcast v2, $0xF;
	v63 =	vld [tilespmem:s14+$0x1F0];
	[tilespmem:s14+$0x150] =	vst v4;
	v4 =	vmul.f32 v57, v59  }
0x192: {  	[tilespmem:s14+$0x160] =	vst v5;
	v5 =	vmul.f32 v58, v59  }
0x193: {  	p2 =	sne.s32 s13, $0x3C0;
	[tilespmem:s14+$0x190] =	vst v4;
	v4 =	vmul.f32 v61, v2  }
.Ltmp9:
0x194: {  	[tilespmem:s14+$0x1A0] =	vst v5;
	v5 =	vmul.f32 v62, v2;
	(pc) =	sbr.rel @p2 .LBB2_12-.Ltmp9, $4  }
0x195: {  	[tilespmem:s14+$0x1D0] =	vst v4;
	v3 =	vmul.f32 v3, v2  }
0x196: {  	[tilespmem:s14+$0x1E0] =	vst v5;
	v2 =	vmul.f32 v63, v2  }
0x197: {  	[tilespmem:s14+$0x1C0] =	vst v3  }
0x198: {  	s13 =	sadd.s32 $0x40, s13;
	[tilespmem:s14+$0x1F0] =	vst v2;
	s14 =	sadd.s32 $0x400, s14  }
.Ltmp10:
0x199: {  	(pc) =	sbr.rel @p1 .LBB2_17-.Ltmp10, $2  }
0x19a: {  	_ =	sdelay $0x2  }
0x19b: {  	s11 =	sadd.s32 $0x2800, s11  }
0x19c: {  	_ =	sdelay $0x2  }
0x19d: {  	s13 =	simm.s32 $0x0  }
0x19e: {  	v2 =	vld.idx.msk [tilespmem:v1+s13+$0x0 ss:$0x1], $0xffff;
	_ =	sdelay $0x4  }
0x19f: {  	v3 =	vbroadcast v2, $0x0  }
0x1a0: {  	s13 =	simm.s32 $0x10880;
	v4 =	vbroadcast v2, $0x1  }
0x1a1: {  	v5 =	vbroadcast v2, $0x2;
	[tilespmem:s13+$0xFFFFFF80] =	vst v3  }
0x1a2: {  	v56 =	vbroadcast v2, $0x4;
	[tilespmem:s13+$0xFFFFFF90] =	vst v4  }
0x1a3: {  	v57 =	vbroadcast v2, $0x5;
	[tilespmem:s13+$0xFFFFFFA0] =	vst v5  }
0x1a4: {  	v58 =	vbroadcast v2, $0x7;
	[tilespmem:s13+$0xFFFFFFC0] =	vst v56  }
0x1a5: {  	v59 =	vbroadcast v2, $0x8;
	[tilespmem:s13+$0xFFFFFFD0] =	vst v57  }
0x1a6: {  	v60 =	vbroadcast v2, $0xA;
	[tilespmem:s13+$0xFFFFFFF0] =	vst v58  }
0x1a7: {  	v3 =	vbroadcast v2, $0x3;
	[tilespmem:s13+$0x0] =	vst v59  }
0x1a8: {  	v61 =	vbroadcast v2, $0xB;
	[tilespmem:s13+$0x20] =	vst v60  }
0x1a9: {  	[tilespmem:s13+$0xFFFFFFB0] =	vst v3;
	v3 =	vbroadcast v2, $0x6  }
0x1aa: {  	v62 =	vbroadcast v2, $0xD;
	[tilespmem:s13+$0x30] =	vst v61  }
0x1ab: {  	[tilespmem:s13+$0xFFFFFFE0] =	vst v3;
	v3 =	vbroadcast v2, $0x9  }
0x1ac: {  	v63 =	vbroadcast v2, $0xE;
	[tilespmem:s13+$0x50] =	vst v62  }
0x1ad: {  	[tilespmem:s13+$0x10] =	vst v3;
	v3 =	vbroadcast v2, $0xC  }
0x1ae: {  	[tilespmem:s13+$0x60] =	vst v63;
	v2 =	vbroadcast v2, $0xF  }
0x1af: {  	[tilespmem:s13+$0x40] =	vst v3  }
0x1b0: {  	s16 =	simm.s32 $0x10;
	s14 =	simm.s32 $0x80;
	[tilespmem:s13+$0x70] =	vst v2  }
.LBB2_15:
0x1b1: {  	p2 =	sne.s32 s14, $0x3C0;
	v2 =	vld.idx.msk [tilespmem:v1+s16+$0x0 ss:$0x1], $0xffff;
	_ =	sdelay $0x5  }
0x1b2: {  	v3 =	vbroadcast v2, $0x0;
	v4 =	vbroadcast v2, $0x1  }
0x1b3: {  	s13 =	sadd.s32 $0x100, s13;
	v5 =	vbroadcast v2, $0x2;
	v6 =	vbroadcast v2, $0x3  }
0x1b4: {  	v7 =	vbroadcast v2, $0x5;
	[tilespmem:s13+$0xFFFFFF80] =	vst v3;
	v3 =	vbroadcast v2, $0x4  }
0x1b5: {  	v8 =	vbroadcast v2, $0x7;
	[tilespmem:s13+$0xFFFFFF90] =	vst v4;
	v4 =	vbroadcast v2, $0x6  }
0x1b6: {  	v9 =	vbroadcast v2, $0x9;
	[tilespmem:s13+$0xFFFFFFA0] =	vst v5;
	v5 =	vbroadcast v2, $0x8  }
0x1b7: {  	v10 =	vbroadcast v2, $0xB;
	[tilespmem:s13+$0xFFFFFFB0] =	vst v6;
	v6 =	vbroadcast v2, $0xA  }
0x1b8: {  	v11 =	vbroadcast v2, $0xD;
	[tilespmem:s13+$0xFFFFFFC0] =	vst v3;
	v3 =	vbroadcast v2, $0xC  }
0x1b9: {  	[tilespmem:s13+$0xFFFFFFD0] =	vst v7;
	v7 =	vbroadcast v2, $0xE;
	v2 =	vbroadcast v2, $0xF  }
0x1ba: {  	[tilespmem:s13+$0xFFFFFFE0] =	vst v4  }
0x1bb: {  	[tilespmem:s13+$0xFFFFFFF0] =	vst v8  }
0x1bc: {  	[tilespmem:s13+$0x0] =	vst v5  }
0x1bd: {  	[tilespmem:s13+$0x10] =	vst v9  }
0x1be: {  	[tilespmem:s13+$0x20] =	vst v6  }
.Ltmp11:
0x1bf: {  	[tilespmem:s13+$0x30] =	vst v10;
	(pc) =	sbr.rel @p2 .LBB2_15-.Ltmp11, $4  }
0x1c0: {  	[tilespmem:s13+$0x40] =	vst v3  }
0x1c1: {  	[tilespmem:s13+$0x50] =	vst v11  }
0x1c2: {  	[tilespmem:s13+$0x60] =	vst v7  }
0x1c3: {  	s16 =	sshra.s32 s14, $0x2;
	s14 =	sadd.s32 $0x40, s14;
	[tilespmem:s13+$0x70] =	vst v2  }
0x1c4: {  	_ =	sdelay $0x3  }
0x1c5: {  	v1 =	vld.idx.msk [tilespmem:v1+s16+$0x0 ss:$0x1], $0xffff;
	_ =	sdelay $0x4  }
0x1c6: {  	v2 =	vbroadcast v1, $0x0  }
0x1c7: {  	s13 =	sadd.s32 $0x100, s13;
	v3 =	vbroadcast v1, $0x1  }
0x1c8: {  	v4 =	vbroadcast v1, $0x2;
	[tilespmem:s13+$0xFFFFFF80] =	vst v2  }
0x1c9: {  	v60 =	vbroadcast v1, $0x5;
	[tilespmem:s13+$0xFFFFFF90] =	vst v3  }
0x1ca: {  	v61 =	vbroadcast v1, $0x8;
	[tilespmem:s13+$0xFFFFFFA0] =	vst v4  }
0x1cb: {  	v62 =	vbroadcast v1, $0xB;
	[tilespmem:s13+$0xFFFFFFD0] =	vst v60  }
0x1cc: {  	v63 =	vbroadcast v1, $0xE;
	[tilespmem:s13+$0x0] =	vst v61  }
0x1cd: {  	v2 =	vbroadcast v1, $0x3;
	[tilespmem:s13+$0x30] =	vst v62  }
0x1ce: {  	v3 =	vbroadcast v1, $0x4;
	[tilespmem:s13+$0x60] =	vst v63  }
0x1cf: {  	[tilespmem:s13+$0xFFFFFFB0] =	vst v2;
	v2 =	vbroadcast v1, $0x6  }
0x1d0: {  	[tilespmem:s13+$0xFFFFFFC0] =	vst v3;
	v3 =	vbroadcast v1, $0x7  }
0x1d1: {  	[tilespmem:s13+$0xFFFFFFE0] =	vst v2;
	v2 =	vbroadcast v1, $0x9  }
0x1d2: {  	[tilespmem:s13+$0xFFFFFFF0] =	vst v3;
	v3 =	vbroadcast v1, $0xA  }
0x1d3: {  	[tilespmem:s13+$0x10] =	vst v2;
	v2 =	vbroadcast v1, $0xC  }
0x1d4: {  	[tilespmem:s13+$0x20] =	vst v3;
	v3 =	vbroadcast v1, $0xD  }
0x1d5: {  	v1 =	vbroadcast v1, $0xF;
	[tilespmem:s13+$0x40] =	vst v2  }
.Ltmp12:
0x1d6: {  	[tilespmem:s13+$0x50] =	vst v3;
	(pc) =	sbr.rel .LBB2_18-.Ltmp12, $4  }
0x1d7: {  	[tilespmem:s13+$0x70] =	vst v1  }
0x1d8: {  	[spmem:s2] =	stream.indirect.scatter.add.f32 [tilespmem:s29], [sflag:$0x4], $0x40, s11, s26, $0xb8;
	[tilespmem:$0x1E000] =	vst v63  }
0x1d9: {  	_ = 	snop  }
0x1da: {  	[spmem:s3] =	stream.indirect.scatter.add.f32 [tilespmem:s25], [sflag:$0x6], $0x10, s11, s26, $0xb8;
	[tilespmem:$0x1E000] =	vst v63  }
.LBB2_19:
0x1db: {  	_ =	swait.ge [sflag:s0], $0x4000  }
0x1dc: {  	[sflag:s0] =	ssyncset.done $0x0  }
0x1dd: {  	s8 =	simm.s32 @!p1 $0x6;
	[sflag:s0] =	ssyncadd.s32 $0xFFFFC000  }
0x1de: {  	_ =	swait.ge @!p1 [sflag:s8], $0x1000  }
0x1df: {  	[sflag:s8] =	ssyncset.done @!p1 $0x0  }
0x1e0: {  	s9 =	rddreg [dreg:$0xb];
	[sflag:s8] =	ssyncadd.s32 @!p1 $0xFFFFF000;
	s8 =	simm.s32 $0x0  }
0x1e1: {  	[tilespmem:s8], [sflag:$0x7] =	stream.linear.gather [hbm4b:s9+s8], $0x2800, $0x38;
	[tilespmem:$0x1E000] =	vst v63  }
0x1e2: {  	_ =	swait.ge [sflag:s23], $0x2800  }
0x1e3: {  	[sflag:s23] =	ssyncset.done $0x0  }
0x1e4: {  	s10 =	simm.s32 $0x2800;
	s17 =	rddreg [dreg:$0xc];
	[sflag:s23] =	ssyncadd.s32 $0xFFFFD800  }
0x1e5: {  	[tilespmem:s10], [sflag:$0x7] =	stream.linear.gather [hbm4b:s17+s8], $0x2800, $0x38;
	[tilespmem:$0x1E000] =	vst v63  }
0x1e6: {  	_ =	swait.ge [sflag:s23], $0x2800  }
0x1e7: {  	[sflag:s23] =	ssyncset.done $0x0  }
0x1e8: {  	s9 =	simm.s32 $0x5000;
	[sflag:s23] =	ssyncadd.s32 $0xFFFFD800  }
0x1e9: {  	[tilespmem:s9], [sflag:$0x7] =	stream.linear.gather [hbm4b:s18+s8], $0x2800, $0x38;
	[tilespmem:$0x1E000] =	vst v63  }
.Ltmp13:
0x1ea: {  	_ = 	snop;
	(pc) =	sbr.rel .LBB2_20-.Ltmp13, $4  }
0x1eb: {  	_ =	swait.ge [sflag:s23], $0x2800  }
0x1ec: {  	[sflag:s23] =	ssyncset.done $0x0  }
0x1ed: {  	s10 =	simm.s32 $0x5100;
	[sflag:s23] =	ssyncadd.s32 $0xFFFFD800  }
0x1ee: {  	[tilespmem:s22], [sflag:$0x1] =	stream.indirect.gather [hbm4b:s15+s26], $0x40, s8, s26, $0xb8;
	[tilespmem:$0x1E000] =	vst v63  }
.LBB2_33:
0x1ef: {  	[spmem:s2] =	stream.indirect.scatter.add.f32 [tilespmem:s29], [sflag:$0x4], $0x40, s11, s26, $0xb8;
	[tilespmem:$0x1E000] =	vst v63  }
.LBB2_34:
0x1f0: {  	s8 =	sadd.s32 $0x1, s8  }
0x1f1: {  	p2 =	sne.s32 s8, $0x14  }
.Ltmp14:
0x1f2: {  	_ = 	snop;
	(pc) =	sbr.rel @!p2 .LBB2_35-.Ltmp14, $2  }
0x1f3: {  	_ =	sdelay $0x2  }
0x1f4: {  	s9 =	sadd.s32 $0x200, s9;
	s10 =	sadd.s32 $0x200, s10  }
.LBB2_20:
0x1f5: {  	_ =	swait.ge [sflag:s28], $0x4000  }
0x1f6: {  	p2 =	seq.s32 s8, $0x0;
	[sflag:s28] =	ssyncset.done $0x0  }
0x1f7: {  	s11 =	simm.s32 @!p2 $0x4;
	[sflag:s28] =	ssyncadd.s32 $0xFFFFC000  }
0x1f8: {  	p3 =	seq.s32 @!p2 s4, $0x0;
	_ =	swait.ge @!p2 [sflag:s11], $0x4000  }
0x1f9: {  	p3 =	por p3, p2;
	[sflag:s11] =	ssyncset.done @!p2 $0x0  }
0x1fa: {  	v1 =	vmov s9;
	[sflag:s11] =	ssyncadd.s32 @!p2 $0xFFFFC000;
	s11 =	simm.s32 @!p3 $0x6  }
0x1fb: {  	_ =	swait.ge @!p3 [sflag:s11], $0x1000  }
0x1fc: {  	s13 =	sshll.u32 s8, $0x9;
	s14 =	simm.s32 $0x7A00;
	[sflag:s11] =	ssyncset.done @!p3 $0x0  }
0x1fd: {  	s16 =	simm.s32 $0x0;
	[sflag:s11] =	ssyncadd.s32 @!p3 $0xFFFFF000;
	s11 =	sor.u32 $0x100, s13  }
0x1fe: {  	[tilespmem:s29], [sflag:$0x2] =	stream.indirect.gather [hbm4b:s15+s26], $0x40, s11, s26, $0xb8;
	[tilespmem:$0x1E000] =	vst v63  }
.LBB2_21:
0x1ff: {  	s17 =	sshra.s32 s16, $0x2  }
0x200: {  	v2 =	vld.idx.msk [tilespmem:v1+s17+$0x0 ss:$0x1], $0xffff;
	_ =	sdelay $0x1  }
0x201: {  	v3 =	vld [tilespmem:s14+$0xFFFFFE00];
	_ =	sdelay $0x1  }
0x202: {  	v7 =	vld [tilespmem:s14+$0xFFFFFE30]  }
0x203: {  	v6 =	vbroadcast v2, $0x0;
	_ =	sdelay $0x1  }
0x204: {  	v3 =	vmul.f32 v6, v3;
	_ =	sdelay $0x1  }
0x205: {  	[tilespmem:s14+$0xFFFFFE00] =	vst v3;
	v3 =	vmul.f32 v7, v6;
	_ =	sdelay $0x1  }
0x206: {  	[tilespmem:s14+$0xFFFFFE30] =	vst v3;
	v3 =	vld [tilespmem:s14+$0xFFFFFE40];
	_ =	sdelay $0x1  }
0x207: {  	v63 =	vld [tilespmem:s14+$0xFFFFFE70]  }
0x208: {  	v62 =	vbroadcast v2, $0x1;
	_ =	sdelay $0x1  }
0x209: {  	v3 =	vmul.f32 v3, v62;
	_ =	sdelay $0x1  }
0x20a: {  	[tilespmem:s14+$0xFFFFFE40] =	vst v3;
	v3 =	vmul.f32 v63, v62;
	_ =	sdelay $0x1  }
0x20b: {  	[tilespmem:s14+$0xFFFFFE70] =	vst v3;
	v3 =	vld [tilespmem:s14+$0xFFFFFE80];
	_ =	sdelay $0x1  }
0x20c: {  	v12 =	vld [tilespmem:s14+$0xFFFFFEB0]  }
0x20d: {  	v11 =	vbroadcast v2, $0x2;
	_ =	sdelay $0x1  }
0x20e: {  	v3 =	vmul.f32 v3, v11;
	_ =	sdelay $0x1  }
0x20f: {  	[tilespmem:s14+$0xFFFFFE80] =	vst v3;
	v3 =	vmul.f32 v12, v11;
	_ =	sdelay $0x1  }
0x210: {  	[tilespmem:s14+$0xFFFFFEB0] =	vst v3;
	v3 =	vld [tilespmem:s14+$0xFFFFFEC0];
	_ =	sdelay $0x1  }
0x211: {  	v16 =	vld [tilespmem:s14+$0xFFFFFEF0]  }
0x212: {  	v15 =	vbroadcast v2, $0x3;
	_ =	sdelay $0x1  }
0x213: {  	v3 =	vmul.f32 v3, v15;
	_ =	sdelay $0x1  }
0x214: {  	[tilespmem:s14+$0xFFFFFEC0] =	vst v3;
	v3 =	vmul.f32 v16, v15;
	_ =	sdelay $0x1  }
0x215: {  	[tilespmem:s14+$0xFFFFFEF0] =	vst v3;
	v3 =	vld [tilespmem:s14+$0xFFFFFF00];
	_ =	sdelay $0x1  }
0x216: {  	v20 =	vld [tilespmem:s14+$0xFFFFFF30]  }
0x217: {  	v19 =	vbroadcast v2, $0x4;
	_ =	sdelay $0x1  }
0x218: {  	v3 =	vmul.f32 v3, v19;
	_ =	sdelay $0x1  }
0x219: {  	[tilespmem:s14+$0xFFFFFF00] =	vst v3;
	v3 =	vmul.f32 v20, v19;
	_ =	sdelay $0x1  }
0x21a: {  	[tilespmem:s14+$0xFFFFFF30] =	vst v3;
	v3 =	vld [tilespmem:s14+$0xFFFFFF40];
	_ =	sdelay $0x1  }
0x21b: {  	v24 =	vld [tilespmem:s14+$0xFFFFFF70]  }
0x21c: {  	v23 =	vbroadcast v2, $0x5;
	_ =	sdelay $0x1  }
0x21d: {  	v3 =	vmul.f32 v3, v23;
	_ =	sdelay $0x1  }
0x21e: {  	[tilespmem:s14+$0xFFFFFF40] =	vst v3;
	v3 =	vmul.f32 v24, v23;
	_ =	sdelay $0x1  }
0x21f: {  	[tilespmem:s14+$0xFFFFFF70] =	vst v3;
	v3 =	vld [tilespmem:s14+$0xFFFFFF80];
	_ =	sdelay $0x1  }
0x220: {  	v28 =	vld [tilespmem:s14+$0xFFFFFFB0]  }
0x221: {  	v27 =	vbroadcast v2, $0x6;
	_ =	sdelay $0x1  }
0x222: {  	v3 =	vmul.f32 v3, v27;
	_ =	sdelay $0x1  }
0x223: {  	[tilespmem:s14+$0xFFFFFF80] =	vst v3;
	v3 =	vmul.f32 v28, v27;
	_ =	sdelay $0x1  }
0x224: {  	[tilespmem:s14+$0xFFFFFFB0] =	vst v3;
	v3 =	vld [tilespmem:s14+$0xFFFFFFC0];
	_ =	sdelay $0x1  }
0x225: {  	v32 =	vld [tilespmem:s14+$0xFFFFFFF0]  }
0x226: {  	v31 =	vbroadcast v2, $0x7;
	_ =	sdelay $0x1  }
0x227: {  	v3 =	vmul.f32 v3, v31;
	_ =	sdelay $0x1  }
0x228: {  	[tilespmem:s14+$0xFFFFFFC0] =	vst v3;
	v3 =	vmul.f32 v32, v31;
	_ =	sdelay $0x1  }
0x229: {  	[tilespmem:s14+$0xFFFFFFF0] =	vst v3;
	v3 =	vld [tilespmem:s14+$0x0];
	_ =	sdelay $0x1  }
0x22a: {  	v36 =	vld [tilespmem:s14+$0x30]  }
0x22b: {  	v35 =	vbroadcast v2, $0x8;
	_ =	sdelay $0x1  }
0x22c: {  	v3 =	vmul.f32 v3, v35;
	_ =	sdelay $0x1  }
0x22d: {  	[tilespmem:s14+$0x0] =	vst v3;
	v3 =	vmul.f32 v36, v35;
	_ =	sdelay $0x1  }
0x22e: {  	[tilespmem:s14+$0x30] =	vst v3;
	v3 =	vld [tilespmem:s14+$0x40];
	_ =	sdelay $0x1  }
0x22f: {  	v40 =	vld [tilespmem:s14+$0x70]  }
0x230: {  	v39 =	vbroadcast v2, $0x9;
	_ =	sdelay $0x1  }
0x231: {  	v3 =	vmul.f32 v3, v39;
	_ =	sdelay $0x1  }
0x232: {  	[tilespmem:s14+$0x40] =	vst v3;
	v3 =	vmul.f32 v40, v39;
	_ =	sdelay $0x1  }
0x233: {  	[tilespmem:s14+$0x70] =	vst v3;
	v3 =	vld [tilespmem:s14+$0x80];
	_ =	sdelay $0x1  }
0x234: {  	v44 =	vld [tilespmem:s14+$0xB0]  }
0x235: {  	v43 =	vbroadcast v2, $0xA;
	_ =	sdelay $0x1  }
0x236: {  	v4 =	vld [tilespmem:s14+$0xFFFFFE10];
	v3 =	vmul.f32 v3, v43  }
0x237: {  	v5 =	vld [tilespmem:s14+$0xFFFFFE20]  }
0x238: {  	v60 =	vld [tilespmem:s14+$0xFFFFFE50];
	[tilespmem:s14+$0x80] =	vst v3;
	v3 =	vmul.f32 v44, v43  }
0x239: {  	v61 =	vld [tilespmem:s14+$0xFFFFFE60]  }
0x23a: {  	[tilespmem:s14+$0xB0] =	vst v3;
	v3 =	vld [tilespmem:s14+$0xC0]  }
0x23b: {  	v9 =	vld [tilespmem:s14+$0xFFFFFE90];
	v4 =	vmul.f32 v4, v6  }
0x23c: {  	v48 =	vld [tilespmem:s14+$0xF0];
	v5 =	vmul.f32 v5, v6  }
0x23d: {  	v10 =	vld [tilespmem:s14+$0xFFFFFEA0];
	v47 =	vbroadcast v2, $0xB;
	[tilespmem:s14+$0xFFFFFE10] =	vst v4;
	v4 =	vmul.f32 v60, v62  }
0x23e: {  	v13 =	vld [tilespmem:s14+$0xFFFFFED0];
	[tilespmem:s14+$0xFFFFFE20] =	vst v5;
	v5 =	vmul.f32 v61, v62  }
0x23f: {  	v14 =	vld [tilespmem:s14+$0xFFFFFEE0];
	[tilespmem:s14+$0xFFFFFE50] =	vst v4;
	v3 =	vmul.f32 v3, v47  }
0x240: {  	v17 =	vld [tilespmem:s14+$0xFFFFFF10];
	[tilespmem:s14+$0xFFFFFE60] =	vst v5;
	v4 =	vmul.f32 v9, v11  }
0x241: {  	v18 =	vld [tilespmem:s14+$0xFFFFFF20];
	[tilespmem:s14+$0xC0] =	vst v3;
	v3 =	vmul.f32 v48, v47  }
0x242: {  	v21 =	vld [tilespmem:s14+$0xFFFFFF50];
	v5 =	vmul.f32 v10, v11;
	[tilespmem:s14+$0xFFFFFE90] =	vst v4  }
0x243: {  	v4 =	vmul.f32 v13, v15;
	[tilespmem:s14+$0xF0] =	vst v3;
	v3 =	vld [tilespmem:s14+$0x100]  }
0x244: {  	v22 =	vld [tilespmem:s14+$0xFFFFFF60];
	[tilespmem:s14+$0xFFFFFEA0] =	vst v5;
	v5 =	vmul.f32 v14, v15  }
0x245: {  	v52 =	vld [tilespmem:s14+$0x130];
	[tilespmem:s14+$0xFFFFFED0] =	vst v4;
	v4 =	vmul.f32 v17, v19  }
0x246: {  	v25 =	vld [tilespmem:s14+$0xFFFFFF90];
	v51 =	vbroadcast v2, $0xC;
	[tilespmem:s14+$0xFFFFFEE0] =	vst v5;
	v5 =	vmul.f32 v18, v19  }
0x247: {  	v26 =	vld [tilespmem:s14+$0xFFFFFFA0];
	[tilespmem:s14+$0xFFFFFF10] =	vst v4;
	v4 =	vmul.f32 v21, v23  }
0x248: {  	v29 =	vld [tilespmem:s14+$0xFFFFFFD0];
	[tilespmem:s14+$0xFFFFFF20] =	vst v5;
	v3 =	vmul.f32 v3, v51  }
0x249: {  	v30 =	vld [tilespmem:s14+$0xFFFFFFE0];
	v5 =	vmul.f32 v22, v23;
	[tilespmem:s14+$0xFFFFFF50] =	vst v4  }
0x24a: {  	v33 =	vld [tilespmem:s14+$0x10];
	[tilespmem:s14+$0x100] =	vst v3;
	v3 =	vmul.f32 v52, v51  }
0x24b: {  	v34 =	vld [tilespmem:s14+$0x20];
	[tilespmem:s14+$0xFFFFFF60] =	vst v5;
	v4 =	vmul.f32 v25, v27  }
0x24c: {  	v5 =	vmul.f32 v26, v27;
	[tilespmem:s14+$0x130] =	vst v3;
	v3 =	vld [tilespmem:s14+$0x140]  }
0x24d: {  	v37 =	vld [tilespmem:s14+$0x50];
	[tilespmem:s14+$0xFFFFFF90] =	vst v4;
	v4 =	vmul.f32 v29, v31  }
0x24e: {  	v56 =	vld [tilespmem:s14+$0x170];
	[tilespmem:s14+$0xFFFFFFA0] =	vst v5;
	v5 =	vmul.f32 v30, v31  }
0x24f: {  	v38 =	vld [tilespmem:s14+$0x60];
	v55 =	vbroadcast v2, $0xD;
	[tilespmem:s14+$0xFFFFFFD0] =	vst v4;
	v4 =	vmul.f32 v33, v35  }
0x250: {  	v41 =	vld [tilespmem:s14+$0x90];
	[tilespmem:s14+$0xFFFFFFE0] =	vst v5;
	v5 =	vmul.f32 v34, v35  }
0x251: {  	v42 =	vld [tilespmem:s14+$0xA0];
	[tilespmem:s14+$0x10] =	vst v4;
	v3 =	vmul.f32 v3, v55  }
0x252: {  	v45 =	vld [tilespmem:s14+$0xD0];
	[tilespmem:s14+$0x20] =	vst v5;
	v4 =	vmul.f32 v37, v39  }
0x253: {  	v46 =	vld [tilespmem:s14+$0xE0];
	[tilespmem:s14+$0x140] =	vst v3;
	v3 =	vmul.f32 v56, v55  }
0x254: {  	v49 =	vld [tilespmem:s14+$0x110];
	v5 =	vmul.f32 v38, v39;
	[tilespmem:s14+$0x50] =	vst v4  }
0x255: {  	v4 =	vmul.f32 v41, v43;
	[tilespmem:s14+$0x170] =	vst v3;
	v3 =	vld [tilespmem:s14+$0x180]  }
0x256: {  	v50 =	vld [tilespmem:s14+$0x120];
	[tilespmem:s14+$0x60] =	vst v5;
	v5 =	vmul.f32 v42, v43  }
0x257: {  	v60 =	vld [tilespmem:s14+$0x1B0];
	[tilespmem:s14+$0x90] =	vst v4;
	v4 =	vmul.f32 v45, v47  }
0x258: {  	v53 =	vld [tilespmem:s14+$0x150];
	v59 =	vbroadcast v2, $0xE;
	[tilespmem:s14+$0xA0] =	vst v5;
	v5 =	vmul.f32 v46, v47  }
0x259: {  	v54 =	vld [tilespmem:s14+$0x160];
	[tilespmem:s14+$0xD0] =	vst v4;
	v4 =	vmul.f32 v49, v51  }
0x25a: {  	v57 =	vld [tilespmem:s14+$0x190];
	[tilespmem:s14+$0xE0] =	vst v5;
	v3 =	vmul.f32 v3, v59  }
0x25b: {  	v58 =	vld [tilespmem:s14+$0x1A0];
	v5 =	vmul.f32 v50, v51;
	[tilespmem:s14+$0x110] =	vst v4  }
0x25c: {  	v61 =	vld [tilespmem:s14+$0x1D0];
	[tilespmem:s14+$0x180] =	vst v3;
	v3 =	vmul.f32 v60, v59  }
0x25d: {  	v62 =	vld [tilespmem:s14+$0x1E0];
	[tilespmem:s14+$0x120] =	vst v5;
	v4 =	vmul.f32 v53, v55  }
0x25e: {  	v5 =	vmul.f32 v54, v55;
	[tilespmem:s14+$0x1B0] =	vst v3;
	v3 =	vld [tilespmem:s14+$0x1C0]  }
0x25f: {  	v2 =	vbroadcast v2, $0xF;
	v63 =	vld [tilespmem:s14+$0x1F0];
	[tilespmem:s14+$0x150] =	vst v4;
	v4 =	vmul.f32 v57, v59  }
0x260: {  	[tilespmem:s14+$0x160] =	vst v5;
	v5 =	vmul.f32 v58, v59  }
0x261: {  	p2 =	sne.s32 s16, $0x3C0;
	[tilespmem:s14+$0x190] =	vst v4;
	v4 =	vmul.f32 v61, v2  }
.Ltmp15:
0x262: {  	[tilespmem:s14+$0x1A0] =	vst v5;
	v5 =	vmul.f32 v62, v2;
	(pc) =	sbr.rel @p2 .LBB2_21-.Ltmp15, $4  }
0x263: {  	[tilespmem:s14+$0x1D0] =	vst v4;
	v3 =	vmul.f32 v3, v2  }
0x264: {  	[tilespmem:s14+$0x1E0] =	vst v5;
	v2 =	vmul.f32 v63, v2  }
0x265: {  	[tilespmem:s14+$0x1C0] =	vst v3  }
0x266: {  	s16 =	sadd.s32 $0x40, s16;
	[tilespmem:s14+$0x1F0] =	vst v2;
	s14 =	sadd.s32 $0x400, s14  }
.Ltmp16:
0x267: {  	(pc) =	sbr.rel @p0 .LBB2_26-.Ltmp16, $1  }
0x268: {  	_ =	sdelay $0x3  }
0x269: {  	_ =	sdelay $0x2  }
0x26a: {  	s14 =	simm.s32 $0x0  }
0x26b: {  	v2 =	vld.idx.msk [tilespmem:v1+s14+$0x0 ss:$0x1], $0xffff;
	_ =	sdelay $0x4  }
0x26c: {  	v3 =	vbroadcast v2, $0x0  }
0x26d: {  	s14 =	simm.s32 $0xF880;
	v4 =	vbroadcast v2, $0x1  }
0x26e: {  	v5 =	vbroadcast v2, $0x2;
	[tilespmem:s14+$0xFFFFFF80] =	vst v3  }
0x26f: {  	v56 =	vbroadcast v2, $0x4;
	[tilespmem:s14+$0xFFFFFF90] =	vst v4  }
0x270: {  	v57 =	vbroadcast v2, $0x5;
	[tilespmem:s14+$0xFFFFFFA0] =	vst v5  }
0x271: {  	v58 =	vbroadcast v2, $0x7;
	[tilespmem:s14+$0xFFFFFFC0] =	vst v56  }
0x272: {  	v59 =	vbroadcast v2, $0x8;
	[tilespmem:s14+$0xFFFFFFD0] =	vst v57  }
0x273: {  	v60 =	vbroadcast v2, $0xA;
	[tilespmem:s14+$0xFFFFFFF0] =	vst v58  }
0x274: {  	v3 =	vbroadcast v2, $0x3;
	[tilespmem:s14+$0x0] =	vst v59  }
0x275: {  	v61 =	vbroadcast v2, $0xB;
	[tilespmem:s14+$0x20] =	vst v60  }
0x276: {  	[tilespmem:s14+$0xFFFFFFB0] =	vst v3;
	v3 =	vbroadcast v2, $0x6  }
0x277: {  	v62 =	vbroadcast v2, $0xD;
	[tilespmem:s14+$0x30] =	vst v61  }
0x278: {  	[tilespmem:s14+$0xFFFFFFE0] =	vst v3;
	v3 =	vbroadcast v2, $0x9  }
0x279: {  	v63 =	vbroadcast v2, $0xE;
	[tilespmem:s14+$0x50] =	vst v62  }
0x27a: {  	[tilespmem:s14+$0x10] =	vst v3;
	v3 =	vbroadcast v2, $0xC  }
0x27b: {  	[tilespmem:s14+$0x60] =	vst v63;
	v2 =	vbroadcast v2, $0xF  }
0x27c: {  	[tilespmem:s14+$0x40] =	vst v3  }
0x27d: {  	s17 =	simm.s32 $0x10;
	s16 =	simm.s32 $0x80;
	[tilespmem:s14+$0x70] =	vst v2  }
.LBB2_24:
0x27e: {  	p2 =	sne.s32 s16, $0x3C0;
	v2 =	vld.idx.msk [tilespmem:v1+s17+$0x0 ss:$0x1], $0xffff;
	_ =	sdelay $0x5  }
0x27f: {  	v3 =	vbroadcast v2, $0x0;
	v4 =	vbroadcast v2, $0x1  }
0x280: {  	s14 =	sadd.s32 $0x100, s14;
	v5 =	vbroadcast v2, $0x2;
	v6 =	vbroadcast v2, $0x3  }
0x281: {  	v7 =	vbroadcast v2, $0x5;
	[tilespmem:s14+$0xFFFFFF80] =	vst v3;
	v3 =	vbroadcast v2, $0x4  }
0x282: {  	v8 =	vbroadcast v2, $0x7;
	[tilespmem:s14+$0xFFFFFF90] =	vst v4;
	v4 =	vbroadcast v2, $0x6  }
0x283: {  	v9 =	vbroadcast v2, $0x9;
	[tilespmem:s14+$0xFFFFFFA0] =	vst v5;
	v5 =	vbroadcast v2, $0x8  }
0x284: {  	v10 =	vbroadcast v2, $0xB;
	[tilespmem:s14+$0xFFFFFFB0] =	vst v6;
	v6 =	vbroadcast v2, $0xA  }
0x285: {  	v11 =	vbroadcast v2, $0xD;
	[tilespmem:s14+$0xFFFFFFC0] =	vst v3;
	v3 =	vbroadcast v2, $0xC  }
0x286: {  	[tilespmem:s14+$0xFFFFFFD0] =	vst v7;
	v7 =	vbroadcast v2, $0xE;
	v2 =	vbroadcast v2, $0xF  }
0x287: {  	[tilespmem:s14+$0xFFFFFFE0] =	vst v4  }
0x288: {  	[tilespmem:s14+$0xFFFFFFF0] =	vst v8  }
0x289: {  	[tilespmem:s14+$0x0] =	vst v5  }
0x28a: {  	[tilespmem:s14+$0x10] =	vst v9  }
0x28b: {  	[tilespmem:s14+$0x20] =	vst v6  }
.Ltmp17:
0x28c: {  	[tilespmem:s14+$0x30] =	vst v10;
	(pc) =	sbr.rel @p2 .LBB2_24-.Ltmp17, $4  }
0x28d: {  	[tilespmem:s14+$0x40] =	vst v3  }
0x28e: {  	[tilespmem:s14+$0x50] =	vst v11  }
0x28f: {  	[tilespmem:s14+$0x60] =	vst v7  }
0x290: {  	s17 =	sshra.s32 s16, $0x2;
	s16 =	sadd.s32 $0x40, s16;
	[tilespmem:s14+$0x70] =	vst v2  }
0x291: {  	_ =	sdelay $0x3  }
0x292: {  	v1 =	vld.idx.msk [tilespmem:v1+s17+$0x0 ss:$0x1], $0xffff;
	_ =	sdelay $0x4  }
0x293: {  	v2 =	vbroadcast v1, $0x0  }
0x294: {  	s14 =	sadd.s32 $0x100, s14;
	v3 =	vbroadcast v1, $0x1  }
0x295: {  	v4 =	vbroadcast v1, $0x2;
	[tilespmem:s14+$0xFFFFFF80] =	vst v2  }
0x296: {  	v60 =	vbroadcast v1, $0x5;
	[tilespmem:s14+$0xFFFFFF90] =	vst v3  }
0x297: {  	v61 =	vbroadcast v1, $0x8;
	[tilespmem:s14+$0xFFFFFFA0] =	vst v4  }
0x298: {  	v62 =	vbroadcast v1, $0xB;
	[tilespmem:s14+$0xFFFFFFD0] =	vst v60  }
0x299: {  	v63 =	vbroadcast v1, $0xE;
	[tilespmem:s14+$0x0] =	vst v61  }
0x29a: {  	v2 =	vbroadcast v1, $0x3;
	[tilespmem:s14+$0x30] =	vst v62  }
0x29b: {  	v3 =	vbroadcast v1, $0x4;
	[tilespmem:s14+$0x60] =	vst v63  }
0x29c: {  	[tilespmem:s14+$0xFFFFFFB0] =	vst v2;
	v2 =	vbroadcast v1, $0x6  }
0x29d: {  	[tilespmem:s14+$0xFFFFFFC0] =	vst v3;
	v3 =	vbroadcast v1, $0x7  }
0x29e: {  	[tilespmem:s14+$0xFFFFFFE0] =	vst v2;
	v2 =	vbroadcast v1, $0x9  }
0x29f: {  	[tilespmem:s14+$0xFFFFFFF0] =	vst v3;
	v3 =	vbroadcast v1, $0xA  }
0x2a0: {  	[tilespmem:s14+$0x10] =	vst v2;
	v2 =	vbroadcast v1, $0xC  }
0x2a1: {  	[tilespmem:s14+$0x20] =	vst v3;
	v3 =	vbroadcast v1, $0xD  }
0x2a2: {  	v1 =	vbroadcast v1, $0xF;
	[tilespmem:s14+$0x40] =	vst v2  }
0x2a3: {  	s13 =	sand.u32 $0x3FFFFE00, s13;
	[tilespmem:s14+$0x50] =	vst v3  }
0x2a4: {  	s13 =	sadd.s32 $0x2800, s13;
	[tilespmem:s14+$0x70] =	vst v1  }
0x2a5: {  	[spmem:s2] =	stream.indirect.scatter.add.f32 [tilespmem:s22], [sflag:$0x3], $0x40, s13, s26, $0xb8;
	[tilespmem:$0x1E000] =	vst v63  }
0x2a6: {  	_ = 	snop  }
0x2a7: {  	[spmem:s3] =	stream.indirect.scatter.add.f32 [tilespmem:s24], [sflag:$0x5], $0x10, s13, s26, $0xb8;
	[tilespmem:$0x1E000] =	vst v63  }
0x2a8: {  	_ =	swait.ge [sflag:s30], $0x4000  }
0x2a9: {  	[sflag:s30] =	ssyncset.done $0x0  }
0x2aa: {  	[sflag:s30] =	ssyncadd.s32 $0xFFFFC000  }
0x2ab: {  	_ =	swait.ge [sflag:s31], $0x4000  }
.Ltmp18:
0x2ac: {  	[sflag:s31] =	ssyncset.done $0x0;
	(pc) =	sbr.rel .LBB2_27-.Ltmp18, $4  }
0x2ad: {  	[sflag:s31] =	ssyncadd.s32 $0xFFFFC000  }
0x2ae: {  	_ =	swait.ge [sflag:s1], $0x1000  }
0x2af: {  	[sflag:s1] =	ssyncset.done $0x0  }
0x2b0: {  	[sflag:s1] =	ssyncadd.s32 $0xFFFFF000  }
.LBB2_26:
0x2b1: {  	s13 =	sand.u32 $0x3FFFFE00, s13  }
0x2b2: {  	s13 =	sadd.s32 $0x2800, s13  }
0x2b3: {  	[spmem:s2] =	stream.indirect.scatter.add.f32 [tilespmem:s22], [sflag:$0x3], $0x40, s13, s26, $0xb8;
	[tilespmem:$0x1E000] =	vst v63  }
0x2b4: {  	_ =	swait.ge [sflag:s30], $0x4000  }
0x2b5: {  	[sflag:s30] =	ssyncset.done $0x0  }
0x2b6: {  	[sflag:s30] =	ssyncadd.s32 $0xFFFFC000  }
0x2b7: {  	_ =	swait.ge [sflag:s31], $0x4000  }
0x2b8: {  	[sflag:s31] =	ssyncset.done $0x0  }
0x2b9: {  	[sflag:s31] =	ssyncadd.s32 $0xFFFFC000  }
.LBB2_27:
0x2ba: {  	p2 =	seq.s32 s8, $0x13  }
0x2bb: {  	v1 =	vmov s10;
	s13 =	sshll.u32 @!p2 s8, $0x9  }
0x2bc: {  	s13 =	sand.u32 @!p2 $0x3FFFFE00, s13  }
0x2bd: {  	s14 =	simm.s32 @!p2 $0x100;
	s16 =	simm.s32 @!p2 $0x7800;
	s13 =	sadd.s32 @!p2 $0x200, s13  }
0x2be: {  	[tilespmem:s16], [sflag:$0x1] =	stream.indirect.gather @!p2 [hbm4b:s15+s14], $0x40, s13, s14, $0xb8;
	[tilespmem:$0x1E000] =	vst v63  }
0x2bf: {  	s13 =	simm.s32 $0x0;
	s14 =	simm.s32 $0xBA00  }
.LBB2_28:
0x2c0: {  	s16 =	sshra.s32 s13, $0x2  }
0x2c1: {  	v2 =	vld.idx.msk [tilespmem:v1+s16+$0x0 ss:$0x1], $0xffff;
	_ =	sdelay $0x1  }
0x2c2: {  	v3 =	vld [tilespmem:s14+$0xFFFFFE00];
	_ =	sdelay $0x1  }
0x2c3: {  	v7 =	vld [tilespmem:s14+$0xFFFFFE30]  }
0x2c4: {  	v6 =	vbroadcast v2, $0x0;
	_ =	sdelay $0x1  }
0x2c5: {  	v3 =	vmul.f32 v6, v3;
	_ =	sdelay $0x1  }
0x2c6: {  	[tilespmem:s14+$0xFFFFFE00] =	vst v3;
	v3 =	vmul.f32 v7, v6;
	_ =	sdelay $0x1  }
0x2c7: {  	[tilespmem:s14+$0xFFFFFE30] =	vst v3;
	v3 =	vld [tilespmem:s14+$0xFFFFFE40];
	_ =	sdelay $0x1  }
0x2c8: {  	v63 =	vld [tilespmem:s14+$0xFFFFFE70]  }
0x2c9: {  	v62 =	vbroadcast v2, $0x1;
	_ =	sdelay $0x1  }
0x2ca: {  	v3 =	vmul.f32 v3, v62;
	_ =	sdelay $0x1  }
0x2cb: {  	[tilespmem:s14+$0xFFFFFE40] =	vst v3;
	v3 =	vmul.f32 v63, v62;
	_ =	sdelay $0x1  }
0x2cc: {  	[tilespmem:s14+$0xFFFFFE70] =	vst v3;
	v3 =	vld [tilespmem:s14+$0xFFFFFE80];
	_ =	sdelay $0x1  }
0x2cd: {  	v12 =	vld [tilespmem:s14+$0xFFFFFEB0]  }
0x2ce: {  	v11 =	vbroadcast v2, $0x2;
	_ =	sdelay $0x1  }
0x2cf: {  	v3 =	vmul.f32 v3, v11;
	_ =	sdelay $0x1  }
0x2d0: {  	[tilespmem:s14+$0xFFFFFE80] =	vst v3;
	v3 =	vmul.f32 v12, v11;
	_ =	sdelay $0x1  }
0x2d1: {  	[tilespmem:s14+$0xFFFFFEB0] =	vst v3;
	v3 =	vld [tilespmem:s14+$0xFFFFFEC0];
	_ =	sdelay $0x1  }
0x2d2: {  	v16 =	vld [tilespmem:s14+$0xFFFFFEF0]  }
0x2d3: {  	v15 =	vbroadcast v2, $0x3;
	_ =	sdelay $0x1  }
0x2d4: {  	v3 =	vmul.f32 v3, v15;
	_ =	sdelay $0x1  }
0x2d5: {  	[tilespmem:s14+$0xFFFFFEC0] =	vst v3;
	v3 =	vmul.f32 v16, v15;
	_ =	sdelay $0x1  }
0x2d6: {  	[tilespmem:s14+$0xFFFFFEF0] =	vst v3;
	v3 =	vld [tilespmem:s14+$0xFFFFFF00];
	_ =	sdelay $0x1  }
0x2d7: {  	v20 =	vld [tilespmem:s14+$0xFFFFFF30]  }
0x2d8: {  	v19 =	vbroadcast v2, $0x4;
	_ =	sdelay $0x1  }
0x2d9: {  	v3 =	vmul.f32 v3, v19;
	_ =	sdelay $0x1  }
0x2da: {  	[tilespmem:s14+$0xFFFFFF00] =	vst v3;
	v3 =	vmul.f32 v20, v19;
	_ =	sdelay $0x1  }
0x2db: {  	[tilespmem:s14+$0xFFFFFF30] =	vst v3;
	v3 =	vld [tilespmem:s14+$0xFFFFFF40];
	_ =	sdelay $0x1  }
0x2dc: {  	v24 =	vld [tilespmem:s14+$0xFFFFFF70]  }
0x2dd: {  	v23 =	vbroadcast v2, $0x5;
	_ =	sdelay $0x1  }
0x2de: {  	v3 =	vmul.f32 v3, v23;
	_ =	sdelay $0x1  }
0x2df: {  	[tilespmem:s14+$0xFFFFFF40] =	vst v3;
	v3 =	vmul.f32 v24, v23;
	_ =	sdelay $0x1  }
0x2e0: {  	[tilespmem:s14+$0xFFFFFF70] =	vst v3;
	v3 =	vld [tilespmem:s14+$0xFFFFFF80];
	_ =	sdelay $0x1  }
0x2e1: {  	v28 =	vld [tilespmem:s14+$0xFFFFFFB0]  }
0x2e2: {  	v27 =	vbroadcast v2, $0x6;
	_ =	sdelay $0x1  }
0x2e3: {  	v3 =	vmul.f32 v3, v27;
	_ =	sdelay $0x1  }
0x2e4: {  	[tilespmem:s14+$0xFFFFFF80] =	vst v3;
	v3 =	vmul.f32 v28, v27;
	_ =	sdelay $0x1  }
0x2e5: {  	[tilespmem:s14+$0xFFFFFFB0] =	vst v3;
	v3 =	vld [tilespmem:s14+$0xFFFFFFC0];
	_ =	sdelay $0x1  }
0x2e6: {  	v32 =	vld [tilespmem:s14+$0xFFFFFFF0]  }
0x2e7: {  	v31 =	vbroadcast v2, $0x7;
	_ =	sdelay $0x1  }
0x2e8: {  	v3 =	vmul.f32 v3, v31;
	_ =	sdelay $0x1  }
0x2e9: {  	[tilespmem:s14+$0xFFFFFFC0] =	vst v3;
	v3 =	vmul.f32 v32, v31;
	_ =	sdelay $0x1  }
0x2ea: {  	[tilespmem:s14+$0xFFFFFFF0] =	vst v3;
	v3 =	vld [tilespmem:s14+$0x0];
	_ =	sdelay $0x1  }
0x2eb: {  	v36 =	vld [tilespmem:s14+$0x30]  }
0x2ec: {  	v35 =	vbroadcast v2, $0x8;
	_ =	sdelay $0x1  }
0x2ed: {  	v3 =	vmul.f32 v3, v35;
	_ =	sdelay $0x1  }
0x2ee: {  	[tilespmem:s14+$0x0] =	vst v3;
	v3 =	vmul.f32 v36, v35;
	_ =	sdelay $0x1  }
0x2ef: {  	[tilespmem:s14+$0x30] =	vst v3;
	v3 =	vld [tilespmem:s14+$0x40];
	_ =	sdelay $0x1  }
0x2f0: {  	v40 =	vld [tilespmem:s14+$0x70]  }
0x2f1: {  	v39 =	vbroadcast v2, $0x9;
	_ =	sdelay $0x1  }
0x2f2: {  	v3 =	vmul.f32 v3, v39;
	_ =	sdelay $0x1  }
0x2f3: {  	[tilespmem:s14+$0x40] =	vst v3;
	v3 =	vmul.f32 v40, v39;
	_ =	sdelay $0x1  }
0x2f4: {  	[tilespmem:s14+$0x70] =	vst v3;
	v3 =	vld [tilespmem:s14+$0x80];
	_ =	sdelay $0x1  }
0x2f5: {  	v44 =	vld [tilespmem:s14+$0xB0]  }
0x2f6: {  	v43 =	vbroadcast v2, $0xA;
	_ =	sdelay $0x1  }
0x2f7: {  	v4 =	vld [tilespmem:s14+$0xFFFFFE10];
	v3 =	vmul.f32 v3, v43  }
0x2f8: {  	v5 =	vld [tilespmem:s14+$0xFFFFFE20]  }
0x2f9: {  	v60 =	vld [tilespmem:s14+$0xFFFFFE50];
	[tilespmem:s14+$0x80] =	vst v3;
	v3 =	vmul.f32 v44, v43  }
0x2fa: {  	v61 =	vld [tilespmem:s14+$0xFFFFFE60]  }
0x2fb: {  	[tilespmem:s14+$0xB0] =	vst v3;
	v3 =	vld [tilespmem:s14+$0xC0]  }
0x2fc: {  	v9 =	vld [tilespmem:s14+$0xFFFFFE90];
	v4 =	vmul.f32 v4, v6  }
0x2fd: {  	v48 =	vld [tilespmem:s14+$0xF0];
	v5 =	vmul.f32 v5, v6  }
0x2fe: {  	v10 =	vld [tilespmem:s14+$0xFFFFFEA0];
	v47 =	vbroadcast v2, $0xB;
	[tilespmem:s14+$0xFFFFFE10] =	vst v4;
	v4 =	vmul.f32 v60, v62  }
0x2ff: {  	v13 =	vld [tilespmem:s14+$0xFFFFFED0];
	[tilespmem:s14+$0xFFFFFE20] =	vst v5;
	v5 =	vmul.f32 v61, v62  }
0x300: {  	v14 =	vld [tilespmem:s14+$0xFFFFFEE0];
	[tilespmem:s14+$0xFFFFFE50] =	vst v4;
	v3 =	vmul.f32 v3, v47  }
0x301: {  	v17 =	vld [tilespmem:s14+$0xFFFFFF10];
	[tilespmem:s14+$0xFFFFFE60] =	vst v5;
	v4 =	vmul.f32 v9, v11  }
0x302: {  	v18 =	vld [tilespmem:s14+$0xFFFFFF20];
	[tilespmem:s14+$0xC0] =	vst v3;
	v3 =	vmul.f32 v48, v47  }
0x303: {  	v21 =	vld [tilespmem:s14+$0xFFFFFF50];
	v5 =	vmul.f32 v10, v11;
	[tilespmem:s14+$0xFFFFFE90] =	vst v4  }
0x304: {  	v4 =	vmul.f32 v13, v15;
	[tilespmem:s14+$0xF0] =	vst v3;
	v3 =	vld [tilespmem:s14+$0x100]  }
0x305: {  	v22 =	vld [tilespmem:s14+$0xFFFFFF60];
	[tilespmem:s14+$0xFFFFFEA0] =	vst v5;
	v5 =	vmul.f32 v14, v15  }
0x306: {  	v52 =	vld [tilespmem:s14+$0x130];
	[tilespmem:s14+$0xFFFFFED0] =	vst v4;
	v4 =	vmul.f32 v17, v19  }
0x307: {  	v25 =	vld [tilespmem:s14+$0xFFFFFF90];
	v51 =	vbroadcast v2, $0xC;
	[tilespmem:s14+$0xFFFFFEE0] =	vst v5;
	v5 =	vmul.f32 v18, v19  }
0x308: {  	v26 =	vld [tilespmem:s14+$0xFFFFFFA0];
	[tilespmem:s14+$0xFFFFFF10] =	vst v4;
	v4 =	vmul.f32 v21, v23  }
0x309: {  	v29 =	vld [tilespmem:s14+$0xFFFFFFD0];
	[tilespmem:s14+$0xFFFFFF20] =	vst v5;
	v3 =	vmul.f32 v3, v51  }
0x30a: {  	v30 =	vld [tilespmem:s14+$0xFFFFFFE0];
	v5 =	vmul.f32 v22, v23;
	[tilespmem:s14+$0xFFFFFF50] =	vst v4  }
0x30b: {  	v33 =	vld [tilespmem:s14+$0x10];
	[tilespmem:s14+$0x100] =	vst v3;
	v3 =	vmul.f32 v52, v51  }
0x30c: {  	v34 =	vld [tilespmem:s14+$0x20];
	[tilespmem:s14+$0xFFFFFF60] =	vst v5;
	v4 =	vmul.f32 v25, v27  }
0x30d: {  	v5 =	vmul.f32 v26, v27;
	[tilespmem:s14+$0x130] =	vst v3;
	v3 =	vld [tilespmem:s14+$0x140]  }
0x30e: {  	v37 =	vld [tilespmem:s14+$0x50];
	[tilespmem:s14+$0xFFFFFF90] =	vst v4;
	v4 =	vmul.f32 v29, v31  }
0x30f: {  	v56 =	vld [tilespmem:s14+$0x170];
	[tilespmem:s14+$0xFFFFFFA0] =	vst v5;
	v5 =	vmul.f32 v30, v31  }
0x310: {  	v38 =	vld [tilespmem:s14+$0x60];
	v55 =	vbroadcast v2, $0xD;
	[tilespmem:s14+$0xFFFFFFD0] =	vst v4;
	v4 =	vmul.f32 v33, v35  }
0x311: {  	v41 =	vld [tilespmem:s14+$0x90];
	[tilespmem:s14+$0xFFFFFFE0] =	vst v5;
	v5 =	vmul.f32 v34, v35  }
0x312: {  	v42 =	vld [tilespmem:s14+$0xA0];
	[tilespmem:s14+$0x10] =	vst v4;
	v3 =	vmul.f32 v3, v55  }
0x313: {  	v45 =	vld [tilespmem:s14+$0xD0];
	[tilespmem:s14+$0x20] =	vst v5;
	v4 =	vmul.f32 v37, v39  }
0x314: {  	v46 =	vld [tilespmem:s14+$0xE0];
	[tilespmem:s14+$0x140] =	vst v3;
	v3 =	vmul.f32 v56, v55  }
0x315: {  	v49 =	vld [tilespmem:s14+$0x110];
	v5 =	vmul.f32 v38, v39;
	[tilespmem:s14+$0x50] =	vst v4  }
0x316: {  	v4 =	vmul.f32 v41, v43;
	[tilespmem:s14+$0x170] =	vst v3;
	v3 =	vld [tilespmem:s14+$0x180]  }
0x317: {  	v50 =	vld [tilespmem:s14+$0x120];
	[tilespmem:s14+$0x60] =	vst v5;
	v5 =	vmul.f32 v42, v43  }
0x318: {  	v60 =	vld [tilespmem:s14+$0x1B0];
	[tilespmem:s14+$0x90] =	vst v4;
	v4 =	vmul.f32 v45, v47  }
0x319: {  	v53 =	vld [tilespmem:s14+$0x150];
	v59 =	vbroadcast v2, $0xE;
	[tilespmem:s14+$0xA0] =	vst v5;
	v5 =	vmul.f32 v46, v47  }
0x31a: {  	v54 =	vld [tilespmem:s14+$0x160];
	[tilespmem:s14+$0xD0] =	vst v4;
	v4 =	vmul.f32 v49, v51  }
0x31b: {  	v57 =	vld [tilespmem:s14+$0x190];
	[tilespmem:s14+$0xE0] =	vst v5;
	v3 =	vmul.f32 v3, v59  }
0x31c: {  	v58 =	vld [tilespmem:s14+$0x1A0];
	v5 =	vmul.f32 v50, v51;
	[tilespmem:s14+$0x110] =	vst v4  }
0x31d: {  	v61 =	vld [tilespmem:s14+$0x1D0];
	[tilespmem:s14+$0x180] =	vst v3;
	v3 =	vmul.f32 v60, v59  }
0x31e: {  	v62 =	vld [tilespmem:s14+$0x1E0];
	[tilespmem:s14+$0x120] =	vst v5;
	v4 =	vmul.f32 v53, v55  }
0x31f: {  	v5 =	vmul.f32 v54, v55;
	[tilespmem:s14+$0x1B0] =	vst v3;
	v3 =	vld [tilespmem:s14+$0x1C0]  }
0x320: {  	v2 =	vbroadcast v2, $0xF;
	v63 =	vld [tilespmem:s14+$0x1F0];
	[tilespmem:s14+$0x150] =	vst v4;
	v4 =	vmul.f32 v57, v59  }
0x321: {  	[tilespmem:s14+$0x160] =	vst v5;
	v5 =	vmul.f32 v58, v59  }
0x322: {  	p2 =	sne.s32 s13, $0x3C0;
	[tilespmem:s14+$0x190] =	vst v4;
	v4 =	vmul.f32 v61, v2  }
.Ltmp19:
0x323: {  	[tilespmem:s14+$0x1A0] =	vst v5;
	v5 =	vmul.f32 v62, v2;
	(pc) =	sbr.rel @p2 .LBB2_28-.Ltmp19, $4  }
0x324: {  	[tilespmem:s14+$0x1D0] =	vst v4;
	v3 =	vmul.f32 v3, v2  }
0x325: {  	[tilespmem:s14+$0x1E0] =	vst v5;
	v2 =	vmul.f32 v63, v2  }
0x326: {  	[tilespmem:s14+$0x1C0] =	vst v3  }
0x327: {  	s13 =	sadd.s32 $0x40, s13;
	[tilespmem:s14+$0x1F0] =	vst v2;
	s14 =	sadd.s32 $0x400, s14  }
.Ltmp20:
0x328: {  	(pc) =	sbr.rel @p1 .LBB2_33-.Ltmp20, $2  }
0x329: {  	_ =	sdelay $0x2  }
0x32a: {  	s11 =	sadd.s32 $0x2800, s11  }
0x32b: {  	_ =	sdelay $0x2  }
0x32c: {  	s13 =	simm.s32 $0x0  }
0x32d: {  	v2 =	vld.idx.msk [tilespmem:v1+s13+$0x0 ss:$0x1], $0xffff;
	_ =	sdelay $0x4  }
0x32e: {  	v3 =	vbroadcast v2, $0x0  }
0x32f: {  	s13 =	simm.s32 $0x10880;
	v4 =	vbroadcast v2, $0x1  }
0x330: {  	v5 =	vbroadcast v2, $0x2;
	[tilespmem:s13+$0xFFFFFF80] =	vst v3  }
0x331: {  	v56 =	vbroadcast v2, $0x4;
	[tilespmem:s13+$0xFFFFFF90] =	vst v4  }
0x332: {  	v57 =	vbroadcast v2, $0x5;
	[tilespmem:s13+$0xFFFFFFA0] =	vst v5  }
0x333: {  	v58 =	vbroadcast v2, $0x7;
	[tilespmem:s13+$0xFFFFFFC0] =	vst v56  }
0x334: {  	v59 =	vbroadcast v2, $0x8;
	[tilespmem:s13+$0xFFFFFFD0] =	vst v57  }
0x335: {  	v60 =	vbroadcast v2, $0xA;
	[tilespmem:s13+$0xFFFFFFF0] =	vst v58  }
0x336: {  	v3 =	vbroadcast v2, $0x3;
	[tilespmem:s13+$0x0] =	vst v59  }
0x337: {  	v61 =	vbroadcast v2, $0xB;
	[tilespmem:s13+$0x20] =	vst v60  }
0x338: {  	[tilespmem:s13+$0xFFFFFFB0] =	vst v3;
	v3 =	vbroadcast v2, $0x6  }
0x339: {  	v62 =	vbroadcast v2, $0xD;
	[tilespmem:s13+$0x30] =	vst v61  }
0x33a: {  	[tilespmem:s13+$0xFFFFFFE0] =	vst v3;
	v3 =	vbroadcast v2, $0x9  }
0x33b: {  	v63 =	vbroadcast v2, $0xE;
	[tilespmem:s13+$0x50] =	vst v62  }
0x33c: {  	[tilespmem:s13+$0x10] =	vst v3;
	v3 =	vbroadcast v2, $0xC  }
0x33d: {  	[tilespmem:s13+$0x60] =	vst v63;
	v2 =	vbroadcast v2, $0xF  }
0x33e: {  	[tilespmem:s13+$0x40] =	vst v3  }
0x33f: {  	s16 =	simm.s32 $0x10;
	s14 =	simm.s32 $0x80;
	[tilespmem:s13+$0x70] =	vst v2  }
.LBB2_31:
0x340: {  	p2 =	sne.s32 s14, $0x3C0;
	v2 =	vld.idx.msk [tilespmem:v1+s16+$0x0 ss:$0x1], $0xffff;
	_ =	sdelay $0x5  }
0x341: {  	v3 =	vbroadcast v2, $0x0;
	v4 =	vbroadcast v2, $0x1  }
0x342: {  	s13 =	sadd.s32 $0x100, s13;
	v5 =	vbroadcast v2, $0x2;
	v6 =	vbroadcast v2, $0x3  }
0x343: {  	v7 =	vbroadcast v2, $0x5;
	[tilespmem:s13+$0xFFFFFF80] =	vst v3;
	v3 =	vbroadcast v2, $0x4  }
0x344: {  	v8 =	vbroadcast v2, $0x7;
	[tilespmem:s13+$0xFFFFFF90] =	vst v4;
	v4 =	vbroadcast v2, $0x6  }
0x345: {  	v9 =	vbroadcast v2, $0x9;
	[tilespmem:s13+$0xFFFFFFA0] =	vst v5;
	v5 =	vbroadcast v2, $0x8  }
0x346: {  	v10 =	vbroadcast v2, $0xB;
	[tilespmem:s13+$0xFFFFFFB0] =	vst v6;
	v6 =	vbroadcast v2, $0xA  }
0x347: {  	v11 =	vbroadcast v2, $0xD;
	[tilespmem:s13+$0xFFFFFFC0] =	vst v3;
	v3 =	vbroadcast v2, $0xC  }
0x348: {  	[tilespmem:s13+$0xFFFFFFD0] =	vst v7;
	v7 =	vbroadcast v2, $0xE;
	v2 =	vbroadcast v2, $0xF  }
0x349: {  	[tilespmem:s13+$0xFFFFFFE0] =	vst v4  }
0x34a: {  	[tilespmem:s13+$0xFFFFFFF0] =	vst v8  }
0x34b: {  	[tilespmem:s13+$0x0] =	vst v5  }
0x34c: {  	[tilespmem:s13+$0x10] =	vst v9  }
0x34d: {  	[tilespmem:s13+$0x20] =	vst v6  }
.Ltmp21:
0x34e: {  	[tilespmem:s13+$0x30] =	vst v10;
	(pc) =	sbr.rel @p2 .LBB2_31-.Ltmp21, $4  }
0x34f: {  	[tilespmem:s13+$0x40] =	vst v3  }
0x350: {  	[tilespmem:s13+$0x50] =	vst v11  }
0x351: {  	[tilespmem:s13+$0x60] =	vst v7  }
0x352: {  	s16 =	sshra.s32 s14, $0x2;
	s14 =	sadd.s32 $0x40, s14;
	[tilespmem:s13+$0x70] =	vst v2  }
0x353: {  	_ =	sdelay $0x3  }
0x354: {  	v1 =	vld.idx.msk [tilespmem:v1+s16+$0x0 ss:$0x1], $0xffff;
	_ =	sdelay $0x4  }
0x355: {  	v2 =	vbroadcast v1, $0x0  }
0x356: {  	s13 =	sadd.s32 $0x100, s13;
	v3 =	vbroadcast v1, $0x1  }
0x357: {  	v4 =	vbroadcast v1, $0x2;
	[tilespmem:s13+$0xFFFFFF80] =	vst v2  }
0x358: {  	v60 =	vbroadcast v1, $0x5;
	[tilespmem:s13+$0xFFFFFF90] =	vst v3  }
0x359: {  	v61 =	vbroadcast v1, $0x8;
	[tilespmem:s13+$0xFFFFFFA0] =	vst v4  }
0x35a: {  	v62 =	vbroadcast v1, $0xB;
	[tilespmem:s13+$0xFFFFFFD0] =	vst v60  }
0x35b: {  	v63 =	vbroadcast v1, $0xE;
	[tilespmem:s13+$0x0] =	vst v61  }
0x35c: {  	v2 =	vbroadcast v1, $0x3;
	[tilespmem:s13+$0x30] =	vst v62  }
0x35d: {  	v3 =	vbroadcast v1, $0x4;
	[tilespmem:s13+$0x60] =	vst v63  }
0x35e: {  	[tilespmem:s13+$0xFFFFFFB0] =	vst v2;
	v2 =	vbroadcast v1, $0x6  }
0x35f: {  	[tilespmem:s13+$0xFFFFFFC0] =	vst v3;
	v3 =	vbroadcast v1, $0x7  }
0x360: {  	[tilespmem:s13+$0xFFFFFFE0] =	vst v2;
	v2 =	vbroadcast v1, $0x9  }
0x361: {  	[tilespmem:s13+$0xFFFFFFF0] =	vst v3;
	v3 =	vbroadcast v1, $0xA  }
0x362: {  	[tilespmem:s13+$0x10] =	vst v2;
	v2 =	vbroadcast v1, $0xC  }
0x363: {  	[tilespmem:s13+$0x20] =	vst v3;
	v3 =	vbroadcast v1, $0xD  }
0x364: {  	v1 =	vbroadcast v1, $0xF;
	[tilespmem:s13+$0x40] =	vst v2  }
.Ltmp22:
0x365: {  	[tilespmem:s13+$0x50] =	vst v3;
	(pc) =	sbr.rel .LBB2_34-.Ltmp22, $4  }
0x366: {  	[tilespmem:s13+$0x70] =	vst v1  }
0x367: {  	[spmem:s2] =	stream.indirect.scatter.add.f32 [tilespmem:s29], [sflag:$0x4], $0x40, s11, s26, $0xb8;
	[tilespmem:$0x1E000] =	vst v63  }
0x368: {  	_ = 	snop  }
0x369: {  	[spmem:s3] =	stream.indirect.scatter.add.f32 [tilespmem:s25], [sflag:$0x6], $0x10, s11, s26, $0xb8;
	[tilespmem:$0x1E000] =	vst v63  }
.LBB2_36:
0x36a: {  	_ =	sfence.sel $0x180000  }
0x36b: {  	[bflag:$0x0] =	sbarrier.arrive $0xFFFF  }
0x36c: {  	_ =	strace $0x90000047  }
0x36d: {  	s0 =	stileid.u32;
	[bflag:$0x2] =	sbarrier.arrive $0xFFFF  }
0x36e: {  	p0 =	sne.s32 s0, $0x0;
	s0 =	rddreg [dreg:$0x4]  }
0x36f: {  	s0 =	sadd.s32 @!p0 $0x100000, s0  }
0x370: {  	[sflag:s0] =	ssyncadd.tile.s32 @!p0 $0x1;
	_ =	shalt  }
.Lfunc_end2:
_tile_overlayer_lowered:
.L_overlay_start_2:
0x371: {  	(tag) =	ssettag $0x2  }
0x372: {  	s0 =	rddreg [dreg:$0x0];
	s2 =	stileid.u32  }
0x373: {  	s1 =	rddreg [dreg:$0x1];
	p0 =	sne.s32 s2, $0x0  }
0x374: {  	s3 =	rddreg [dreg:$0x2];
	[bflag:$0x3] =	sbarrier.arrive $0xFFFF;
	s2 =	simm.s32 @!p0 $0x1C07  }
0x375: {  	[timem:s3], [sflag:s2] =	dma.local @!p0 [hbm:s0], s1  }
0x376: {  	s0 =	simm.s32 @!p0 $0x7  }
0x377: {  	_ =	swait.ge @!p0 [sflag:s0], s1  }
0x378: {  	s1 =	ssub.s32 @!p0 $0x0, s1;
	[sflag:s0] =	ssyncset.done @!p0 $0x0  }
0x379: {  	[sflag:s0] =	ssyncadd.s32 @!p0 s1  }
0x37a: {  	[bflag:$0x3] =	sbarrier.arrive $0xFFFF  }
0x37b: {  	_ =	shalt  }

</sc_bundles>
